<compile_context>
chip_gen: v7x
topology: tpu7x:2x2x1
jax: 0.10.2.dev20260603
libtpu: 0.0.44.dev20260713+nightly
codegen_flags: <defaults>
</compile_context>

<pallas_src>
import functools

import jax
import jax.numpy as jnp
from jax import lax
from jax.experimental import pallas as pl
from jax.experimental.pallas import tpu as pltpu
from jax.experimental.pallas import tpu_sc as plsc

B = 4096
N = 2048
K = 256
L = 16
NW = 32
RPW = B // NW
NV = N // L
HB = 11
H1 = 1 << HB
SH1 = 31 - HB

_mesh = plsc.VectorSubcoreMesh(core_axis_name="c", subcore_axis_name="s")


@functools.partial(
    pl.kernel,
    out_type=jax.ShapeDtypeStruct((B, K * 3), jnp.float32),
    mesh=_mesh,
    compiler_params=pltpu.CompilerParams(needs_layout_passes=False),
    scratch_types=[
        pltpu.VMEM((2 * N * 3,), jnp.float32),
        pltpu.VMEM((N,), jnp.int32),
        pltpu.VMEM((H1,), jnp.int32),
        pltpu.VMEM((N,), jnp.int32),
        pltpu.VMEM((N,), jnp.int32),
        pltpu.VMEM((N,), jnp.int32),
        pltpu.VMEM((N,), jnp.int32),
        pltpu.VMEM((256,), jnp.int32),
        pltpu.VMEM((N,), jnp.int32),
        pltpu.VMEM((2 * K * 3,), jnp.float32),
        pltpu.SemaphoreType.DMA,
        pltpu.SemaphoreType.DMA,
    ],
)
def _topk_kernel(x_hbm, out_hbm, row_v, kd_v, hist1, ck, ci, bk, bi, hist2,
                 dc_v, out_v, in_sem, out_sem):
    cid = lax.axis_index("c")
    sid = lax.axis_index("s")
    wid = sid * 2 + cid
    lane = lax.iota(jnp.int32, L)
    lane3 = lane * 3
    lane16 = lane * L
    zeros = jnp.zeros((L,), jnp.int32)
    maxkd = zeros + jnp.int32(0x7FFFFFFF)

    @plsc.parallel_loop(0, H1 // L, unroll=4)
    def _(i):
        hist1[pl.ds(i * L, L)] = zeros

    pltpu.async_copy(x_hbm.at[wid * RPW], row_v.at[pl.ds(0, N * 3)], in_sem)

    def do_row(r, _):
        row = wid * RPW + r
        cur = lax.bitwise_and(r, jnp.int32(1))
        roff = cur * (N * 3)
        pltpu.make_async_copy(
            x_hbm.at[row], row_v.at[pl.ds(roff, N * 3)], in_sem).wait()

        @pl.when(r + 1 < RPW)
        def _():
            pltpu.async_copy(
                x_hbm.at[row + 1],
                row_v.at[pl.ds((N * 3) - roff, N * 3)], in_sem)

        @plsc.parallel_loop(0, NV, unroll=8)
        def _(i):
            ix = lane3 + i * (3 * L) + roff
            xx = plsc.load_gather(row_v, [ix])
            yy = plsc.load_gather(row_v, [ix + 1])
            zz = plsc.load_gather(row_v, [ix + 2])
            nrm = (xx * xx + zz * zz) + yy * yy
            kd = jnp.int32(0x7FFFFFFF) - plsc.bitcast(nrm, jnp.int32)
            kd_v[pl.ds(i * L, L)] = kd
            bb = lax.shift_right_logical(kd, SH1)
            cnt, lst = plsc.scan_count(bb)
            plsc.addupdate_scatter(hist1, [bb], cnt, mask=lst)

        found = zeros
        istar = zeros
        basecnt = zeros
        run = jnp.int32(0)
        for g in range(H1 // L // L):
            acc_a = zeros
            acc_b = zeros
            for t in range(L // 2):
                acc_a = acc_a + plsc.load_gather(hist1,
                                                 [lane16 + (g * 256 + t)])
                acc_b = acc_b + plsc.load_gather(
                    hist1, [lane16 + (g * 256 + t + L // 2)])
            acc = acc_a + acc_b
            cum = plsc.cumsum(acc) + run
            tot = jnp.max(cum)
            hit = jnp.logical_and(found == 0, tot >= K)
            jg = plsc.all_reduce_ffs(cum >= K)
            cum_j = jnp.max(cum[jg])
            acc_j = jnp.max(acc[jg])
            istar = jnp.where(hit, g * L + jg, istar)
            basecnt = jnp.where(hit, cum_j - acc_j, basecnt)
            found = jnp.where(hit, jnp.int32(1), found)
            run = tot
        istar_s = jnp.max(istar)
        h = hist1[pl.ds(istar_s * L, L)]
        cum2 = plsc.cumsum(h) + jnp.max(basecnt)
        j = plsc.all_reduce_ffs(cum2 >= K)
        c = istar_s * L + j

        @plsc.parallel_loop(0, NV, unroll=8, carry=zeros)
        def pfin(i, p):
            kd = kd_v[pl.ds(i * L, L)]
            bb = lax.shift_right_logical(kd, SH1)
            msk = bb <= c
            mi = jnp.where(msk, jnp.int32(1), jnp.int32(0))
            ics = plsc.cumsum(mi)
            pos = jnp.where(msk, p + ics - 1, jnp.int32(0))
            plsc.store_scatter(ck, [pos], kd, mask=msk)
            plsc.store_scatter(ci, [pos], lane + i * L, mask=msk)
            hist1[pl.ds(i * L, L)] = zeros
            return p + plsc.all_reduce_population_count(msk)

        M = jnp.max(pfin)
        mp = lax.bitwise_and(M + 15, jnp.int32(~15))
        padmask = lane < (mp - M)
        padidx = jnp.minimum(M + lane, jnp.int32(N - 1))
        plsc.store_scatter(ck, [padidx], maxkd, mask=padmask)
        plsc.store_scatter(ci, [padidx], zeros, mask=padmask)
        nv = lax.shift_right_logical(mp, 4)

        for p_ in range(4):
            shift = 8 * p_
            if p_ % 2 == 0:
                src_k, src_i, dst_k, dst_i = ck, ci, bk, bi
            else:
                src_k, src_i, dst_k, dst_i = bk, bi, ck, ci
            for t in range(256 // L):
                hist2[pl.ds(t * L, L)] = zeros

            @plsc.parallel_loop(0, nv, unroll=8)
            def _(jj, src_k=src_k, shift=shift):
                kk = src_k[pl.ds(jj * L, L)]
                dd = lax.bitwise_and(
                    lax.shift_right_logical(kk, shift), jnp.int32(255))
                cnt, lst = plsc.scan_count(dd)
                plsc.addupdate_scatter(hist2, [dd], cnt, mask=lst)
                dc_v[pl.ds(jj * L, L)] = cnt + jnp.where(
                    lst, jnp.int32(256), jnp.int32(0))

            sums = []
            for t in range(256 // L):
                sums.append(jnp.sum(hist2[pl.ds(t * L, L)]))
            runp = jnp.int32(0)
            starts = []
            for t in range(256 // L):
                starts.append(runp)
                runp = runp + sums[t]
            for t in range(256 // L):
                hh = hist2[pl.ds(t * L, L)]
                ss = plsc.cumsum(hh)
                hist2[pl.ds(t * L, L)] = starts[t] + ss - hh

            last_pass = p_ == 3

            def sc_loop(jj, _, src_k=src_k, src_i=src_i, dst_k=dst_k,
                        dst_i=dst_i, shift=shift, last_pass=last_pass):
                kk = src_k[pl.ds(jj * L, L)]
                vv = src_i[pl.ds(jj * L, L)]
                dd = lax.bitwise_and(
                    lax.shift_right_logical(kk, shift), jnp.int32(255))
                cl = dc_v[pl.ds(jj * L, L)]
                cnt = lax.bitwise_and(cl, jnp.int32(255))
                lst = cl >= 256
                base = plsc.load_gather(hist2, [dd])
                dst = base + cnt - 1
                if not last_pass:
                    plsc.store_scatter(dst_k, [dst], kk)
                plsc.store_scatter(dst_i, [dst], vv)
                plsc.addupdate_scatter(hist2, [dd], cnt, mask=lst)
                return 0

            lax.fori_loop(0, nv, sc_loop, 0)

        ooff = cur * (K * 3)

        @pl.when(r >= 2)
        def _():
            pltpu.make_async_copy(
                out_v.at[pl.ds(ooff, K * 3)], out_hbm.at[row],
                out_sem).wait()

        @plsc.parallel_loop(0, K // L, unroll=8)
        def _(t):
            sidx = ci[pl.ds(t * L, L)]
            g = sidx * 3 + roff
            xx = plsc.load_gather(row_v, [g])
            yy = plsc.load_gather(row_v, [g + 1])
            zz = plsc.load_gather(row_v, [g + 2])
            o = lane3 + t * (3 * L) + ooff
            plsc.store_scatter(out_v, [o], xx)
            plsc.store_scatter(out_v, [o + 1], yy)
            plsc.store_scatter(out_v, [o + 2], zz)

        pltpu.async_copy(
            out_v.at[pl.ds(ooff, K * 3)], out_hbm.at[row], out_sem)
        return 0

    lax.fori_loop(0, RPW, do_row, 0)
    for _ in range(2):
        pltpu.make_async_copy(
            out_v.at[pl.ds(0, K * 3)], out_hbm.at[wid * RPW],
            out_sem).wait()


def kernel(x):
    return _topk_kernel(x).reshape(B, K, 3)

# --- scband reference (transcript-rebuilt; emitter-appended) ---
"""Pipeline reference for scband-vector-norm-selection-48137993454061 (READ-ONLY COPY).

The authoritative reference and input builder live on the scoring server;
editing this copy changes nothing except your own understanding.
"""

import jax, jax.numpy as jnp
import numpy as np

BATCH = 4096
NUM_VECS_IN = 2048
NUM_VECS_OUT = 256


def setup_inputs(seed: int = 0) -> dict:
    key = jax.random.key(seed)
    x = jax.random.normal(key, (BATCH, NUM_VECS_IN * 3), dtype=jnp.float32)
    return {"x": x}


def reference(x):
    B = x.shape[0]
    # reshape_irreps(Irreps('Nx1o')): [B, N*3] -> [B, N, 3]
    xr = x.reshape(B, NUM_VECS_IN, 3)
    # o3.Norm('Nx1o', squared=True): per-vector squared L2 norm -> [B, N]
    norms = jnp.sum(xr * xr, axis=-1)
    # argsort descending, keep top num_vecs_out indices
    indices = jnp.argsort(-norms, axis=1)[:, :NUM_VECS_OUT]
    # gather selected 3-vectors: [B, num_vecs_out, 3]
    out = jnp.take_along_axis(xr, indices[:, :, None], axis=1)
    return out

if __name__ == "__main__":
    import jax
    _d = setup_inputs()
    print(jax.jit(kernel)(*tuple(_d.values())))

</pallas_src>

<mosaic_0001>
#map = affine_map<(d0, d1) -> (0, 0)>
module attributes {stable_mosaic.version = 14 : i64} {
  func.func @_topk_kernel(%arg0: i32, %arg1: i32, %arg2: memref<4096x6144xf32, #tpu.memory_space<hbm>>, %arg3: memref<4096x768xf32, #tpu.memory_space<hbm>>, %arg4: memref<12288xf32, #tpu.memory_space<vmem>>, %arg5: memref<2048xi32, #tpu.memory_space<vmem>>, %arg6: memref<2048xi32, #tpu.memory_space<vmem>>, %arg7: memref<2048xi32, #tpu.memory_space<vmem>>, %arg8: memref<2048xi32, #tpu.memory_space<vmem>>, %arg9: memref<2048xi32, #tpu.memory_space<vmem>>, %arg10: memref<2048xi32, #tpu.memory_space<vmem>>, %arg11: memref<256xi32, #tpu.memory_space<vmem>>, %arg12: memref<2048xi32, #tpu.memory_space<vmem>>, %arg13: memref<1536xf32, #tpu.memory_space<vmem>>, %arg14: memref<!tpu.dma_semaphore, #tpu.memory_space<semaphore_mem>>, %arg15: memref<!tpu.dma_semaphore, #tpu.memory_space<semaphore_mem>>) attributes {dimension_semantics = [#tpu.dimension_semantics<core_parallel>, #tpu.dimension_semantics<subcore_parallel>], iteration_bounds = array<i64: 2, 16>, scalar_prefetch = 0 : i64, scratch_operands = 12 : i64, tpu.core_type = #tpu.core_type<sc_vector_subcore>, window_params = [{transform_indices = #map}, {transform_indices = #map}]} {
    %mul3A = arith.constant 2 : i32
    %mul3A_0 = arith.muli %arg1, %mul3A : i32
    %add3A = arith.addi %mul3A_0, %arg0 : i32
    %iota3A = tpu.iota {dimensions = array<i32: 0>} : vector<16xi32>
    %mul3A_1 = arith.constant 3 : i32
    %mul3A_2 = vector.broadcast %mul3A_1 : i32 to vector<16xi32>
    %mul3A_3 = arith.muli %iota3A, %mul3A_2 : vector<16xi32>
    %mul3A_4 = arith.constant 16 : i32
    %mul3A_5 = vector.broadcast %mul3A_4 : i32 to vector<16xi32>
    %mul3A_6 = arith.muli %iota3A, %mul3A_5 : vector<16xi32>
    %broadcast_in_dim3A = arith.constant 0 : i32
    %broadcast_in_dim3A_7 = vector.broadcast %broadcast_in_dim3A : i32 to vector<16xi32>
    %add3A_8 = arith.constant 2147483647 : i32
    %add3A_9 = vector.broadcast %add3A_8 : i32 to vector<16xi32>
    %add3A_10 = arith.addi %broadcast_in_dim3A_7, %add3A_9 : vector<16xi32>
    %parallel_loop3A = arith.constant 0 : i32
    %parallel_loop3A_11 = arith.constant 128 : i32
    %parallel_loop3A_12 = arith.constant 1 : i32
    scf.for %parallel_loop3A_53 = %parallel_loop3A to %parallel_loop3A_11 step %parallel_loop3A_12  : i32 {
      %parallel_loop3A_54 = arith.constant 16 : i32
      %parallel_loop3A_55 = arith.muli %parallel_loop3A_53, %parallel_loop3A_54 : i32
      %parallel_loop3A_56 = arith.index_cast %parallel_loop3A_55 : i32 to index
      %parallel_loop3A_57 = tpu.vector_load %arg6[%parallel_loop3A_56] {strides = array<i32>} : memref<2048xi32, #tpu.memory_space<vmem>>, vector<16xi32>,
      tpu.vector_store %arg6[%parallel_loop3A_56], %broadcast_in_dim3A_7 {strides = array<i32>} : memref<2048xi32, #tpu.memory_space<vmem>>, vector<16xi32>,
    } {sc.loop_unroll_factor = 4 : i64, sc.parallel_access}
    %mul3A_13 = arith.constant 128 : i32
    %mul3A_14 = arith.muli %add3A, %mul3A_13 : i32
    %dma_start3A = arith.constant 0 : i32
    %dma_start3A_15 = tpu.memref_slice %arg4[%dma_start3A] : memref<12288xf32, #tpu.memory_space<vmem>> -> memref<6144xf32, #tpu.memory_space<vmem>>
    %dma_start3A_16 = arith.constant 0 : i32
    %dma_start3A_17 = tpu.memref_slice %arg2[%mul3A_14, %dma_start3A_16] : memref<4096x6144xf32, #tpu.memory_space<hbm>> -> memref<1x6144xf32, #tpu.memory_space<hbm>>
    %dma_start3A_18 = tpu.memref_squeeze %dma_start3A_17 : memref<1x6144xf32, #tpu.memory_space<hbm>> -> memref<6144xf32, #tpu.memory_space<hbm>>
    %dma_start3A_19 = arith.constant 0 : i32
    %dma_start3A_20 = tpu.memref_slice %arg4[%dma_start3A_19] : memref<12288xf32, #tpu.memory_space<vmem>> -> memref<6144xf32, #tpu.memory_space<vmem>>
    %dma_start3A_21 = arith.constant 0 : i32
    %dma_start3A_22 = tpu.memref_slice %arg2[%mul3A_14, %dma_start3A_21] : memref<4096x6144xf32, #tpu.memory_space<hbm>> -> memref<1x6144xf32, #tpu.memory_space<hbm>>
    %dma_start3A_23 = tpu.memref_squeeze %dma_start3A_22 : memref<1x6144xf32, #tpu.memory_space<hbm>> -> memref<6144xf32, #tpu.memory_space<hbm>>
    tpu.enqueue_dma source(%dma_start3A_23 : memref<6144xf32, #tpu.memory_space<hbm>>) target(%dma_start3A_20 : memref<6144xf32, #tpu.memory_space<vmem>>) target_semaphore(%arg14 : memref<!tpu.dma_semaphore, #tpu.memory_space<semaphore_mem>>)
    %scan3A = arith.constant 0 : i32
    %scan3A_24 = arith.constant 0 : i32
    %scan3A_25 = arith.constant 128 : i32
    %scan3A_26 = arith.addi %scan3A_24, %scan3A_25 : i32
    %scan3A_27 = arith.constant 1 : i32
    %scan3A_28 = scf.for %scan3A_53 = %scan3A_24 to %scan3A_26 step %scan3A_27 iter_args(%scan3A_54 = %scan3A) -> (i32)  : i32 {
      %mul3A_55 = arith.constant 128 : i32
      %mul3A_56 = arith.muli %add3A, %mul3A_55 : i32
      %add3A_57 = arith.addi %mul3A_56, %scan3A_53 : i32
      %and3A = arith.constant 1 : i32
      %and3A_58 = arith.andi %scan3A_53, %and3A : i32
      %mul3A_59 = arith.constant 6144 : i32
      %mul3A_60 = arith.muli %and3A_58, %mul3A_59 : i32
      %dma_wait3A_61 = tpu.memref_slice %arg4[%mul3A_60] : memref<12288xf32, #tpu.memory_space<vmem>> -> memref<6144xf32, #tpu.memory_space<vmem>>
      %dma_wait3A_62 = arith.constant 0 : i32
      %dma_wait3A_63 = tpu.memref_slice %arg2[%add3A_57, %dma_wait3A_62] : memref<4096x6144xf32, #tpu.memory_space<hbm>> -> memref<1x6144xf32, #tpu.memory_space<hbm>>
      %dma_wait3A_64 = tpu.memref_squeeze %dma_wait3A_63 : memref<1x6144xf32, #tpu.memory_space<hbm>> -> memref<6144xf32, #tpu.memory_space<hbm>>
      %dma_wait3A_65 = tpu.memref_slice %arg4[%mul3A_60] : memref<12288xf32, #tpu.memory_space<vmem>> -> memref<6144xf32, #tpu.memory_space<vmem>>
      %dma_wait3A_66 = arith.constant 0 : i32
      %dma_wait3A_67 = tpu.memref_slice %arg2[%add3A_57, %dma_wait3A_66] : memref<4096x6144xf32, #tpu.memory_space<hbm>> -> memref<1x6144xf32, #tpu.memory_space<hbm>>
      %dma_wait3A_68 = tpu.memref_squeeze %dma_wait3A_67 : memref<1x6144xf32, #tpu.memory_space<hbm>> -> memref<6144xf32, #tpu.memory_space<hbm>>
      tpu.wait_dma2 semaphore(%arg14 : memref<!tpu.dma_semaphore, #tpu.memory_space<semaphore_mem>>) src(%dma_wait3A_68 : memref<6144xf32, #tpu.memory_space<hbm>>) dst(%dma_wait3A_65 : memref<6144xf32, #tpu.memory_space<vmem>>)
      %add3A_69 = arith.constant 1 : i32
      %add3A_70 = arith.addi %scan3A_53, %add3A_69 : i32
      %lt3A = arith.constant 128 : i32
      %lt3A_71 = arith.cmpi slt, %add3A_70, %lt3A : i32
      %convert_element_type3A = arith.extui %lt3A_71 : i1 to i32
      %cond3A = arith.constant 0 : i32
      %cond3A_72 = arith.cmpi ne, %convert_element_type3A, %cond3A : i32
      scf.if %cond3A_72 {
        %add3A_2628 = arith.constant 1 : i32
        %add3A_2629 = arith.addi %add3A_57, %add3A_2628 : i32
        %sub3A_2630 = arith.constant 6144 : i32
        %sub3A_2631 = arith.subi %sub3A_2630, %mul3A_60 : i32
        %dma_start3A_2632 = tpu.memref_slice %arg4[%sub3A_2631] : memref<12288xf32, #tpu.memory_space<vmem>> -> memref<6144xf32, #tpu.memory_space<vmem>>
        %dma_start3A_2633 = arith.constant 0 : i32
        %dma_start3A_2634 = tpu.memref_slice %arg2[%add3A_2629, %dma_start3A_2633] : memref<4096x6144xf32, #tpu.memory_space<hbm>> -> memref<1x6144xf32, #tpu.memory_space<hbm>>
        %dma_start3A_2635 = tpu.memref_squeeze %dma_start3A_2634 : memref<1x6144xf32, #tpu.memory_space<hbm>> -> memref<6144xf32, #tpu.memory_space<hbm>>
        %dma_start3A_2636 = tpu.memref_slice %arg4[%sub3A_2631] : memref<12288xf32, #tpu.memory_space<vmem>> -> memref<6144xf32, #tpu.memory_space<vmem>>
        %dma_start3A_2637 = arith.constant 0 : i32
        %dma_start3A_2638 = tpu.memref_slice %arg2[%add3A_2629, %dma_start3A_2637] : memref<4096x6144xf32, #tpu.memory_space<hbm>> -> memref<1x6144xf32, #tpu.memory_space<hbm>>
        %dma_start3A_2639 = tpu.memref_squeeze %dma_start3A_2638 : memref<1x6144xf32, #tpu.memory_space<hbm>> -> memref<6144xf32, #tpu.memory_space<hbm>>
        tpu.enqueue_dma source(%dma_start3A_2639 : memref<6144xf32, #tpu.memory_space<hbm>>) target(%dma_start3A_2636 : memref<6144xf32, #tpu.memory_space<vmem>>) target_semaphore(%arg14 : memref<!tpu.dma_semaphore, #tpu.memory_space<semaphore_mem>>)
      } else {
      }
      %parallel_loop3A_73 = arith.constant 0 : i32
      %parallel_loop3A_74 = arith.constant 128 : i32
      %parallel_loop3A_75 = arith.constant 1 : i32
      scf.for %parallel_loop3A_2628 = %parallel_loop3A_73 to %parallel_loop3A_74 step %parallel_loop3A_75  : i32 {
        %parallel_loop3A_2629 = arith.constant 48 : i32
        %parallel_loop3A_2630 = arith.muli %parallel_loop3A_2628, %parallel_loop3A_2629 : i32
        %parallel_loop3A_2631 = vector.broadcast %parallel_loop3A_2630 : i32 to vector<16xi32>
        %parallel_loop3A_2632 = arith.addi %mul3A_3, %parallel_loop3A_2631 : vector<16xi32>
        %parallel_loop3A_2633 = vector.broadcast %mul3A_60 : i32 to vector<16xi32>
        %parallel_loop3A_2634 = arith.addi %parallel_loop3A_2632, %parallel_loop3A_2633 : vector<16xi32>
        %parallel_loop3A_2635 = tpu.vector_load_idx %arg4[%parallel_loop3A_2634] : memref<12288xf32, #tpu.memory_space<vmem>>[vector<16xi32>], vector<16xf32>,
        %parallel_loop3A_2636 = arith.constant 1 : i32
        %parallel_loop3A_2637 = vector.broadcast %parallel_loop3A_2636 : i32 to vector<16xi32>
        %parallel_loop3A_2638 = arith.addi %parallel_loop3A_2634, %parallel_loop3A_2637 : vector<16xi32>
        %parallel_loop3A_2639 = tpu.vector_load_idx %arg4[%parallel_loop3A_2638] : memref<12288xf32, #tpu.memory_space<vmem>>[vector<16xi32>], vector<16xf32>,
        %parallel_loop3A_2640 = arith.constant 2 : i32
        %parallel_loop3A_2641 = vector.broadcast %parallel_loop3A_2640 : i32 to vector<16xi32>
        %parallel_loop3A_2642 = arith.addi %parallel_loop3A_2634, %parallel_loop3A_2641 : vector<16xi32>
        %parallel_loop3A_2643 = tpu.vector_load_idx %arg4[%parallel_loop3A_2642] : memref<12288xf32, #tpu.memory_space<vmem>>[vector<16xi32>], vector<16xf32>,
        %parallel_loop3A_2644 = arith.mulf %parallel_loop3A_2635, %parallel_loop3A_2635 : vector<16xf32>
        %parallel_loop3A_2645 = arith.mulf %parallel_loop3A_2643, %parallel_loop3A_2643 : vector<16xf32>
        %parallel_loop3A_2646 = arith.addf %parallel_loop3A_2644, %parallel_loop3A_2645 : vector<16xf32>
        %parallel_loop3A_2647 = arith.mulf %parallel_loop3A_2639, %parallel_loop3A_2639 : vector<16xf32>
        %parallel_loop3A_2648 = arith.addf %parallel_loop3A_2646, %parallel_loop3A_2647 : vector<16xf32>
        %parallel_loop3A_2649 = vector.bitcast %parallel_loop3A_2648 : vector<16xf32> to vector<16xi32>
        %parallel_loop3A_2650 = arith.constant 2147483647 : i32
        %parallel_loop3A_2651 = vector.broadcast %parallel_loop3A_2650 : i32 to vector<16xi32>
        %parallel_loop3A_2652 = arith.subi %parallel_loop3A_2651, %parallel_loop3A_2649 : vector<16xi32>
        %parallel_loop3A_2653 = arith.constant 16 : i32
        %parallel_loop3A_2654 = arith.muli %parallel_loop3A_2628, %parallel_loop3A_2653 : i32
        %parallel_loop3A_2655 = arith.index_cast %parallel_loop3A_2654 : i32 to index
        %parallel_loop3A_2656 = tpu.vector_load %arg5[%parallel_loop3A_2655] {strides = array<i32>} : memref<2048xi32, #tpu.memory_space<vmem>>, vector<16xi32>,
        tpu.vector_store %arg5[%parallel_loop3A_2655], %parallel_loop3A_2652 {strides = array<i32>} : memref<2048xi32, #tpu.memory_space<vmem>>, vector<16xi32>,
        %parallel_loop3A_2657 = arith.constant 20 : i32
        %parallel_loop3A_2658 = vector.broadcast %parallel_loop3A_2657 : i32 to vector<16xi32>
        %parallel_loop3A_2659 = arith.shrui %parallel_loop3A_2652, %parallel_loop3A_2658 : vector<16xi32>
        %parallel_loop3A_2660 = arith.constant true
        %parallel_loop3A_2661 = vector.broadcast %parallel_loop3A_2660 : i1 to vector<16xi1>
        %parallel_loop3A_2662, %parallel_loop3A_2663 = tpu.scan_count mask(%parallel_loop3A_2661 : vector<16xi1>) value(%parallel_loop3A_2659 : vector<16xi32>) : vector<16xi1>, vector<16xi32>
        tpu.vector_store_idx %arg6[%parallel_loop3A_2659], %parallel_loop3A_2663 masked %parallel_loop3A_2662 {add = true} : memref<2048xi32, #tpu.memory_space<vmem>>[vector<16xi32>], vector<16xi32>, vector<16xi1>
      } {sc.loop_unroll_factor = 8 : i64, sc.parallel_access}
      %add3A_76 = arith.constant 0 : i32
      %add3A_77 = vector.broadcast %add3A_76 : i32 to vector<16xi32>
      %add3A_78 = arith.addi %mul3A_6, %add3A_77 : vector<16xi32>
      %gather3A = tpu.vector_load_idx %arg6[%add3A_78] : memref<2048xi32, #tpu.memory_space<vmem>>[vector<16xi32>], vector<16xi32>,
      %add3A_79 = arith.addi %broadcast_in_dim3A_7, %gather3A : vector<16xi32>
      %add3A_80 = arith.constant 8 : i32
      %add3A_81 = vector.broadcast %add3A_80 : i32 to vector<16xi32>
      %add3A_82 = arith.addi %mul3A_6, %add3A_81 : vector<16xi32>
      %gather3A_83 = tpu.vector_load_idx %arg6[%add3A_82] : memref<2048xi32, #tpu.memory_space<vmem>>[vector<16xi32>], vector<16xi32>,
      %add3A_84 = arith.addi %broadcast_in_dim3A_7, %gather3A_83 : vector<16xi32>
      %add3A_85 = arith.constant 1 : i32
      %add3A_86 = vector.broadcast %add3A_85 : i32 to vector<16xi32>
      %add3A_87 = arith.addi %mul3A_6, %add3A_86 : vector<16xi32>
      %gather3A_88 = tpu.vector_load_idx %arg6[%add3A_87] : memref<2048xi32, #tpu.memory_space<vmem>>[vector<16xi32>], vector<16xi32>,
      %add3A_89 = arith.addi %add3A_79, %gather3A_88 : vector<16xi32>
      %add3A_90 = arith.constant 9 : i32
      %add3A_91 = vector.broadcast %add3A_90 : i32 to vector<16xi32>
      %add3A_92 = arith.addi %mul3A_6, %add3A_91 : vector<16xi32>
      %gather3A_93 = tpu.vector_load_idx %arg6[%add3A_92] : memref<2048xi32, #tpu.memory_space<vmem>>[vector<16xi32>], vector<16xi32>,
      %add3A_94 = arith.addi %add3A_84, %gather3A_93 : vector<16xi32>
      %add3A_95 = arith.constant 2 : i32
      %add3A_96 = vector.broadcast %add3A_95 : i32 to vector<16xi32>
      %add3A_97 = arith.addi %mul3A_6, %add3A_96 : vector<16xi32>
      %gather3A_98 = tpu.vector_load_idx %arg6[%add3A_97] : memref<2048xi32, #tpu.memory_space<vmem>>[vector<16xi32>], vector<16xi32>,
      %add3A_99 = arith.addi %add3A_89, %gather3A_98 : vector<16xi32>
      %add3A_100 = arith.constant 10 : i32
      %add3A_101 = vector.broadcast %add3A_100 : i32 to vector<16xi32>
      %add3A_102 = arith.addi %mul3A_6, %add3A_101 : vector<16xi32>
      %gather3A_103 = tpu.vector_load_idx %arg6[%add3A_102] : memref<2048xi32, #tpu.memory_space<vmem>>[vector<16xi32>], vector<16xi32>,
      %add3A_104 = arith.addi %add3A_94, %gather3A_103 : vector<16xi32>
      %add3A_105 = arith.constant 3 : i32
      %add3A_106 = vector.broadcast %add3A_105 : i32 to vector<16xi32>
      %add3A_107 = arith.addi %mul3A_6, %add3A_106 : vector<16xi32>
      %gather3A_108 = tpu.vector_load_idx %arg6[%add3A_107] : memref<2048xi32, #tpu.memory_space<vmem>>[vector<16xi32>], vector<16xi32>,
      %add3A_109 = arith.addi %add3A_99, %gather3A_108 : vector<16xi32>
      %add3A_110 = arith.constant 11 : i32
      %add3A_111 = vector.broadcast %add3A_110 : i32 to vector<16xi32>
      %add3A_112 = arith.addi %mul3A_6, %add3A_111 : vector<16xi32>
      %gather3A_113 = tpu.vector_load_idx %arg6[%add3A_112] : memref<2048xi32, #tpu.memory_space<vmem>>[vector<16xi32>], vector<16xi32>,
      %add3A_114 = arith.addi %add3A_104, %gather3A_113 : vector<16xi32>
      %add3A_115 = arith.constant 4 : i32
      %add3A_116 = vector.broadcast %add3A_115 : i32 to vector<16xi32>
      %add3A_117 = arith.addi %mul3A_6, %add3A_116 : vector<16xi32>
      %gather3A_118 = tpu.vector_load_idx %arg6[%add3A_117] : memref<2048xi32, #tpu.memory_space<vmem>>[vector<16xi32>], vector<16xi32>,
      %add3A_119 = arith.addi %add3A_109, %gather3A_118 : vector<16xi32>
      %add3A_120 = arith.constant 12 : i32
      %add3A_121 = vector.broadcast %add3A_120 : i32 to vector<16xi32>
      %add3A_122 = arith.addi %mul3A_6, %add3A_121 : vector<16xi32>
      %gather3A_123 = tpu.vector_load_idx %arg6[%add3A_122] : memref<2048xi32, #tpu.memory_space<vmem>>[vector<16xi32>], vector<16xi32>,
      %add3A_124 = arith.addi %add3A_114, %gather3A_123 : vector<16xi32>
      %add3A_125 = arith.constant 5 : i32
      %add3A_126 = vector.broadcast %add3A_125 : i32 to vector<16xi32>
      %add3A_127 = arith.addi %mul3A_6, %add3A_126 : vector<16xi32>
      %gather3A_128 = tpu.vector_load_idx %arg6[%add3A_127] : memref<2048xi32, #tpu.memory_space<vmem>>[vector<16xi32>], vector<16xi32>,
      %add3A_129 = arith.addi %add3A_119, %gather3A_128 : vector<16xi32>
      %add3A_130 = arith.constant 13 : i32
      %add3A_131 = vector.broadcast %add3A_130 : i32 to vector<16xi32>
      %add3A_132 = arith.addi %mul3A_6, %add3A_131 : vector<16xi32>
      %gather3A_133 = tpu.vector_load_idx %arg6[%add3A_132] : memref<2048xi32, #tpu.memory_space<vmem>>[vector<16xi32>], vector<16xi32>,
      %add3A_134 = arith.addi %add3A_124, %gather3A_133 : vector<16xi32>
      %add3A_135 = arith.constant 6 : i32
      %add3A_136 = vector.broadcast %add3A_135 : i32 to vector<16xi32>
      %add3A_137 = arith.addi %mul3A_6, %add3A_136 : vector<16xi32>
      %gather3A_138 = tpu.vector_load_idx %arg6[%add3A_137] : memref<2048xi32, #tpu.memory_space<vmem>>[vector<16xi32>], vector<16xi32>,
      %add3A_139 = arith.addi %add3A_129, %gather3A_138 : vector<16xi32>
      %add3A_140 = arith.constant 14 : i32
      %add3A_141 = vector.broadcast %add3A_140 : i32 to vector<16xi32>
      %add3A_142 = arith.addi %mul3A_6, %add3A_141 : vector<16xi32>
      %gather3A_143 = tpu.vector_load_idx %arg6[%add3A_142] : memref<2048xi32, #tpu.memory_space<vmem>>[vector<16xi32>], vector<16xi32>,
      %add3A_144 = arith.addi %add3A_134, %gather3A_143 : vector<16xi32>
      %add3A_145 = arith.constant 7 : i32
      %add3A_146 = vector.broadcast %add3A_145 : i32 to vector<16xi32>
      %add3A_147 = arith.addi %mul3A_6, %add3A_146 : vector<16xi32>
      %gather3A_148 = tpu.vector_load_idx %arg6[%add3A_147] : memref<2048xi32, #tpu.memory_space<vmem>>[vector<16xi32>], vector<16xi32>,
      %add3A_149 = arith.addi %add3A_139, %gather3A_148 : vector<16xi32>
      %add3A_150 = arith.constant 15 : i32
      %add3A_151 = vector.broadcast %add3A_150 : i32 to vector<16xi32>
      %add3A_152 = arith.addi %mul3A_6, %add3A_151 : vector<16xi32>
      %gather3A_153 = tpu.vector_load_idx %arg6[%add3A_152] : memref<2048xi32, #tpu.memory_space<vmem>>[vector<16xi32>], vector<16xi32>,
      %add3A_154 = arith.addi %add3A_144, %gather3A_153 : vector<16xi32>
      %add3A_155 = arith.addi %add3A_149, %add3A_154 : vector<16xi32>
      %broadcast_in_dim3A_156 = arith.constant true
      %broadcast_in_dim3A_157 = vector.broadcast %broadcast_in_dim3A_156 : i1 to vector<16xi1>
      %masked_cumsum3A = tpu.scan <sum>, %add3A_155 masked %broadcast_in_dim3A_157 : vector<16xi32>, vector<16xi1> -> vector<16xi32>
      %add3A_158 = arith.constant 0 : i32
      %add3A_159 = vector.broadcast %add3A_158 : i32 to vector<16xi32>
      %add3A_160 = arith.addi %masked_cumsum3A, %add3A_159 : vector<16xi32>
      %reduce_max3A = arith.constant true
      %reduce_max3A_161 = vector.broadcast %reduce_max3A : i1 to vector<16xi1>
      %reduce_max3A_162 = arith.constant -2147483648 : i32
      %reduce_max3A_163 = vector.broadcast %reduce_max3A_162 : i32 to vector<16xi32>
      %reduce_max3A_164 = arith.xori %add3A_160, %reduce_max3A_163 : vector<16xi32>
      %reduce_max3A_165 = tpu.scan <max>, %reduce_max3A_164 masked %reduce_max3A_161 : vector<16xi32>, vector<16xi1> -> vector<16xi32>
      %reduce_max3A_166 = arith.xori %reduce_max3A_165, %reduce_max3A_163 : vector<16xi32>
      %reduce_max3A_167 = vector.extract %reduce_max3A_166[15] : i32 from vector<16xi32>
      %eq3A = arith.constant 0 : i32
      %eq3A_168 = vector.broadcast %eq3A : i32 to vector<16xi32>
      %eq3A_169 = arith.cmpi eq, %broadcast_in_dim3A_7, %eq3A_168 : vector<16xi32>
      %ge3A = arith.constant 256 : i32
      %ge3A_170 = arith.cmpi sge, %reduce_max3A_167, %ge3A : i32
      %and3A_171 = vector.broadcast %ge3A_170 : i1 to vector<16xi1>
      %and3A_172 = arith.andi %eq3A_169, %and3A_171 : vector<16xi1>
      %ge3A_173 = arith.constant 256 : i32
      %ge3A_174 = vector.broadcast %ge3A_173 : i32 to vector<16xi32>
      %ge3A_175 = arith.cmpi sge, %add3A_160, %ge3A_174 : vector<16xi32>
      %all_reduce_ffs3A = tpu.all_reduce %ge3A_175 {dim = 0 : i64, kind = #tpu.reduction_kind<find_first_set>} : vector<16xi1> -> vector<16xi32>
      %lt3A_176 = arith.constant 0 : i32
      %lt3A_177 = vector.broadcast %lt3A_176 : i32 to vector<16xi32>
      %lt3A_178 = arith.cmpi slt, %all_reduce_ffs3A, %lt3A_177 : vector<16xi32>
      %add3A_179 = arith.constant 16 : i32
      %add3A_180 = vector.broadcast %add3A_179 : i32 to vector<16xi32>
      %add3A_181 = arith.addi %all_reduce_ffs3A, %add3A_180 : vector<16xi32>
      %select_n3A = arith.select %lt3A_178, %add3A_181, %all_reduce_ffs3A : vector<16xi1>, vector<16xi32>
      %broadcast_in_dim3A_182 = vector.shape_cast %select_n3A : vector<16xi32> to vector<16x1xi32>
      %gather3A_183 = vector.shape_cast %broadcast_in_dim3A_182 : vector<16x1xi32> to vector<16xi32>
      %gather3A_184 = tpu.dynamic_gather %add3A_160[%gather3A_183] in [0] : vector<16xi32>, vector<16xi32> -> vector<16xi32>
      %reduce_max3A_185 = arith.constant true
      %reduce_max3A_186 = vector.broadcast %reduce_max3A_185 : i1 to vector<16xi1>
      %reduce_max3A_187 = arith.constant -2147483648 : i32
      %reduce_max3A_188 = vector.broadcast %reduce_max3A_187 : i32 to vector<16xi32>
      %reduce_max3A_189 = arith.xori %gather3A_184, %reduce_max3A_188 : vector<16xi32>
      %reduce_max3A_190 = tpu.scan <max>, %reduce_max3A_189 masked %reduce_max3A_186 : vector<16xi32>, vector<16xi1> -> vector<16xi32>
      %reduce_max3A_191 = arith.xori %reduce_max3A_190, %reduce_max3A_188 : vector<16xi32>
      %reduce_max3A_192 = vector.extract %reduce_max3A_191[15] : i32 from vector<16xi32>
      %lt3A_193 = arith.constant 0 : i32
      %lt3A_194 = vector.broadcast %lt3A_193 : i32 to vector<16xi32>
      %lt3A_195 = arith.cmpi slt, %all_reduce_ffs3A, %lt3A_194 : vector<16xi32>
      %add3A_196 = arith.constant 16 : i32
      %add3A_197 = vector.broadcast %add3A_196 : i32 to vector<16xi32>
      %add3A_198 = arith.addi %all_reduce_ffs3A, %add3A_197 : vector<16xi32>
      %select_n3A_199 = arith.select %lt3A_195, %add3A_198, %all_reduce_ffs3A : vector<16xi1>, vector<16xi32>
      %broadcast_in_dim3A_200 = vector.shape_cast %select_n3A_199 : vector<16xi32> to vector<16x1xi32>
      %gather3A_201 = vector.shape_cast %broadcast_in_dim3A_200 : vector<16x1xi32> to vector<16xi32>
      %gather3A_202 = tpu.dynamic_gather %add3A_155[%gather3A_201] in [0] : vector<16xi32>, vector<16xi32> -> vector<16xi32>
      %reduce_max3A_203 = arith.constant true
      %reduce_max3A_204 = vector.broadcast %reduce_max3A_203 : i1 to vector<16xi1>
      %reduce_max3A_205 = arith.constant -2147483648 : i32
      %reduce_max3A_206 = vector.broadcast %reduce_max3A_205 : i32 to vector<16xi32>
      %reduce_max3A_207 = arith.xori %gather3A_202, %reduce_max3A_206 : vector<16xi32>
      %reduce_max3A_208 = tpu.scan <max>, %reduce_max3A_207 masked %reduce_max3A_204 : vector<16xi32>, vector<16xi1> -> vector<16xi32>
      %reduce_max3A_209 = arith.xori %reduce_max3A_208, %reduce_max3A_206 : vector<16xi32>
      %reduce_max3A_210 = vector.extract %reduce_max3A_209[15] : i32 from vector<16xi32>
      %add3A_211 = arith.constant 0 : i32
      %add3A_212 = vector.broadcast %add3A_211 : i32 to vector<16xi32>
      %add3A_213 = arith.addi %add3A_212, %all_reduce_ffs3A : vector<16xi32>
      %select_n3A_214 = arith.select %and3A_172, %add3A_213, %broadcast_in_dim3A_7 : vector<16xi1>, vector<16xi32>
      %sub3A = arith.subi %reduce_max3A_192, %reduce_max3A_210 : i32
      %broadcast_in_dim3A_215 = vector.broadcast %sub3A : i32 to vector<16xi32>
      %select_n3A_216 = arith.select %and3A_172, %broadcast_in_dim3A_215, %broadcast_in_dim3A_7 : vector<16xi1>, vector<16xi32>
      %jit3A = arith.constant 1 : i32
      %broadcast_in_dim3A_217 = vector.broadcast %jit3A : i32 to vector<16xi32>
      %select_n3A_218 = arith.select %and3A_172, %broadcast_in_dim3A_217, %broadcast_in_dim3A_7 : vector<16xi1>, vector<16xi32>
      %add3A_219 = arith.constant 256 : i32
      %add3A_220 = vector.broadcast %add3A_219 : i32 to vector<16xi32>
      %add3A_221 = arith.addi %mul3A_6, %add3A_220 : vector<16xi32>
      %gather3A_222 = tpu.vector_load_idx %arg6[%add3A_221] : memref<2048xi32, #tpu.memory_space<vmem>>[vector<16xi32>], vector<16xi32>,
      %add3A_223 = arith.addi %broadcast_in_dim3A_7, %gather3A_222 : vector<16xi32>
      %add3A_224 = arith.constant 264 : i32
      %add3A_225 = vector.broadcast %add3A_224 : i32 to vector<16xi32>
      %add3A_226 = arith.addi %mul3A_6, %add3A_225 : vector<16xi32>
      %gather3A_227 = tpu.vector_load_idx %arg6[%add3A_226] : memref<2048xi32, #tpu.memory_space<vmem>>[vector<16xi32>], vector<16xi32>,
      %add3A_228 = arith.addi %broadcast_in_dim3A_7, %gather3A_227 : vector<16xi32>
      %add3A_229 = arith.constant 257 : i32
      %add3A_230 = vector.broadcast %add3A_229 : i32 to vector<16xi32>
      %add3A_231 = arith.addi %mul3A_6, %add3A_230 : vector<16xi32>
      %gather3A_232 = tpu.vector_load_idx %arg6[%add3A_231] : memref<2048xi32, #tpu.memory_space<vmem>>[vector<16xi32>], vector<16xi32>,
      %add3A_233 = arith.addi %add3A_223, %gather3A_232 : vector<16xi32>
      %add3A_234 = arith.constant 265 : i32
      %add3A_235 = vector.broadcast %add3A_234 : i32 to vector<16xi32>
      %add3A_236 = arith.addi %mul3A_6, %add3A_235 : vector<16xi32>
      %gather3A_237 = tpu.vector_load_idx %arg6[%add3A_236] : memref<2048xi32, #tpu.memory_space<vmem>>[vector<16xi32>], vector<16xi32>,
      %add3A_238 = arith.addi %add3A_228, %gather3A_237 : vector<16xi32>
      %add3A_239 = arith.constant 258 : i32
      %add3A_240 = vector.broadcast %add3A_239 : i32 to vector<16xi32>
      %add3A_241 = arith.addi %mul3A_6, %add3A_240 : vector<16xi32>
      %gather3A_242 = tpu.vector_load_idx %arg6[%add3A_241] : memref<2048xi32, #tpu.memory_space<vmem>>[vector<16xi32>], vector<16xi32>,
      %add3A_243 = arith.addi %add3A_233, %gather3A_242 : vector<16xi32>
      %add3A_244 = arith.constant 266 : i32
      %add3A_245 = vector.broadcast %add3A_244 : i32 to vector<16xi32>
      %add3A_246 = arith.addi %mul3A_6, %add3A_245 : vector<16xi32>
      %gather3A_247 = tpu.vector_load_idx %arg6[%add3A_246] : memref<2048xi32, #tpu.memory_space<vmem>>[vector<16xi32>], vector<16xi32>,
      %add3A_248 = arith.addi %add3A_238, %gather3A_247 : vector<16xi32>
      %add3A_249 = arith.constant 259 : i32
      %add3A_250 = vector.broadcast %add3A_249 : i32 to vector<16xi32>
      %add3A_251 = arith.addi %mul3A_6, %add3A_250 : vector<16xi32>
      %gather3A_252 = tpu.vector_load_idx %arg6[%add3A_251] : memref<2048xi32, #tpu.memory_space<vmem>>[vector<16xi32>], vector<16xi32>,
      %add3A_253 = arith.addi %add3A_243, %gather3A_252 : vector<16xi32>
      %add3A_254 = arith.constant 267 : i32
      %add3A_255 = vector.broadcast %add3A_254 : i32 to vector<16xi32>
      %add3A_256 = arith.addi %mul3A_6, %add3A_255 : vector<16xi32>
      %gather3A_257 = tpu.vector_load_idx %arg6[%add3A_256] : memref<2048xi32, #tpu.memory_space<vmem>>[vector<16xi32>], vector<16xi32>,
      %add3A_258 = arith.addi %add3A_248, %gather3A_257 : vector<16xi32>
      %add3A_259 = arith.constant 260 : i32
      %add3A_260 = vector.broadcast %add3A_259 : i32 to vector<16xi32>
      %add3A_261 = arith.addi %mul3A_6, %add3A_260 : vector<16xi32>
      %gather3A_262 = tpu.vector_load_idx %arg6[%add3A_261] : memref<2048xi32, #tpu.memory_space<vmem>>[vector<16xi32>], vector<16xi32>,
      %add3A_263 = arith.addi %add3A_253, %gather3A_262 : vector<16xi32>
      %add3A_264 = arith.constant 268 : i32
      %add3A_265 = vector.broadcast %add3A_264 : i32 to vector<16xi32>
      %add3A_266 = arith.addi %mul3A_6, %add3A_265 : vector<16xi32>
      %gather3A_267 = tpu.vector_load_idx %arg6[%add3A_266] : memref<2048xi32, #tpu.memory_space<vmem>>[vector<16xi32>], vector<16xi32>,
      %add3A_268 = arith.addi %add3A_258, %gather3A_267 : vector<16xi32>
      %add3A_269 = arith.constant 261 : i32
      %add3A_270 = vector.broadcast %add3A_269 : i32 to vector<16xi32>
      %add3A_271 = arith.addi %mul3A_6, %add3A_270 : vector<16xi32>
      %gather3A_272 = tpu.vector_load_idx %arg6[%add3A_271] : memref<2048xi32, #tpu.memory_space<vmem>>[vector<16xi32>], vector<16xi32>,
      %add3A_273 = arith.addi %add3A_263, %gather3A_272 : vector<16xi32>
      %add3A_274 = arith.constant 269 : i32
      %add3A_275 = vector.broadcast %add3A_274 : i32 to vector<16xi32>
      %add3A_276 = arith.addi %mul3A_6, %add3A_275 : vector<16xi32>
      %gather3A_277 = tpu.vector_load_idx %arg6[%add3A_276] : memref<2048xi32, #tpu.memory_space<vmem>>[vector<16xi32>], vector<16xi32>,
      %add3A_278 = arith.addi %add3A_268, %gather3A_277 : vector<16xi32>
      %add3A_279 = arith.constant 262 : i32
      %add3A_280 = vector.broadcast %add3A_279 : i32 to vector<16xi32>
      %add3A_281 = arith.addi %mul3A_6, %add3A_280 : vector<16xi32>
      %gather3A_282 = tpu.vector_load_idx %arg6[%add3A_281] : memref<2048xi32, #tpu.memory_space<vmem>>[vector<16xi32>], vector<16xi32>,
      %add3A_283 = arith.addi %add3A_273, %gather3A_282 : vector<16xi32>
      %add3A_284 = arith.constant 270 : i32
      %add3A_285 = vector.broadcast %add3A_284 : i32 to vector<16xi32>
      %add3A_286 = arith.addi %mul3A_6, %add3A_285 : vector<16xi32>
      %gather3A_287 = tpu.vector_load_idx %arg6[%add3A_286] : memref<2048xi32, #tpu.memory_space<vmem>>[vector<16xi32>], vector<16xi32>,
      %add3A_288 = arith.addi %add3A_278, %gather3A_287 : vector<16xi32>
      %add3A_289 = arith.constant 263 : i32
      %add3A_290 = vector.broadcast %add3A_289 : i32 to vector<16xi32>
      %add3A_291 = arith.addi %mul3A_6, %add3A_290 : vector<16xi32>
      %gather3A_292 = tpu.vector_load_idx %arg6[%add3A_291] : memref<2048xi32, #tpu.memory_space<vmem>>[vector<16xi32>], vector<16xi32>,
      %add3A_293 = arith.addi %add3A_283, %gather3A_292 : vector<16xi32>
      %add3A_294 = arith.constant 271 : i32
      %add3A_295 = vector.broadcast %add3A_294 : i32 to vector<16xi32>
      %add3A_296 = arith.addi %mul3A_6, %add3A_295 : vector<16xi32>
      %gather3A_297 = tpu.vector_load_idx %arg6[%add3A_296] : memref<2048xi32, #tpu.memory_space<vmem>>[vector<16xi32>], vector<16xi32>,
      %add3A_298 = arith.addi %add3A_288, %gather3A_297 : vector<16xi32>
      %add3A_299 = arith.addi %add3A_293, %add3A_298 : vector<16xi32>
      %broadcast_in_dim3A_300 = arith.constant true
      %broadcast_in_dim3A_301 = vector.broadcast %broadcast_in_dim3A_300 : i1 to vector<16xi1>
      %masked_cumsum3A_302 = tpu.scan <sum>, %add3A_299 masked %broadcast_in_dim3A_301 : vector<16xi32>, vector<16xi1> -> vector<16xi32>
      %add3A_303 = vector.broadcast %reduce_max3A_167 : i32 to vector<16xi32>
      %add3A_304 = arith.addi %masked_cumsum3A_302, %add3A_303 : vector<16xi32>
      %reduce_max3A_305 = arith.constant true
      %reduce_max3A_306 = vector.broadcast %reduce_max3A_305 : i1 to vector<16xi1>
      %reduce_max3A_307 = arith.constant -2147483648 : i32
      %reduce_max3A_308 = vector.broadcast %reduce_max3A_307 : i32 to vector<16xi32>
      %reduce_max3A_309 = arith.xori %add3A_304, %reduce_max3A_308 : vector<16xi32>
      %reduce_max3A_310 = tpu.scan <max>, %reduce_max3A_309 masked %reduce_max3A_306 : vector<16xi32>, vector<16xi1> -> vector<16xi32>
      %reduce_max3A_311 = arith.xori %reduce_max3A_310, %reduce_max3A_308 : vector<16xi32>
      %reduce_max3A_312 = vector.extract %reduce_max3A_311[15] : i32 from vector<16xi32>
      %eq3A_313 = arith.constant 0 : i32
      %eq3A_314 = vector.broadcast %eq3A_313 : i32 to vector<16xi32>
      %eq3A_315 = arith.cmpi eq, %select_n3A_218, %eq3A_314 : vector<16xi32>
      %ge3A_316 = arith.constant 256 : i32
      %ge3A_317 = arith.cmpi sge, %reduce_max3A_312, %ge3A_316 : i32
      %and3A_318 = vector.broadcast %ge3A_317 : i1 to vector<16xi1>
      %and3A_319 = arith.andi %eq3A_315, %and3A_318 : vector<16xi1>
      %ge3A_320 = arith.constant 256 : i32
      %ge3A_321 = vector.broadcast %ge3A_320 : i32 to vector<16xi32>
      %ge3A_322 = arith.cmpi sge, %add3A_304, %ge3A_321 : vector<16xi32>
      %all_reduce_ffs3A_323 = tpu.all_reduce %ge3A_322 {dim = 0 : i64, kind = #tpu.reduction_kind<find_first_set>} : vector<16xi1> -> vector<16xi32>
      %lt3A_324 = arith.constant 0 : i32
      %lt3A_325 = vector.broadcast %lt3A_324 : i32 to vector<16xi32>
      %lt3A_326 = arith.cmpi slt, %all_reduce_ffs3A_323, %lt3A_325 : vector<16xi32>
      %add3A_327 = arith.constant 16 : i32
      %add3A_328 = vector.broadcast %add3A_327 : i32 to vector<16xi32>
      %add3A_329 = arith.addi %all_reduce_ffs3A_323, %add3A_328 : vector<16xi32>
      %select_n3A_330 = arith.select %lt3A_326, %add3A_329, %all_reduce_ffs3A_323 : vector<16xi1>, vector<16xi32>
      %broadcast_in_dim3A_331 = vector.shape_cast %select_n3A_330 : vector<16xi32> to vector<16x1xi32>
      %gather3A_332 = vector.shape_cast %broadcast_in_dim3A_331 : vector<16x1xi32> to vector<16xi32>
      %gather3A_333 = tpu.dynamic_gather %add3A_304[%gather3A_332] in [0] : vector<16xi32>, vector<16xi32> -> vector<16xi32>
      %reduce_max3A_334 = arith.constant true
      %reduce_max3A_335 = vector.broadcast %reduce_max3A_334 : i1 to vector<16xi1>
      %reduce_max3A_336 = arith.constant -2147483648 : i32
      %reduce_max3A_337 = vector.broadcast %reduce_max3A_336 : i32 to vector<16xi32>
      %reduce_max3A_338 = arith.xori %gather3A_333, %reduce_max3A_337 : vector<16xi32>
      %reduce_max3A_339 = tpu.scan <max>, %reduce_max3A_338 masked %reduce_max3A_335 : vector<16xi32>, vector<16xi1> -> vector<16xi32>
      %reduce_max3A_340 = arith.xori %reduce_max3A_339, %reduce_max3A_337 : vector<16xi32>
      %reduce_max3A_341 = vector.extract %reduce_max3A_340[15] : i32 from vector<16xi32>
      %lt3A_342 = arith.constant 0 : i32
      %lt3A_343 = vector.broadcast %lt3A_342 : i32 to vector<16xi32>
      %lt3A_344 = arith.cmpi slt, %all_reduce_ffs3A_323, %lt3A_343 : vector<16xi32>
      %add3A_345 = arith.constant 16 : i32
      %add3A_346 = vector.broadcast %add3A_345 : i32 to vector<16xi32>
      %add3A_347 = arith.addi %all_reduce_ffs3A_323, %add3A_346 : vector<16xi32>
      %select_n3A_348 = arith.select %lt3A_344, %add3A_347, %all_reduce_ffs3A_323 : vector<16xi1>, vector<16xi32>
      %broadcast_in_dim3A_349 = vector.shape_cast %select_n3A_348 : vector<16xi32> to vector<16x1xi32>
      %gather3A_350 = vector.shape_cast %broadcast_in_dim3A_349 : vector<16x1xi32> to vector<16xi32>
      %gather3A_351 = tpu.dynamic_gather %add3A_299[%gather3A_350] in [0] : vector<16xi32>, vector<16xi32> -> vector<16xi32>
      %reduce_max3A_352 = arith.constant true
      %reduce_max3A_353 = vector.broadcast %reduce_max3A_352 : i1 to vector<16xi1>
      %reduce_max3A_354 = arith.constant -2147483648 : i32
      %reduce_max3A_355 = vector.broadcast %reduce_max3A_354 : i32 to vector<16xi32>
      %reduce_max3A_356 = arith.xori %gather3A_351, %reduce_max3A_355 : vector<16xi32>
      %reduce_max3A_357 = tpu.scan <max>, %reduce_max3A_356 masked %reduce_max3A_353 : vector<16xi32>, vector<16xi1> -> vector<16xi32>
      %reduce_max3A_358 = arith.xori %reduce_max3A_357, %reduce_max3A_355 : vector<16xi32>
      %reduce_max3A_359 = vector.extract %reduce_max3A_358[15] : i32 from vector<16xi32>
      %add3A_360 = arith.constant 16 : i32
      %add3A_361 = vector.broadcast %add3A_360 : i32 to vector<16xi32>
      %add3A_362 = arith.addi %add3A_361, %all_reduce_ffs3A_323 : vector<16xi32>
      %select_n3A_363 = arith.select %and3A_319, %add3A_362, %select_n3A_214 : vector<16xi1>, vector<16xi32>
      %sub3A_364 = arith.subi %reduce_max3A_341, %reduce_max3A_359 : i32
      %broadcast_in_dim3A_365 = vector.broadcast %sub3A_364 : i32 to vector<16xi32>
      %select_n3A_366 = arith.select %and3A_319, %broadcast_in_dim3A_365, %select_n3A_216 : vector<16xi1>, vector<16xi32>
      %jit3A_367 = arith.constant 1 : i32
      %broadcast_in_dim3A_368 = vector.broadcast %jit3A_367 : i32 to vector<16xi32>
      %select_n3A_369 = arith.select %and3A_319, %broadcast_in_dim3A_368, %select_n3A_218 : vector<16xi1>, vector<16xi32>
      %add3A_370 = arith.constant 512 : i32
      %add3A_371 = vector.broadcast %add3A_370 : i32 to vector<16xi32>
      %add3A_372 = arith.addi %mul3A_6, %add3A_371 : vector<16xi32>
      %gather3A_373 = tpu.vector_load_idx %arg6[%add3A_372] : memref<2048xi32, #tpu.memory_space<vmem>>[vector<16xi32>], vector<16xi32>,
      %add3A_374 = arith.addi %broadcast_in_dim3A_7, %gather3A_373 : vector<16xi32>
      %add3A_375 = arith.constant 520 : i32
      %add3A_376 = vector.broadcast %add3A_375 : i32 to vector<16xi32>
      %add3A_377 = arith.addi %mul3A_6, %add3A_376 : vector<16xi32>
      %gather3A_378 = tpu.vector_load_idx %arg6[%add3A_377] : memref<2048xi32, #tpu.memory_space<vmem>>[vector<16xi32>], vector<16xi32>,
      %add3A_379 = arith.addi %broadcast_in_dim3A_7, %gather3A_378 : vector<16xi32>
      %add3A_380 = arith.constant 513 : i32
      %add3A_381 = vector.broadcast %add3A_380 : i32 to vector<16xi32>
      %add3A_382 = arith.addi %mul3A_6, %add3A_381 : vector<16xi32>
      %gather3A_383 = tpu.vector_load_idx %arg6[%add3A_382] : memref<2048xi32, #tpu.memory_space<vmem>>[vector<16xi32>], vector<16xi32>,
      %add3A_384 = arith.addi %add3A_374, %gather3A_383 : vector<16xi32>
      %add3A_385 = arith.constant 521 : i32
      %add3A_386 = vector.broadcast %add3A_385 : i32 to vector<16xi32>
      %add3A_387 = arith.addi %mul3A_6, %add3A_386 : vector<16xi32>
      %gather3A_388 = tpu.vector_load_idx %arg6[%add3A_387] : memref<2048xi32, #tpu.memory_space<vmem>>[vector<16xi32>], vector<16xi32>,
      %add3A_389 = arith.addi %add3A_379, %gather3A_388 : vector<16xi32>
      %add3A_390 = arith.constant 514 : i32
      %add3A_391 = vector.broadcast %add3A_390 : i32 to vector<16xi32>
      %add3A_392 = arith.addi %mul3A_6, %add3A_391 : vector<16xi32>
      %gather3A_393 = tpu.vector_load_idx %arg6[%add3A_392] : memref<2048xi32, #tpu.memory_space<vmem>>[vector<16xi32>], vector<16xi32>,
      %add3A_394 = arith.addi %add3A_384, %gather3A_393 : vector<16xi32>
      %add3A_395 = arith.constant 522 : i32
      %add3A_396 = vector.broadcast %add3A_395 : i32 to vector<16xi32>
      %add3A_397 = arith.addi %mul3A_6, %add3A_396 : vector<16xi32>
      %gather3A_398 = tpu.vector_load_idx %arg6[%add3A_397] : memref<2048xi32, #tpu.memory_space<vmem>>[vector<16xi32>], vector<16xi32>,
      %add3A_399 = arith.addi %add3A_389, %gather3A_398 : vector<16xi32>
      %add3A_400 = arith.constant 515 : i32
      %add3A_401 = vector.broadcast %add3A_400 : i32 to vector<16xi32>
      %add3A_402 = arith.addi %mul3A_6, %add3A_401 : vector<16xi32>
      %gather3A_403 = tpu.vector_load_idx %arg6[%add3A_402] : memref<2048xi32, #tpu.memory_space<vmem>>[vector<16xi32>], vector<16xi32>,
      %add3A_404 = arith.addi %add3A_394, %gather3A_403 : vector<16xi32>
      %add3A_405 = arith.constant 523 : i32
      %add3A_406 = vector.broadcast %add3A_405 : i32 to vector<16xi32>
      %add3A_407 = arith.addi %mul3A_6, %add3A_406 : vector<16xi32>
      %gather3A_408 = tpu.vector_load_idx %arg6[%add3A_407] : memref<2048xi32, #tpu.memory_space<vmem>>[vector<16xi32>], vector<16xi32>,
      %add3A_409 = arith.addi %add3A_399, %gather3A_408 : vector<16xi32>
      %add3A_410 = arith.constant 516 : i32
      %add3A_411 = vector.broadcast %add3A_410 : i32 to vector<16xi32>
      %add3A_412 = arith.addi %mul3A_6, %add3A_411 : vector<16xi32>
      %gather3A_413 = tpu.vector_load_idx %arg6[%add3A_412] : memref<2048xi32, #tpu.memory_space<vmem>>[vector<16xi32>], vector<16xi32>,
      %add3A_414 = arith.addi %add3A_404, %gather3A_413 : vector<16xi32>
      %add3A_415 = arith.constant 524 : i32
      %add3A_416 = vector.broadcast %add3A_415 : i32 to vector<16xi32>
      %add3A_417 = arith.addi %mul3A_6, %add3A_416 : vector<16xi32>
      %gather3A_418 = tpu.vector_load_idx %arg6[%add3A_417] : memref<2048xi32, #tpu.memory_space<vmem>>[vector<16xi32>], vector<16xi32>,
      %add3A_419 = arith.addi %add3A_409, %gather3A_418 : vector<16xi32>
      %add3A_420 = arith.constant 517 : i32
      %add3A_421 = vector.broadcast %add3A_420 : i32 to vector<16xi32>
      %add3A_422 = arith.addi %mul3A_6, %add3A_421 : vector<16xi32>
      %gather3A_423 = tpu.vector_load_idx %arg6[%add3A_422] : memref<2048xi32, #tpu.memory_space<vmem>>[vector<16xi32>], vector<16xi32>,
      %add3A_424 = arith.addi %add3A_414, %gather3A_423 : vector<16xi32>
      %add3A_425 = arith.constant 525 : i32
      %add3A_426 = vector.broadcast %add3A_425 : i32 to vector<16xi32>
      %add3A_427 = arith.addi %mul3A_6, %add3A_426 : vector<16xi32>
      %gather3A_428 = tpu.vector_load_idx %arg6[%add3A_427] : memref<2048xi32, #tpu.memory_space<vmem>>[vector<16xi32>], vector<16xi32>,
      %add3A_429 = arith.addi %add3A_419, %gather3A_428 : vector<16xi32>
      %add3A_430 = arith.constant 518 : i32
      %add3A_431 = vector.broadcast %add3A_430 : i32 to vector<16xi32>
      %add3A_432 = arith.addi %mul3A_6, %add3A_431 : vector<16xi32>
      %gather3A_433 = tpu.vector_load_idx %arg6[%add3A_432] : memref<2048xi32, #tpu.memory_space<vmem>>[vector<16xi32>], vector<16xi32>,
      %add3A_434 = arith.addi %add3A_424, %gather3A_433 : vector<16xi32>
      %add3A_435 = arith.constant 526 : i32
      %add3A_436 = vector.broadcast %add3A_435 : i32 to vector<16xi32>
      %add3A_437 = arith.addi %mul3A_6, %add3A_436 : vector<16xi32>
      %gather3A_438 = tpu.vector_load_idx %arg6[%add3A_437] : memref<2048xi32, #tpu.memory_space<vmem>>[vector<16xi32>], vector<16xi32>,
      %add3A_439 = arith.addi %add3A_429, %gather3A_438 : vector<16xi32>
      %add3A_440 = arith.constant 519 : i32
      %add3A_441 = vector.broadcast %add3A_440 : i32 to vector<16xi32>
      %add3A_442 = arith.addi %mul3A_6, %add3A_441 : vector<16xi32>
      %gather3A_443 = tpu.vector_load_idx %arg6[%add3A_442] : memref<2048xi32, #tpu.memory_space<vmem>>[vector<16xi32>], vector<16xi32>,
      %add3A_444 = arith.addi %add3A_434, %gather3A_443 : vector<16xi32>
      %add3A_445 = arith.constant 527 : i32
      %add3A_446 = vector.broadcast %add3A_445 : i32 to vector<16xi32>
      %add3A_447 = arith.addi %mul3A_6, %add3A_446 : vector<16xi32>
      %gather3A_448 = tpu.vector_load_idx %arg6[%add3A_447] : memref<2048xi32, #tpu.memory_space<vmem>>[vector<16xi32>], vector<16xi32>,
      %add3A_449 = arith.addi %add3A_439, %gather3A_448 : vector<16xi32>
      %add3A_450 = arith.addi %add3A_444, %add3A_449 : vector<16xi32>
      %broadcast_in_dim3A_451 = arith.constant true
      %broadcast_in_dim3A_452 = vector.broadcast %broadcast_in_dim3A_451 : i1 to vector<16xi1>
      %masked_cumsum3A_453 = tpu.scan <sum>, %add3A_450 masked %broadcast_in_dim3A_452 : vector<16xi32>, vector<16xi1> -> vector<16xi32>
      %add3A_454 = vector.broadcast %reduce_max3A_312 : i32 to vector<16xi32>
      %add3A_455 = arith.addi %masked_cumsum3A_453, %add3A_454 : vector<16xi32>
      %reduce_max3A_456 = arith.constant true
      %reduce_max3A_457 = vector.broadcast %reduce_max3A_456 : i1 to vector<16xi1>
      %reduce_max3A_458 = arith.constant -2147483648 : i32
      %reduce_max3A_459 = vector.broadcast %reduce_max3A_458 : i32 to vector<16xi32>
      %reduce_max3A_460 = arith.xori %add3A_455, %reduce_max3A_459 : vector<16xi32>
      %reduce_max3A_461 = tpu.scan <max>, %reduce_max3A_460 masked %reduce_max3A_457 : vector<16xi32>, vector<16xi1> -> vector<16xi32>
      %reduce_max3A_462 = arith.xori %reduce_max3A_461, %reduce_max3A_459 : vector<16xi32>
      %reduce_max3A_463 = vector.extract %reduce_max3A_462[15] : i32 from vector<16xi32>
      %eq3A_464 = arith.constant 0 : i32
      %eq3A_465 = vector.broadcast %eq3A_464 : i32 to vector<16xi32>
      %eq3A_466 = arith.cmpi eq, %select_n3A_369, %eq3A_465 : vector<16xi32>
      %ge3A_467 = arith.constant 256 : i32
      %ge3A_468 = arith.cmpi sge, %reduce_max3A_463, %ge3A_467 : i32
      %and3A_469 = vector.broadcast %ge3A_468 : i1 to vector<16xi1>
      %and3A_470 = arith.andi %eq3A_466, %and3A_469 : vector<16xi1>
      %ge3A_471 = arith.constant 256 : i32
      %ge3A_472 = vector.broadcast %ge3A_471 : i32 to vector<16xi32>
      %ge3A_473 = arith.cmpi sge, %add3A_455, %ge3A_472 : vector<16xi32>
      %all_reduce_ffs3A_474 = tpu.all_reduce %ge3A_473 {dim = 0 : i64, kind = #tpu.reduction_kind<find_first_set>} : vector<16xi1> -> vector<16xi32>
      %lt3A_475 = arith.constant 0 : i32
      %lt3A_476 = vector.broadcast %lt3A_475 : i32 to vector<16xi32>
      %lt3A_477 = arith.cmpi slt, %all_reduce_ffs3A_474, %lt3A_476 : vector<16xi32>
      %add3A_478 = arith.constant 16 : i32
      %add3A_479 = vector.broadcast %add3A_478 : i32 to vector<16xi32>
      %add3A_480 = arith.addi %all_reduce_ffs3A_474, %add3A_479 : vector<16xi32>
      %select_n3A_481 = arith.select %lt3A_477, %add3A_480, %all_reduce_ffs3A_474 : vector<16xi1>, vector<16xi32>
      %broadcast_in_dim3A_482 = vector.shape_cast %select_n3A_481 : vector<16xi32> to vector<16x1xi32>
      %gather3A_483 = vector.shape_cast %broadcast_in_dim3A_482 : vector<16x1xi32> to vector<16xi32>
      %gather3A_484 = tpu.dynamic_gather %add3A_455[%gather3A_483] in [0] : vector<16xi32>, vector<16xi32> -> vector<16xi32>
      %reduce_max3A_485 = arith.constant true
      %reduce_max3A_486 = vector.broadcast %reduce_max3A_485 : i1 to vector<16xi1>
      %reduce_max3A_487 = arith.constant -2147483648 : i32
      %reduce_max3A_488 = vector.broadcast %reduce_max3A_487 : i32 to vector<16xi32>
      %reduce_max3A_489 = arith.xori %gather3A_484, %reduce_max3A_488 : vector<16xi32>
      %reduce_max3A_490 = tpu.scan <max>, %reduce_max3A_489 masked %reduce_max3A_486 : vector<16xi32>, vector<16xi1> -> vector<16xi32>
      %reduce_max3A_491 = arith.xori %reduce_max3A_490, %reduce_max3A_488 : vector<16xi32>
      %reduce_max3A_492 = vector.extract %reduce_max3A_491[15] : i32 from vector<16xi32>
      %lt3A_493 = arith.constant 0 : i32
      %lt3A_494 = vector.broadcast %lt3A_493 : i32 to vector<16xi32>
      %lt3A_495 = arith.cmpi slt, %all_reduce_ffs3A_474, %lt3A_494 : vector<16xi32>
      %add3A_496 = arith.constant 16 : i32
      %add3A_497 = vector.broadcast %add3A_496 : i32 to vector<16xi32>
      %add3A_498 = arith.addi %all_reduce_ffs3A_474, %add3A_497 : vector<16xi32>
      %select_n3A_499 = arith.select %lt3A_495, %add3A_498, %all_reduce_ffs3A_474 : vector<16xi1>, vector<16xi32>
      %broadcast_in_dim3A_500 = vector.shape_cast %select_n3A_499 : vector<16xi32> to vector<16x1xi32>
      %gather3A_501 = vector.shape_cast %broadcast_in_dim3A_500 : vector<16x1xi32> to vector<16xi32>
      %gather3A_502 = tpu.dynamic_gather %add3A_450[%gather3A_501] in [0] : vector<16xi32>, vector<16xi32> -> vector<16xi32>
      %reduce_max3A_503 = arith.constant true
      %reduce_max3A_504 = vector.broadcast %reduce_max3A_503 : i1 to vector<16xi1>
      %reduce_max3A_505 = arith.constant -2147483648 : i32
      %reduce_max3A_506 = vector.broadcast %reduce_max3A_505 : i32 to vector<16xi32>
      %reduce_max3A_507 = arith.xori %gather3A_502, %reduce_max3A_506 : vector<16xi32>
      %reduce_max3A_508 = tpu.scan <max>, %reduce_max3A_507 masked %reduce_max3A_504 : vector<16xi32>, vector<16xi1> -> vector<16xi32>
      %reduce_max3A_509 = arith.xori %reduce_max3A_508, %reduce_max3A_506 : vector<16xi32>
      %reduce_max3A_510 = vector.extract %reduce_max3A_509[15] : i32 from vector<16xi32>
      %add3A_511 = arith.constant 32 : i32
      %add3A_512 = vector.broadcast %add3A_511 : i32 to vector<16xi32>
      %add3A_513 = arith.addi %add3A_512, %all_reduce_ffs3A_474 : vector<16xi32>
      %select_n3A_514 = arith.select %and3A_470, %add3A_513, %select_n3A_363 : vector<16xi1>, vector<16xi32>
      %sub3A_515 = arith.subi %reduce_max3A_492, %reduce_max3A_510 : i32
      %broadcast_in_dim3A_516 = vector.broadcast %sub3A_515 : i32 to vector<16xi32>
      %select_n3A_517 = arith.select %and3A_470, %broadcast_in_dim3A_516, %select_n3A_366 : vector<16xi1>, vector<16xi32>
      %jit3A_518 = arith.constant 1 : i32
      %broadcast_in_dim3A_519 = vector.broadcast %jit3A_518 : i32 to vector<16xi32>
      %select_n3A_520 = arith.select %and3A_470, %broadcast_in_dim3A_519, %select_n3A_369 : vector<16xi1>, vector<16xi32>
      %add3A_521 = arith.constant 768 : i32
      %add3A_522 = vector.broadcast %add3A_521 : i32 to vector<16xi32>
      %add3A_523 = arith.addi %mul3A_6, %add3A_522 : vector<16xi32>
      %gather3A_524 = tpu.vector_load_idx %arg6[%add3A_523] : memref<2048xi32, #tpu.memory_space<vmem>>[vector<16xi32>], vector<16xi32>,
      %add3A_525 = arith.addi %broadcast_in_dim3A_7, %gather3A_524 : vector<16xi32>
      %add3A_526 = arith.constant 776 : i32
      %add3A_527 = vector.broadcast %add3A_526 : i32 to vector<16xi32>
      %add3A_528 = arith.addi %mul3A_6, %add3A_527 : vector<16xi32>
      %gather3A_529 = tpu.vector_load_idx %arg6[%add3A_528] : memref<2048xi32, #tpu.memory_space<vmem>>[vector<16xi32>], vector<16xi32>,
      %add3A_530 = arith.addi %broadcast_in_dim3A_7, %gather3A_529 : vector<16xi32>
      %add3A_531 = arith.constant 769 : i32
      %add3A_532 = vector.broadcast %add3A_531 : i32 to vector<16xi32>
      %add3A_533 = arith.addi %mul3A_6, %add3A_532 : vector<16xi32>
      %gather3A_534 = tpu.vector_load_idx %arg6[%add3A_533] : memref<2048xi32, #tpu.memory_space<vmem>>[vector<16xi32>], vector<16xi32>,
      %add3A_535 = arith.addi %add3A_525, %gather3A_534 : vector<16xi32>
      %add3A_536 = arith.constant 777 : i32
      %add3A_537 = vector.broadcast %add3A_536 : i32 to vector<16xi32>
      %add3A_538 = arith.addi %mul3A_6, %add3A_537 : vector<16xi32>
      %gather3A_539 = tpu.vector_load_idx %arg6[%add3A_538] : memref<2048xi32, #tpu.memory_space<vmem>>[vector<16xi32>], vector<16xi32>,
      %add3A_540 = arith.addi %add3A_530, %gather3A_539 : vector<16xi32>
      %add3A_541 = arith.constant 770 : i32
      %add3A_542 = vector.broadcast %add3A_541 : i32 to vector<16xi32>
      %add3A_543 = arith.addi %mul3A_6, %add3A_542 : vector<16xi32>
      %gather3A_544 = tpu.vector_load_idx %arg6[%add3A_543] : memref<2048xi32, #tpu.memory_space<vmem>>[vector<16xi32>], vector<16xi32>,
      %add3A_545 = arith.addi %add3A_535, %gather3A_544 : vector<16xi32>
      %add3A_546 = arith.constant 778 : i32
      %add3A_547 = vector.broadcast %add3A_546 : i32 to vector<16xi32>
      %add3A_548 = arith.addi %mul3A_6, %add3A_547 : vector<16xi32>
      %gather3A_549 = tpu.vector_load_idx %arg6[%add3A_548] : memref<2048xi32, #tpu.memory_space<vmem>>[vector<16xi32>], vector<16xi32>,
      %add3A_550 = arith.addi %add3A_540, %gather3A_549 : vector<16xi32>
      %add3A_551 = arith.constant 771 : i32
      %add3A_552 = vector.broadcast %add3A_551 : i32 to vector<16xi32>
      %add3A_553 = arith.addi %mul3A_6, %add3A_552 : vector<16xi32>
      %gather3A_554 = tpu.vector_load_idx %arg6[%add3A_553] : memref<2048xi32, #tpu.memory_space<vmem>>[vector<16xi32>], vector<16xi32>,
      %add3A_555 = arith.addi %add3A_545, %gather3A_554 : vector<16xi32>
      %add3A_556 = arith.constant 779 : i32
      %add3A_557 = vector.broadcast %add3A_556 : i32 to vector<16xi32>
      %add3A_558 = arith.addi %mul3A_6, %add3A_557 : vector<16xi32>
      %gather3A_559 = tpu.vector_load_idx %arg6[%add3A_558] : memref<2048xi32, #tpu.memory_space<vmem>>[vector<16xi32>], vector<16xi32>,
      %add3A_560 = arith.addi %add3A_550, %gather3A_559 : vector<16xi32>
      %add3A_561 = arith.constant 772 : i32
      %add3A_562 = vector.broadcast %add3A_561 : i32 to vector<16xi32>
      %add3A_563 = arith.addi %mul3A_6, %add3A_562 : vector<16xi32>
      %gather3A_564 = tpu.vector_load_idx %arg6[%add3A_563] : memref<2048xi32, #tpu.memory_space<vmem>>[vector<16xi32>], vector<16xi32>,
      %add3A_565 = arith.addi %add3A_555, %gather3A_564 : vector<16xi32>
      %add3A_566 = arith.constant 780 : i32
      %add3A_567 = vector.broadcast %add3A_566 : i32 to vector<16xi32>
      %add3A_568 = arith.addi %mul3A_6, %add3A_567 : vector<16xi32>
      %gather3A_569 = tpu.vector_load_idx %arg6[%add3A_568] : memref<2048xi32, #tpu.memory_space<vmem>>[vector<16xi32>], vector<16xi32>,
      %add3A_570 = arith.addi %add3A_560, %gather3A_569 : vector<16xi32>
      %add3A_571 = arith.constant 773 : i32
      %add3A_572 = vector.broadcast %add3A_571 : i32 to vector<16xi32>
      %add3A_573 = arith.addi %mul3A_6, %add3A_572 : vector<16xi32>
      %gather3A_574 = tpu.vector_load_idx %arg6[%add3A_573] : memref<2048xi32, #tpu.memory_space<vmem>>[vector<16xi32>], vector<16xi32>,
      %add3A_575 = arith.addi %add3A_565, %gather3A_574 : vector<16xi32>
      %add3A_576 = arith.constant 781 : i32
      %add3A_577 = vector.broadcast %add3A_576 : i32 to vector<16xi32>
      %add3A_578 = arith.addi %mul3A_6, %add3A_577 : vector<16xi32>
      %gather3A_579 = tpu.vector_load_idx %arg6[%add3A_578] : memref<2048xi32, #tpu.memory_space<vmem>>[vector<16xi32>], vector<16xi32>,
      %add3A_580 = arith.addi %add3A_570, %gather3A_579 : vector<16xi32>
      %add3A_581 = arith.constant 774 : i32
      %add3A_582 = vector.broadcast %add3A_581 : i32 to vector<16xi32>
      %add3A_583 = arith.addi %mul3A_6, %add3A_582 : vector<16xi32>
      %gather3A_584 = tpu.vector_load_idx %arg6[%add3A_583] : memref<2048xi32, #tpu.memory_space<vmem>>[vector<16xi32>], vector<16xi32>,
      %add3A_585 = arith.addi %add3A_575, %gather3A_584 : vector<16xi32>
      %add3A_586 = arith.constant 782 : i32
      %add3A_587 = vector.broadcast %add3A_586 : i32 to vector<16xi32>
      %add3A_588 = arith.addi %mul3A_6, %add3A_587 : vector<16xi32>
      %gather3A_589 = tpu.vector_load_idx %arg6[%add3A_588] : memref<2048xi32, #tpu.memory_space<vmem>>[vector<16xi32>], vector<16xi32>,
      %add3A_590 = arith.addi %add3A_580, %gather3A_589 : vector<16xi32>
      %add3A_591 = arith.constant 775 : i32
      %add3A_592 = vector.broadcast %add3A_591 : i32 to vector<16xi32>
      %add3A_593 = arith.addi %mul3A_6, %add3A_592 : vector<16xi32>
      %gather3A_594 = tpu.vector_load_idx %arg6[%add3A_593] : memref<2048xi32, #tpu.memory_space<vmem>>[vector<16xi32>], vector<16xi32>,
      %add3A_595 = arith.addi %add3A_585, %gather3A_594 : vector<16xi32>
      %add3A_596 = arith.constant 783 : i32
      %add3A_597 = vector.broadcast %add3A_596 : i32 to vector<16xi32>
      %add3A_598 = arith.addi %mul3A_6, %add3A_597 : vector<16xi32>
      %gather3A_599 = tpu.vector_load_idx %arg6[%add3A_598] : memref<2048xi32, #tpu.memory_space<vmem>>[vector<16xi32>], vector<16xi32>,
      %add3A_600 = arith.addi %add3A_590, %gather3A_599 : vector<16xi32>
      %add3A_601 = arith.addi %add3A_595, %add3A_600 : vector<16xi32>
      %broadcast_in_dim3A_602 = arith.constant true
      %broadcast_in_dim3A_603 = vector.broadcast %broadcast_in_dim3A_602 : i1 to vector<16xi1>
      %masked_cumsum3A_604 = tpu.scan <sum>, %add3A_601 masked %broadcast_in_dim3A_603 : vector<16xi32>, vector<16xi1> -> vector<16xi32>
      %add3A_605 = vector.broadcast %reduce_max3A_463 : i32 to vector<16xi32>
      %add3A_606 = arith.addi %masked_cumsum3A_604, %add3A_605 : vector<16xi32>
      %reduce_max3A_607 = arith.constant true
      %reduce_max3A_608 = vector.broadcast %reduce_max3A_607 : i1 to vector<16xi1>
      %reduce_max3A_609 = arith.constant -2147483648 : i32
      %reduce_max3A_610 = vector.broadcast %reduce_max3A_609 : i32 to vector<16xi32>
      %reduce_max3A_611 = arith.xori %add3A_606, %reduce_max3A_610 : vector<16xi32>
      %reduce_max3A_612 = tpu.scan <max>, %reduce_max3A_611 masked %reduce_max3A_608 : vector<16xi32>, vector<16xi1> -> vector<16xi32>
      %reduce_max3A_613 = arith.xori %reduce_max3A_612, %reduce_max3A_610 : vector<16xi32>
      %reduce_max3A_614 = vector.extract %reduce_max3A_613[15] : i32 from vector<16xi32>
      %eq3A_615 = arith.constant 0 : i32
      %eq3A_616 = vector.broadcast %eq3A_615 : i32 to vector<16xi32>
      %eq3A_617 = arith.cmpi eq, %select_n3A_520, %eq3A_616 : vector<16xi32>
      %ge3A_618 = arith.constant 256 : i32
      %ge3A_619 = arith.cmpi sge, %reduce_max3A_614, %ge3A_618 : i32
      %and3A_620 = vector.broadcast %ge3A_619 : i1 to vector<16xi1>
      %and3A_621 = arith.andi %eq3A_617, %and3A_620 : vector<16xi1>
      %ge3A_622 = arith.constant 256 : i32
      %ge3A_623 = vector.broadcast %ge3A_622 : i32 to vector<16xi32>
      %ge3A_624 = arith.cmpi sge, %add3A_606, %ge3A_623 : vector<16xi32>
      %all_reduce_ffs3A_625 = tpu.all_reduce %ge3A_624 {dim = 0 : i64, kind = #tpu.reduction_kind<find_first_set>} : vector<16xi1> -> vector<16xi32>
      %lt3A_626 = arith.constant 0 : i32
      %lt3A_627 = vector.broadcast %lt3A_626 : i32 to vector<16xi32>
      %lt3A_628 = arith.cmpi slt, %all_reduce_ffs3A_625, %lt3A_627 : vector<16xi32>
      %add3A_629 = arith.constant 16 : i32
      %add3A_630 = vector.broadcast %add3A_629 : i32 to vector<16xi32>
      %add3A_631 = arith.addi %all_reduce_ffs3A_625, %add3A_630 : vector<16xi32>
      %select_n3A_632 = arith.select %lt3A_628, %add3A_631, %all_reduce_ffs3A_625 : vector<16xi1>, vector<16xi32>
      %broadcast_in_dim3A_633 = vector.shape_cast %select_n3A_632 : vector<16xi32> to vector<16x1xi32>
      %gather3A_634 = vector.shape_cast %broadcast_in_dim3A_633 : vector<16x1xi32> to vector<16xi32>
      %gather3A_635 = tpu.dynamic_gather %add3A_606[%gather3A_634] in [0] : vector<16xi32>, vector<16xi32> -> vector<16xi32>
      %reduce_max3A_636 = arith.constant true
      %reduce_max3A_637 = vector.broadcast %reduce_max3A_636 : i1 to vector<16xi1>
      %reduce_max3A_638 = arith.constant -2147483648 : i32
      %reduce_max3A_639 = vector.broadcast %reduce_max3A_638 : i32 to vector<16xi32>
      %reduce_max3A_640 = arith.xori %gather3A_635, %reduce_max3A_639 : vector<16xi32>
      %reduce_max3A_641 = tpu.scan <max>, %reduce_max3A_640 masked %reduce_max3A_637 : vector<16xi32>, vector<16xi1> -> vector<16xi32>
      %reduce_max3A_642 = arith.xori %reduce_max3A_641, %reduce_max3A_639 : vector<16xi32>
      %reduce_max3A_643 = vector.extract %reduce_max3A_642[15] : i32 from vector<16xi32>
      %lt3A_644 = arith.constant 0 : i32
      %lt3A_645 = vector.broadcast %lt3A_644 : i32 to vector<16xi32>
      %lt3A_646 = arith.cmpi slt, %all_reduce_ffs3A_625, %lt3A_645 : vector<16xi32>
      %add3A_647 = arith.constant 16 : i32
      %add3A_648 = vector.broadcast %add3A_647 : i32 to vector<16xi32>
      %add3A_649 = arith.addi %all_reduce_ffs3A_625, %add3A_648 : vector<16xi32>
      %select_n3A_650 = arith.select %lt3A_646, %add3A_649, %all_reduce_ffs3A_625 : vector<16xi1>, vector<16xi32>
      %broadcast_in_dim3A_651 = vector.shape_cast %select_n3A_650 : vector<16xi32> to vector<16x1xi32>
      %gather3A_652 = vector.shape_cast %broadcast_in_dim3A_651 : vector<16x1xi32> to vector<16xi32>
      %gather3A_653 = tpu.dynamic_gather %add3A_601[%gather3A_652] in [0] : vector<16xi32>, vector<16xi32> -> vector<16xi32>
      %reduce_max3A_654 = arith.constant true
      %reduce_max3A_655 = vector.broadcast %reduce_max3A_654 : i1 to vector<16xi1>
      %reduce_max3A_656 = arith.constant -2147483648 : i32
      %reduce_max3A_657 = vector.broadcast %reduce_max3A_656 : i32 to vector<16xi32>
      %reduce_max3A_658 = arith.xori %gather3A_653, %reduce_max3A_657 : vector<16xi32>
      %reduce_max3A_659 = tpu.scan <max>, %reduce_max3A_658 masked %reduce_max3A_655 : vector<16xi32>, vector<16xi1> -> vector<16xi32>
      %reduce_max3A_660 = arith.xori %reduce_max3A_659, %reduce_max3A_657 : vector<16xi32>
      %reduce_max3A_661 = vector.extract %reduce_max3A_660[15] : i32 from vector<16xi32>
      %add3A_662 = arith.constant 48 : i32
      %add3A_663 = vector.broadcast %add3A_662 : i32 to vector<16xi32>
      %add3A_664 = arith.addi %add3A_663, %all_reduce_ffs3A_625 : vector<16xi32>
      %select_n3A_665 = arith.select %and3A_621, %add3A_664, %select_n3A_514 : vector<16xi1>, vector<16xi32>
      %sub3A_666 = arith.subi %reduce_max3A_643, %reduce_max3A_661 : i32
      %broadcast_in_dim3A_667 = vector.broadcast %sub3A_666 : i32 to vector<16xi32>
      %select_n3A_668 = arith.select %and3A_621, %broadcast_in_dim3A_667, %select_n3A_517 : vector<16xi1>, vector<16xi32>
      %jit3A_669 = arith.constant 1 : i32
      %broadcast_in_dim3A_670 = vector.broadcast %jit3A_669 : i32 to vector<16xi32>
      %select_n3A_671 = arith.select %and3A_621, %broadcast_in_dim3A_670, %select_n3A_520 : vector<16xi1>, vector<16xi32>
      %add3A_672 = arith.constant 1024 : i32
      %add3A_673 = vector.broadcast %add3A_672 : i32 to vector<16xi32>
      %add3A_674 = arith.addi %mul3A_6, %add3A_673 : vector<16xi32>
      %gather3A_675 = tpu.vector_load_idx %arg6[%add3A_674] : memref<2048xi32, #tpu.memory_space<vmem>>[vector<16xi32>], vector<16xi32>,
      %add3A_676 = arith.addi %broadcast_in_dim3A_7, %gather3A_675 : vector<16xi32>
      %add3A_677 = arith.constant 1032 : i32
      %add3A_678 = vector.broadcast %add3A_677 : i32 to vector<16xi32>
      %add3A_679 = arith.addi %mul3A_6, %add3A_678 : vector<16xi32>
      %gather3A_680 = tpu.vector_load_idx %arg6[%add3A_679] : memref<2048xi32, #tpu.memory_space<vmem>>[vector<16xi32>], vector<16xi32>,
      %add3A_681 = arith.addi %broadcast_in_dim3A_7, %gather3A_680 : vector<16xi32>
      %add3A_682 = arith.constant 1025 : i32
      %add3A_683 = vector.broadcast %add3A_682 : i32 to vector<16xi32>
      %add3A_684 = arith.addi %mul3A_6, %add3A_683 : vector<16xi32>
      %gather3A_685 = tpu.vector_load_idx %arg6[%add3A_684] : memref<2048xi32, #tpu.memory_space<vmem>>[vector<16xi32>], vector<16xi32>,
      %add3A_686 = arith.addi %add3A_676, %gather3A_685 : vector<16xi32>
      %add3A_687 = arith.constant 1033 : i32
      %add3A_688 = vector.broadcast %add3A_687 : i32 to vector<16xi32>
      %add3A_689 = arith.addi %mul3A_6, %add3A_688 : vector<16xi32>
      %gather3A_690 = tpu.vector_load_idx %arg6[%add3A_689] : memref<2048xi32, #tpu.memory_space<vmem>>[vector<16xi32>], vector<16xi32>,
      %add3A_691 = arith.addi %add3A_681, %gather3A_690 : vector<16xi32>
      %add3A_692 = arith.constant 1026 : i32
      %add3A_693 = vector.broadcast %add3A_692 : i32 to vector<16xi32>
      %add3A_694 = arith.addi %mul3A_6, %add3A_693 : vector<16xi32>
      %gather3A_695 = tpu.vector_load_idx %arg6[%add3A_694] : memref<2048xi32, #tpu.memory_space<vmem>>[vector<16xi32>], vector<16xi32>,
      %add3A_696 = arith.addi %add3A_686, %gather3A_695 : vector<16xi32>
      %add3A_697 = arith.constant 1034 : i32
      %add3A_698 = vector.broadcast %add3A_697 : i32 to vector<16xi32>
      %add3A_699 = arith.addi %mul3A_6, %add3A_698 : vector<16xi32>
      %gather3A_700 = tpu.vector_load_idx %arg6[%add3A_699] : memref<2048xi32, #tpu.memory_space<vmem>>[vector<16xi32>], vector<16xi32>,
      %add3A_701 = arith.addi %add3A_691, %gather3A_700 : vector<16xi32>
      %add3A_702 = arith.constant 1027 : i32
      %add3A_703 = vector.broadcast %add3A_702 : i32 to vector<16xi32>
      %add3A_704 = arith.addi %mul3A_6, %add3A_703 : vector<16xi32>
      %gather3A_705 = tpu.vector_load_idx %arg6[%add3A_704] : memref<2048xi32, #tpu.memory_space<vmem>>[vector<16xi32>], vector<16xi32>,
      %add3A_706 = arith.addi %add3A_696, %gather3A_705 : vector<16xi32>
      %add3A_707 = arith.constant 1035 : i32
      %add3A_708 = vector.broadcast %add3A_707 : i32 to vector<16xi32>
      %add3A_709 = arith.addi %mul3A_6, %add3A_708 : vector<16xi32>
      %gather3A_710 = tpu.vector_load_idx %arg6[%add3A_709] : memref<2048xi32, #tpu.memory_space<vmem>>[vector<16xi32>], vector<16xi32>,
      %add3A_711 = arith.addi %add3A_701, %gather3A_710 : vector<16xi32>
      %add3A_712 = arith.constant 1028 : i32
      %add3A_713 = vector.broadcast %add3A_712 : i32 to vector<16xi32>
      %add3A_714 = arith.addi %mul3A_6, %add3A_713 : vector<16xi32>
      %gather3A_715 = tpu.vector_load_idx %arg6[%add3A_714] : memref<2048xi32, #tpu.memory_space<vmem>>[vector<16xi32>], vector<16xi32>,
      %add3A_716 = arith.addi %add3A_706, %gather3A_715 : vector<16xi32>
      %add3A_717 = arith.constant 1036 : i32
      %add3A_718 = vector.broadcast %add3A_717 : i32 to vector<16xi32>
      %add3A_719 = arith.addi %mul3A_6, %add3A_718 : vector<16xi32>
      %gather3A_720 = tpu.vector_load_idx %arg6[%add3A_719] : memref<2048xi32, #tpu.memory_space<vmem>>[vector<16xi32>], vector<16xi32>,
      %add3A_721 = arith.addi %add3A_711, %gather3A_720 : vector<16xi32>
      %add3A_722 = arith.constant 1029 : i32
      %add3A_723 = vector.broadcast %add3A_722 : i32 to vector<16xi32>
      %add3A_724 = arith.addi %mul3A_6, %add3A_723 : vector<16xi32>
      %gather3A_725 = tpu.vector_load_idx %arg6[%add3A_724] : memref<2048xi32, #tpu.memory_space<vmem>>[vector<16xi32>], vector<16xi32>,
      %add3A_726 = arith.addi %add3A_716, %gather3A_725 : vector<16xi32>
      %add3A_727 = arith.constant 1037 : i32
      %add3A_728 = vector.broadcast %add3A_727 : i32 to vector<16xi32>
      %add3A_729 = arith.addi %mul3A_6, %add3A_728 : vector<16xi32>
      %gather3A_730 = tpu.vector_load_idx %arg6[%add3A_729] : memref<2048xi32, #tpu.memory_space<vmem>>[vector<16xi32>], vector<16xi32>,
      %add3A_731 = arith.addi %add3A_721, %gather3A_730 : vector<16xi32>
      %add3A_732 = arith.constant 1030 : i32
      %add3A_733 = vector.broadcast %add3A_732 : i32 to vector<16xi32>
      %add3A_734 = arith.addi %mul3A_6, %add3A_733 : vector<16xi32>
      %gather3A_735 = tpu.vector_load_idx %arg6[%add3A_734] : memref<2048xi32, #tpu.memory_space<vmem>>[vector<16xi32>], vector<16xi32>,
      %add3A_736 = arith.addi %add3A_726, %gather3A_735 : vector<16xi32>
      %add3A_737 = arith.constant 1038 : i32
      %add3A_738 = vector.broadcast %add3A_737 : i32 to vector<16xi32>
      %add3A_739 = arith.addi %mul3A_6, %add3A_738 : vector<16xi32>
      %gather3A_740 = tpu.vector_load_idx %arg6[%add3A_739] : memref<2048xi32, #tpu.memory_space<vmem>>[vector<16xi32>], vector<16xi32>,
      %add3A_741 = arith.addi %add3A_731, %gather3A_740 : vector<16xi32>
      %add3A_742 = arith.constant 1031 : i32
      %add3A_743 = vector.broadcast %add3A_742 : i32 to vector<16xi32>
      %add3A_744 = arith.addi %mul3A_6, %add3A_743 : vector<16xi32>
      %gather3A_745 = tpu.vector_load_idx %arg6[%add3A_744] : memref<2048xi32, #tpu.memory_space<vmem>>[vector<16xi32>], vector<16xi32>,
      %add3A_746 = arith.addi %add3A_736, %gather3A_745 : vector<16xi32>
      %add3A_747 = arith.constant 1039 : i32
      %add3A_748 = vector.broadcast %add3A_747 : i32 to vector<16xi32>
      %add3A_749 = arith.addi %mul3A_6, %add3A_748 : vector<16xi32>
      %gather3A_750 = tpu.vector_load_idx %arg6[%add3A_749] : memref<2048xi32, #tpu.memory_space<vmem>>[vector<16xi32>], vector<16xi32>,
      %add3A_751 = arith.addi %add3A_741, %gather3A_750 : vector<16xi32>
      %add3A_752 = arith.addi %add3A_746, %add3A_751 : vector<16xi32>
      %broadcast_in_dim3A_753 = arith.constant true
      %broadcast_in_dim3A_754 = vector.broadcast %broadcast_in_dim3A_753 : i1 to vector<16xi1>
      %masked_cumsum3A_755 = tpu.scan <sum>, %add3A_752 masked %broadcast_in_dim3A_754 : vector<16xi32>, vector<16xi1> -> vector<16xi32>
      %add3A_756 = vector.broadcast %reduce_max3A_614 : i32 to vector<16xi32>
      %add3A_757 = arith.addi %masked_cumsum3A_755, %add3A_756 : vector<16xi32>
      %reduce_max3A_758 = arith.constant true
      %reduce_max3A_759 = vector.broadcast %reduce_max3A_758 : i1 to vector<16xi1>
      %reduce_max3A_760 = arith.constant -2147483648 : i32
      %reduce_max3A_761 = vector.broadcast %reduce_max3A_760 : i32 to vector<16xi32>
      %reduce_max3A_762 = arith.xori %add3A_757, %reduce_max3A_761 : vector<16xi32>
      %reduce_max3A_763 = tpu.scan <max>, %reduce_max3A_762 masked %reduce_max3A_759 : vector<16xi32>, vector<16xi1> -> vector<16xi32>
      %reduce_max3A_764 = arith.xori %reduce_max3A_763, %reduce_max3A_761 : vector<16xi32>
      %reduce_max3A_765 = vector.extract %reduce_max3A_764[15] : i32 from vector<16xi32>
      %eq3A_766 = arith.constant 0 : i32
      %eq3A_767 = vector.broadcast %eq3A_766 : i32 to vector<16xi32>
      %eq3A_768 = arith.cmpi eq, %select_n3A_671, %eq3A_767 : vector<16xi32>
      %ge3A_769 = arith.constant 256 : i32
      %ge3A_770 = arith.cmpi sge, %reduce_max3A_765, %ge3A_769 : i32
      %and3A_771 = vector.broadcast %ge3A_770 : i1 to vector<16xi1>
      %and3A_772 = arith.andi %eq3A_768, %and3A_771 : vector<16xi1>
      %ge3A_773 = arith.constant 256 : i32
      %ge3A_774 = vector.broadcast %ge3A_773 : i32 to vector<16xi32>
      %ge3A_775 = arith.cmpi sge, %add3A_757, %ge3A_774 : vector<16xi32>
      %all_reduce_ffs3A_776 = tpu.all_reduce %ge3A_775 {dim = 0 : i64, kind = #tpu.reduction_kind<find_first_set>} : vector<16xi1> -> vector<16xi32>
      %lt3A_777 = arith.constant 0 : i32
      %lt3A_778 = vector.broadcast %lt3A_777 : i32 to vector<16xi32>
      %lt3A_779 = arith.cmpi slt, %all_reduce_ffs3A_776, %lt3A_778 : vector<16xi32>
      %add3A_780 = arith.constant 16 : i32
      %add3A_781 = vector.broadcast %add3A_780 : i32 to vector<16xi32>
      %add3A_782 = arith.addi %all_reduce_ffs3A_776, %add3A_781 : vector<16xi32>
      %select_n3A_783 = arith.select %lt3A_779, %add3A_782, %all_reduce_ffs3A_776 : vector<16xi1>, vector<16xi32>
      %broadcast_in_dim3A_784 = vector.shape_cast %select_n3A_783 : vector<16xi32> to vector<16x1xi32>
      %gather3A_785 = vector.shape_cast %broadcast_in_dim3A_784 : vector<16x1xi32> to vector<16xi32>
      %gather3A_786 = tpu.dynamic_gather %add3A_757[%gather3A_785] in [0] : vector<16xi32>, vector<16xi32> -> vector<16xi32>
      %reduce_max3A_787 = arith.constant true
      %reduce_max3A_788 = vector.broadcast %reduce_max3A_787 : i1 to vector<16xi1>
      %reduce_max3A_789 = arith.constant -2147483648 : i32
      %reduce_max3A_790 = vector.broadcast %reduce_max3A_789 : i32 to vector<16xi32>
      %reduce_max3A_791 = arith.xori %gather3A_786, %reduce_max3A_790 : vector<16xi32>
      %reduce_max3A_792 = tpu.scan <max>, %reduce_max3A_791 masked %reduce_max3A_788 : vector<16xi32>, vector<16xi1> -> vector<16xi32>
      %reduce_max3A_793 = arith.xori %reduce_max3A_792, %reduce_max3A_790 : vector<16xi32>
      %reduce_max3A_794 = vector.extract %reduce_max3A_793[15] : i32 from vector<16xi32>
      %lt3A_795 = arith.constant 0 : i32
      %lt3A_796 = vector.broadcast %lt3A_795 : i32 to vector<16xi32>
      %lt3A_797 = arith.cmpi slt, %all_reduce_ffs3A_776, %lt3A_796 : vector<16xi32>
      %add3A_798 = arith.constant 16 : i32
      %add3A_799 = vector.broadcast %add3A_798 : i32 to vector<16xi32>
      %add3A_800 = arith.addi %all_reduce_ffs3A_776, %add3A_799 : vector<16xi32>
      %select_n3A_801 = arith.select %lt3A_797, %add3A_800, %all_reduce_ffs3A_776 : vector<16xi1>, vector<16xi32>
      %broadcast_in_dim3A_802 = vector.shape_cast %select_n3A_801 : vector<16xi32> to vector<16x1xi32>
      %gather3A_803 = vector.shape_cast %broadcast_in_dim3A_802 : vector<16x1xi32> to vector<16xi32>
      %gather3A_804 = tpu.dynamic_gather %add3A_752[%gather3A_803] in [0] : vector<16xi32>, vector<16xi32> -> vector<16xi32>
      %reduce_max3A_805 = arith.constant true
      %reduce_max3A_806 = vector.broadcast %reduce_max3A_805 : i1 to vector<16xi1>
      %reduce_max3A_807 = arith.constant -2147483648 : i32
      %reduce_max3A_808 = vector.broadcast %reduce_max3A_807 : i32 to vector<16xi32>
      %reduce_max3A_809 = arith.xori %gather3A_804, %reduce_max3A_808 : vector<16xi32>
      %reduce_max3A_810 = tpu.scan <max>, %reduce_max3A_809 masked %reduce_max3A_806 : vector<16xi32>, vector<16xi1> -> vector<16xi32>
      %reduce_max3A_811 = arith.xori %reduce_max3A_810, %reduce_max3A_808 : vector<16xi32>
      %reduce_max3A_812 = vector.extract %reduce_max3A_811[15] : i32 from vector<16xi32>
      %add3A_813 = arith.constant 64 : i32
      %add3A_814 = vector.broadcast %add3A_813 : i32 to vector<16xi32>
      %add3A_815 = arith.addi %add3A_814, %all_reduce_ffs3A_776 : vector<16xi32>
      %select_n3A_816 = arith.select %and3A_772, %add3A_815, %select_n3A_665 : vector<16xi1>, vector<16xi32>
      %sub3A_817 = arith.subi %reduce_max3A_794, %reduce_max3A_812 : i32
      %broadcast_in_dim3A_818 = vector.broadcast %sub3A_817 : i32 to vector<16xi32>
      %select_n3A_819 = arith.select %and3A_772, %broadcast_in_dim3A_818, %select_n3A_668 : vector<16xi1>, vector<16xi32>
      %jit3A_820 = arith.constant 1 : i32
      %broadcast_in_dim3A_821 = vector.broadcast %jit3A_820 : i32 to vector<16xi32>
      %select_n3A_822 = arith.select %and3A_772, %broadcast_in_dim3A_821, %select_n3A_671 : vector<16xi1>, vector<16xi32>
      %add3A_823 = arith.constant 1280 : i32
      %add3A_824 = vector.broadcast %add3A_823 : i32 to vector<16xi32>
      %add3A_825 = arith.addi %mul3A_6, %add3A_824 : vector<16xi32>
      %gather3A_826 = tpu.vector_load_idx %arg6[%add3A_825] : memref<2048xi32, #tpu.memory_space<vmem>>[vector<16xi32>], vector<16xi32>,
      %add3A_827 = arith.addi %broadcast_in_dim3A_7, %gather3A_826 : vector<16xi32>
      %add3A_828 = arith.constant 1288 : i32
      %add3A_829 = vector.broadcast %add3A_828 : i32 to vector<16xi32>
      %add3A_830 = arith.addi %mul3A_6, %add3A_829 : vector<16xi32>
      %gather3A_831 = tpu.vector_load_idx %arg6[%add3A_830] : memref<2048xi32, #tpu.memory_space<vmem>>[vector<16xi32>], vector<16xi32>,
      %add3A_832 = arith.addi %broadcast_in_dim3A_7, %gather3A_831 : vector<16xi32>
      %add3A_833 = arith.constant 1281 : i32
      %add3A_834 = vector.broadcast %add3A_833 : i32 to vector<16xi32>
      %add3A_835 = arith.addi %mul3A_6, %add3A_834 : vector<16xi32>
      %gather3A_836 = tpu.vector_load_idx %arg6[%add3A_835] : memref<2048xi32, #tpu.memory_space<vmem>>[vector<16xi32>], vector<16xi32>,
      %add3A_837 = arith.addi %add3A_827, %gather3A_836 : vector<16xi32>
      %add3A_838 = arith.constant 1289 : i32
      %add3A_839 = vector.broadcast %add3A_838 : i32 to vector<16xi32>
      %add3A_840 = arith.addi %mul3A_6, %add3A_839 : vector<16xi32>
      %gather3A_841 = tpu.vector_load_idx %arg6[%add3A_840] : memref<2048xi32, #tpu.memory_space<vmem>>[vector<16xi32>], vector<16xi32>,
      %add3A_842 = arith.addi %add3A_832, %gather3A_841 : vector<16xi32>
      %add3A_843 = arith.constant 1282 : i32
      %add3A_844 = vector.broadcast %add3A_843 : i32 to vector<16xi32>
      %add3A_845 = arith.addi %mul3A_6, %add3A_844 : vector<16xi32>
      %gather3A_846 = tpu.vector_load_idx %arg6[%add3A_845] : memref<2048xi32, #tpu.memory_space<vmem>>[vector<16xi32>], vector<16xi32>,
      %add3A_847 = arith.addi %add3A_837, %gather3A_846 : vector<16xi32>
      %add3A_848 = arith.constant 1290 : i32
      %add3A_849 = vector.broadcast %add3A_848 : i32 to vector<16xi32>
      %add3A_850 = arith.addi %mul3A_6, %add3A_849 : vector<16xi32>
      %gather3A_851 = tpu.vector_load_idx %arg6[%add3A_850] : memref<2048xi32, #tpu.memory_space<vmem>>[vector<16xi32>], vector<16xi32>,
      %add3A_852 = arith.addi %add3A_842, %gather3A_851 : vector<16xi32>
      %add3A_853 = arith.constant 1283 : i32
      %add3A_854 = vector.broadcast %add3A_853 : i32 to vector<16xi32>
      %add3A_855 = arith.addi %mul3A_6, %add3A_854 : vector<16xi32>
      %gather3A_856 = tpu.vector_load_idx %arg6[%add3A_855] : memref<2048xi32, #tpu.memory_space<vmem>>[vector<16xi32>], vector<16xi32>,
      %add3A_857 = arith.addi %add3A_847, %gather3A_856 : vector<16xi32>
      %add3A_858 = arith.constant 1291 : i32
      %add3A_859 = vector.broadcast %add3A_858 : i32 to vector<16xi32>
      %add3A_860 = arith.addi %mul3A_6, %add3A_859 : vector<16xi32>
      %gather3A_861 = tpu.vector_load_idx %arg6[%add3A_860] : memref<2048xi32, #tpu.memory_space<vmem>>[vector<16xi32>], vector<16xi32>,
      %add3A_862 = arith.addi %add3A_852, %gather3A_861 : vector<16xi32>
      %add3A_863 = arith.constant 1284 : i32
      %add3A_864 = vector.broadcast %add3A_863 : i32 to vector<16xi32>
      %add3A_865 = arith.addi %mul3A_6, %add3A_864 : vector<16xi32>
      %gather3A_866 = tpu.vector_load_idx %arg6[%add3A_865] : memref<2048xi32, #tpu.memory_space<vmem>>[vector<16xi32>], vector<16xi32>,
      %add3A_867 = arith.addi %add3A_857, %gather3A_866 : vector<16xi32>
      %add3A_868 = arith.constant 1292 : i32
      %add3A_869 = vector.broadcast %add3A_868 : i32 to vector<16xi32>
      %add3A_870 = arith.addi %mul3A_6, %add3A_869 : vector<16xi32>
      %gather3A_871 = tpu.vector_load_idx %arg6[%add3A_870] : memref<2048xi32, #tpu.memory_space<vmem>>[vector<16xi32>], vector<16xi32>,
      %add3A_872 = arith.addi %add3A_862, %gather3A_871 : vector<16xi32>
      %add3A_873 = arith.constant 1285 : i32
      %add3A_874 = vector.broadcast %add3A_873 : i32 to vector<16xi32>
      %add3A_875 = arith.addi %mul3A_6, %add3A_874 : vector<16xi32>
      %gather3A_876 = tpu.vector_load_idx %arg6[%add3A_875] : memref<2048xi32, #tpu.memory_space<vmem>>[vector<16xi32>], vector<16xi32>,
      %add3A_877 = arith.addi %add3A_867, %gather3A_876 : vector<16xi32>
      %add3A_878 = arith.constant 1293 : i32
      %add3A_879 = vector.broadcast %add3A_878 : i32 to vector<16xi32>
      %add3A_880 = arith.addi %mul3A_6, %add3A_879 : vector<16xi32>
      %gather3A_881 = tpu.vector_load_idx %arg6[%add3A_880] : memref<2048xi32, #tpu.memory_space<vmem>>[vector<16xi32>], vector<16xi32>,
      %add3A_882 = arith.addi %add3A_872, %gather3A_881 : vector<16xi32>
      %add3A_883 = arith.constant 1286 : i32
      %add3A_884 = vector.broadcast %add3A_883 : i32 to vector<16xi32>
      %add3A_885 = arith.addi %mul3A_6, %add3A_884 : vector<16xi32>
      %gather3A_886 = tpu.vector_load_idx %arg6[%add3A_885] : memref<2048xi32, #tpu.memory_space<vmem>>[vector<16xi32>], vector<16xi32>,
      %add3A_887 = arith.addi %add3A_877, %gather3A_886 : vector<16xi32>
      %add3A_888 = arith.constant 1294 : i32
      %add3A_889 = vector.broadcast %add3A_888 : i32 to vector<16xi32>
      %add3A_890 = arith.addi %mul3A_6, %add3A_889 : vector<16xi32>
      %gather3A_891 = tpu.vector_load_idx %arg6[%add3A_890] : memref<2048xi32, #tpu.memory_space<vmem>>[vector<16xi32>], vector<16xi32>,
      %add3A_892 = arith.addi %add3A_882, %gather3A_891 : vector<16xi32>
      %add3A_893 = arith.constant 1287 : i32
      %add3A_894 = vector.broadcast %add3A_893 : i32 to vector<16xi32>
      %add3A_895 = arith.addi %mul3A_6, %add3A_894 : vector<16xi32>
      %gather3A_896 = tpu.vector_load_idx %arg6[%add3A_895] : memref<2048xi32, #tpu.memory_space<vmem>>[vector<16xi32>], vector<16xi32>,
      %add3A_897 = arith.addi %add3A_887, %gather3A_896 : vector<16xi32>
      %add3A_898 = arith.constant 1295 : i32
      %add3A_899 = vector.broadcast %add3A_898 : i32 to vector<16xi32>
      %add3A_900 = arith.addi %mul3A_6, %add3A_899 : vector<16xi32>
      %gather3A_901 = tpu.vector_load_idx %arg6[%add3A_900] : memref<2048xi32, #tpu.memory_space<vmem>>[vector<16xi32>], vector<16xi32>,
      %add3A_902 = arith.addi %add3A_892, %gather3A_901 : vector<16xi32>
      %add3A_903 = arith.addi %add3A_897, %add3A_902 : vector<16xi32>
      %broadcast_in_dim3A_904 = arith.constant true
      %broadcast_in_dim3A_905 = vector.broadcast %broadcast_in_dim3A_904 : i1 to vector<16xi1>
      %masked_cumsum3A_906 = tpu.scan <sum>, %add3A_903 masked %broadcast_in_dim3A_905 : vector<16xi32>, vector<16xi1> -> vector<16xi32>
      %add3A_907 = vector.broadcast %reduce_max3A_765 : i32 to vector<16xi32>
      %add3A_908 = arith.addi %masked_cumsum3A_906, %add3A_907 : vector<16xi32>
      %reduce_max3A_909 = arith.constant true
      %reduce_max3A_910 = vector.broadcast %reduce_max3A_909 : i1 to vector<16xi1>
      %reduce_max3A_911 = arith.constant -2147483648 : i32
      %reduce_max3A_912 = vector.broadcast %reduce_max3A_911 : i32 to vector<16xi32>
      %reduce_max3A_913 = arith.xori %add3A_908, %reduce_max3A_912 : vector<16xi32>
      %reduce_max3A_914 = tpu.scan <max>, %reduce_max3A_913 masked %reduce_max3A_910 : vector<16xi32>, vector<16xi1> -> vector<16xi32>
      %reduce_max3A_915 = arith.xori %reduce_max3A_914, %reduce_max3A_912 : vector<16xi32>
      %reduce_max3A_916 = vector.extract %reduce_max3A_915[15] : i32 from vector<16xi32>
      %eq3A_917 = arith.constant 0 : i32
      %eq3A_918 = vector.broadcast %eq3A_917 : i32 to vector<16xi32>
      %eq3A_919 = arith.cmpi eq, %select_n3A_822, %eq3A_918 : vector<16xi32>
      %ge3A_920 = arith.constant 256 : i32
      %ge3A_921 = arith.cmpi sge, %reduce_max3A_916, %ge3A_920 : i32
      %and3A_922 = vector.broadcast %ge3A_921 : i1 to vector<16xi1>
      %and3A_923 = arith.andi %eq3A_919, %and3A_922 : vector<16xi1>
      %ge3A_924 = arith.constant 256 : i32
      %ge3A_925 = vector.broadcast %ge3A_924 : i32 to vector<16xi32>
      %ge3A_926 = arith.cmpi sge, %add3A_908, %ge3A_925 : vector<16xi32>
      %all_reduce_ffs3A_927 = tpu.all_reduce %ge3A_926 {dim = 0 : i64, kind = #tpu.reduction_kind<find_first_set>} : vector<16xi1> -> vector<16xi32>
      %lt3A_928 = arith.constant 0 : i32
      %lt3A_929 = vector.broadcast %lt3A_928 : i32 to vector<16xi32>
      %lt3A_930 = arith.cmpi slt, %all_reduce_ffs3A_927, %lt3A_929 : vector<16xi32>
      %add3A_931 = arith.constant 16 : i32
      %add3A_932 = vector.broadcast %add3A_931 : i32 to vector<16xi32>
      %add3A_933 = arith.addi %all_reduce_ffs3A_927, %add3A_932 : vector<16xi32>
      %select_n3A_934 = arith.select %lt3A_930, %add3A_933, %all_reduce_ffs3A_927 : vector<16xi1>, vector<16xi32>
      %broadcast_in_dim3A_935 = vector.shape_cast %select_n3A_934 : vector<16xi32> to vector<16x1xi32>
      %gather3A_936 = vector.shape_cast %broadcast_in_dim3A_935 : vector<16x1xi32> to vector<16xi32>
      %gather3A_937 = tpu.dynamic_gather %add3A_908[%gather3A_936] in [0] : vector<16xi32>, vector<16xi32> -> vector<16xi32>
      %reduce_max3A_938 = arith.constant true
      %reduce_max3A_939 = vector.broadcast %reduce_max3A_938 : i1 to vector<16xi1>
      %reduce_max3A_940 = arith.constant -2147483648 : i32
      %reduce_max3A_941 = vector.broadcast %reduce_max3A_940 : i32 to vector<16xi32>
      %reduce_max3A_942 = arith.xori %gather3A_937, %reduce_max3A_941 : vector<16xi32>
      %reduce_max3A_943 = tpu.scan <max>, %reduce_max3A_942 masked %reduce_max3A_939 : vector<16xi32>, vector<16xi1> -> vector<16xi32>
      %reduce_max3A_944 = arith.xori %reduce_max3A_943, %reduce_max3A_941 : vector<16xi32>
      %reduce_max3A_945 = vector.extract %reduce_max3A_944[15] : i32 from vector<16xi32>
      %lt3A_946 = arith.constant 0 : i32
      %lt3A_947 = vector.broadcast %lt3A_946 : i32 to vector<16xi32>
      %lt3A_948 = arith.cmpi slt, %all_reduce_ffs3A_927, %lt3A_947 : vector<16xi32>
      %add3A_949 = arith.constant 16 : i32
      %add3A_950 = vector.broadcast %add3A_949 : i32 to vector<16xi32>
      %add3A_951 = arith.addi %all_reduce_ffs3A_927, %add3A_950 : vector<16xi32>
      %select_n3A_952 = arith.select %lt3A_948, %add3A_951, %all_reduce_ffs3A_927 : vector<16xi1>, vector<16xi32>
      %broadcast_in_dim3A_953 = vector.shape_cast %select_n3A_952 : vector<16xi32> to vector<16x1xi32>
      %gather3A_954 = vector.shape_cast %broadcast_in_dim3A_953 : vector<16x1xi32> to vector<16xi32>
      %gather3A_955 = tpu.dynamic_gather %add3A_903[%gather3A_954] in [0] : vector<16xi32>, vector<16xi32> -> vector<16xi32>
      %reduce_max3A_956 = arith.constant true
      %reduce_max3A_957 = vector.broadcast %reduce_max3A_956 : i1 to vector<16xi1>
      %reduce_max3A_958 = arith.constant -2147483648 : i32
      %reduce_max3A_959 = vector.broadcast %reduce_max3A_958 : i32 to vector<16xi32>
      %reduce_max3A_960 = arith.xori %gather3A_955, %reduce_max3A_959 : vector<16xi32>
      %reduce_max3A_961 = tpu.scan <max>, %reduce_max3A_960 masked %reduce_max3A_957 : vector<16xi32>, vector<16xi1> -> vector<16xi32>
      %reduce_max3A_962 = arith.xori %reduce_max3A_961, %reduce_max3A_959 : vector<16xi32>
      %reduce_max3A_963 = vector.extract %reduce_max3A_962[15] : i32 from vector<16xi32>
      %add3A_964 = arith.constant 80 : i32
      %add3A_965 = vector.broadcast %add3A_964 : i32 to vector<16xi32>
      %add3A_966 = arith.addi %add3A_965, %all_reduce_ffs3A_927 : vector<16xi32>
      %select_n3A_967 = arith.select %and3A_923, %add3A_966, %select_n3A_816 : vector<16xi1>, vector<16xi32>
      %sub3A_968 = arith.subi %reduce_max3A_945, %reduce_max3A_963 : i32
      %broadcast_in_dim3A_969 = vector.broadcast %sub3A_968 : i32 to vector<16xi32>
      %select_n3A_970 = arith.select %and3A_923, %broadcast_in_dim3A_969, %select_n3A_819 : vector<16xi1>, vector<16xi32>
      %jit3A_971 = arith.constant 1 : i32
      %broadcast_in_dim3A_972 = vector.broadcast %jit3A_971 : i32 to vector<16xi32>
      %select_n3A_973 = arith.select %and3A_923, %broadcast_in_dim3A_972, %select_n3A_822 : vector<16xi1>, vector<16xi32>
      %add3A_974 = arith.constant 1536 : i32
      %add3A_975 = vector.broadcast %add3A_974 : i32 to vector<16xi32>
      %add3A_976 = arith.addi %mul3A_6, %add3A_975 : vector<16xi32>
      %gather3A_977 = tpu.vector_load_idx %arg6[%add3A_976] : memref<2048xi32, #tpu.memory_space<vmem>>[vector<16xi32>], vector<16xi32>,
      %add3A_978 = arith.addi %broadcast_in_dim3A_7, %gather3A_977 : vector<16xi32>
      %add3A_979 = arith.constant 1544 : i32
      %add3A_980 = vector.broadcast %add3A_979 : i32 to vector<16xi32>
      %add3A_981 = arith.addi %mul3A_6, %add3A_980 : vector<16xi32>
      %gather3A_982 = tpu.vector_load_idx %arg6[%add3A_981] : memref<2048xi32, #tpu.memory_space<vmem>>[vector<16xi32>], vector<16xi32>,
      %add3A_983 = arith.addi %broadcast_in_dim3A_7, %gather3A_982 : vector<16xi32>
      %add3A_984 = arith.constant 1537 : i32
      %add3A_985 = vector.broadcast %add3A_984 : i32 to vector<16xi32>
      %add3A_986 = arith.addi %mul3A_6, %add3A_985 : vector<16xi32>
      %gather3A_987 = tpu.vector_load_idx %arg6[%add3A_986] : memref<2048xi32, #tpu.memory_space<vmem>>[vector<16xi32>], vector<16xi32>,
      %add3A_988 = arith.addi %add3A_978, %gather3A_987 : vector<16xi32>
      %add3A_989 = arith.constant 1545 : i32
      %add3A_990 = vector.broadcast %add3A_989 : i32 to vector<16xi32>
      %add3A_991 = arith.addi %mul3A_6, %add3A_990 : vector<16xi32>
      %gather3A_992 = tpu.vector_load_idx %arg6[%add3A_991] : memref<2048xi32, #tpu.memory_space<vmem>>[vector<16xi32>], vector<16xi32>,
      %add3A_993 = arith.addi %add3A_983, %gather3A_992 : vector<16xi32>
      %add3A_994 = arith.constant 1538 : i32
      %add3A_995 = vector.broadcast %add3A_994 : i32 to vector<16xi32>
      %add3A_996 = arith.addi %mul3A_6, %add3A_995 : vector<16xi32>
      %gather3A_997 = tpu.vector_load_idx %arg6[%add3A_996] : memref<2048xi32, #tpu.memory_space<vmem>>[vector<16xi32>], vector<16xi32>,
      %add3A_998 = arith.addi %add3A_988, %gather3A_997 : vector<16xi32>
      %add3A_999 = arith.constant 1546 : i32
      %add3A_1000 = vector.broadcast %add3A_999 : i32 to vector<16xi32>
      %add3A_1001 = arith.addi %mul3A_6, %add3A_1000 : vector<16xi32>
      %gather3A_1002 = tpu.vector_load_idx %arg6[%add3A_1001] : memref<2048xi32, #tpu.memory_space<vmem>>[vector<16xi32>], vector<16xi32>,
      %add3A_1003 = arith.addi %add3A_993, %gather3A_1002 : vector<16xi32>
      %add3A_1004 = arith.constant 1539 : i32
      %add3A_1005 = vector.broadcast %add3A_1004 : i32 to vector<16xi32>
      %add3A_1006 = arith.addi %mul3A_6, %add3A_1005 : vector<16xi32>
      %gather3A_1007 = tpu.vector_load_idx %arg6[%add3A_1006] : memref<2048xi32, #tpu.memory_space<vmem>>[vector<16xi32>], vector<16xi32>,
      %add3A_1008 = arith.addi %add3A_998, %gather3A_1007 : vector<16xi32>
      %add3A_1009 = arith.constant 1547 : i32
      %add3A_1010 = vector.broadcast %add3A_1009 : i32 to vector<16xi32>
      %add3A_1011 = arith.addi %mul3A_6, %add3A_1010 : vector<16xi32>
      %gather3A_1012 = tpu.vector_load_idx %arg6[%add3A_1011] : memref<2048xi32, #tpu.memory_space<vmem>>[vector<16xi32>], vector<16xi32>,
      %add3A_1013 = arith.addi %add3A_1003, %gather3A_1012 : vector<16xi32>
      %add3A_1014 = arith.constant 1540 : i32
      %add3A_1015 = vector.broadcast %add3A_1014 : i32 to vector<16xi32>
      %add3A_1016 = arith.addi %mul3A_6, %add3A_1015 : vector<16xi32>
      %gather3A_1017 = tpu.vector_load_idx %arg6[%add3A_1016] : memref<2048xi32, #tpu.memory_space<vmem>>[vector<16xi32>], vector<16xi32>,
      %add3A_1018 = arith.addi %add3A_1008, %gather3A_1017 : vector<16xi32>
      %add3A_1019 = arith.constant 1548 : i32
      %add3A_1020 = vector.broadcast %add3A_1019 : i32 to vector<16xi32>
      %add3A_1021 = arith.addi %mul3A_6, %add3A_1020 : vector<16xi32>
      %gather3A_1022 = tpu.vector_load_idx %arg6[%add3A_1021] : memref<2048xi32, #tpu.memory_space<vmem>>[vector<16xi32>], vector<16xi32>,
      %add3A_1023 = arith.addi %add3A_1013, %gather3A_1022 : vector<16xi32>
      %add3A_1024 = arith.constant 1541 : i32
      %add3A_1025 = vector.broadcast %add3A_1024 : i32 to vector<16xi32>
      %add3A_1026 = arith.addi %mul3A_6, %add3A_1025 : vector<16xi32>
      %gather3A_1027 = tpu.vector_load_idx %arg6[%add3A_1026] : memref<2048xi32, #tpu.memory_space<vmem>>[vector<16xi32>], vector<16xi32>,
      %add3A_1028 = arith.addi %add3A_1018, %gather3A_1027 : vector<16xi32>
      %add3A_1029 = arith.constant 1549 : i32
      %add3A_1030 = vector.broadcast %add3A_1029 : i32 to vector<16xi32>
      %add3A_1031 = arith.addi %mul3A_6, %add3A_1030 : vector<16xi32>
      %gather3A_1032 = tpu.vector_load_idx %arg6[%add3A_1031] : memref<2048xi32, #tpu.memory_space<vmem>>[vector<16xi32>], vector<16xi32>,
      %add3A_1033 = arith.addi %add3A_1023, %gather3A_1032 : vector<16xi32>
      %add3A_1034 = arith.constant 1542 : i32
      %add3A_1035 = vector.broadcast %add3A_1034 : i32 to vector<16xi32>
      %add3A_1036 = arith.addi %mul3A_6, %add3A_1035 : vector<16xi32>
      %gather3A_1037 = tpu.vector_load_idx %arg6[%add3A_1036] : memref<2048xi32, #tpu.memory_space<vmem>>[vector<16xi32>], vector<16xi32>,
      %add3A_1038 = arith.addi %add3A_1028, %gather3A_1037 : vector<16xi32>
      %add3A_1039 = arith.constant 1550 : i32
      %add3A_1040 = vector.broadcast %add3A_1039 : i32 to vector<16xi32>
      %add3A_1041 = arith.addi %mul3A_6, %add3A_1040 : vector<16xi32>
      %gather3A_1042 = tpu.vector_load_idx %arg6[%add3A_1041] : memref<2048xi32, #tpu.memory_space<vmem>>[vector<16xi32>], vector<16xi32>,
      %add3A_1043 = arith.addi %add3A_1033, %gather3A_1042 : vector<16xi32>
      %add3A_1044 = arith.constant 1543 : i32
      %add3A_1045 = vector.broadcast %add3A_1044 : i32 to vector<16xi32>
      %add3A_1046 = arith.addi %mul3A_6, %add3A_1045 : vector<16xi32>
      %gather3A_1047 = tpu.vector_load_idx %arg6[%add3A_1046] : memref<2048xi32, #tpu.memory_space<vmem>>[vector<16xi32>], vector<16xi32>,
      %add3A_1048 = arith.addi %add3A_1038, %gather3A_1047 : vector<16xi32>
      %add3A_1049 = arith.constant 1551 : i32
      %add3A_1050 = vector.broadcast %add3A_1049 : i32 to vector<16xi32>
      %add3A_1051 = arith.addi %mul3A_6, %add3A_1050 : vector<16xi32>
      %gather3A_1052 = tpu.vector_load_idx %arg6[%add3A_1051] : memref<2048xi32, #tpu.memory_space<vmem>>[vector<16xi32>], vector<16xi32>,
      %add3A_1053 = arith.addi %add3A_1043, %gather3A_1052 : vector<16xi32>
      %add3A_1054 = arith.addi %add3A_1048, %add3A_1053 : vector<16xi32>
      %broadcast_in_dim3A_1055 = arith.constant true
      %broadcast_in_dim3A_1056 = vector.broadcast %broadcast_in_dim3A_1055 : i1 to vector<16xi1>
      %masked_cumsum3A_1057 = tpu.scan <sum>, %add3A_1054 masked %broadcast_in_dim3A_1056 : vector<16xi32>, vector<16xi1> -> vector<16xi32>
      %add3A_1058 = vector.broadcast %reduce_max3A_916 : i32 to vector<16xi32>
      %add3A_1059 = arith.addi %masked_cumsum3A_1057, %add3A_1058 : vector<16xi32>
      %reduce_max3A_1060 = arith.constant true
      %reduce_max3A_1061 = vector.broadcast %reduce_max3A_1060 : i1 to vector<16xi1>
      %reduce_max3A_1062 = arith.constant -2147483648 : i32
      %reduce_max3A_1063 = vector.broadcast %reduce_max3A_1062 : i32 to vector<16xi32>
      %reduce_max3A_1064 = arith.xori %add3A_1059, %reduce_max3A_1063 : vector<16xi32>
      %reduce_max3A_1065 = tpu.scan <max>, %reduce_max3A_1064 masked %reduce_max3A_1061 : vector<16xi32>, vector<16xi1> -> vector<16xi32>
      %reduce_max3A_1066 = arith.xori %reduce_max3A_1065, %reduce_max3A_1063 : vector<16xi32>
      %reduce_max3A_1067 = vector.extract %reduce_max3A_1066[15] : i32 from vector<16xi32>
      %eq3A_1068 = arith.constant 0 : i32
      %eq3A_1069 = vector.broadcast %eq3A_1068 : i32 to vector<16xi32>
      %eq3A_1070 = arith.cmpi eq, %select_n3A_973, %eq3A_1069 : vector<16xi32>
      %ge3A_1071 = arith.constant 256 : i32
      %ge3A_1072 = arith.cmpi sge, %reduce_max3A_1067, %ge3A_1071 : i32
      %and3A_1073 = vector.broadcast %ge3A_1072 : i1 to vector<16xi1>
      %and3A_1074 = arith.andi %eq3A_1070, %and3A_1073 : vector<16xi1>
      %ge3A_1075 = arith.constant 256 : i32
      %ge3A_1076 = vector.broadcast %ge3A_1075 : i32 to vector<16xi32>
      %ge3A_1077 = arith.cmpi sge, %add3A_1059, %ge3A_1076 : vector<16xi32>
      %all_reduce_ffs3A_1078 = tpu.all_reduce %ge3A_1077 {dim = 0 : i64, kind = #tpu.reduction_kind<find_first_set>} : vector<16xi1> -> vector<16xi32>
      %lt3A_1079 = arith.constant 0 : i32
      %lt3A_1080 = vector.broadcast %lt3A_1079 : i32 to vector<16xi32>
      %lt3A_1081 = arith.cmpi slt, %all_reduce_ffs3A_1078, %lt3A_1080 : vector<16xi32>
      %add3A_1082 = arith.constant 16 : i32
      %add3A_1083 = vector.broadcast %add3A_1082 : i32 to vector<16xi32>
      %add3A_1084 = arith.addi %all_reduce_ffs3A_1078, %add3A_1083 : vector<16xi32>
      %select_n3A_1085 = arith.select %lt3A_1081, %add3A_1084, %all_reduce_ffs3A_1078 : vector<16xi1>, vector<16xi32>
      %broadcast_in_dim3A_1086 = vector.shape_cast %select_n3A_1085 : vector<16xi32> to vector<16x1xi32>
      %gather3A_1087 = vector.shape_cast %broadcast_in_dim3A_1086 : vector<16x1xi32> to vector<16xi32>
      %gather3A_1088 = tpu.dynamic_gather %add3A_1059[%gather3A_1087] in [0] : vector<16xi32>, vector<16xi32> -> vector<16xi32>
      %reduce_max3A_1089 = arith.constant true
      %reduce_max3A_1090 = vector.broadcast %reduce_max3A_1089 : i1 to vector<16xi1>
      %reduce_max3A_1091 = arith.constant -2147483648 : i32
      %reduce_max3A_1092 = vector.broadcast %reduce_max3A_1091 : i32 to vector<16xi32>
      %reduce_max3A_1093 = arith.xori %gather3A_1088, %reduce_max3A_1092 : vector<16xi32>
      %reduce_max3A_1094 = tpu.scan <max>, %reduce_max3A_1093 masked %reduce_max3A_1090 : vector<16xi32>, vector<16xi1> -> vector<16xi32>
      %reduce_max3A_1095 = arith.xori %reduce_max3A_1094, %reduce_max3A_1092 : vector<16xi32>
      %reduce_max3A_1096 = vector.extract %reduce_max3A_1095[15] : i32 from vector<16xi32>
      %lt3A_1097 = arith.constant 0 : i32
      %lt3A_1098 = vector.broadcast %lt3A_1097 : i32 to vector<16xi32>
      %lt3A_1099 = arith.cmpi slt, %all_reduce_ffs3A_1078, %lt3A_1098 : vector<16xi32>
      %add3A_1100 = arith.constant 16 : i32
      %add3A_1101 = vector.broadcast %add3A_1100 : i32 to vector<16xi32>
      %add3A_1102 = arith.addi %all_reduce_ffs3A_1078, %add3A_1101 : vector<16xi32>
      %select_n3A_1103 = arith.select %lt3A_1099, %add3A_1102, %all_reduce_ffs3A_1078 : vector<16xi1>, vector<16xi32>
      %broadcast_in_dim3A_1104 = vector.shape_cast %select_n3A_1103 : vector<16xi32> to vector<16x1xi32>
      %gather3A_1105 = vector.shape_cast %broadcast_in_dim3A_1104 : vector<16x1xi32> to vector<16xi32>
      %gather3A_1106 = tpu.dynamic_gather %add3A_1054[%gather3A_1105] in [0] : vector<16xi32>, vector<16xi32> -> vector<16xi32>
      %reduce_max3A_1107 = arith.constant true
      %reduce_max3A_1108 = vector.broadcast %reduce_max3A_1107 : i1 to vector<16xi1>
      %reduce_max3A_1109 = arith.constant -2147483648 : i32
      %reduce_max3A_1110 = vector.broadcast %reduce_max3A_1109 : i32 to vector<16xi32>
      %reduce_max3A_1111 = arith.xori %gather3A_1106, %reduce_max3A_1110 : vector<16xi32>
      %reduce_max3A_1112 = tpu.scan <max>, %reduce_max3A_1111 masked %reduce_max3A_1108 : vector<16xi32>, vector<16xi1> -> vector<16xi32>
      %reduce_max3A_1113 = arith.xori %reduce_max3A_1112, %reduce_max3A_1110 : vector<16xi32>
      %reduce_max3A_1114 = vector.extract %reduce_max3A_1113[15] : i32 from vector<16xi32>
      %add3A_1115 = arith.constant 96 : i32
      %add3A_1116 = vector.broadcast %add3A_1115 : i32 to vector<16xi32>
      %add3A_1117 = arith.addi %add3A_1116, %all_reduce_ffs3A_1078 : vector<16xi32>
      %select_n3A_1118 = arith.select %and3A_1074, %add3A_1117, %select_n3A_967 : vector<16xi1>, vector<16xi32>
      %sub3A_1119 = arith.subi %reduce_max3A_1096, %reduce_max3A_1114 : i32
      %broadcast_in_dim3A_1120 = vector.broadcast %sub3A_1119 : i32 to vector<16xi32>
      %select_n3A_1121 = arith.select %and3A_1074, %broadcast_in_dim3A_1120, %select_n3A_970 : vector<16xi1>, vector<16xi32>
      %jit3A_1122 = arith.constant 1 : i32
      %broadcast_in_dim3A_1123 = vector.broadcast %jit3A_1122 : i32 to vector<16xi32>
      %select_n3A_1124 = arith.select %and3A_1074, %broadcast_in_dim3A_1123, %select_n3A_973 : vector<16xi1>, vector<16xi32>
      %add3A_1125 = arith.constant 1792 : i32
      %add3A_1126 = vector.broadcast %add3A_1125 : i32 to vector<16xi32>
      %add3A_1127 = arith.addi %mul3A_6, %add3A_1126 : vector<16xi32>
      %gather3A_1128 = tpu.vector_load_idx %arg6[%add3A_1127] : memref<2048xi32, #tpu.memory_space<vmem>>[vector<16xi32>], vector<16xi32>,
      %add3A_1129 = arith.addi %broadcast_in_dim3A_7, %gather3A_1128 : vector<16xi32>
      %add3A_1130 = arith.constant 1800 : i32
      %add3A_1131 = vector.broadcast %add3A_1130 : i32 to vector<16xi32>
      %add3A_1132 = arith.addi %mul3A_6, %add3A_1131 : vector<16xi32>
      %gather3A_1133 = tpu.vector_load_idx %arg6[%add3A_1132] : memref<2048xi32, #tpu.memory_space<vmem>>[vector<16xi32>], vector<16xi32>,
      %add3A_1134 = arith.addi %broadcast_in_dim3A_7, %gather3A_1133 : vector<16xi32>
      %add3A_1135 = arith.constant 1793 : i32
      %add3A_1136 = vector.broadcast %add3A_1135 : i32 to vector<16xi32>
      %add3A_1137 = arith.addi %mul3A_6, %add3A_1136 : vector<16xi32>
      %gather3A_1138 = tpu.vector_load_idx %arg6[%add3A_1137] : memref<2048xi32, #tpu.memory_space<vmem>>[vector<16xi32>], vector<16xi32>,
      %add3A_1139 = arith.addi %add3A_1129, %gather3A_1138 : vector<16xi32>
      %add3A_1140 = arith.constant 1801 : i32
      %add3A_1141 = vector.broadcast %add3A_1140 : i32 to vector<16xi32>
      %add3A_1142 = arith.addi %mul3A_6, %add3A_1141 : vector<16xi32>
      %gather3A_1143 = tpu.vector_load_idx %arg6[%add3A_1142] : memref<2048xi32, #tpu.memory_space<vmem>>[vector<16xi32>], vector<16xi32>,
      %add3A_1144 = arith.addi %add3A_1134, %gather3A_1143 : vector<16xi32>
      %add3A_1145 = arith.constant 1794 : i32
      %add3A_1146 = vector.broadcast %add3A_1145 : i32 to vector<16xi32>
      %add3A_1147 = arith.addi %mul3A_6, %add3A_1146 : vector<16xi32>
      %gather3A_1148 = tpu.vector_load_idx %arg6[%add3A_1147] : memref<2048xi32, #tpu.memory_space<vmem>>[vector<16xi32>], vector<16xi32>,
      %add3A_1149 = arith.addi %add3A_1139, %gather3A_1148 : vector<16xi32>
      %add3A_1150 = arith.constant 1802 : i32
      %add3A_1151 = vector.broadcast %add3A_1150 : i32 to vector<16xi32>
      %add3A_1152 = arith.addi %mul3A_6, %add3A_1151 : vector<16xi32>
      %gather3A_1153 = tpu.vector_load_idx %arg6[%add3A_1152] : memref<2048xi32, #tpu.memory_space<vmem>>[vector<16xi32>], vector<16xi32>,
      %add3A_1154 = arith.addi %add3A_1144, %gather3A_1153 : vector<16xi32>
      %add3A_1155 = arith.constant 1795 : i32
      %add3A_1156 = vector.broadcast %add3A_1155 : i32 to vector<16xi32>
      %add3A_1157 = arith.addi %mul3A_6, %add3A_1156 : vector<16xi32>
      %gather3A_1158 = tpu.vector_load_idx %arg6[%add3A_1157] : memref<2048xi32, #tpu.memory_space<vmem>>[vector<16xi32>], vector<16xi32>,
      %add3A_1159 = arith.addi %add3A_1149, %gather3A_1158 : vector<16xi32>
      %add3A_1160 = arith.constant 1803 : i32
      %add3A_1161 = vector.broadcast %add3A_1160 : i32 to vector<16xi32>
      %add3A_1162 = arith.addi %mul3A_6, %add3A_1161 : vector<16xi32>
      %gather3A_1163 = tpu.vector_load_idx %arg6[%add3A_1162] : memref<2048xi32, #tpu.memory_space<vmem>>[vector<16xi32>], vector<16xi32>,
      %add3A_1164 = arith.addi %add3A_1154, %gather3A_1163 : vector<16xi32>
      %add3A_1165 = arith.constant 1796 : i32
      %add3A_1166 = vector.broadcast %add3A_1165 : i32 to vector<16xi32>
      %add3A_1167 = arith.addi %mul3A_6, %add3A_1166 : vector<16xi32>
      %gather3A_1168 = tpu.vector_load_idx %arg6[%add3A_1167] : memref<2048xi32, #tpu.memory_space<vmem>>[vector<16xi32>], vector<16xi32>,
      %add3A_1169 = arith.addi %add3A_1159, %gather3A_1168 : vector<16xi32>
      %add3A_1170 = arith.constant 1804 : i32
      %add3A_1171 = vector.broadcast %add3A_1170 : i32 to vector<16xi32>
      %add3A_1172 = arith.addi %mul3A_6, %add3A_1171 : vector<16xi32>
      %gather3A_1173 = tpu.vector_load_idx %arg6[%add3A_1172] : memref<2048xi32, #tpu.memory_space<vmem>>[vector<16xi32>], vector<16xi32>,
      %add3A_1174 = arith.addi %add3A_1164, %gather3A_1173 : vector<16xi32>
      %add3A_1175 = arith.constant 1797 : i32
      %add3A_1176 = vector.broadcast %add3A_1175 : i32 to vector<16xi32>
      %add3A_1177 = arith.addi %mul3A_6, %add3A_1176 : vector<16xi32>
      %gather3A_1178 = tpu.vector_load_idx %arg6[%add3A_1177] : memref<2048xi32, #tpu.memory_space<vmem>>[vector<16xi32>], vector<16xi32>,
      %add3A_1179 = arith.addi %add3A_1169, %gather3A_1178 : vector<16xi32>
      %add3A_1180 = arith.constant 1805 : i32
      %add3A_1181 = vector.broadcast %add3A_1180 : i32 to vector<16xi32>
      %add3A_1182 = arith.addi %mul3A_6, %add3A_1181 : vector<16xi32>
      %gather3A_1183 = tpu.vector_load_idx %arg6[%add3A_1182] : memref<2048xi32, #tpu.memory_space<vmem>>[vector<16xi32>], vector<16xi32>,
      %add3A_1184 = arith.addi %add3A_1174, %gather3A_1183 : vector<16xi32>
      %add3A_1185 = arith.constant 1798 : i32
      %add3A_1186 = vector.broadcast %add3A_1185 : i32 to vector<16xi32>
      %add3A_1187 = arith.addi %mul3A_6, %add3A_1186 : vector<16xi32>
      %gather3A_1188 = tpu.vector_load_idx %arg6[%add3A_1187] : memref<2048xi32, #tpu.memory_space<vmem>>[vector<16xi32>], vector<16xi32>,
      %add3A_1189 = arith.addi %add3A_1179, %gather3A_1188 : vector<16xi32>
      %add3A_1190 = arith.constant 1806 : i32
      %add3A_1191 = vector.broadcast %add3A_1190 : i32 to vector<16xi32>
      %add3A_1192 = arith.addi %mul3A_6, %add3A_1191 : vector<16xi32>
      %gather3A_1193 = tpu.vector_load_idx %arg6[%add3A_1192] : memref<2048xi32, #tpu.memory_space<vmem>>[vector<16xi32>], vector<16xi32>,
      %add3A_1194 = arith.addi %add3A_1184, %gather3A_1193 : vector<16xi32>
      %add3A_1195 = arith.constant 1799 : i32
      %add3A_1196 = vector.broadcast %add3A_1195 : i32 to vector<16xi32>
      %add3A_1197 = arith.addi %mul3A_6, %add3A_1196 : vector<16xi32>
      %gather3A_1198 = tpu.vector_load_idx %arg6[%add3A_1197] : memref<2048xi32, #tpu.memory_space<vmem>>[vector<16xi32>], vector<16xi32>,
      %add3A_1199 = arith.addi %add3A_1189, %gather3A_1198 : vector<16xi32>
      %add3A_1200 = arith.constant 1807 : i32
      %add3A_1201 = vector.broadcast %add3A_1200 : i32 to vector<16xi32>
      %add3A_1202 = arith.addi %mul3A_6, %add3A_1201 : vector<16xi32>
      %gather3A_1203 = tpu.vector_load_idx %arg6[%add3A_1202] : memref<2048xi32, #tpu.memory_space<vmem>>[vector<16xi32>], vector<16xi32>,
      %add3A_1204 = arith.addi %add3A_1194, %gather3A_1203 : vector<16xi32>
      %add3A_1205 = arith.addi %add3A_1199, %add3A_1204 : vector<16xi32>
      %broadcast_in_dim3A_1206 = arith.constant true
      %broadcast_in_dim3A_1207 = vector.broadcast %broadcast_in_dim3A_1206 : i1 to vector<16xi1>
      %masked_cumsum3A_1208 = tpu.scan <sum>, %add3A_1205 masked %broadcast_in_dim3A_1207 : vector<16xi32>, vector<16xi1> -> vector<16xi32>
      %add3A_1209 = vector.broadcast %reduce_max3A_1067 : i32 to vector<16xi32>
      %add3A_1210 = arith.addi %masked_cumsum3A_1208, %add3A_1209 : vector<16xi32>
      %reduce_max3A_1211 = arith.constant true
      %reduce_max3A_1212 = vector.broadcast %reduce_max3A_1211 : i1 to vector<16xi1>
      %reduce_max3A_1213 = arith.constant -2147483648 : i32
      %reduce_max3A_1214 = vector.broadcast %reduce_max3A_1213 : i32 to vector<16xi32>
      %reduce_max3A_1215 = arith.xori %add3A_1210, %reduce_max3A_1214 : vector<16xi32>
      %reduce_max3A_1216 = tpu.scan <max>, %reduce_max3A_1215 masked %reduce_max3A_1212 : vector<16xi32>, vector<16xi1> -> vector<16xi32>
      %reduce_max3A_1217 = arith.xori %reduce_max3A_1216, %reduce_max3A_1214 : vector<16xi32>
      %reduce_max3A_1218 = vector.extract %reduce_max3A_1217[15] : i32 from vector<16xi32>
      %eq3A_1219 = arith.constant 0 : i32
      %eq3A_1220 = vector.broadcast %eq3A_1219 : i32 to vector<16xi32>
      %eq3A_1221 = arith.cmpi eq, %select_n3A_1124, %eq3A_1220 : vector<16xi32>
      %ge3A_1222 = arith.constant 256 : i32
      %ge3A_1223 = arith.cmpi sge, %reduce_max3A_1218, %ge3A_1222 : i32
      %and3A_1224 = vector.broadcast %ge3A_1223 : i1 to vector<16xi1>
      %and3A_1225 = arith.andi %eq3A_1221, %and3A_1224 : vector<16xi1>
      %ge3A_1226 = arith.constant 256 : i32
      %ge3A_1227 = vector.broadcast %ge3A_1226 : i32 to vector<16xi32>
      %ge3A_1228 = arith.cmpi sge, %add3A_1210, %ge3A_1227 : vector<16xi32>
      %all_reduce_ffs3A_1229 = tpu.all_reduce %ge3A_1228 {dim = 0 : i64, kind = #tpu.reduction_kind<find_first_set>} : vector<16xi1> -> vector<16xi32>
      %lt3A_1230 = arith.constant 0 : i32
      %lt3A_1231 = vector.broadcast %lt3A_1230 : i32 to vector<16xi32>
      %lt3A_1232 = arith.cmpi slt, %all_reduce_ffs3A_1229, %lt3A_1231 : vector<16xi32>
      %add3A_1233 = arith.constant 16 : i32
      %add3A_1234 = vector.broadcast %add3A_1233 : i32 to vector<16xi32>
      %add3A_1235 = arith.addi %all_reduce_ffs3A_1229, %add3A_1234 : vector<16xi32>
      %select_n3A_1236 = arith.select %lt3A_1232, %add3A_1235, %all_reduce_ffs3A_1229 : vector<16xi1>, vector<16xi32>
      %broadcast_in_dim3A_1237 = vector.shape_cast %select_n3A_1236 : vector<16xi32> to vector<16x1xi32>
      %gather3A_1238 = vector.shape_cast %broadcast_in_dim3A_1237 : vector<16x1xi32> to vector<16xi32>
      %gather3A_1239 = tpu.dynamic_gather %add3A_1210[%gather3A_1238] in [0] : vector<16xi32>, vector<16xi32> -> vector<16xi32>
      %reduce_max3A_1240 = arith.constant true
      %reduce_max3A_1241 = vector.broadcast %reduce_max3A_1240 : i1 to vector<16xi1>
      %reduce_max3A_1242 = arith.constant -2147483648 : i32
      %reduce_max3A_1243 = vector.broadcast %reduce_max3A_1242 : i32 to vector<16xi32>
      %reduce_max3A_1244 = arith.xori %gather3A_1239, %reduce_max3A_1243 : vector<16xi32>
      %reduce_max3A_1245 = tpu.scan <max>, %reduce_max3A_1244 masked %reduce_max3A_1241 : vector<16xi32>, vector<16xi1> -> vector<16xi32>
      %reduce_max3A_1246 = arith.xori %reduce_max3A_1245, %reduce_max3A_1243 : vector<16xi32>
      %reduce_max3A_1247 = vector.extract %reduce_max3A_1246[15] : i32 from vector<16xi32>
      %lt3A_1248 = arith.constant 0 : i32
      %lt3A_1249 = vector.broadcast %lt3A_1248 : i32 to vector<16xi32>
      %lt3A_1250 = arith.cmpi slt, %all_reduce_ffs3A_1229, %lt3A_1249 : vector<16xi32>
      %add3A_1251 = arith.constant 16 : i32
      %add3A_1252 = vector.broadcast %add3A_1251 : i32 to vector<16xi32>
      %add3A_1253 = arith.addi %all_reduce_ffs3A_1229, %add3A_1252 : vector<16xi32>
      %select_n3A_1254 = arith.select %lt3A_1250, %add3A_1253, %all_reduce_ffs3A_1229 : vector<16xi1>, vector<16xi32>
      %broadcast_in_dim3A_1255 = vector.shape_cast %select_n3A_1254 : vector<16xi32> to vector<16x1xi32>
      %gather3A_1256 = vector.shape_cast %broadcast_in_dim3A_1255 : vector<16x1xi32> to vector<16xi32>
      %gather3A_1257 = tpu.dynamic_gather %add3A_1205[%gather3A_1256] in [0] : vector<16xi32>, vector<16xi32> -> vector<16xi32>
      %reduce_max3A_1258 = arith.constant true
      %reduce_max3A_1259 = vector.broadcast %reduce_max3A_1258 : i1 to vector<16xi1>
      %reduce_max3A_1260 = arith.constant -2147483648 : i32
      %reduce_max3A_1261 = vector.broadcast %reduce_max3A_1260 : i32 to vector<16xi32>
      %reduce_max3A_1262 = arith.xori %gather3A_1257, %reduce_max3A_1261 : vector<16xi32>
      %reduce_max3A_1263 = tpu.scan <max>, %reduce_max3A_1262 masked %reduce_max3A_1259 : vector<16xi32>, vector<16xi1> -> vector<16xi32>
      %reduce_max3A_1264 = arith.xori %reduce_max3A_1263, %reduce_max3A_1261 : vector<16xi32>
      %reduce_max3A_1265 = vector.extract %reduce_max3A_1264[15] : i32 from vector<16xi32>
      %add3A_1266 = arith.constant 112 : i32
      %add3A_1267 = vector.broadcast %add3A_1266 : i32 to vector<16xi32>
      %add3A_1268 = arith.addi %add3A_1267, %all_reduce_ffs3A_1229 : vector<16xi32>
      %select_n3A_1269 = arith.select %and3A_1225, %add3A_1268, %select_n3A_1118 : vector<16xi1>, vector<16xi32>
      %sub3A_1270 = arith.subi %reduce_max3A_1247, %reduce_max3A_1265 : i32
      %broadcast_in_dim3A_1271 = vector.broadcast %sub3A_1270 : i32 to vector<16xi32>
      %select_n3A_1272 = arith.select %and3A_1225, %broadcast_in_dim3A_1271, %select_n3A_1121 : vector<16xi1>, vector<16xi32>
      %jit3A_1273 = arith.constant 1 : i32
      %broadcast_in_dim3A_1274 = vector.broadcast %jit3A_1273 : i32 to vector<16xi32>
      %select_n3A_1275 = arith.select %and3A_1225, %broadcast_in_dim3A_1274, %select_n3A_1124 : vector<16xi1>, vector<16xi32>
      %reduce_max3A_1276 = arith.constant true
      %reduce_max3A_1277 = vector.broadcast %reduce_max3A_1276 : i1 to vector<16xi1>
      %reduce_max3A_1278 = arith.constant -2147483648 : i32
      %reduce_max3A_1279 = vector.broadcast %reduce_max3A_1278 : i32 to vector<16xi32>
      %reduce_max3A_1280 = arith.xori %select_n3A_1269, %reduce_max3A_1279 : vector<16xi32>
      %reduce_max3A_1281 = tpu.scan <max>, %reduce_max3A_1280 masked %reduce_max3A_1277 : vector<16xi32>, vector<16xi1> -> vector<16xi32>
      %reduce_max3A_1282 = arith.xori %reduce_max3A_1281, %reduce_max3A_1279 : vector<16xi32>
      %reduce_max3A_1283 = vector.extract %reduce_max3A_1282[15] : i32 from vector<16xi32>
      %mul3A_1284 = arith.constant 16 : i32
      %mul3A_1285 = arith.muli %reduce_max3A_1283, %mul3A_1284 : i32
      %get3A = arith.index_cast %mul3A_1285 : i32 to index
      %get3A_1286 = tpu.vector_load %arg6[%get3A] {strides = array<i32>} : memref<2048xi32, #tpu.memory_space<vmem>>, vector<16xi32>,
      %broadcast_in_dim3A_1287 = arith.constant true
      %broadcast_in_dim3A_1288 = vector.broadcast %broadcast_in_dim3A_1287 : i1 to vector<16xi1>
      %masked_cumsum3A_1289 = tpu.scan <sum>, %get3A_1286 masked %broadcast_in_dim3A_1288 : vector<16xi32>, vector<16xi1> -> vector<16xi32>
      %reduce_max3A_1290 = arith.constant true
      %reduce_max3A_1291 = vector.broadcast %reduce_max3A_1290 : i1 to vector<16xi1>
      %reduce_max3A_1292 = arith.constant -2147483648 : i32
      %reduce_max3A_1293 = vector.broadcast %reduce_max3A_1292 : i32 to vector<16xi32>
      %reduce_max3A_1294 = arith.xori %select_n3A_1272, %reduce_max3A_1293 : vector<16xi32>
      %reduce_max3A_1295 = tpu.scan <max>, %reduce_max3A_1294 masked %reduce_max3A_1291 : vector<16xi32>, vector<16xi1> -> vector<16xi32>
      %reduce_max3A_1296 = arith.xori %reduce_max3A_1295, %reduce_max3A_1293 : vector<16xi32>
      %reduce_max3A_1297 = vector.extract %reduce_max3A_1296[15] : i32 from vector<16xi32>
      %add3A_1298 = vector.broadcast %reduce_max3A_1297 : i32 to vector<16xi32>
      %add3A_1299 = arith.addi %masked_cumsum3A_1289, %add3A_1298 : vector<16xi32>
      %ge3A_1300 = arith.constant 256 : i32
      %ge3A_1301 = vector.broadcast %ge3A_1300 : i32 to vector<16xi32>
      %ge3A_1302 = arith.cmpi sge, %add3A_1299, %ge3A_1301 : vector<16xi32>
      %all_reduce_ffs3A_1303 = tpu.all_reduce %ge3A_1302 {dim = 0 : i64, kind = #tpu.reduction_kind<find_first_set>} : vector<16xi1> -> vector<16xi32>
      %mul3A_1304 = arith.constant 16 : i32
      %mul3A_1305 = arith.muli %reduce_max3A_1283, %mul3A_1304 : i32
      %add3A_1306 = vector.broadcast %mul3A_1305 : i32 to vector<16xi32>
      %add3A_1307 = arith.addi %add3A_1306, %all_reduce_ffs3A_1303 : vector<16xi32>
      %parallel_loop3A_1308 = arith.constant 0 : i32
      %parallel_loop3A_1309 = arith.constant 128 : i32
      %parallel_loop3A_1310 = arith.constant 1 : i32
      %parallel_loop3A_1311 = scf.for %parallel_loop3A_2628 = %parallel_loop3A_1308 to %parallel_loop3A_1309 step %parallel_loop3A_1310 iter_args(%parallel_loop3A_2629 = %broadcast_in_dim3A_7) -> (vector<16xi32>)  : i32 {
        %parallel_loop3A_2630 = arith.constant 16 : i32
        %parallel_loop3A_2631 = arith.muli %parallel_loop3A_2628, %parallel_loop3A_2630 : i32
        %parallel_loop3A_2632 = arith.index_cast %parallel_loop3A_2631 : i32 to index
        %parallel_loop3A_2633 = tpu.vector_load %arg5[%parallel_loop3A_2632] {strides = array<i32>} : memref<2048xi32, #tpu.memory_space<vmem>>, vector<16xi32>,
        %parallel_loop3A_2634 = arith.constant 20 : i32
        %parallel_loop3A_2635 = vector.broadcast %parallel_loop3A_2634 : i32 to vector<16xi32>
        %parallel_loop3A_2636 = arith.shrui %parallel_loop3A_2633, %parallel_loop3A_2635 : vector<16xi32>
        %parallel_loop3A_2637 = arith.cmpi sle, %parallel_loop3A_2636, %add3A_1307 : vector<16xi32>
        %parallel_loop3A_2638 = arith.constant 1 : i32
        %parallel_loop3A_2639 = arith.constant 0 : i32
        %parallel_loop3A_2640 = vector.broadcast %parallel_loop3A_2638 : i32 to vector<16xi32>
        %parallel_loop3A_2641 = vector.broadcast %parallel_loop3A_2639 : i32 to vector<16xi32>
        %parallel_loop3A_2642 = arith.select %parallel_loop3A_2637, %parallel_loop3A_2640, %parallel_loop3A_2641 : vector<16xi1>, vector<16xi32>
        %parallel_loop3A_2643 = arith.constant true
        %parallel_loop3A_2644 = vector.broadcast %parallel_loop3A_2643 : i1 to vector<16xi1>
        %parallel_loop3A_2645 = tpu.scan <sum>, %parallel_loop3A_2642 masked %parallel_loop3A_2644 : vector<16xi32>, vector<16xi1> -> vector<16xi32>
        %parallel_loop3A_2646 = arith.addi %parallel_loop3A_2629, %parallel_loop3A_2645 : vector<16xi32>
        %parallel_loop3A_2647 = arith.constant 1 : i32
        %parallel_loop3A_2648 = vector.broadcast %parallel_loop3A_2647 : i32 to vector<16xi32>
        %parallel_loop3A_2649 = arith.subi %parallel_loop3A_2646, %parallel_loop3A_2648 : vector<16xi32>
        %parallel_loop3A_2650 = arith.constant 0 : i32
        %parallel_loop3A_2651 = vector.broadcast %parallel_loop3A_2650 : i32 to vector<16xi32>
        %parallel_loop3A_2652 = arith.select %parallel_loop3A_2637, %parallel_loop3A_2649, %parallel_loop3A_2651 : vector<16xi1>, vector<16xi32>
        tpu.vector_store_idx %arg7[%parallel_loop3A_2652], %parallel_loop3A_2633 masked %parallel_loop3A_2637 : memref<2048xi32, #tpu.memory_space<vmem>>[vector<16xi32>], vector<16xi32>, vector<16xi1>
        %parallel_loop3A_2653 = arith.constant 16 : i32
        %parallel_loop3A_2654 = arith.muli %parallel_loop3A_2628, %parallel_loop3A_2653 : i32
        %parallel_loop3A_2655 = vector.broadcast %parallel_loop3A_2654 : i32 to vector<16xi32>
        %parallel_loop3A_2656 = arith.addi %iota3A, %parallel_loop3A_2655 : vector<16xi32>
        tpu.vector_store_idx %arg8[%parallel_loop3A_2652], %parallel_loop3A_2656 masked %parallel_loop3A_2637 : memref<2048xi32, #tpu.memory_space<vmem>>[vector<16xi32>], vector<16xi32>, vector<16xi1>
        %parallel_loop3A_2657 = arith.constant 16 : i32
        %parallel_loop3A_2658 = arith.muli %parallel_loop3A_2628, %parallel_loop3A_2657 : i32
        %parallel_loop3A_2659 = arith.index_cast %parallel_loop3A_2658 : i32 to index
        %parallel_loop3A_2660 = tpu.vector_load %arg6[%parallel_loop3A_2659] {strides = array<i32>} : memref<2048xi32, #tpu.memory_space<vmem>>, vector<16xi32>,
        tpu.vector_store %arg6[%parallel_loop3A_2659], %broadcast_in_dim3A_7 {strides = array<i32>} : memref<2048xi32, #tpu.memory_space<vmem>>, vector<16xi32>,
        %parallel_loop3A_2661 = tpu.all_reduce %parallel_loop3A_2637 {dim = 0 : i64, kind = #tpu.reduction_kind<sum>} : vector<16xi1> -> vector<16xi32>
        %parallel_loop3A_2662 = arith.addi %parallel_loop3A_2629, %parallel_loop3A_2661 : vector<16xi32>
        scf.yield %parallel_loop3A_2662 : vector<16xi32>
      } {sc.loop_unroll_factor = 8 : i64, sc.parallel_access}
      %reduce_max3A_1312 = arith.constant true
      %reduce_max3A_1313 = vector.broadcast %reduce_max3A_1312 : i1 to vector<16xi1>
      %reduce_max3A_1314 = arith.constant -2147483648 : i32
      %reduce_max3A_1315 = vector.broadcast %reduce_max3A_1314 : i32 to vector<16xi32>
      %reduce_max3A_1316 = arith.xori %parallel_loop3A_1311, %reduce_max3A_1315 : vector<16xi32>
      %reduce_max3A_1317 = tpu.scan <max>, %reduce_max3A_1316 masked %reduce_max3A_1313 : vector<16xi32>, vector<16xi1> -> vector<16xi32>
      %reduce_max3A_1318 = arith.xori %reduce_max3A_1317, %reduce_max3A_1315 : vector<16xi32>
      %reduce_max3A_1319 = vector.extract %reduce_max3A_1318[15] : i32 from vector<16xi32>
      %add3A_1320 = arith.constant 15 : i32
      %add3A_1321 = arith.addi %reduce_max3A_1319, %add3A_1320 : i32
      %and3A_1322 = arith.constant -16 : i32
      %and3A_1323 = arith.andi %add3A_1321, %and3A_1322 : i32
      %sub3A_1324 = arith.subi %and3A_1323, %reduce_max3A_1319 : i32
      %lt3A_1325 = vector.broadcast %sub3A_1324 : i32 to vector<16xi32>
      %lt3A_1326 = arith.cmpi slt, %iota3A, %lt3A_1325 : vector<16xi32>
      %add3A_1327 = vector.broadcast %reduce_max3A_1319 : i32 to vector<16xi32>
      %add3A_1328 = arith.addi %add3A_1327, %iota3A : vector<16xi32>
      %min3A = arith.constant 2047 : i32
      %min3A_1329 = vector.broadcast %min3A : i32 to vector<16xi32>
      %min3A_1330 = arith.minsi %add3A_1328, %min3A_1329 : vector<16xi32>
      tpu.vector_store_idx %arg7[%min3A_1330], %add3A_10 masked %lt3A_1326 : memref<2048xi32, #tpu.memory_space<vmem>>[vector<16xi32>], vector<16xi32>, vector<16xi1>
      tpu.vector_store_idx %arg8[%min3A_1330], %broadcast_in_dim3A_7 masked %lt3A_1326 : memref<2048xi32, #tpu.memory_space<vmem>>[vector<16xi32>], vector<16xi32>, vector<16xi1>
      %shift_right_logical3A = arith.constant 4 : i32
      %shift_right_logical3A_1331 = arith.shrui %and3A_1323, %shift_right_logical3A : i32
      %swap3A = arith.constant 0 : index
      %swap3A_1332 = tpu.vector_load %arg11[%swap3A] {strides = array<i32>} : memref<256xi32, #tpu.memory_space<vmem>>, vector<16xi32>,
      tpu.vector_store %arg11[%swap3A], %broadcast_in_dim3A_7 {strides = array<i32>} : memref<256xi32, #tpu.memory_space<vmem>>, vector<16xi32>,
      %swap3A_1333 = arith.constant 16 : index
      %swap3A_1334 = tpu.vector_load %arg11[%swap3A_1333] {strides = array<i32>} : memref<256xi32, #tpu.memory_space<vmem>>, vector<16xi32>,
      tpu.vector_store %arg11[%swap3A_1333], %broadcast_in_dim3A_7 {strides = array<i32>} : memref<256xi32, #tpu.memory_space<vmem>>, vector<16xi32>,
      %swap3A_1335 = arith.constant 32 : index
      %swap3A_1336 = tpu.vector_load %arg11[%swap3A_1335] {strides = array<i32>} : memref<256xi32, #tpu.memory_space<vmem>>, vector<16xi32>,
      tpu.vector_store %arg11[%swap3A_1335], %broadcast_in_dim3A_7 {strides = array<i32>} : memref<256xi32, #tpu.memory_space<vmem>>, vector<16xi32>,
      %swap3A_1337 = arith.constant 48 : index
      %swap3A_1338 = tpu.vector_load %arg11[%swap3A_1337] {strides = array<i32>} : memref<256xi32, #tpu.memory_space<vmem>>, vector<16xi32>,
      tpu.vector_store %arg11[%swap3A_1337], %broadcast_in_dim3A_7 {strides = array<i32>} : memref<256xi32, #tpu.memory_space<vmem>>, vector<16xi32>,
      %swap3A_1339 = arith.constant 64 : index
      %swap3A_1340 = tpu.vector_load %arg11[%swap3A_1339] {strides = array<i32>} : memref<256xi32, #tpu.memory_space<vmem>>, vector<16xi32>,
      tpu.vector_store %arg11[%swap3A_1339], %broadcast_in_dim3A_7 {strides = array<i32>} : memref<256xi32, #tpu.memory_space<vmem>>, vector<16xi32>,
      %swap3A_1341 = arith.constant 80 : index
      %swap3A_1342 = tpu.vector_load %arg11[%swap3A_1341] {strides = array<i32>} : memref<256xi32, #tpu.memory_space<vmem>>, vector<16xi32>,
      tpu.vector_store %arg11[%swap3A_1341], %broadcast_in_dim3A_7 {strides = array<i32>} : memref<256xi32, #tpu.memory_space<vmem>>, vector<16xi32>,
      %swap3A_1343 = arith.constant 96 : index
      %swap3A_1344 = tpu.vector_load %arg11[%swap3A_1343] {strides = array<i32>} : memref<256xi32, #tpu.memory_space<vmem>>, vector<16xi32>,
      tpu.vector_store %arg11[%swap3A_1343], %broadcast_in_dim3A_7 {strides = array<i32>} : memref<256xi32, #tpu.memory_space<vmem>>, vector<16xi32>,
      %swap3A_1345 = arith.constant 112 : index
      %swap3A_1346 = tpu.vector_load %arg11[%swap3A_1345] {strides = array<i32>} : memref<256xi32, #tpu.memory_space<vmem>>, vector<16xi32>,
      tpu.vector_store %arg11[%swap3A_1345], %broadcast_in_dim3A_7 {strides = array<i32>} : memref<256xi32, #tpu.memory_space<vmem>>, vector<16xi32>,
      %swap3A_1347 = arith.constant 128 : index
      %swap3A_1348 = tpu.vector_load %arg11[%swap3A_1347] {strides = array<i32>} : memref<256xi32, #tpu.memory_space<vmem>>, vector<16xi32>,
      tpu.vector_store %arg11[%swap3A_1347], %broadcast_in_dim3A_7 {strides = array<i32>} : memref<256xi32, #tpu.memory_space<vmem>>, vector<16xi32>,
      %swap3A_1349 = arith.constant 144 : index
      %swap3A_1350 = tpu.vector_load %arg11[%swap3A_1349] {strides = array<i32>} : memref<256xi32, #tpu.memory_space<vmem>>, vector<16xi32>,
      tpu.vector_store %arg11[%swap3A_1349], %broadcast_in_dim3A_7 {strides = array<i32>} : memref<256xi32, #tpu.memory_space<vmem>>, vector<16xi32>,
      %swap3A_1351 = arith.constant 160 : index
      %swap3A_1352 = tpu.vector_load %arg11[%swap3A_1351] {strides = array<i32>} : memref<256xi32, #tpu.memory_space<vmem>>, vector<16xi32>,
      tpu.vector_store %arg11[%swap3A_1351], %broadcast_in_dim3A_7 {strides = array<i32>} : memref<256xi32, #tpu.memory_space<vmem>>, vector<16xi32>,
      %swap3A_1353 = arith.constant 176 : index
      %swap3A_1354 = tpu.vector_load %arg11[%swap3A_1353] {strides = array<i32>} : memref<256xi32, #tpu.memory_space<vmem>>, vector<16xi32>,
      tpu.vector_store %arg11[%swap3A_1353], %broadcast_in_dim3A_7 {strides = array<i32>} : memref<256xi32, #tpu.memory_space<vmem>>, vector<16xi32>,
      %swap3A_1355 = arith.constant 192 : index
      %swap3A_1356 = tpu.vector_load %arg11[%swap3A_1355] {strides = array<i32>} : memref<256xi32, #tpu.memory_space<vmem>>, vector<16xi32>,
      tpu.vector_store %arg11[%swap3A_1355], %broadcast_in_dim3A_7 {strides = array<i32>} : memref<256xi32, #tpu.memory_space<vmem>>, vector<16xi32>,
      %swap3A_1357 = arith.constant 208 : index
      %swap3A_1358 = tpu.vector_load %arg11[%swap3A_1357] {strides = array<i32>} : memref<256xi32, #tpu.memory_space<vmem>>, vector<16xi32>,
      tpu.vector_store %arg11[%swap3A_1357], %broadcast_in_dim3A_7 {strides = array<i32>} : memref<256xi32, #tpu.memory_space<vmem>>, vector<16xi32>,
      %swap3A_1359 = arith.constant 224 : index
      %swap3A_1360 = tpu.vector_load %arg11[%swap3A_1359] {strides = array<i32>} : memref<256xi32, #tpu.memory_space<vmem>>, vector<16xi32>,
      tpu.vector_store %arg11[%swap3A_1359], %broadcast_in_dim3A_7 {strides = array<i32>} : memref<256xi32, #tpu.memory_space<vmem>>, vector<16xi32>,
      %swap3A_1361 = arith.constant 240 : index
      %swap3A_1362 = tpu.vector_load %arg11[%swap3A_1361] {strides = array<i32>} : memref<256xi32, #tpu.memory_space<vmem>>, vector<16xi32>,
      tpu.vector_store %arg11[%swap3A_1361], %broadcast_in_dim3A_7 {strides = array<i32>} : memref<256xi32, #tpu.memory_space<vmem>>, vector<16xi32>,
      %parallel_loop3A_1363 = arith.constant 0 : i32
      %parallel_loop3A_1364 = arith.constant 1 : i32
      scf.for %parallel_loop3A_2628 = %parallel_loop3A_1363 to %shift_right_logical3A_1331 step %parallel_loop3A_1364  : i32 {
        %parallel_loop3A_2629 = arith.constant 16 : i32
        %parallel_loop3A_2630 = arith.muli %parallel_loop3A_2628, %parallel_loop3A_2629 : i32
        %parallel_loop3A_2631 = arith.index_cast %parallel_loop3A_2630 : i32 to index
        %parallel_loop3A_2632 = tpu.vector_load %arg7[%parallel_loop3A_2631] {strides = array<i32>} : memref<2048xi32, #tpu.memory_space<vmem>>, vector<16xi32>,
        %parallel_loop3A_2633 = arith.constant 0 : i32
        %parallel_loop3A_2634 = vector.broadcast %parallel_loop3A_2633 : i32 to vector<16xi32>
        %parallel_loop3A_2635 = arith.shrui %parallel_loop3A_2632, %parallel_loop3A_2634 : vector<16xi32>
        %parallel_loop3A_2636 = arith.constant 255 : i32
        %parallel_loop3A_2637 = vector.broadcast %parallel_loop3A_2636 : i32 to vector<16xi32>
        %parallel_loop3A_2638 = arith.andi %parallel_loop3A_2635, %parallel_loop3A_2637 : vector<16xi32>
        %parallel_loop3A_2639 = arith.constant true
        %parallel_loop3A_2640 = vector.broadcast %parallel_loop3A_2639 : i1 to vector<16xi1>
        %parallel_loop3A_2641, %parallel_loop3A_2642 = tpu.scan_count mask(%parallel_loop3A_2640 : vector<16xi1>) value(%parallel_loop3A_2638 : vector<16xi32>) : vector<16xi1>, vector<16xi32>
        tpu.vector_store_idx %arg11[%parallel_loop3A_2638], %parallel_loop3A_2642 masked %parallel_loop3A_2641 {add = true} : memref<256xi32, #tpu.memory_space<vmem>>[vector<16xi32>], vector<16xi32>, vector<16xi1>
        %parallel_loop3A_2643 = arith.constant 256 : i32
        %parallel_loop3A_2644 = arith.constant 0 : i32
        %parallel_loop3A_2645 = vector.broadcast %parallel_loop3A_2643 : i32 to vector<16xi32>
        %parallel_loop3A_2646 = vector.broadcast %parallel_loop3A_2644 : i32 to vector<16xi32>
        %parallel_loop3A_2647 = arith.select %parallel_loop3A_2641, %parallel_loop3A_2645, %parallel_loop3A_2646 : vector<16xi1>, vector<16xi32>
        %parallel_loop3A_2648 = arith.addi %parallel_loop3A_2642, %parallel_loop3A_2647 : vector<16xi32>
        %parallel_loop3A_2649 = arith.constant 16 : i32
        %parallel_loop3A_2650 = arith.muli %parallel_loop3A_2628, %parallel_loop3A_2649 : i32
        %parallel_loop3A_2651 = arith.index_cast %parallel_loop3A_2650 : i32 to index
        %parallel_loop3A_2652 = tpu.vector_load %arg12[%parallel_loop3A_2651] {strides = array<i32>} : memref<2048xi32, #tpu.memory_space<vmem>>, vector<16xi32>,
        tpu.vector_store %arg12[%parallel_loop3A_2651], %parallel_loop3A_2648 {strides = array<i32>} : memref<2048xi32, #tpu.memory_space<vmem>>, vector<16xi32>,
      } {sc.loop_unroll_factor = 8 : i64, sc.parallel_access}
      %get3A_1365 = arith.constant 0 : index
      %get3A_1366 = tpu.vector_load %arg11[%get3A_1365] {strides = array<i32>} : memref<256xi32, #tpu.memory_space<vmem>>, vector<16xi32>,
      %reduce_sum3A = arith.constant true
      %reduce_sum3A_1367 = vector.broadcast %reduce_sum3A : i1 to vector<16xi1>
      %reduce_sum3A_1368 = tpu.scan <sum>, %get3A_1366 masked %reduce_sum3A_1367 : vector<16xi32>, vector<16xi1> -> vector<16xi32>
      %reduce_sum3A_1369 = vector.extract %reduce_sum3A_1368[15] : i32 from vector<16xi32>
      %get3A_1370 = arith.constant 16 : index
      %get3A_1371 = tpu.vector_load %arg11[%get3A_1370] {strides = array<i32>} : memref<256xi32, #tpu.memory_space<vmem>>, vector<16xi32>,
      %reduce_sum3A_1372 = arith.constant true
      %reduce_sum3A_1373 = vector.broadcast %reduce_sum3A_1372 : i1 to vector<16xi1>
      %reduce_sum3A_1374 = tpu.scan <sum>, %get3A_1371 masked %reduce_sum3A_1373 : vector<16xi32>, vector<16xi1> -> vector<16xi32>
      %reduce_sum3A_1375 = vector.extract %reduce_sum3A_1374[15] : i32 from vector<16xi32>
      %get3A_1376 = arith.constant 32 : index
      %get3A_1377 = tpu.vector_load %arg11[%get3A_1376] {strides = array<i32>} : memref<256xi32, #tpu.memory_space<vmem>>, vector<16xi32>,
      %reduce_sum3A_1378 = arith.constant true
      %reduce_sum3A_1379 = vector.broadcast %reduce_sum3A_1378 : i1 to vector<16xi1>
      %reduce_sum3A_1380 = tpu.scan <sum>, %get3A_1377 masked %reduce_sum3A_1379 : vector<16xi32>, vector<16xi1> -> vector<16xi32>
      %reduce_sum3A_1381 = vector.extract %reduce_sum3A_1380[15] : i32 from vector<16xi32>
      %get3A_1382 = arith.constant 48 : index
      %get3A_1383 = tpu.vector_load %arg11[%get3A_1382] {strides = array<i32>} : memref<256xi32, #tpu.memory_space<vmem>>, vector<16xi32>,
      %reduce_sum3A_1384 = arith.constant true
      %reduce_sum3A_1385 = vector.broadcast %reduce_sum3A_1384 : i1 to vector<16xi1>
      %reduce_sum3A_1386 = tpu.scan <sum>, %get3A_1383 masked %reduce_sum3A_1385 : vector<16xi32>, vector<16xi1> -> vector<16xi32>
      %reduce_sum3A_1387 = vector.extract %reduce_sum3A_1386[15] : i32 from vector<16xi32>
      %get3A_1388 = arith.constant 64 : index
      %get3A_1389 = tpu.vector_load %arg11[%get3A_1388] {strides = array<i32>} : memref<256xi32, #tpu.memory_space<vmem>>, vector<16xi32>,
      %reduce_sum3A_1390 = arith.constant true
      %reduce_sum3A_1391 = vector.broadcast %reduce_sum3A_1390 : i1 to vector<16xi1>
      %reduce_sum3A_1392 = tpu.scan <sum>, %get3A_1389 masked %reduce_sum3A_1391 : vector<16xi32>, vector<16xi1> -> vector<16xi32>
      %reduce_sum3A_1393 = vector.extract %reduce_sum3A_1392[15] : i32 from vector<16xi32>
      %get3A_1394 = arith.constant 80 : index
      %get3A_1395 = tpu.vector_load %arg11[%get3A_1394] {strides = array<i32>} : memref<256xi32, #tpu.memory_space<vmem>>, vector<16xi32>,
      %reduce_sum3A_1396 = arith.constant true
      %reduce_sum3A_1397 = vector.broadcast %reduce_sum3A_1396 : i1 to vector<16xi1>
      %reduce_sum3A_1398 = tpu.scan <sum>, %get3A_1395 masked %reduce_sum3A_1397 : vector<16xi32>, vector<16xi1> -> vector<16xi32>
      %reduce_sum3A_1399 = vector.extract %reduce_sum3A_1398[15] : i32 from vector<16xi32>
      %get3A_1400 = arith.constant 96 : index
      %get3A_1401 = tpu.vector_load %arg11[%get3A_1400] {strides = array<i32>} : memref<256xi32, #tpu.memory_space<vmem>>, vector<16xi32>,
      %reduce_sum3A_1402 = arith.constant true
      %reduce_sum3A_1403 = vector.broadcast %reduce_sum3A_1402 : i1 to vector<16xi1>
      %reduce_sum3A_1404 = tpu.scan <sum>, %get3A_1401 masked %reduce_sum3A_1403 : vector<16xi32>, vector<16xi1> -> vector<16xi32>
      %reduce_sum3A_1405 = vector.extract %reduce_sum3A_1404[15] : i32 from vector<16xi32>
      %get3A_1406 = arith.constant 112 : index
      %get3A_1407 = tpu.vector_load %arg11[%get3A_1406] {strides = array<i32>} : memref<256xi32, #tpu.memory_space<vmem>>, vector<16xi32>,
      %reduce_sum3A_1408 = arith.constant true
      %reduce_sum3A_1409 = vector.broadcast %reduce_sum3A_1408 : i1 to vector<16xi1>
      %reduce_sum3A_1410 = tpu.scan <sum>, %get3A_1407 masked %reduce_sum3A_1409 : vector<16xi32>, vector<16xi1> -> vector<16xi32>
      %reduce_sum3A_1411 = vector.extract %reduce_sum3A_1410[15] : i32 from vector<16xi32>
      %get3A_1412 = arith.constant 128 : index
      %get3A_1413 = tpu.vector_load %arg11[%get3A_1412] {strides = array<i32>} : memref<256xi32, #tpu.memory_space<vmem>>, vector<16xi32>,
      %reduce_sum3A_1414 = arith.constant true
      %reduce_sum3A_1415 = vector.broadcast %reduce_sum3A_1414 : i1 to vector<16xi1>
      %reduce_sum3A_1416 = tpu.scan <sum>, %get3A_1413 masked %reduce_sum3A_1415 : vector<16xi32>, vector<16xi1> -> vector<16xi32>
      %reduce_sum3A_1417 = vector.extract %reduce_sum3A_1416[15] : i32 from vector<16xi32>
      %get3A_1418 = arith.constant 144 : index
      %get3A_1419 = tpu.vector_load %arg11[%get3A_1418] {strides = array<i32>} : memref<256xi32, #tpu.memory_space<vmem>>, vector<16xi32>,
      %reduce_sum3A_1420 = arith.constant true
      %reduce_sum3A_1421 = vector.broadcast %reduce_sum3A_1420 : i1 to vector<16xi1>
      %reduce_sum3A_1422 = tpu.scan <sum>, %get3A_1419 masked %reduce_sum3A_1421 : vector<16xi32>, vector<16xi1> -> vector<16xi32>
      %reduce_sum3A_1423 = vector.extract %reduce_sum3A_1422[15] : i32 from vector<16xi32>
      %get3A_1424 = arith.constant 160 : index
      %get3A_1425 = tpu.vector_load %arg11[%get3A_1424] {strides = array<i32>} : memref<256xi32, #tpu.memory_space<vmem>>, vector<16xi32>,
      %reduce_sum3A_1426 = arith.constant true
      %reduce_sum3A_1427 = vector.broadcast %reduce_sum3A_1426 : i1 to vector<16xi1>
      %reduce_sum3A_1428 = tpu.scan <sum>, %get3A_1425 masked %reduce_sum3A_1427 : vector<16xi32>, vector<16xi1> -> vector<16xi32>
      %reduce_sum3A_1429 = vector.extract %reduce_sum3A_1428[15] : i32 from vector<16xi32>
      %get3A_1430 = arith.constant 176 : index
      %get3A_1431 = tpu.vector_load %arg11[%get3A_1430] {strides = array<i32>} : memref<256xi32, #tpu.memory_space<vmem>>, vector<16xi32>,
      %reduce_sum3A_1432 = arith.constant true
      %reduce_sum3A_1433 = vector.broadcast %reduce_sum3A_1432 : i1 to vector<16xi1>
      %reduce_sum3A_1434 = tpu.scan <sum>, %get3A_1431 masked %reduce_sum3A_1433 : vector<16xi32>, vector<16xi1> -> vector<16xi32>
      %reduce_sum3A_1435 = vector.extract %reduce_sum3A_1434[15] : i32 from vector<16xi32>
      %get3A_1436 = arith.constant 192 : index
      %get3A_1437 = tpu.vector_load %arg11[%get3A_1436] {strides = array<i32>} : memref<256xi32, #tpu.memory_space<vmem>>, vector<16xi32>,
      %reduce_sum3A_1438 = arith.constant true
      %reduce_sum3A_1439 = vector.broadcast %reduce_sum3A_1438 : i1 to vector<16xi1>
      %reduce_sum3A_1440 = tpu.scan <sum>, %get3A_1437 masked %reduce_sum3A_1439 : vector<16xi32>, vector<16xi1> -> vector<16xi32>
      %reduce_sum3A_1441 = vector.extract %reduce_sum3A_1440[15] : i32 from vector<16xi32>
      %get3A_1442 = arith.constant 208 : index
      %get3A_1443 = tpu.vector_load %arg11[%get3A_1442] {strides = array<i32>} : memref<256xi32, #tpu.memory_space<vmem>>, vector<16xi32>,
      %reduce_sum3A_1444 = arith.constant true
      %reduce_sum3A_1445 = vector.broadcast %reduce_sum3A_1444 : i1 to vector<16xi1>
      %reduce_sum3A_1446 = tpu.scan <sum>, %get3A_1443 masked %reduce_sum3A_1445 : vector<16xi32>, vector<16xi1> -> vector<16xi32>
      %reduce_sum3A_1447 = vector.extract %reduce_sum3A_1446[15] : i32 from vector<16xi32>
      %get3A_1448 = arith.constant 224 : index
      %get3A_1449 = tpu.vector_load %arg11[%get3A_1448] {strides = array<i32>} : memref<256xi32, #tpu.memory_space<vmem>>, vector<16xi32>,
      %reduce_sum3A_1450 = arith.constant true
      %reduce_sum3A_1451 = vector.broadcast %reduce_sum3A_1450 : i1 to vector<16xi1>
      %reduce_sum3A_1452 = tpu.scan <sum>, %get3A_1449 masked %reduce_sum3A_1451 : vector<16xi32>, vector<16xi1> -> vector<16xi32>
      %reduce_sum3A_1453 = vector.extract %reduce_sum3A_1452[15] : i32 from vector<16xi32>
      %get3A_1454 = arith.constant 240 : index
      %get3A_1455 = tpu.vector_load %arg11[%get3A_1454] {strides = array<i32>} : memref<256xi32, #tpu.memory_space<vmem>>, vector<16xi32>,
      %reduce_sum3A_1456 = arith.constant true
      %reduce_sum3A_1457 = vector.broadcast %reduce_sum3A_1456 : i1 to vector<16xi1>
      %reduce_sum3A_1458 = tpu.scan <sum>, %get3A_1455 masked %reduce_sum3A_1457 : vector<16xi32>, vector<16xi1> -> vector<16xi32>
      %reduce_sum3A_1459 = vector.extract %reduce_sum3A_1458[15] : i32 from vector<16xi32>
      %add3A_1460 = arith.constant 0 : i32
      %add3A_1461 = arith.addi %add3A_1460, %reduce_sum3A_1369 : i32
      %add3A_1462 = arith.addi %add3A_1461, %reduce_sum3A_1375 : i32
      %add3A_1463 = arith.addi %add3A_1462, %reduce_sum3A_1381 : i32
      %add3A_1464 = arith.addi %add3A_1463, %reduce_sum3A_1387 : i32
      %add3A_1465 = arith.addi %add3A_1464, %reduce_sum3A_1393 : i32
      %add3A_1466 = arith.addi %add3A_1465, %reduce_sum3A_1399 : i32
      %add3A_1467 = arith.addi %add3A_1466, %reduce_sum3A_1405 : i32
      %add3A_1468 = arith.addi %add3A_1467, %reduce_sum3A_1411 : i32
      %add3A_1469 = arith.addi %add3A_1468, %reduce_sum3A_1417 : i32
      %add3A_1470 = arith.addi %add3A_1469, %reduce_sum3A_1423 : i32
      %add3A_1471 = arith.addi %add3A_1470, %reduce_sum3A_1429 : i32
      %add3A_1472 = arith.addi %add3A_1471, %reduce_sum3A_1435 : i32
      %add3A_1473 = arith.addi %add3A_1472, %reduce_sum3A_1441 : i32
      %add3A_1474 = arith.addi %add3A_1473, %reduce_sum3A_1447 : i32
      %add3A_1475 = arith.addi %add3A_1474, %reduce_sum3A_1453 : i32
      %add3A_1476 = arith.addi %add3A_1475, %reduce_sum3A_1459 : i32
      %get3A_1477 = arith.constant 0 : index
      %get3A_1478 = tpu.vector_load %arg11[%get3A_1477] {strides = array<i32>} : memref<256xi32, #tpu.memory_space<vmem>>, vector<16xi32>,
      %broadcast_in_dim3A_1479 = arith.constant true
      %broadcast_in_dim3A_1480 = vector.broadcast %broadcast_in_dim3A_1479 : i1 to vector<16xi1>
      %masked_cumsum3A_1481 = tpu.scan <sum>, %get3A_1478 masked %broadcast_in_dim3A_1480 : vector<16xi32>, vector<16xi1> -> vector<16xi32>
      %add3A_1482 = arith.constant 0 : i32
      %add3A_1483 = vector.broadcast %add3A_1482 : i32 to vector<16xi32>
      %add3A_1484 = arith.addi %add3A_1483, %masked_cumsum3A_1481 : vector<16xi32>
      %sub3A_1485 = arith.subi %add3A_1484, %get3A_1478 : vector<16xi32>
      %swap3A_1486 = arith.constant 0 : index
      %swap3A_1487 = tpu.vector_load %arg11[%swap3A_1486] {strides = array<i32>} : memref<256xi32, #tpu.memory_space<vmem>>, vector<16xi32>,
      tpu.vector_store %arg11[%swap3A_1486], %sub3A_1485 {strides = array<i32>} : memref<256xi32, #tpu.memory_space<vmem>>, vector<16xi32>,
      %get3A_1488 = arith.constant 16 : index
      %get3A_1489 = tpu.vector_load %arg11[%get3A_1488] {strides = array<i32>} : memref<256xi32, #tpu.memory_space<vmem>>, vector<16xi32>,
      %broadcast_in_dim3A_1490 = arith.constant true
      %broadcast_in_dim3A_1491 = vector.broadcast %broadcast_in_dim3A_1490 : i1 to vector<16xi1>
      %masked_cumsum3A_1492 = tpu.scan <sum>, %get3A_1489 masked %broadcast_in_dim3A_1491 : vector<16xi32>, vector<16xi1> -> vector<16xi32>
      %add3A_1493 = vector.broadcast %add3A_1461 : i32 to vector<16xi32>
      %add3A_1494 = arith.addi %add3A_1493, %masked_cumsum3A_1492 : vector<16xi32>
      %sub3A_1495 = arith.subi %add3A_1494, %get3A_1489 : vector<16xi32>
      %swap3A_1496 = arith.constant 16 : index
      %swap3A_1497 = tpu.vector_load %arg11[%swap3A_1496] {strides = array<i32>} : memref<256xi32, #tpu.memory_space<vmem>>, vector<16xi32>,
      tpu.vector_store %arg11[%swap3A_1496], %sub3A_1495 {strides = array<i32>} : memref<256xi32, #tpu.memory_space<vmem>>, vector<16xi32>,
      %get3A_1498 = arith.constant 32 : index
      %get3A_1499 = tpu.vector_load %arg11[%get3A_1498] {strides = array<i32>} : memref<256xi32, #tpu.memory_space<vmem>>, vector<16xi32>,
      %broadcast_in_dim3A_1500 = arith.constant true
      %broadcast_in_dim3A_1501 = vector.broadcast %broadcast_in_dim3A_1500 : i1 to vector<16xi1>
      %masked_cumsum3A_1502 = tpu.scan <sum>, %get3A_1499 masked %broadcast_in_dim3A_1501 : vector<16xi32>, vector<16xi1> -> vector<16xi32>
      %add3A_1503 = vector.broadcast %add3A_1462 : i32 to vector<16xi32>
      %add3A_1504 = arith.addi %add3A_1503, %masked_cumsum3A_1502 : vector<16xi32>
      %sub3A_1505 = arith.subi %add3A_1504, %get3A_1499 : vector<16xi32>
      %swap3A_1506 = arith.constant 32 : index
      %swap3A_1507 = tpu.vector_load %arg11[%swap3A_1506] {strides = array<i32>} : memref<256xi32, #tpu.memory_space<vmem>>, vector<16xi32>,
      tpu.vector_store %arg11[%swap3A_1506], %sub3A_1505 {strides = array<i32>} : memref<256xi32, #tpu.memory_space<vmem>>, vector<16xi32>,
      %get3A_1508 = arith.constant 48 : index
      %get3A_1509 = tpu.vector_load %arg11[%get3A_1508] {strides = array<i32>} : memref<256xi32, #tpu.memory_space<vmem>>, vector<16xi32>,
      %broadcast_in_dim3A_1510 = arith.constant true
      %broadcast_in_dim3A_1511 = vector.broadcast %broadcast_in_dim3A_1510 : i1 to vector<16xi1>
      %masked_cumsum3A_1512 = tpu.scan <sum>, %get3A_1509 masked %broadcast_in_dim3A_1511 : vector<16xi32>, vector<16xi1> -> vector<16xi32>
      %add3A_1513 = vector.broadcast %add3A_1463 : i32 to vector<16xi32>
      %add3A_1514 = arith.addi %add3A_1513, %masked_cumsum3A_1512 : vector<16xi32>
      %sub3A_1515 = arith.subi %add3A_1514, %get3A_1509 : vector<16xi32>
      %swap3A_1516 = arith.constant 48 : index
      %swap3A_1517 = tpu.vector_load %arg11[%swap3A_1516] {strides = array<i32>} : memref<256xi32, #tpu.memory_space<vmem>>, vector<16xi32>,
      tpu.vector_store %arg11[%swap3A_1516], %sub3A_1515 {strides = array<i32>} : memref<256xi32, #tpu.memory_space<vmem>>, vector<16xi32>,
      %get3A_1518 = arith.constant 64 : index
      %get3A_1519 = tpu.vector_load %arg11[%get3A_1518] {strides = array<i32>} : memref<256xi32, #tpu.memory_space<vmem>>, vector<16xi32>,
      %broadcast_in_dim3A_1520 = arith.constant true
      %broadcast_in_dim3A_1521 = vector.broadcast %broadcast_in_dim3A_1520 : i1 to vector<16xi1>
      %masked_cumsum3A_1522 = tpu.scan <sum>, %get3A_1519 masked %broadcast_in_dim3A_1521 : vector<16xi32>, vector<16xi1> -> vector<16xi32>
      %add3A_1523 = vector.broadcast %add3A_1464 : i32 to vector<16xi32>
      %add3A_1524 = arith.addi %add3A_1523, %masked_cumsum3A_1522 : vector<16xi32>
      %sub3A_1525 = arith.subi %add3A_1524, %get3A_1519 : vector<16xi32>
      %swap3A_1526 = arith.constant 64 : index
      %swap3A_1527 = tpu.vector_load %arg11[%swap3A_1526] {strides = array<i32>} : memref<256xi32, #tpu.memory_space<vmem>>, vector<16xi32>,
      tpu.vector_store %arg11[%swap3A_1526], %sub3A_1525 {strides = array<i32>} : memref<256xi32, #tpu.memory_space<vmem>>, vector<16xi32>,
      %get3A_1528 = arith.constant 80 : index
      %get3A_1529 = tpu.vector_load %arg11[%get3A_1528] {strides = array<i32>} : memref<256xi32, #tpu.memory_space<vmem>>, vector<16xi32>,
      %broadcast_in_dim3A_1530 = arith.constant true
      %broadcast_in_dim3A_1531 = vector.broadcast %broadcast_in_dim3A_1530 : i1 to vector<16xi1>
      %masked_cumsum3A_1532 = tpu.scan <sum>, %get3A_1529 masked %broadcast_in_dim3A_1531 : vector<16xi32>, vector<16xi1> -> vector<16xi32>
      %add3A_1533 = vector.broadcast %add3A_1465 : i32 to vector<16xi32>
      %add3A_1534 = arith.addi %add3A_1533, %masked_cumsum3A_1532 : vector<16xi32>
      %sub3A_1535 = arith.subi %add3A_1534, %get3A_1529 : vector<16xi32>
      %swap3A_1536 = arith.constant 80 : index
      %swap3A_1537 = tpu.vector_load %arg11[%swap3A_1536] {strides = array<i32>} : memref<256xi32, #tpu.memory_space<vmem>>, vector<16xi32>,
      tpu.vector_store %arg11[%swap3A_1536], %sub3A_1535 {strides = array<i32>} : memref<256xi32, #tpu.memory_space<vmem>>, vector<16xi32>,
      %get3A_1538 = arith.constant 96 : index
      %get3A_1539 = tpu.vector_load %arg11[%get3A_1538] {strides = array<i32>} : memref<256xi32, #tpu.memory_space<vmem>>, vector<16xi32>,
      %broadcast_in_dim3A_1540 = arith.constant true
      %broadcast_in_dim3A_1541 = vector.broadcast %broadcast_in_dim3A_1540 : i1 to vector<16xi1>
      %masked_cumsum3A_1542 = tpu.scan <sum>, %get3A_1539 masked %broadcast_in_dim3A_1541 : vector<16xi32>, vector<16xi1> -> vector<16xi32>
      %add3A_1543 = vector.broadcast %add3A_1466 : i32 to vector<16xi32>
      %add3A_1544 = arith.addi %add3A_1543, %masked_cumsum3A_1542 : vector<16xi32>
      %sub3A_1545 = arith.subi %add3A_1544, %get3A_1539 : vector<16xi32>
      %swap3A_1546 = arith.constant 96 : index
      %swap3A_1547 = tpu.vector_load %arg11[%swap3A_1546] {strides = array<i32>} : memref<256xi32, #tpu.memory_space<vmem>>, vector<16xi32>,
      tpu.vector_store %arg11[%swap3A_1546], %sub3A_1545 {strides = array<i32>} : memref<256xi32, #tpu.memory_space<vmem>>, vector<16xi32>,
      %get3A_1548 = arith.constant 112 : index
      %get3A_1549 = tpu.vector_load %arg11[%get3A_1548] {strides = array<i32>} : memref<256xi32, #tpu.memory_space<vmem>>, vector<16xi32>,
      %broadcast_in_dim3A_1550 = arith.constant true
      %broadcast_in_dim3A_1551 = vector.broadcast %broadcast_in_dim3A_1550 : i1 to vector<16xi1>
      %masked_cumsum3A_1552 = tpu.scan <sum>, %get3A_1549 masked %broadcast_in_dim3A_1551 : vector<16xi32>, vector<16xi1> -> vector<16xi32>
      %add3A_1553 = vector.broadcast %add3A_1467 : i32 to vector<16xi32>
      %add3A_1554 = arith.addi %add3A_1553, %masked_cumsum3A_1552 : vector<16xi32>
      %sub3A_1555 = arith.subi %add3A_1554, %get3A_1549 : vector<16xi32>
      %swap3A_1556 = arith.constant 112 : index
      %swap3A_1557 = tpu.vector_load %arg11[%swap3A_1556] {strides = array<i32>} : memref<256xi32, #tpu.memory_space<vmem>>, vector<16xi32>,
      tpu.vector_store %arg11[%swap3A_1556], %sub3A_1555 {strides = array<i32>} : memref<256xi32, #tpu.memory_space<vmem>>, vector<16xi32>,
      %get3A_1558 = arith.constant 128 : index
      %get3A_1559 = tpu.vector_load %arg11[%get3A_1558] {strides = array<i32>} : memref<256xi32, #tpu.memory_space<vmem>>, vector<16xi32>,
      %broadcast_in_dim3A_1560 = arith.constant true
      %broadcast_in_dim3A_1561 = vector.broadcast %broadcast_in_dim3A_1560 : i1 to vector<16xi1>
      %masked_cumsum3A_1562 = tpu.scan <sum>, %get3A_1559 masked %broadcast_in_dim3A_1561 : vector<16xi32>, vector<16xi1> -> vector<16xi32>
      %add3A_1563 = vector.broadcast %add3A_1468 : i32 to vector<16xi32>
      %add3A_1564 = arith.addi %add3A_1563, %masked_cumsum3A_1562 : vector<16xi32>
      %sub3A_1565 = arith.subi %add3A_1564, %get3A_1559 : vector<16xi32>
      %swap3A_1566 = arith.constant 128 : index
      %swap3A_1567 = tpu.vector_load %arg11[%swap3A_1566] {strides = array<i32>} : memref<256xi32, #tpu.memory_space<vmem>>, vector<16xi32>,
      tpu.vector_store %arg11[%swap3A_1566], %sub3A_1565 {strides = array<i32>} : memref<256xi32, #tpu.memory_space<vmem>>, vector<16xi32>,
      %get3A_1568 = arith.constant 144 : index
      %get3A_1569 = tpu.vector_load %arg11[%get3A_1568] {strides = array<i32>} : memref<256xi32, #tpu.memory_space<vmem>>, vector<16xi32>,
      %broadcast_in_dim3A_1570 = arith.constant true
      %broadcast_in_dim3A_1571 = vector.broadcast %broadcast_in_dim3A_1570 : i1 to vector<16xi1>
      %masked_cumsum3A_1572 = tpu.scan <sum>, %get3A_1569 masked %broadcast_in_dim3A_1571 : vector<16xi32>, vector<16xi1> -> vector<16xi32>
      %add3A_1573 = vector.broadcast %add3A_1469 : i32 to vector<16xi32>
      %add3A_1574 = arith.addi %add3A_1573, %masked_cumsum3A_1572 : vector<16xi32>
      %sub3A_1575 = arith.subi %add3A_1574, %get3A_1569 : vector<16xi32>
      %swap3A_1576 = arith.constant 144 : index
      %swap3A_1577 = tpu.vector_load %arg11[%swap3A_1576] {strides = array<i32>} : memref<256xi32, #tpu.memory_space<vmem>>, vector<16xi32>,
      tpu.vector_store %arg11[%swap3A_1576], %sub3A_1575 {strides = array<i32>} : memref<256xi32, #tpu.memory_space<vmem>>, vector<16xi32>,
      %get3A_1578 = arith.constant 160 : index
      %get3A_1579 = tpu.vector_load %arg11[%get3A_1578] {strides = array<i32>} : memref<256xi32, #tpu.memory_space<vmem>>, vector<16xi32>,
      %broadcast_in_dim3A_1580 = arith.constant true
      %broadcast_in_dim3A_1581 = vector.broadcast %broadcast_in_dim3A_1580 : i1 to vector<16xi1>
      %masked_cumsum3A_1582 = tpu.scan <sum>, %get3A_1579 masked %broadcast_in_dim3A_1581 : vector<16xi32>, vector<16xi1> -> vector<16xi32>
      %add3A_1583 = vector.broadcast %add3A_1470 : i32 to vector<16xi32>
      %add3A_1584 = arith.addi %add3A_1583, %masked_cumsum3A_1582 : vector<16xi32>
      %sub3A_1585 = arith.subi %add3A_1584, %get3A_1579 : vector<16xi32>
      %swap3A_1586 = arith.constant 160 : index
      %swap3A_1587 = tpu.vector_load %arg11[%swap3A_1586] {strides = array<i32>} : memref<256xi32, #tpu.memory_space<vmem>>, vector<16xi32>,
      tpu.vector_store %arg11[%swap3A_1586], %sub3A_1585 {strides = array<i32>} : memref<256xi32, #tpu.memory_space<vmem>>, vector<16xi32>,
      %get3A_1588 = arith.constant 176 : index
      %get3A_1589 = tpu.vector_load %arg11[%get3A_1588] {strides = array<i32>} : memref<256xi32, #tpu.memory_space<vmem>>, vector<16xi32>,
      %broadcast_in_dim3A_1590 = arith.constant true
      %broadcast_in_dim3A_1591 = vector.broadcast %broadcast_in_dim3A_1590 : i1 to vector<16xi1>
      %masked_cumsum3A_1592 = tpu.scan <sum>, %get3A_1589 masked %broadcast_in_dim3A_1591 : vector<16xi32>, vector<16xi1> -> vector<16xi32>
      %add3A_1593 = vector.broadcast %add3A_1471 : i32 to vector<16xi32>
      %add3A_1594 = arith.addi %add3A_1593, %masked_cumsum3A_1592 : vector<16xi32>
      %sub3A_1595 = arith.subi %add3A_1594, %get3A_1589 : vector<16xi32>
      %swap3A_1596 = arith.constant 176 : index
      %swap3A_1597 = tpu.vector_load %arg11[%swap3A_1596] {strides = array<i32>} : memref<256xi32, #tpu.memory_space<vmem>>, vector<16xi32>,
      tpu.vector_store %arg11[%swap3A_1596], %sub3A_1595 {strides = array<i32>} : memref<256xi32, #tpu.memory_space<vmem>>, vector<16xi32>,
      %get3A_1598 = arith.constant 192 : index
      %get3A_1599 = tpu.vector_load %arg11[%get3A_1598] {strides = array<i32>} : memref<256xi32, #tpu.memory_space<vmem>>, vector<16xi32>,
      %broadcast_in_dim3A_1600 = arith.constant true
      %broadcast_in_dim3A_1601 = vector.broadcast %broadcast_in_dim3A_1600 : i1 to vector<16xi1>
      %masked_cumsum3A_1602 = tpu.scan <sum>, %get3A_1599 masked %broadcast_in_dim3A_1601 : vector<16xi32>, vector<16xi1> -> vector<16xi32>
      %add3A_1603 = vector.broadcast %add3A_1472 : i32 to vector<16xi32>
      %add3A_1604 = arith.addi %add3A_1603, %masked_cumsum3A_1602 : vector<16xi32>
      %sub3A_1605 = arith.subi %add3A_1604, %get3A_1599 : vector<16xi32>
      %swap3A_1606 = arith.constant 192 : index
      %swap3A_1607 = tpu.vector_load %arg11[%swap3A_1606] {strides = array<i32>} : memref<256xi32, #tpu.memory_space<vmem>>, vector<16xi32>,
      tpu.vector_store %arg11[%swap3A_1606], %sub3A_1605 {strides = array<i32>} : memref<256xi32, #tpu.memory_space<vmem>>, vector<16xi32>,
      %get3A_1608 = arith.constant 208 : index
      %get3A_1609 = tpu.vector_load %arg11[%get3A_1608] {strides = array<i32>} : memref<256xi32, #tpu.memory_space<vmem>>, vector<16xi32>,
      %broadcast_in_dim3A_1610 = arith.constant true
      %broadcast_in_dim3A_1611 = vector.broadcast %broadcast_in_dim3A_1610 : i1 to vector<16xi1>
      %masked_cumsum3A_1612 = tpu.scan <sum>, %get3A_1609 masked %broadcast_in_dim3A_1611 : vector<16xi32>, vector<16xi1> -> vector<16xi32>
      %add3A_1613 = vector.broadcast %add3A_1473 : i32 to vector<16xi32>
      %add3A_1614 = arith.addi %add3A_1613, %masked_cumsum3A_1612 : vector<16xi32>
      %sub3A_1615 = arith.subi %add3A_1614, %get3A_1609 : vector<16xi32>
      %swap3A_1616 = arith.constant 208 : index
      %swap3A_1617 = tpu.vector_load %arg11[%swap3A_1616] {strides = array<i32>} : memref<256xi32, #tpu.memory_space<vmem>>, vector<16xi32>,
      tpu.vector_store %arg11[%swap3A_1616], %sub3A_1615 {strides = array<i32>} : memref<256xi32, #tpu.memory_space<vmem>>, vector<16xi32>,
      %get3A_1618 = arith.constant 224 : index
      %get3A_1619 = tpu.vector_load %arg11[%get3A_1618] {strides = array<i32>} : memref<256xi32, #tpu.memory_space<vmem>>, vector<16xi32>,
      %broadcast_in_dim3A_1620 = arith.constant true
      %broadcast_in_dim3A_1621 = vector.broadcast %broadcast_in_dim3A_1620 : i1 to vector<16xi1>
      %masked_cumsum3A_1622 = tpu.scan <sum>, %get3A_1619 masked %broadcast_in_dim3A_1621 : vector<16xi32>, vector<16xi1> -> vector<16xi32>
      %add3A_1623 = vector.broadcast %add3A_1474 : i32 to vector<16xi32>
      %add3A_1624 = arith.addi %add3A_1623, %masked_cumsum3A_1622 : vector<16xi32>
      %sub3A_1625 = arith.subi %add3A_1624, %get3A_1619 : vector<16xi32>
      %swap3A_1626 = arith.constant 224 : index
      %swap3A_1627 = tpu.vector_load %arg11[%swap3A_1626] {strides = array<i32>} : memref<256xi32, #tpu.memory_space<vmem>>, vector<16xi32>,
      tpu.vector_store %arg11[%swap3A_1626], %sub3A_1625 {strides = array<i32>} : memref<256xi32, #tpu.memory_space<vmem>>, vector<16xi32>,
      %get3A_1628 = arith.constant 240 : index
      %get3A_1629 = tpu.vector_load %arg11[%get3A_1628] {strides = array<i32>} : memref<256xi32, #tpu.memory_space<vmem>>, vector<16xi32>,
      %broadcast_in_dim3A_1630 = arith.constant true
      %broadcast_in_dim3A_1631 = vector.broadcast %broadcast_in_dim3A_1630 : i1 to vector<16xi1>
      %masked_cumsum3A_1632 = tpu.scan <sum>, %get3A_1629 masked %broadcast_in_dim3A_1631 : vector<16xi32>, vector<16xi1> -> vector<16xi32>
      %add3A_1633 = vector.broadcast %add3A_1475 : i32 to vector<16xi32>
      %add3A_1634 = arith.addi %add3A_1633, %masked_cumsum3A_1632 : vector<16xi32>
      %sub3A_1635 = arith.subi %add3A_1634, %get3A_1629 : vector<16xi32>
      %swap3A_1636 = arith.constant 240 : index
      %swap3A_1637 = tpu.vector_load %arg11[%swap3A_1636] {strides = array<i32>} : memref<256xi32, #tpu.memory_space<vmem>>, vector<16xi32>,
      tpu.vector_store %arg11[%swap3A_1636], %sub3A_1635 {strides = array<i32>} : memref<256xi32, #tpu.memory_space<vmem>>, vector<16xi32>,
      %while3A = arith.constant 0 : i32
      %while3A_1638 = arith.constant 0 : i32
      %while3A_1639 = arith.subi %shift_right_logical3A_1331, %while3A : i32
      %while3A_1640 = arith.addi %while3A, %while3A_1639 : i32
      %while3A_1641 = arith.constant 1 : i32
      %while3A_1642 = arith.divsi %while3A_1639, %while3A_1641 : i32
      %while3A_1643 = arith.muli %while3A_1642, %while3A_1641 : i32
      %while3A_1644 = arith.addi %while3A, %while3A_1643 : i32
      %while3A_1645 = arith.constant 1 : i32
      %while3A_1646 = scf.for %while3A_2628 = %while3A to %while3A_1644 step %while3A_1645 iter_args(%while3A_2629 = %while3A_1638) -> (i32)  : i32 {
        %mul3A_2630 = arith.constant 16 : i32
        %mul3A_2631 = arith.muli %while3A_2628, %mul3A_2630 : i32
        %get3A_2632 = arith.index_cast %mul3A_2631 : i32 to index
        %get3A_2633 = tpu.vector_load %arg7[%get3A_2632] {strides = array<i32>} : memref<2048xi32, #tpu.memory_space<vmem>>, vector<16xi32>,
        %mul3A_2634 = arith.constant 16 : i32
        %mul3A_2635 = arith.muli %while3A_2628, %mul3A_2634 : i32
        %get3A_2636 = arith.index_cast %mul3A_2635 : i32 to index
        %get3A_2637 = tpu.vector_load %arg8[%get3A_2636] {strides = array<i32>} : memref<2048xi32, #tpu.memory_space<vmem>>, vector<16xi32>,
        %shift_right_logical3A_2638 = arith.constant 0 : i32
        %shift_right_logical3A_2639 = vector.broadcast %shift_right_logical3A_2638 : i32 to vector<16xi32>
        %shift_right_logical3A_2640 = arith.shrui %get3A_2633, %shift_right_logical3A_2639 : vector<16xi32>
        %and3A_2641 = arith.constant 255 : i32
        %and3A_2642 = vector.broadcast %and3A_2641 : i32 to vector<16xi32>
        %and3A_2643 = arith.andi %shift_right_logical3A_2640, %and3A_2642 : vector<16xi32>
        %mul3A_2644 = arith.constant 16 : i32
        %mul3A_2645 = arith.muli %while3A_2628, %mul3A_2644 : i32
        %get3A_2646 = arith.index_cast %mul3A_2645 : i32 to index
        %get3A_2647 = tpu.vector_load %arg12[%get3A_2646] {strides = array<i32>} : memref<2048xi32, #tpu.memory_space<vmem>>, vector<16xi32>,
        %and3A_2648 = arith.constant 255 : i32
        %and3A_2649 = vector.broadcast %and3A_2648 : i32 to vector<16xi32>
        %and3A_2650 = arith.andi %get3A_2647, %and3A_2649 : vector<16xi32>
        %ge3A_2651 = arith.constant 256 : i32
        %ge3A_2652 = vector.broadcast %ge3A_2651 : i32 to vector<16xi32>
        %ge3A_2653 = arith.cmpi sge, %get3A_2647, %ge3A_2652 : vector<16xi32>
        %gather3A_2654 = tpu.vector_load_idx %arg11[%and3A_2643] : memref<256xi32, #tpu.memory_space<vmem>>[vector<16xi32>], vector<16xi32>,
        %add3A_2655 = arith.addi %gather3A_2654, %and3A_2650 : vector<16xi32>
        %sub3A_2656 = arith.constant 1 : i32
        %sub3A_2657 = vector.broadcast %sub3A_2656 : i32 to vector<16xi32>
        %sub3A_2658 = arith.subi %add3A_2655, %sub3A_2657 : vector<16xi32>
        tpu.vector_store_idx %arg9[%sub3A_2658], %get3A_2633 : memref<2048xi32, #tpu.memory_space<vmem>>[vector<16xi32>], vector<16xi32>,
        tpu.vector_store_idx %arg10[%sub3A_2658], %get3A_2637 : memref<2048xi32, #tpu.memory_space<vmem>>[vector<16xi32>], vector<16xi32>,
        tpu.vector_store_idx %arg11[%and3A_2643], %and3A_2650 masked %ge3A_2653 {add = true} : memref<256xi32, #tpu.memory_space<vmem>>[vector<16xi32>], vector<16xi32>, vector<16xi1>
        %while3A_2659 = arith.constant 0 : i32
        scf.yield %while3A_2659 : i32
      }
      %while3A_1647 = arith.constant 1 : i32
      %while3A_1648 = scf.for %while3A_2628 = %while3A_1644 to %while3A_1640 step %while3A_1647 iter_args(%while3A_2629 = %while3A_1646) -> (i32)  : i32 {
        %mul3A_2630 = arith.constant 16 : i32
        %mul3A_2631 = arith.muli %while3A_2628, %mul3A_2630 : i32
        %get3A_2632 = arith.index_cast %mul3A_2631 : i32 to index
        %get3A_2633 = tpu.vector_load %arg7[%get3A_2632] {strides = array<i32>} : memref<2048xi32, #tpu.memory_space<vmem>>, vector<16xi32>,
        %mul3A_2634 = arith.constant 16 : i32
        %mul3A_2635 = arith.muli %while3A_2628, %mul3A_2634 : i32
        %get3A_2636 = arith.index_cast %mul3A_2635 : i32 to index
        %get3A_2637 = tpu.vector_load %arg8[%get3A_2636] {strides = array<i32>} : memref<2048xi32, #tpu.memory_space<vmem>>, vector<16xi32>,
        %shift_right_logical3A_2638 = arith.constant 0 : i32
        %shift_right_logical3A_2639 = vector.broadcast %shift_right_logical3A_2638 : i32 to vector<16xi32>
        %shift_right_logical3A_2640 = arith.shrui %get3A_2633, %shift_right_logical3A_2639 : vector<16xi32>
        %and3A_2641 = arith.constant 255 : i32
        %and3A_2642 = vector.broadcast %and3A_2641 : i32 to vector<16xi32>
        %and3A_2643 = arith.andi %shift_right_logical3A_2640, %and3A_2642 : vector<16xi32>
        %mul3A_2644 = arith.constant 16 : i32
        %mul3A_2645 = arith.muli %while3A_2628, %mul3A_2644 : i32
        %get3A_2646 = arith.index_cast %mul3A_2645 : i32 to index
        %get3A_2647 = tpu.vector_load %arg12[%get3A_2646] {strides = array<i32>} : memref<2048xi32, #tpu.memory_space<vmem>>, vector<16xi32>,
        %and3A_2648 = arith.constant 255 : i32
        %and3A_2649 = vector.broadcast %and3A_2648 : i32 to vector<16xi32>
        %and3A_2650 = arith.andi %get3A_2647, %and3A_2649 : vector<16xi32>
        %ge3A_2651 = arith.constant 256 : i32
        %ge3A_2652 = vector.broadcast %ge3A_2651 : i32 to vector<16xi32>
        %ge3A_2653 = arith.cmpi sge, %get3A_2647, %ge3A_2652 : vector<16xi32>
        %gather3A_2654 = tpu.vector_load_idx %arg11[%and3A_2643] : memref<256xi32, #tpu.memory_space<vmem>>[vector<16xi32>], vector<16xi32>,
        %add3A_2655 = arith.addi %gather3A_2654, %and3A_2650 : vector<16xi32>
        %sub3A_2656 = arith.constant 1 : i32
        %sub3A_2657 = vector.broadcast %sub3A_2656 : i32 to vector<16xi32>
        %sub3A_2658 = arith.subi %add3A_2655, %sub3A_2657 : vector<16xi32>
        tpu.vector_store_idx %arg9[%sub3A_2658], %get3A_2633 : memref<2048xi32, #tpu.memory_space<vmem>>[vector<16xi32>], vector<16xi32>,
        tpu.vector_store_idx %arg10[%sub3A_2658], %get3A_2637 : memref<2048xi32, #tpu.memory_space<vmem>>[vector<16xi32>], vector<16xi32>,
        tpu.vector_store_idx %arg11[%and3A_2643], %and3A_2650 masked %ge3A_2653 {add = true} : memref<256xi32, #tpu.memory_space<vmem>>[vector<16xi32>], vector<16xi32>, vector<16xi1>
        %while3A_2659 = arith.constant 0 : i32
        scf.yield %while3A_2659 : i32
      }
      %swap3A_1649 = arith.constant 0 : index
      %swap3A_1650 = tpu.vector_load %arg11[%swap3A_1649] {strides = array<i32>} : memref<256xi32, #tpu.memory_space<vmem>>, vector<16xi32>,
      tpu.vector_store %arg11[%swap3A_1649], %broadcast_in_dim3A_7 {strides = array<i32>} : memref<256xi32, #tpu.memory_space<vmem>>, vector<16xi32>,
      %swap3A_1651 = arith.constant 16 : index
      %swap3A_1652 = tpu.vector_load %arg11[%swap3A_1651] {strides = array<i32>} : memref<256xi32, #tpu.memory_space<vmem>>, vector<16xi32>,
      tpu.vector_store %arg11[%swap3A_1651], %broadcast_in_dim3A_7 {strides = array<i32>} : memref<256xi32, #tpu.memory_space<vmem>>, vector<16xi32>,
      %swap3A_1653 = arith.constant 32 : index
      %swap3A_1654 = tpu.vector_load %arg11[%swap3A_1653] {strides = array<i32>} : memref<256xi32, #tpu.memory_space<vmem>>, vector<16xi32>,
      tpu.vector_store %arg11[%swap3A_1653], %broadcast_in_dim3A_7 {strides = array<i32>} : memref<256xi32, #tpu.memory_space<vmem>>, vector<16xi32>,
      %swap3A_1655 = arith.constant 48 : index
      %swap3A_1656 = tpu.vector_load %arg11[%swap3A_1655] {strides = array<i32>} : memref<256xi32, #tpu.memory_space<vmem>>, vector<16xi32>,
      tpu.vector_store %arg11[%swap3A_1655], %broadcast_in_dim3A_7 {strides = array<i32>} : memref<256xi32, #tpu.memory_space<vmem>>, vector<16xi32>,
      %swap3A_1657 = arith.constant 64 : index
      %swap3A_1658 = tpu.vector_load %arg11[%swap3A_1657] {strides = array<i32>} : memref<256xi32, #tpu.memory_space<vmem>>, vector<16xi32>,
      tpu.vector_store %arg11[%swap3A_1657], %broadcast_in_dim3A_7 {strides = array<i32>} : memref<256xi32, #tpu.memory_space<vmem>>, vector<16xi32>,
      %swap3A_1659 = arith.constant 80 : index
      %swap3A_1660 = tpu.vector_load %arg11[%swap3A_1659] {strides = array<i32>} : memref<256xi32, #tpu.memory_space<vmem>>, vector<16xi32>,
      tpu.vector_store %arg11[%swap3A_1659], %broadcast_in_dim3A_7 {strides = array<i32>} : memref<256xi32, #tpu.memory_space<vmem>>, vector<16xi32>,
      %swap3A_1661 = arith.constant 96 : index
      %swap3A_1662 = tpu.vector_load %arg11[%swap3A_1661] {strides = array<i32>} : memref<256xi32, #tpu.memory_space<vmem>>, vector<16xi32>,
      tpu.vector_store %arg11[%swap3A_1661], %broadcast_in_dim3A_7 {strides = array<i32>} : memref<256xi32, #tpu.memory_space<vmem>>, vector<16xi32>,
      %swap3A_1663 = arith.constant 112 : index
      %swap3A_1664 = tpu.vector_load %arg11[%swap3A_1663] {strides = array<i32>} : memref<256xi32, #tpu.memory_space<vmem>>, vector<16xi32>,
      tpu.vector_store %arg11[%swap3A_1663], %broadcast_in_dim3A_7 {strides = array<i32>} : memref<256xi32, #tpu.memory_space<vmem>>, vector<16xi32>,
      %swap3A_1665 = arith.constant 128 : index
      %swap3A_1666 = tpu.vector_load %arg11[%swap3A_1665] {strides = array<i32>} : memref<256xi32, #tpu.memory_space<vmem>>, vector<16xi32>,
      tpu.vector_store %arg11[%swap3A_1665], %broadcast_in_dim3A_7 {strides = array<i32>} : memref<256xi32, #tpu.memory_space<vmem>>, vector<16xi32>,
      %swap3A_1667 = arith.constant 144 : index
      %swap3A_1668 = tpu.vector_load %arg11[%swap3A_1667] {strides = array<i32>} : memref<256xi32, #tpu.memory_space<vmem>>, vector<16xi32>,
      tpu.vector_store %arg11[%swap3A_1667], %broadcast_in_dim3A_7 {strides = array<i32>} : memref<256xi32, #tpu.memory_space<vmem>>, vector<16xi32>,
      %swap3A_1669 = arith.constant 160 : index
      %swap3A_1670 = tpu.vector_load %arg11[%swap3A_1669] {strides = array<i32>} : memref<256xi32, #tpu.memory_space<vmem>>, vector<16xi32>,
      tpu.vector_store %arg11[%swap3A_1669], %broadcast_in_dim3A_7 {strides = array<i32>} : memref<256xi32, #tpu.memory_space<vmem>>, vector<16xi32>,
      %swap3A_1671 = arith.constant 176 : index
      %swap3A_1672 = tpu.vector_load %arg11[%swap3A_1671] {strides = array<i32>} : memref<256xi32, #tpu.memory_space<vmem>>, vector<16xi32>,
      tpu.vector_store %arg11[%swap3A_1671], %broadcast_in_dim3A_7 {strides = array<i32>} : memref<256xi32, #tpu.memory_space<vmem>>, vector<16xi32>,
      %swap3A_1673 = arith.constant 192 : index
      %swap3A_1674 = tpu.vector_load %arg11[%swap3A_1673] {strides = array<i32>} : memref<256xi32, #tpu.memory_space<vmem>>, vector<16xi32>,
      tpu.vector_store %arg11[%swap3A_1673], %broadcast_in_dim3A_7 {strides = array<i32>} : memref<256xi32, #tpu.memory_space<vmem>>, vector<16xi32>,
      %swap3A_1675 = arith.constant 208 : index
      %swap3A_1676 = tpu.vector_load %arg11[%swap3A_1675] {strides = array<i32>} : memref<256xi32, #tpu.memory_space<vmem>>, vector<16xi32>,
      tpu.vector_store %arg11[%swap3A_1675], %broadcast_in_dim3A_7 {strides = array<i32>} : memref<256xi32, #tpu.memory_space<vmem>>, vector<16xi32>,
      %swap3A_1677 = arith.constant 224 : index
      %swap3A_1678 = tpu.vector_load %arg11[%swap3A_1677] {strides = array<i32>} : memref<256xi32, #tpu.memory_space<vmem>>, vector<16xi32>,
      tpu.vector_store %arg11[%swap3A_1677], %broadcast_in_dim3A_7 {strides = array<i32>} : memref<256xi32, #tpu.memory_space<vmem>>, vector<16xi32>,
      %swap3A_1679 = arith.constant 240 : index
      %swap3A_1680 = tpu.vector_load %arg11[%swap3A_1679] {strides = array<i32>} : memref<256xi32, #tpu.memory_space<vmem>>, vector<16xi32>,
      tpu.vector_store %arg11[%swap3A_1679], %broadcast_in_dim3A_7 {strides = array<i32>} : memref<256xi32, #tpu.memory_space<vmem>>, vector<16xi32>,
      %parallel_loop3A_1681 = arith.constant 0 : i32
      %parallel_loop3A_1682 = arith.constant 1 : i32
      scf.for %parallel_loop3A_2628 = %parallel_loop3A_1681 to %shift_right_logical3A_1331 step %parallel_loop3A_1682  : i32 {
        %parallel_loop3A_2629 = arith.constant 16 : i32
        %parallel_loop3A_2630 = arith.muli %parallel_loop3A_2628, %parallel_loop3A_2629 : i32
        %parallel_loop3A_2631 = arith.index_cast %parallel_loop3A_2630 : i32 to index
        %parallel_loop3A_2632 = tpu.vector_load %arg9[%parallel_loop3A_2631] {strides = array<i32>} : memref<2048xi32, #tpu.memory_space<vmem>>, vector<16xi32>,
        %parallel_loop3A_2633 = arith.constant 8 : i32
        %parallel_loop3A_2634 = vector.broadcast %parallel_loop3A_2633 : i32 to vector<16xi32>
        %parallel_loop3A_2635 = arith.shrui %parallel_loop3A_2632, %parallel_loop3A_2634 : vector<16xi32>
        %parallel_loop3A_2636 = arith.constant 255 : i32
        %parallel_loop3A_2637 = vector.broadcast %parallel_loop3A_2636 : i32 to vector<16xi32>
        %parallel_loop3A_2638 = arith.andi %parallel_loop3A_2635, %parallel_loop3A_2637 : vector<16xi32>
        %parallel_loop3A_2639 = arith.constant true
        %parallel_loop3A_2640 = vector.broadcast %parallel_loop3A_2639 : i1 to vector<16xi1>
        %parallel_loop3A_2641, %parallel_loop3A_2642 = tpu.scan_count mask(%parallel_loop3A_2640 : vector<16xi1>) value(%parallel_loop3A_2638 : vector<16xi32>) : vector<16xi1>, vector<16xi32>
        tpu.vector_store_idx %arg11[%parallel_loop3A_2638], %parallel_loop3A_2642 masked %parallel_loop3A_2641 {add = true} : memref<256xi32, #tpu.memory_space<vmem>>[vector<16xi32>], vector<16xi32>, vector<16xi1>
        %parallel_loop3A_2643 = arith.constant 256 : i32
        %parallel_loop3A_2644 = arith.constant 0 : i32
        %parallel_loop3A_2645 = vector.broadcast %parallel_loop3A_2643 : i32 to vector<16xi32>
        %parallel_loop3A_2646 = vector.broadcast %parallel_loop3A_2644 : i32 to vector<16xi32>
        %parallel_loop3A_2647 = arith.select %parallel_loop3A_2641, %parallel_loop3A_2645, %parallel_loop3A_2646 : vector<16xi1>, vector<16xi32>
        %parallel_loop3A_2648 = arith.addi %parallel_loop3A_2642, %parallel_loop3A_2647 : vector<16xi32>
        %parallel_loop3A_2649 = arith.constant 16 : i32
        %parallel_loop3A_2650 = arith.muli %parallel_loop3A_2628, %parallel_loop3A_2649 : i32
        %parallel_loop3A_2651 = arith.index_cast %parallel_loop3A_2650 : i32 to index
        %parallel_loop3A_2652 = tpu.vector_load %arg12[%parallel_loop3A_2651] {strides = array<i32>} : memref<2048xi32, #tpu.memory_space<vmem>>, vector<16xi32>,
        tpu.vector_store %arg12[%parallel_loop3A_2651], %parallel_loop3A_2648 {strides = array<i32>} : memref<2048xi32, #tpu.memory_space<vmem>>, vector<16xi32>,
      } {sc.loop_unroll_factor = 8 : i64, sc.parallel_access}
      %get3A_1683 = arith.constant 0 : index
      %get3A_1684 = tpu.vector_load %arg11[%get3A_1683] {strides = array<i32>} : memref<256xi32, #tpu.memory_space<vmem>>, vector<16xi32>,
      %reduce_sum3A_1685 = arith.constant true
      %reduce_sum3A_1686 = vector.broadcast %reduce_sum3A_1685 : i1 to vector<16xi1>
      %reduce_sum3A_1687 = tpu.scan <sum>, %get3A_1684 masked %reduce_sum3A_1686 : vector<16xi32>, vector<16xi1> -> vector<16xi32>
      %reduce_sum3A_1688 = vector.extract %reduce_sum3A_1687[15] : i32 from vector<16xi32>
      %get3A_1689 = arith.constant 16 : index
      %get3A_1690 = tpu.vector_load %arg11[%get3A_1689] {strides = array<i32>} : memref<256xi32, #tpu.memory_space<vmem>>, vector<16xi32>,
      %reduce_sum3A_1691 = arith.constant true
      %reduce_sum3A_1692 = vector.broadcast %reduce_sum3A_1691 : i1 to vector<16xi1>
      %reduce_sum3A_1693 = tpu.scan <sum>, %get3A_1690 masked %reduce_sum3A_1692 : vector<16xi32>, vector<16xi1> -> vector<16xi32>
      %reduce_sum3A_1694 = vector.extract %reduce_sum3A_1693[15] : i32 from vector<16xi32>
      %get3A_1695 = arith.constant 32 : index
      %get3A_1696 = tpu.vector_load %arg11[%get3A_1695] {strides = array<i32>} : memref<256xi32, #tpu.memory_space<vmem>>, vector<16xi32>,
      %reduce_sum3A_1697 = arith.constant true
      %reduce_sum3A_1698 = vector.broadcast %reduce_sum3A_1697 : i1 to vector<16xi1>
      %reduce_sum3A_1699 = tpu.scan <sum>, %get3A_1696 masked %reduce_sum3A_1698 : vector<16xi32>, vector<16xi1> -> vector<16xi32>
      %reduce_sum3A_1700 = vector.extract %reduce_sum3A_1699[15] : i32 from vector<16xi32>
      %get3A_1701 = arith.constant 48 : index
      %get3A_1702 = tpu.vector_load %arg11[%get3A_1701] {strides = array<i32>} : memref<256xi32, #tpu.memory_space<vmem>>, vector<16xi32>,
      %reduce_sum3A_1703 = arith.constant true
      %reduce_sum3A_1704 = vector.broadcast %reduce_sum3A_1703 : i1 to vector<16xi1>
      %reduce_sum3A_1705 = tpu.scan <sum>, %get3A_1702 masked %reduce_sum3A_1704 : vector<16xi32>, vector<16xi1> -> vector<16xi32>
      %reduce_sum3A_1706 = vector.extract %reduce_sum3A_1705[15] : i32 from vector<16xi32>
      %get3A_1707 = arith.constant 64 : index
      %get3A_1708 = tpu.vector_load %arg11[%get3A_1707] {strides = array<i32>} : memref<256xi32, #tpu.memory_space<vmem>>, vector<16xi32>,
      %reduce_sum3A_1709 = arith.constant true
      %reduce_sum3A_1710 = vector.broadcast %reduce_sum3A_1709 : i1 to vector<16xi1>
      %reduce_sum3A_1711 = tpu.scan <sum>, %get3A_1708 masked %reduce_sum3A_1710 : vector<16xi32>, vector<16xi1> -> vector<16xi32>
      %reduce_sum3A_1712 = vector.extract %reduce_sum3A_1711[15] : i32 from vector<16xi32>
      %get3A_1713 = arith.constant 80 : index
      %get3A_1714 = tpu.vector_load %arg11[%get3A_1713] {strides = array<i32>} : memref<256xi32, #tpu.memory_space<vmem>>, vector<16xi32>,
      %reduce_sum3A_1715 = arith.constant true
      %reduce_sum3A_1716 = vector.broadcast %reduce_sum3A_1715 : i1 to vector<16xi1>
      %reduce_sum3A_1717 = tpu.scan <sum>, %get3A_1714 masked %reduce_sum3A_1716 : vector<16xi32>, vector<16xi1> -> vector<16xi32>
      %reduce_sum3A_1718 = vector.extract %reduce_sum3A_1717[15] : i32 from vector<16xi32>
      %get3A_1719 = arith.constant 96 : index
      %get3A_1720 = tpu.vector_load %arg11[%get3A_1719] {strides = array<i32>} : memref<256xi32, #tpu.memory_space<vmem>>, vector<16xi32>,
      %reduce_sum3A_1721 = arith.constant true
      %reduce_sum3A_1722 = vector.broadcast %reduce_sum3A_1721 : i1 to vector<16xi1>
      %reduce_sum3A_1723 = tpu.scan <sum>, %get3A_1720 masked %reduce_sum3A_1722 : vector<16xi32>, vector<16xi1> -> vector<16xi32>
      %reduce_sum3A_1724 = vector.extract %reduce_sum3A_1723[15] : i32 from vector<16xi32>
      %get3A_1725 = arith.constant 112 : index
      %get3A_1726 = tpu.vector_load %arg11[%get3A_1725] {strides = array<i32>} : memref<256xi32, #tpu.memory_space<vmem>>, vector<16xi32>,
      %reduce_sum3A_1727 = arith.constant true
      %reduce_sum3A_1728 = vector.broadcast %reduce_sum3A_1727 : i1 to vector<16xi1>
      %reduce_sum3A_1729 = tpu.scan <sum>, %get3A_1726 masked %reduce_sum3A_1728 : vector<16xi32>, vector<16xi1> -> vector<16xi32>
      %reduce_sum3A_1730 = vector.extract %reduce_sum3A_1729[15] : i32 from vector<16xi32>
      %get3A_1731 = arith.constant 128 : index
      %get3A_1732 = tpu.vector_load %arg11[%get3A_1731] {strides = array<i32>} : memref<256xi32, #tpu.memory_space<vmem>>, vector<16xi32>,
      %reduce_sum3A_1733 = arith.constant true
      %reduce_sum3A_1734 = vector.broadcast %reduce_sum3A_1733 : i1 to vector<16xi1>
      %reduce_sum3A_1735 = tpu.scan <sum>, %get3A_1732 masked %reduce_sum3A_1734 : vector<16xi32>, vector<16xi1> -> vector<16xi32>
      %reduce_sum3A_1736 = vector.extract %reduce_sum3A_1735[15] : i32 from vector<16xi32>
      %get3A_1737 = arith.constant 144 : index
      %get3A_1738 = tpu.vector_load %arg11[%get3A_1737] {strides = array<i32>} : memref<256xi32, #tpu.memory_space<vmem>>, vector<16xi32>,
      %reduce_sum3A_1739 = arith.constant true
      %reduce_sum3A_1740 = vector.broadcast %reduce_sum3A_1739 : i1 to vector<16xi1>
      %reduce_sum3A_1741 = tpu.scan <sum>, %get3A_1738 masked %reduce_sum3A_1740 : vector<16xi32>, vector<16xi1> -> vector<16xi32>
      %reduce_sum3A_1742 = vector.extract %reduce_sum3A_1741[15] : i32 from vector<16xi32>
      %get3A_1743 = arith.constant 160 : index
      %get3A_1744 = tpu.vector_load %arg11[%get3A_1743] {strides = array<i32>} : memref<256xi32, #tpu.memory_space<vmem>>, vector<16xi32>,
      %reduce_sum3A_1745 = arith.constant true
      %reduce_sum3A_1746 = vector.broadcast %reduce_sum3A_1745 : i1 to vector<16xi1>
      %reduce_sum3A_1747 = tpu.scan <sum>, %get3A_1744 masked %reduce_sum3A_1746 : vector<16xi32>, vector<16xi1> -> vector<16xi32>
      %reduce_sum3A_1748 = vector.extract %reduce_sum3A_1747[15] : i32 from vector<16xi32>
      %get3A_1749 = arith.constant 176 : index
      %get3A_1750 = tpu.vector_load %arg11[%get3A_1749] {strides = array<i32>} : memref<256xi32, #tpu.memory_space<vmem>>, vector<16xi32>,
      %reduce_sum3A_1751 = arith.constant true
      %reduce_sum3A_1752 = vector.broadcast %reduce_sum3A_1751 : i1 to vector<16xi1>
      %reduce_sum3A_1753 = tpu.scan <sum>, %get3A_1750 masked %reduce_sum3A_1752 : vector<16xi32>, vector<16xi1> -> vector<16xi32>
      %reduce_sum3A_1754 = vector.extract %reduce_sum3A_1753[15] : i32 from vector<16xi32>
      %get3A_1755 = arith.constant 192 : index
      %get3A_1756 = tpu.vector_load %arg11[%get3A_1755] {strides = array<i32>} : memref<256xi32, #tpu.memory_space<vmem>>, vector<16xi32>,
      %reduce_sum3A_1757 = arith.constant true
      %reduce_sum3A_1758 = vector.broadcast %reduce_sum3A_1757 : i1 to vector<16xi1>
      %reduce_sum3A_1759 = tpu.scan <sum>, %get3A_1756 masked %reduce_sum3A_1758 : vector<16xi32>, vector<16xi1> -> vector<16xi32>
      %reduce_sum3A_1760 = vector.extract %reduce_sum3A_1759[15] : i32 from vector<16xi32>
      %get3A_1761 = arith.constant 208 : index
      %get3A_1762 = tpu.vector_load %arg11[%get3A_1761] {strides = array<i32>} : memref<256xi32, #tpu.memory_space<vmem>>, vector<16xi32>,
      %reduce_sum3A_1763 = arith.constant true
      %reduce_sum3A_1764 = vector.broadcast %reduce_sum3A_1763 : i1 to vector<16xi1>
      %reduce_sum3A_1765 = tpu.scan <sum>, %get3A_1762 masked %reduce_sum3A_1764 : vector<16xi32>, vector<16xi1> -> vector<16xi32>
      %reduce_sum3A_1766 = vector.extract %reduce_sum3A_1765[15] : i32 from vector<16xi32>
      %get3A_1767 = arith.constant 224 : index
      %get3A_1768 = tpu.vector_load %arg11[%get3A_1767] {strides = array<i32>} : memref<256xi32, #tpu.memory_space<vmem>>, vector<16xi32>,
      %reduce_sum3A_1769 = arith.constant true
      %reduce_sum3A_1770 = vector.broadcast %reduce_sum3A_1769 : i1 to vector<16xi1>
      %reduce_sum3A_1771 = tpu.scan <sum>, %get3A_1768 masked %reduce_sum3A_1770 : vector<16xi32>, vector<16xi1> -> vector<16xi32>
      %reduce_sum3A_1772 = vector.extract %reduce_sum3A_1771[15] : i32 from vector<16xi32>
      %get3A_1773 = arith.constant 240 : index
      %get3A_1774 = tpu.vector_load %arg11[%get3A_1773] {strides = array<i32>} : memref<256xi32, #tpu.memory_space<vmem>>, vector<16xi32>,
      %reduce_sum3A_1775 = arith.constant true
      %reduce_sum3A_1776 = vector.broadcast %reduce_sum3A_1775 : i1 to vector<16xi1>
      %reduce_sum3A_1777 = tpu.scan <sum>, %get3A_1774 masked %reduce_sum3A_1776 : vector<16xi32>, vector<16xi1> -> vector<16xi32>
      %reduce_sum3A_1778 = vector.extract %reduce_sum3A_1777[15] : i32 from vector<16xi32>
      %add3A_1779 = arith.constant 0 : i32
      %add3A_1780 = arith.addi %add3A_1779, %reduce_sum3A_1688 : i32
      %add3A_1781 = arith.addi %add3A_1780, %reduce_sum3A_1694 : i32
      %add3A_1782 = arith.addi %add3A_1781, %reduce_sum3A_1700 : i32
      %add3A_1783 = arith.addi %add3A_1782, %reduce_sum3A_1706 : i32
      %add3A_1784 = arith.addi %add3A_1783, %reduce_sum3A_1712 : i32
      %add3A_1785 = arith.addi %add3A_1784, %reduce_sum3A_1718 : i32
      %add3A_1786 = arith.addi %add3A_1785, %reduce_sum3A_1724 : i32
      %add3A_1787 = arith.addi %add3A_1786, %reduce_sum3A_1730 : i32
      %add3A_1788 = arith.addi %add3A_1787, %reduce_sum3A_1736 : i32
      %add3A_1789 = arith.addi %add3A_1788, %reduce_sum3A_1742 : i32
      %add3A_1790 = arith.addi %add3A_1789, %reduce_sum3A_1748 : i32
      %add3A_1791 = arith.addi %add3A_1790, %reduce_sum3A_1754 : i32
      %add3A_1792 = arith.addi %add3A_1791, %reduce_sum3A_1760 : i32
      %add3A_1793 = arith.addi %add3A_1792, %reduce_sum3A_1766 : i32
      %add3A_1794 = arith.addi %add3A_1793, %reduce_sum3A_1772 : i32
      %add3A_1795 = arith.addi %add3A_1794, %reduce_sum3A_1778 : i32
      %get3A_1796 = arith.constant 0 : index
      %get3A_1797 = tpu.vector_load %arg11[%get3A_1796] {strides = array<i32>} : memref<256xi32, #tpu.memory_space<vmem>>, vector<16xi32>,
      %broadcast_in_dim3A_1798 = arith.constant true
      %broadcast_in_dim3A_1799 = vector.broadcast %broadcast_in_dim3A_1798 : i1 to vector<16xi1>
      %masked_cumsum3A_1800 = tpu.scan <sum>, %get3A_1797 masked %broadcast_in_dim3A_1799 : vector<16xi32>, vector<16xi1> -> vector<16xi32>
      %add3A_1801 = arith.constant 0 : i32
      %add3A_1802 = vector.broadcast %add3A_1801 : i32 to vector<16xi32>
      %add3A_1803 = arith.addi %add3A_1802, %masked_cumsum3A_1800 : vector<16xi32>
      %sub3A_1804 = arith.subi %add3A_1803, %get3A_1797 : vector<16xi32>
      %swap3A_1805 = arith.constant 0 : index
      %swap3A_1806 = tpu.vector_load %arg11[%swap3A_1805] {strides = array<i32>} : memref<256xi32, #tpu.memory_space<vmem>>, vector<16xi32>,
      tpu.vector_store %arg11[%swap3A_1805], %sub3A_1804 {strides = array<i32>} : memref<256xi32, #tpu.memory_space<vmem>>, vector<16xi32>,
      %get3A_1807 = arith.constant 16 : index
      %get3A_1808 = tpu.vector_load %arg11[%get3A_1807] {strides = array<i32>} : memref<256xi32, #tpu.memory_space<vmem>>, vector<16xi32>,
      %broadcast_in_dim3A_1809 = arith.constant true
      %broadcast_in_dim3A_1810 = vector.broadcast %broadcast_in_dim3A_1809 : i1 to vector<16xi1>
      %masked_cumsum3A_1811 = tpu.scan <sum>, %get3A_1808 masked %broadcast_in_dim3A_1810 : vector<16xi32>, vector<16xi1> -> vector<16xi32>
      %add3A_1812 = vector.broadcast %add3A_1780 : i32 to vector<16xi32>
      %add3A_1813 = arith.addi %add3A_1812, %masked_cumsum3A_1811 : vector<16xi32>
      %sub3A_1814 = arith.subi %add3A_1813, %get3A_1808 : vector<16xi32>
      %swap3A_1815 = arith.constant 16 : index
      %swap3A_1816 = tpu.vector_load %arg11[%swap3A_1815] {strides = array<i32>} : memref<256xi32, #tpu.memory_space<vmem>>, vector<16xi32>,
      tpu.vector_store %arg11[%swap3A_1815], %sub3A_1814 {strides = array<i32>} : memref<256xi32, #tpu.memory_space<vmem>>, vector<16xi32>,
      %get3A_1817 = arith.constant 32 : index
      %get3A_1818 = tpu.vector_load %arg11[%get3A_1817] {strides = array<i32>} : memref<256xi32, #tpu.memory_space<vmem>>, vector<16xi32>,
      %broadcast_in_dim3A_1819 = arith.constant true
      %broadcast_in_dim3A_1820 = vector.broadcast %broadcast_in_dim3A_1819 : i1 to vector<16xi1>
      %masked_cumsum3A_1821 = tpu.scan <sum>, %get3A_1818 masked %broadcast_in_dim3A_1820 : vector<16xi32>, vector<16xi1> -> vector<16xi32>
      %add3A_1822 = vector.broadcast %add3A_1781 : i32 to vector<16xi32>
      %add3A_1823 = arith.addi %add3A_1822, %masked_cumsum3A_1821 : vector<16xi32>
      %sub3A_1824 = arith.subi %add3A_1823, %get3A_1818 : vector<16xi32>
      %swap3A_1825 = arith.constant 32 : index
      %swap3A_1826 = tpu.vector_load %arg11[%swap3A_1825] {strides = array<i32>} : memref<256xi32, #tpu.memory_space<vmem>>, vector<16xi32>,
      tpu.vector_store %arg11[%swap3A_1825], %sub3A_1824 {strides = array<i32>} : memref<256xi32, #tpu.memory_space<vmem>>, vector<16xi32>,
      %get3A_1827 = arith.constant 48 : index
      %get3A_1828 = tpu.vector_load %arg11[%get3A_1827] {strides = array<i32>} : memref<256xi32, #tpu.memory_space<vmem>>, vector<16xi32>,
      %broadcast_in_dim3A_1829 = arith.constant true
      %broadcast_in_dim3A_1830 = vector.broadcast %broadcast_in_dim3A_1829 : i1 to vector<16xi1>
      %masked_cumsum3A_1831 = tpu.scan <sum>, %get3A_1828 masked %broadcast_in_dim3A_1830 : vector<16xi32>, vector<16xi1> -> vector<16xi32>
      %add3A_1832 = vector.broadcast %add3A_1782 : i32 to vector<16xi32>
      %add3A_1833 = arith.addi %add3A_1832, %masked_cumsum3A_1831 : vector<16xi32>
      %sub3A_1834 = arith.subi %add3A_1833, %get3A_1828 : vector<16xi32>
      %swap3A_1835 = arith.constant 48 : index
      %swap3A_1836 = tpu.vector_load %arg11[%swap3A_1835] {strides = array<i32>} : memref<256xi32, #tpu.memory_space<vmem>>, vector<16xi32>,
      tpu.vector_store %arg11[%swap3A_1835], %sub3A_1834 {strides = array<i32>} : memref<256xi32, #tpu.memory_space<vmem>>, vector<16xi32>,
      %get3A_1837 = arith.constant 64 : index
      %get3A_1838 = tpu.vector_load %arg11[%get3A_1837] {strides = array<i32>} : memref<256xi32, #tpu.memory_space<vmem>>, vector<16xi32>,
      %broadcast_in_dim3A_1839 = arith.constant true
      %broadcast_in_dim3A_1840 = vector.broadcast %broadcast_in_dim3A_1839 : i1 to vector<16xi1>
      %masked_cumsum3A_1841 = tpu.scan <sum>, %get3A_1838 masked %broadcast_in_dim3A_1840 : vector<16xi32>, vector<16xi1> -> vector<16xi32>
      %add3A_1842 = vector.broadcast %add3A_1783 : i32 to vector<16xi32>
      %add3A_1843 = arith.addi %add3A_1842, %masked_cumsum3A_1841 : vector<16xi32>
      %sub3A_1844 = arith.subi %add3A_1843, %get3A_1838 : vector<16xi32>
      %swap3A_1845 = arith.constant 64 : index
      %swap3A_1846 = tpu.vector_load %arg11[%swap3A_1845] {strides = array<i32>} : memref<256xi32, #tpu.memory_space<vmem>>, vector<16xi32>,
      tpu.vector_store %arg11[%swap3A_1845], %sub3A_1844 {strides = array<i32>} : memref<256xi32, #tpu.memory_space<vmem>>, vector<16xi32>,
      %get3A_1847 = arith.constant 80 : index
      %get3A_1848 = tpu.vector_load %arg11[%get3A_1847] {strides = array<i32>} : memref<256xi32, #tpu.memory_space<vmem>>, vector<16xi32>,
      %broadcast_in_dim3A_1849 = arith.constant true
      %broadcast_in_dim3A_1850 = vector.broadcast %broadcast_in_dim3A_1849 : i1 to vector<16xi1>
      %masked_cumsum3A_1851 = tpu.scan <sum>, %get3A_1848 masked %broadcast_in_dim3A_1850 : vector<16xi32>, vector<16xi1> -> vector<16xi32>
      %add3A_1852 = vector.broadcast %add3A_1784 : i32 to vector<16xi32>
      %add3A_1853 = arith.addi %add3A_1852, %masked_cumsum3A_1851 : vector<16xi32>
      %sub3A_1854 = arith.subi %add3A_1853, %get3A_1848 : vector<16xi32>
      %swap3A_1855 = arith.constant 80 : index
      %swap3A_1856 = tpu.vector_load %arg11[%swap3A_1855] {strides = array<i32>} : memref<256xi32, #tpu.memory_space<vmem>>, vector<16xi32>,
      tpu.vector_store %arg11[%swap3A_1855], %sub3A_1854 {strides = array<i32>} : memref<256xi32, #tpu.memory_space<vmem>>, vector<16xi32>,
      %get3A_1857 = arith.constant 96 : index
      %get3A_1858 = tpu.vector_load %arg11[%get3A_1857] {strides = array<i32>} : memref<256xi32, #tpu.memory_space<vmem>>, vector<16xi32>,
      %broadcast_in_dim3A_1859 = arith.constant true
      %broadcast_in_dim3A_1860 = vector.broadcast %broadcast_in_dim3A_1859 : i1 to vector<16xi1>
      %masked_cumsum3A_1861 = tpu.scan <sum>, %get3A_1858 masked %broadcast_in_dim3A_1860 : vector<16xi32>, vector<16xi1> -> vector<16xi32>
      %add3A_1862 = vector.broadcast %add3A_1785 : i32 to vector<16xi32>
      %add3A_1863 = arith.addi %add3A_1862, %masked_cumsum3A_1861 : vector<16xi32>
      %sub3A_1864 = arith.subi %add3A_1863, %get3A_1858 : vector<16xi32>
      %swap3A_1865 = arith.constant 96 : index
      %swap3A_1866 = tpu.vector_load %arg11[%swap3A_1865] {strides = array<i32>} : memref<256xi32, #tpu.memory_space<vmem>>, vector<16xi32>,
      tpu.vector_store %arg11[%swap3A_1865], %sub3A_1864 {strides = array<i32>} : memref<256xi32, #tpu.memory_space<vmem>>, vector<16xi32>,
      %get3A_1867 = arith.constant 112 : index
      %get3A_1868 = tpu.vector_load %arg11[%get3A_1867] {strides = array<i32>} : memref<256xi32, #tpu.memory_space<vmem>>, vector<16xi32>,
      %broadcast_in_dim3A_1869 = arith.constant true
      %broadcast_in_dim3A_1870 = vector.broadcast %broadcast_in_dim3A_1869 : i1 to vector<16xi1>
      %masked_cumsum3A_1871 = tpu.scan <sum>, %get3A_1868 masked %broadcast_in_dim3A_1870 : vector<16xi32>, vector<16xi1> -> vector<16xi32>
      %add3A_1872 = vector.broadcast %add3A_1786 : i32 to vector<16xi32>
      %add3A_1873 = arith.addi %add3A_1872, %masked_cumsum3A_1871 : vector<16xi32>
      %sub3A_1874 = arith.subi %add3A_1873, %get3A_1868 : vector<16xi32>
      %swap3A_1875 = arith.constant 112 : index
      %swap3A_1876 = tpu.vector_load %arg11[%swap3A_1875] {strides = array<i32>} : memref<256xi32, #tpu.memory_space<vmem>>, vector<16xi32>,
      tpu.vector_store %arg11[%swap3A_1875], %sub3A_1874 {strides = array<i32>} : memref<256xi32, #tpu.memory_space<vmem>>, vector<16xi32>,
      %get3A_1877 = arith.constant 128 : index
      %get3A_1878 = tpu.vector_load %arg11[%get3A_1877] {strides = array<i32>} : memref<256xi32, #tpu.memory_space<vmem>>, vector<16xi32>,
      %broadcast_in_dim3A_1879 = arith.constant true
      %broadcast_in_dim3A_1880 = vector.broadcast %broadcast_in_dim3A_1879 : i1 to vector<16xi1>
      %masked_cumsum3A_1881 = tpu.scan <sum>, %get3A_1878 masked %broadcast_in_dim3A_1880 : vector<16xi32>, vector<16xi1> -> vector<16xi32>
      %add3A_1882 = vector.broadcast %add3A_1787 : i32 to vector<16xi32>
      %add3A_1883 = arith.addi %add3A_1882, %masked_cumsum3A_1881 : vector<16xi32>
      %sub3A_1884 = arith.subi %add3A_1883, %get3A_1878 : vector<16xi32>
      %swap3A_1885 = arith.constant 128 : index
      %swap3A_1886 = tpu.vector_load %arg11[%swap3A_1885] {strides = array<i32>} : memref<256xi32, #tpu.memory_space<vmem>>, vector<16xi32>,
      tpu.vector_store %arg11[%swap3A_1885], %sub3A_1884 {strides = array<i32>} : memref<256xi32, #tpu.memory_space<vmem>>, vector<16xi32>,
      %get3A_1887 = arith.constant 144 : index
      %get3A_1888 = tpu.vector_load %arg11[%get3A_1887] {strides = array<i32>} : memref<256xi32, #tpu.memory_space<vmem>>, vector<16xi32>,
      %broadcast_in_dim3A_1889 = arith.constant true
      %broadcast_in_dim3A_1890 = vector.broadcast %broadcast_in_dim3A_1889 : i1 to vector<16xi1>
      %masked_cumsum3A_1891 = tpu.scan <sum>, %get3A_1888 masked %broadcast_in_dim3A_1890 : vector<16xi32>, vector<16xi1> -> vector<16xi32>
      %add3A_1892 = vector.broadcast %add3A_1788 : i32 to vector<16xi32>
      %add3A_1893 = arith.addi %add3A_1892, %masked_cumsum3A_1891 : vector<16xi32>
      %sub3A_1894 = arith.subi %add3A_1893, %get3A_1888 : vector<16xi32>
      %swap3A_1895 = arith.constant 144 : index
      %swap3A_1896 = tpu.vector_load %arg11[%swap3A_1895] {strides = array<i32>} : memref<256xi32, #tpu.memory_space<vmem>>, vector<16xi32>,
      tpu.vector_store %arg11[%swap3A_1895], %sub3A_1894 {strides = array<i32>} : memref<256xi32, #tpu.memory_space<vmem>>, vector<16xi32>,
      %get3A_1897 = arith.constant 160 : index
      %get3A_1898 = tpu.vector_load %arg11[%get3A_1897] {strides = array<i32>} : memref<256xi32, #tpu.memory_space<vmem>>, vector<16xi32>,
      %broadcast_in_dim3A_1899 = arith.constant true
      %broadcast_in_dim3A_1900 = vector.broadcast %broadcast_in_dim3A_1899 : i1 to vector<16xi1>
      %masked_cumsum3A_1901 = tpu.scan <sum>, %get3A_1898 masked %broadcast_in_dim3A_1900 : vector<16xi32>, vector<16xi1> -> vector<16xi32>
      %add3A_1902 = vector.broadcast %add3A_1789 : i32 to vector<16xi32>
      %add3A_1903 = arith.addi %add3A_1902, %masked_cumsum3A_1901 : vector<16xi32>
      %sub3A_1904 = arith.subi %add3A_1903, %get3A_1898 : vector<16xi32>
      %swap3A_1905 = arith.constant 160 : index
      %swap3A_1906 = tpu.vector_load %arg11[%swap3A_1905] {strides = array<i32>} : memref<256xi32, #tpu.memory_space<vmem>>, vector<16xi32>,
      tpu.vector_store %arg11[%swap3A_1905], %sub3A_1904 {strides = array<i32>} : memref<256xi32, #tpu.memory_space<vmem>>, vector<16xi32>,
      %get3A_1907 = arith.constant 176 : index
      %get3A_1908 = tpu.vector_load %arg11[%get3A_1907] {strides = array<i32>} : memref<256xi32, #tpu.memory_space<vmem>>, vector<16xi32>,
      %broadcast_in_dim3A_1909 = arith.constant true
      %broadcast_in_dim3A_1910 = vector.broadcast %broadcast_in_dim3A_1909 : i1 to vector<16xi1>
      %masked_cumsum3A_1911 = tpu.scan <sum>, %get3A_1908 masked %broadcast_in_dim3A_1910 : vector<16xi32>, vector<16xi1> -> vector<16xi32>
      %add3A_1912 = vector.broadcast %add3A_1790 : i32 to vector<16xi32>
      %add3A_1913 = arith.addi %add3A_1912, %masked_cumsum3A_1911 : vector<16xi32>
      %sub3A_1914 = arith.subi %add3A_1913, %get3A_1908 : vector<16xi32>
      %swap3A_1915 = arith.constant 176 : index
      %swap3A_1916 = tpu.vector_load %arg11[%swap3A_1915] {strides = array<i32>} : memref<256xi32, #tpu.memory_space<vmem>>, vector<16xi32>,
      tpu.vector_store %arg11[%swap3A_1915], %sub3A_1914 {strides = array<i32>} : memref<256xi32, #tpu.memory_space<vmem>>, vector<16xi32>,
      %get3A_1917 = arith.constant 192 : index
      %get3A_1918 = tpu.vector_load %arg11[%get3A_1917] {strides = array<i32>} : memref<256xi32, #tpu.memory_space<vmem>>, vector<16xi32>,
      %broadcast_in_dim3A_1919 = arith.constant true
      %broadcast_in_dim3A_1920 = vector.broadcast %broadcast_in_dim3A_1919 : i1 to vector<16xi1>
      %masked_cumsum3A_1921 = tpu.scan <sum>, %get3A_1918 masked %broadcast_in_dim3A_1920 : vector<16xi32>, vector<16xi1> -> vector<16xi32>
      %add3A_1922 = vector.broadcast %add3A_1791 : i32 to vector<16xi32>
      %add3A_1923 = arith.addi %add3A_1922, %masked_cumsum3A_1921 : vector<16xi32>
      %sub3A_1924 = arith.subi %add3A_1923, %get3A_1918 : vector<16xi32>
      %swap3A_1925 = arith.constant 192 : index
      %swap3A_1926 = tpu.vector_load %arg11[%swap3A_1925] {strides = array<i32>} : memref<256xi32, #tpu.memory_space<vmem>>, vector<16xi32>,
      tpu.vector_store %arg11[%swap3A_1925], %sub3A_1924 {strides = array<i32>} : memref<256xi32, #tpu.memory_space<vmem>>, vector<16xi32>,
      %get3A_1927 = arith.constant 208 : index
      %get3A_1928 = tpu.vector_load %arg11[%get3A_1927] {strides = array<i32>} : memref<256xi32, #tpu.memory_space<vmem>>, vector<16xi32>,
      %broadcast_in_dim3A_1929 = arith.constant true
      %broadcast_in_dim3A_1930 = vector.broadcast %broadcast_in_dim3A_1929 : i1 to vector<16xi1>
      %masked_cumsum3A_1931 = tpu.scan <sum>, %get3A_1928 masked %broadcast_in_dim3A_1930 : vector<16xi32>, vector<16xi1> -> vector<16xi32>
      %add3A_1932 = vector.broadcast %add3A_1792 : i32 to vector<16xi32>
      %add3A_1933 = arith.addi %add3A_1932, %masked_cumsum3A_1931 : vector<16xi32>
      %sub3A_1934 = arith.subi %add3A_1933, %get3A_1928 : vector<16xi32>
      %swap3A_1935 = arith.constant 208 : index
      %swap3A_1936 = tpu.vector_load %arg11[%swap3A_1935] {strides = array<i32>} : memref<256xi32, #tpu.memory_space<vmem>>, vector<16xi32>,
      tpu.vector_store %arg11[%swap3A_1935], %sub3A_1934 {strides = array<i32>} : memref<256xi32, #tpu.memory_space<vmem>>, vector<16xi32>,
      %get3A_1937 = arith.constant 224 : index
      %get3A_1938 = tpu.vector_load %arg11[%get3A_1937] {strides = array<i32>} : memref<256xi32, #tpu.memory_space<vmem>>, vector<16xi32>,
      %broadcast_in_dim3A_1939 = arith.constant true
      %broadcast_in_dim3A_1940 = vector.broadcast %broadcast_in_dim3A_1939 : i1 to vector<16xi1>
      %masked_cumsum3A_1941 = tpu.scan <sum>, %get3A_1938 masked %broadcast_in_dim3A_1940 : vector<16xi32>, vector<16xi1> -> vector<16xi32>
      %add3A_1942 = vector.broadcast %add3A_1793 : i32 to vector<16xi32>
      %add3A_1943 = arith.addi %add3A_1942, %masked_cumsum3A_1941 : vector<16xi32>
      %sub3A_1944 = arith.subi %add3A_1943, %get3A_1938 : vector<16xi32>
      %swap3A_1945 = arith.constant 224 : index
      %swap3A_1946 = tpu.vector_load %arg11[%swap3A_1945] {strides = array<i32>} : memref<256xi32, #tpu.memory_space<vmem>>, vector<16xi32>,
      tpu.vector_store %arg11[%swap3A_1945], %sub3A_1944 {strides = array<i32>} : memref<256xi32, #tpu.memory_space<vmem>>, vector<16xi32>,
      %get3A_1947 = arith.constant 240 : index
      %get3A_1948 = tpu.vector_load %arg11[%get3A_1947] {strides = array<i32>} : memref<256xi32, #tpu.memory_space<vmem>>, vector<16xi32>,
      %broadcast_in_dim3A_1949 = arith.constant true
      %broadcast_in_dim3A_1950 = vector.broadcast %broadcast_in_dim3A_1949 : i1 to vector<16xi1>
      %masked_cumsum3A_1951 = tpu.scan <sum>, %get3A_1948 masked %broadcast_in_dim3A_1950 : vector<16xi32>, vector<16xi1> -> vector<16xi32>
      %add3A_1952 = vector.broadcast %add3A_1794 : i32 to vector<16xi32>
      %add3A_1953 = arith.addi %add3A_1952, %masked_cumsum3A_1951 : vector<16xi32>
      %sub3A_1954 = arith.subi %add3A_1953, %get3A_1948 : vector<16xi32>
      %swap3A_1955 = arith.constant 240 : index
      %swap3A_1956 = tpu.vector_load %arg11[%swap3A_1955] {strides = array<i32>} : memref<256xi32, #tpu.memory_space<vmem>>, vector<16xi32>,
      tpu.vector_store %arg11[%swap3A_1955], %sub3A_1954 {strides = array<i32>} : memref<256xi32, #tpu.memory_space<vmem>>, vector<16xi32>,
      %while3A_1957 = arith.constant 0 : i32
      %while3A_1958 = arith.constant 0 : i32
      %while3A_1959 = arith.subi %shift_right_logical3A_1331, %while3A_1957 : i32
      %while3A_1960 = arith.addi %while3A_1957, %while3A_1959 : i32
      %while3A_1961 = arith.constant 1 : i32
      %while3A_1962 = arith.divsi %while3A_1959, %while3A_1961 : i32
      %while3A_1963 = arith.muli %while3A_1962, %while3A_1961 : i32
      %while3A_1964 = arith.addi %while3A_1957, %while3A_1963 : i32
      %while3A_1965 = arith.constant 1 : i32
      %while3A_1966 = scf.for %while3A_2628 = %while3A_1957 to %while3A_1964 step %while3A_1965 iter_args(%while3A_2629 = %while3A_1958) -> (i32)  : i32 {
        %mul3A_2630 = arith.constant 16 : i32
        %mul3A_2631 = arith.muli %while3A_2628, %mul3A_2630 : i32
        %get3A_2632 = arith.index_cast %mul3A_2631 : i32 to index
        %get3A_2633 = tpu.vector_load %arg9[%get3A_2632] {strides = array<i32>} : memref<2048xi32, #tpu.memory_space<vmem>>, vector<16xi32>,
        %mul3A_2634 = arith.constant 16 : i32
        %mul3A_2635 = arith.muli %while3A_2628, %mul3A_2634 : i32
        %get3A_2636 = arith.index_cast %mul3A_2635 : i32 to index
        %get3A_2637 = tpu.vector_load %arg10[%get3A_2636] {strides = array<i32>} : memref<2048xi32, #tpu.memory_space<vmem>>, vector<16xi32>,
        %shift_right_logical3A_2638 = arith.constant 8 : i32
        %shift_right_logical3A_2639 = vector.broadcast %shift_right_logical3A_2638 : i32 to vector<16xi32>
        %shift_right_logical3A_2640 = arith.shrui %get3A_2633, %shift_right_logical3A_2639 : vector<16xi32>
        %and3A_2641 = arith.constant 255 : i32
        %and3A_2642 = vector.broadcast %and3A_2641 : i32 to vector<16xi32>
        %and3A_2643 = arith.andi %shift_right_logical3A_2640, %and3A_2642 : vector<16xi32>
        %mul3A_2644 = arith.constant 16 : i32
        %mul3A_2645 = arith.muli %while3A_2628, %mul3A_2644 : i32
        %get3A_2646 = arith.index_cast %mul3A_2645 : i32 to index
        %get3A_2647 = tpu.vector_load %arg12[%get3A_2646] {strides = array<i32>} : memref<2048xi32, #tpu.memory_space<vmem>>, vector<16xi32>,
        %and3A_2648 = arith.constant 255 : i32
        %and3A_2649 = vector.broadcast %and3A_2648 : i32 to vector<16xi32>
        %and3A_2650 = arith.andi %get3A_2647, %and3A_2649 : vector<16xi32>
        %ge3A_2651 = arith.constant 256 : i32
        %ge3A_2652 = vector.broadcast %ge3A_2651 : i32 to vector<16xi32>
        %ge3A_2653 = arith.cmpi sge, %get3A_2647, %ge3A_2652 : vector<16xi32>
        %gather3A_2654 = tpu.vector_load_idx %arg11[%and3A_2643] : memref<256xi32, #tpu.memory_space<vmem>>[vector<16xi32>], vector<16xi32>,
        %add3A_2655 = arith.addi %gather3A_2654, %and3A_2650 : vector<16xi32>
        %sub3A_2656 = arith.constant 1 : i32
        %sub3A_2657 = vector.broadcast %sub3A_2656 : i32 to vector<16xi32>
        %sub3A_2658 = arith.subi %add3A_2655, %sub3A_2657 : vector<16xi32>
        tpu.vector_store_idx %arg7[%sub3A_2658], %get3A_2633 : memref<2048xi32, #tpu.memory_space<vmem>>[vector<16xi32>], vector<16xi32>,
        tpu.vector_store_idx %arg8[%sub3A_2658], %get3A_2637 : memref<2048xi32, #tpu.memory_space<vmem>>[vector<16xi32>], vector<16xi32>,
        tpu.vector_store_idx %arg11[%and3A_2643], %and3A_2650 masked %ge3A_2653 {add = true} : memref<256xi32, #tpu.memory_space<vmem>>[vector<16xi32>], vector<16xi32>, vector<16xi1>
        %while3A_2659 = arith.constant 0 : i32
        scf.yield %while3A_2659 : i32
      }
      %while3A_1967 = arith.constant 1 : i32
      %while3A_1968 = scf.for %while3A_2628 = %while3A_1964 to %while3A_1960 step %while3A_1967 iter_args(%while3A_2629 = %while3A_1966) -> (i32)  : i32 {
        %mul3A_2630 = arith.constant 16 : i32
        %mul3A_2631 = arith.muli %while3A_2628, %mul3A_2630 : i32
        %get3A_2632 = arith.index_cast %mul3A_2631 : i32 to index
        %get3A_2633 = tpu.vector_load %arg9[%get3A_2632] {strides = array<i32>} : memref<2048xi32, #tpu.memory_space<vmem>>, vector<16xi32>,
        %mul3A_2634 = arith.constant 16 : i32
        %mul3A_2635 = arith.muli %while3A_2628, %mul3A_2634 : i32
        %get3A_2636 = arith.index_cast %mul3A_2635 : i32 to index
        %get3A_2637 = tpu.vector_load %arg10[%get3A_2636] {strides = array<i32>} : memref<2048xi32, #tpu.memory_space<vmem>>, vector<16xi32>,
        %shift_right_logical3A_2638 = arith.constant 8 : i32
        %shift_right_logical3A_2639 = vector.broadcast %shift_right_logical3A_2638 : i32 to vector<16xi32>
        %shift_right_logical3A_2640 = arith.shrui %get3A_2633, %shift_right_logical3A_2639 : vector<16xi32>
        %and3A_2641 = arith.constant 255 : i32
        %and3A_2642 = vector.broadcast %and3A_2641 : i32 to vector<16xi32>
        %and3A_2643 = arith.andi %shift_right_logical3A_2640, %and3A_2642 : vector<16xi32>
        %mul3A_2644 = arith.constant 16 : i32
        %mul3A_2645 = arith.muli %while3A_2628, %mul3A_2644 : i32
        %get3A_2646 = arith.index_cast %mul3A_2645 : i32 to index
        %get3A_2647 = tpu.vector_load %arg12[%get3A_2646] {strides = array<i32>} : memref<2048xi32, #tpu.memory_space<vmem>>, vector<16xi32>,
        %and3A_2648 = arith.constant 255 : i32
        %and3A_2649 = vector.broadcast %and3A_2648 : i32 to vector<16xi32>
        %and3A_2650 = arith.andi %get3A_2647, %and3A_2649 : vector<16xi32>
        %ge3A_2651 = arith.constant 256 : i32
        %ge3A_2652 = vector.broadcast %ge3A_2651 : i32 to vector<16xi32>
        %ge3A_2653 = arith.cmpi sge, %get3A_2647, %ge3A_2652 : vector<16xi32>
        %gather3A_2654 = tpu.vector_load_idx %arg11[%and3A_2643] : memref<256xi32, #tpu.memory_space<vmem>>[vector<16xi32>], vector<16xi32>,
        %add3A_2655 = arith.addi %gather3A_2654, %and3A_2650 : vector<16xi32>
        %sub3A_2656 = arith.constant 1 : i32
        %sub3A_2657 = vector.broadcast %sub3A_2656 : i32 to vector<16xi32>
        %sub3A_2658 = arith.subi %add3A_2655, %sub3A_2657 : vector<16xi32>
        tpu.vector_store_idx %arg7[%sub3A_2658], %get3A_2633 : memref<2048xi32, #tpu.memory_space<vmem>>[vector<16xi32>], vector<16xi32>,
        tpu.vector_store_idx %arg8[%sub3A_2658], %get3A_2637 : memref<2048xi32, #tpu.memory_space<vmem>>[vector<16xi32>], vector<16xi32>,
        tpu.vector_store_idx %arg11[%and3A_2643], %and3A_2650 masked %ge3A_2653 {add = true} : memref<256xi32, #tpu.memory_space<vmem>>[vector<16xi32>], vector<16xi32>, vector<16xi1>
        %while3A_2659 = arith.constant 0 : i32
        scf.yield %while3A_2659 : i32
      }
      %swap3A_1969 = arith.constant 0 : index
      %swap3A_1970 = tpu.vector_load %arg11[%swap3A_1969] {strides = array<i32>} : memref<256xi32, #tpu.memory_space<vmem>>, vector<16xi32>,
      tpu.vector_store %arg11[%swap3A_1969], %broadcast_in_dim3A_7 {strides = array<i32>} : memref<256xi32, #tpu.memory_space<vmem>>, vector<16xi32>,
      %swap3A_1971 = arith.constant 16 : index
      %swap3A_1972 = tpu.vector_load %arg11[%swap3A_1971] {strides = array<i32>} : memref<256xi32, #tpu.memory_space<vmem>>, vector<16xi32>,
      tpu.vector_store %arg11[%swap3A_1971], %broadcast_in_dim3A_7 {strides = array<i32>} : memref<256xi32, #tpu.memory_space<vmem>>, vector<16xi32>,
      %swap3A_1973 = arith.constant 32 : index
      %swap3A_1974 = tpu.vector_load %arg11[%swap3A_1973] {strides = array<i32>} : memref<256xi32, #tpu.memory_space<vmem>>, vector<16xi32>,
      tpu.vector_store %arg11[%swap3A_1973], %broadcast_in_dim3A_7 {strides = array<i32>} : memref<256xi32, #tpu.memory_space<vmem>>, vector<16xi32>,
      %swap3A_1975 = arith.constant 48 : index
      %swap3A_1976 = tpu.vector_load %arg11[%swap3A_1975] {strides = array<i32>} : memref<256xi32, #tpu.memory_space<vmem>>, vector<16xi32>,
      tpu.vector_store %arg11[%swap3A_1975], %broadcast_in_dim3A_7 {strides = array<i32>} : memref<256xi32, #tpu.memory_space<vmem>>, vector<16xi32>,
      %swap3A_1977 = arith.constant 64 : index
      %swap3A_1978 = tpu.vector_load %arg11[%swap3A_1977] {strides = array<i32>} : memref<256xi32, #tpu.memory_space<vmem>>, vector<16xi32>,
      tpu.vector_store %arg11[%swap3A_1977], %broadcast_in_dim3A_7 {strides = array<i32>} : memref<256xi32, #tpu.memory_space<vmem>>, vector<16xi32>,
      %swap3A_1979 = arith.constant 80 : index
      %swap3A_1980 = tpu.vector_load %arg11[%swap3A_1979] {strides = array<i32>} : memref<256xi32, #tpu.memory_space<vmem>>, vector<16xi32>,
      tpu.vector_store %arg11[%swap3A_1979], %broadcast_in_dim3A_7 {strides = array<i32>} : memref<256xi32, #tpu.memory_space<vmem>>, vector<16xi32>,
      %swap3A_1981 = arith.constant 96 : index
      %swap3A_1982 = tpu.vector_load %arg11[%swap3A_1981] {strides = array<i32>} : memref<256xi32, #tpu.memory_space<vmem>>, vector<16xi32>,
      tpu.vector_store %arg11[%swap3A_1981], %broadcast_in_dim3A_7 {strides = array<i32>} : memref<256xi32, #tpu.memory_space<vmem>>, vector<16xi32>,
      %swap3A_1983 = arith.constant 112 : index
      %swap3A_1984 = tpu.vector_load %arg11[%swap3A_1983] {strides = array<i32>} : memref<256xi32, #tpu.memory_space<vmem>>, vector<16xi32>,
      tpu.vector_store %arg11[%swap3A_1983], %broadcast_in_dim3A_7 {strides = array<i32>} : memref<256xi32, #tpu.memory_space<vmem>>, vector<16xi32>,
      %swap3A_1985 = arith.constant 128 : index
      %swap3A_1986 = tpu.vector_load %arg11[%swap3A_1985] {strides = array<i32>} : memref<256xi32, #tpu.memory_space<vmem>>, vector<16xi32>,
      tpu.vector_store %arg11[%swap3A_1985], %broadcast_in_dim3A_7 {strides = array<i32>} : memref<256xi32, #tpu.memory_space<vmem>>, vector<16xi32>,
      %swap3A_1987 = arith.constant 144 : index
      %swap3A_1988 = tpu.vector_load %arg11[%swap3A_1987] {strides = array<i32>} : memref<256xi32, #tpu.memory_space<vmem>>, vector<16xi32>,
      tpu.vector_store %arg11[%swap3A_1987], %broadcast_in_dim3A_7 {strides = array<i32>} : memref<256xi32, #tpu.memory_space<vmem>>, vector<16xi32>,
      %swap3A_1989 = arith.constant 160 : index
      %swap3A_1990 = tpu.vector_load %arg11[%swap3A_1989] {strides = array<i32>} : memref<256xi32, #tpu.memory_space<vmem>>, vector<16xi32>,
      tpu.vector_store %arg11[%swap3A_1989], %broadcast_in_dim3A_7 {strides = array<i32>} : memref<256xi32, #tpu.memory_space<vmem>>, vector<16xi32>,
      %swap3A_1991 = arith.constant 176 : index
      %swap3A_1992 = tpu.vector_load %arg11[%swap3A_1991] {strides = array<i32>} : memref<256xi32, #tpu.memory_space<vmem>>, vector<16xi32>,
      tpu.vector_store %arg11[%swap3A_1991], %broadcast_in_dim3A_7 {strides = array<i32>} : memref<256xi32, #tpu.memory_space<vmem>>, vector<16xi32>,
      %swap3A_1993 = arith.constant 192 : index
      %swap3A_1994 = tpu.vector_load %arg11[%swap3A_1993] {strides = array<i32>} : memref<256xi32, #tpu.memory_space<vmem>>, vector<16xi32>,
      tpu.vector_store %arg11[%swap3A_1993], %broadcast_in_dim3A_7 {strides = array<i32>} : memref<256xi32, #tpu.memory_space<vmem>>, vector<16xi32>,
      %swap3A_1995 = arith.constant 208 : index
      %swap3A_1996 = tpu.vector_load %arg11[%swap3A_1995] {strides = array<i32>} : memref<256xi32, #tpu.memory_space<vmem>>, vector<16xi32>,
      tpu.vector_store %arg11[%swap3A_1995], %broadcast_in_dim3A_7 {strides = array<i32>} : memref<256xi32, #tpu.memory_space<vmem>>, vector<16xi32>,
      %swap3A_1997 = arith.constant 224 : index
      %swap3A_1998 = tpu.vector_load %arg11[%swap3A_1997] {strides = array<i32>} : memref<256xi32, #tpu.memory_space<vmem>>, vector<16xi32>,
      tpu.vector_store %arg11[%swap3A_1997], %broadcast_in_dim3A_7 {strides = array<i32>} : memref<256xi32, #tpu.memory_space<vmem>>, vector<16xi32>,
      %swap3A_1999 = arith.constant 240 : index
      %swap3A_2000 = tpu.vector_load %arg11[%swap3A_1999] {strides = array<i32>} : memref<256xi32, #tpu.memory_space<vmem>>, vector<16xi32>,
      tpu.vector_store %arg11[%swap3A_1999], %broadcast_in_dim3A_7 {strides = array<i32>} : memref<256xi32, #tpu.memory_space<vmem>>, vector<16xi32>,
      %parallel_loop3A_2001 = arith.constant 0 : i32
      %parallel_loop3A_2002 = arith.constant 1 : i32
      scf.for %parallel_loop3A_2628 = %parallel_loop3A_2001 to %shift_right_logical3A_1331 step %parallel_loop3A_2002  : i32 {
        %parallel_loop3A_2629 = arith.constant 16 : i32
        %parallel_loop3A_2630 = arith.muli %parallel_loop3A_2628, %parallel_loop3A_2629 : i32
        %parallel_loop3A_2631 = arith.index_cast %parallel_loop3A_2630 : i32 to index
        %parallel_loop3A_2632 = tpu.vector_load %arg7[%parallel_loop3A_2631] {strides = array<i32>} : memref<2048xi32, #tpu.memory_space<vmem>>, vector<16xi32>,
        %parallel_loop3A_2633 = arith.constant 16 : i32
        %parallel_loop3A_2634 = vector.broadcast %parallel_loop3A_2633 : i32 to vector<16xi32>
        %parallel_loop3A_2635 = arith.shrui %parallel_loop3A_2632, %parallel_loop3A_2634 : vector<16xi32>
        %parallel_loop3A_2636 = arith.constant 255 : i32
        %parallel_loop3A_2637 = vector.broadcast %parallel_loop3A_2636 : i32 to vector<16xi32>
        %parallel_loop3A_2638 = arith.andi %parallel_loop3A_2635, %parallel_loop3A_2637 : vector<16xi32>
        %parallel_loop3A_2639 = arith.constant true
        %parallel_loop3A_2640 = vector.broadcast %parallel_loop3A_2639 : i1 to vector<16xi1>
        %parallel_loop3A_2641, %parallel_loop3A_2642 = tpu.scan_count mask(%parallel_loop3A_2640 : vector<16xi1>) value(%parallel_loop3A_2638 : vector<16xi32>) : vector<16xi1>, vector<16xi32>
        tpu.vector_store_idx %arg11[%parallel_loop3A_2638], %parallel_loop3A_2642 masked %parallel_loop3A_2641 {add = true} : memref<256xi32, #tpu.memory_space<vmem>>[vector<16xi32>], vector<16xi32>, vector<16xi1>
        %parallel_loop3A_2643 = arith.constant 256 : i32
        %parallel_loop3A_2644 = arith.constant 0 : i32
        %parallel_loop3A_2645 = vector.broadcast %parallel_loop3A_2643 : i32 to vector<16xi32>
        %parallel_loop3A_2646 = vector.broadcast %parallel_loop3A_2644 : i32 to vector<16xi32>
        %parallel_loop3A_2647 = arith.select %parallel_loop3A_2641, %parallel_loop3A_2645, %parallel_loop3A_2646 : vector<16xi1>, vector<16xi32>
        %parallel_loop3A_2648 = arith.addi %parallel_loop3A_2642, %parallel_loop3A_2647 : vector<16xi32>
        %parallel_loop3A_2649 = arith.constant 16 : i32
        %parallel_loop3A_2650 = arith.muli %parallel_loop3A_2628, %parallel_loop3A_2649 : i32
        %parallel_loop3A_2651 = arith.index_cast %parallel_loop3A_2650 : i32 to index
        %parallel_loop3A_2652 = tpu.vector_load %arg12[%parallel_loop3A_2651] {strides = array<i32>} : memref<2048xi32, #tpu.memory_space<vmem>>, vector<16xi32>,
        tpu.vector_store %arg12[%parallel_loop3A_2651], %parallel_loop3A_2648 {strides = array<i32>} : memref<2048xi32, #tpu.memory_space<vmem>>, vector<16xi32>,
      } {sc.loop_unroll_factor = 8 : i64, sc.parallel_access}
      %get3A_2003 = arith.constant 0 : index
      %get3A_2004 = tpu.vector_load %arg11[%get3A_2003] {strides = array<i32>} : memref<256xi32, #tpu.memory_space<vmem>>, vector<16xi32>,
      %reduce_sum3A_2005 = arith.constant true
      %reduce_sum3A_2006 = vector.broadcast %reduce_sum3A_2005 : i1 to vector<16xi1>
      %reduce_sum3A_2007 = tpu.scan <sum>, %get3A_2004 masked %reduce_sum3A_2006 : vector<16xi32>, vector<16xi1> -> vector<16xi32>
      %reduce_sum3A_2008 = vector.extract %reduce_sum3A_2007[15] : i32 from vector<16xi32>
      %get3A_2009 = arith.constant 16 : index
      %get3A_2010 = tpu.vector_load %arg11[%get3A_2009] {strides = array<i32>} : memref<256xi32, #tpu.memory_space<vmem>>, vector<16xi32>,
      %reduce_sum3A_2011 = arith.constant true
      %reduce_sum3A_2012 = vector.broadcast %reduce_sum3A_2011 : i1 to vector<16xi1>
      %reduce_sum3A_2013 = tpu.scan <sum>, %get3A_2010 masked %reduce_sum3A_2012 : vector<16xi32>, vector<16xi1> -> vector<16xi32>
      %reduce_sum3A_2014 = vector.extract %reduce_sum3A_2013[15] : i32 from vector<16xi32>
      %get3A_2015 = arith.constant 32 : index
      %get3A_2016 = tpu.vector_load %arg11[%get3A_2015] {strides = array<i32>} : memref<256xi32, #tpu.memory_space<vmem>>, vector<16xi32>,
      %reduce_sum3A_2017 = arith.constant true
      %reduce_sum3A_2018 = vector.broadcast %reduce_sum3A_2017 : i1 to vector<16xi1>
      %reduce_sum3A_2019 = tpu.scan <sum>, %get3A_2016 masked %reduce_sum3A_2018 : vector<16xi32>, vector<16xi1> -> vector<16xi32>
      %reduce_sum3A_2020 = vector.extract %reduce_sum3A_2019[15] : i32 from vector<16xi32>
      %get3A_2021 = arith.constant 48 : index
      %get3A_2022 = tpu.vector_load %arg11[%get3A_2021] {strides = array<i32>} : memref<256xi32, #tpu.memory_space<vmem>>, vector<16xi32>,
      %reduce_sum3A_2023 = arith.constant true
      %reduce_sum3A_2024 = vector.broadcast %reduce_sum3A_2023 : i1 to vector<16xi1>
      %reduce_sum3A_2025 = tpu.scan <sum>, %get3A_2022 masked %reduce_sum3A_2024 : vector<16xi32>, vector<16xi1> -> vector<16xi32>
      %reduce_sum3A_2026 = vector.extract %reduce_sum3A_2025[15] : i32 from vector<16xi32>
      %get3A_2027 = arith.constant 64 : index
      %get3A_2028 = tpu.vector_load %arg11[%get3A_2027] {strides = array<i32>} : memref<256xi32, #tpu.memory_space<vmem>>, vector<16xi32>,
      %reduce_sum3A_2029 = arith.constant true
      %reduce_sum3A_2030 = vector.broadcast %reduce_sum3A_2029 : i1 to vector<16xi1>
      %reduce_sum3A_2031 = tpu.scan <sum>, %get3A_2028 masked %reduce_sum3A_2030 : vector<16xi32>, vector<16xi1> -> vector<16xi32>
      %reduce_sum3A_2032 = vector.extract %reduce_sum3A_2031[15] : i32 from vector<16xi32>
      %get3A_2033 = arith.constant 80 : index
      %get3A_2034 = tpu.vector_load %arg11[%get3A_2033] {strides = array<i32>} : memref<256xi32, #tpu.memory_space<vmem>>, vector<16xi32>,
      %reduce_sum3A_2035 = arith.constant true
      %reduce_sum3A_2036 = vector.broadcast %reduce_sum3A_2035 : i1 to vector<16xi1>
      %reduce_sum3A_2037 = tpu.scan <sum>, %get3A_2034 masked %reduce_sum3A_2036 : vector<16xi32>, vector<16xi1> -> vector<16xi32>
      %reduce_sum3A_2038 = vector.extract %reduce_sum3A_2037[15] : i32 from vector<16xi32>
      %get3A_2039 = arith.constant 96 : index
      %get3A_2040 = tpu.vector_load %arg11[%get3A_2039] {strides = array<i32>} : memref<256xi32, #tpu.memory_space<vmem>>, vector<16xi32>,
      %reduce_sum3A_2041 = arith.constant true
      %reduce_sum3A_2042 = vector.broadcast %reduce_sum3A_2041 : i1 to vector<16xi1>
      %reduce_sum3A_2043 = tpu.scan <sum>, %get3A_2040 masked %reduce_sum3A_2042 : vector<16xi32>, vector<16xi1> -> vector<16xi32>
      %reduce_sum3A_2044 = vector.extract %reduce_sum3A_2043[15] : i32 from vector<16xi32>
      %get3A_2045 = arith.constant 112 : index
      %get3A_2046 = tpu.vector_load %arg11[%get3A_2045] {strides = array<i32>} : memref<256xi32, #tpu.memory_space<vmem>>, vector<16xi32>,
      %reduce_sum3A_2047 = arith.constant true
      %reduce_sum3A_2048 = vector.broadcast %reduce_sum3A_2047 : i1 to vector<16xi1>
      %reduce_sum3A_2049 = tpu.scan <sum>, %get3A_2046 masked %reduce_sum3A_2048 : vector<16xi32>, vector<16xi1> -> vector<16xi32>
      %reduce_sum3A_2050 = vector.extract %reduce_sum3A_2049[15] : i32 from vector<16xi32>
      %get3A_2051 = arith.constant 128 : index
      %get3A_2052 = tpu.vector_load %arg11[%get3A_2051] {strides = array<i32>} : memref<256xi32, #tpu.memory_space<vmem>>, vector<16xi32>,
      %reduce_sum3A_2053 = arith.constant true
      %reduce_sum3A_2054 = vector.broadcast %reduce_sum3A_2053 : i1 to vector<16xi1>
      %reduce_sum3A_2055 = tpu.scan <sum>, %get3A_2052 masked %reduce_sum3A_2054 : vector<16xi32>, vector<16xi1> -> vector<16xi32>
      %reduce_sum3A_2056 = vector.extract %reduce_sum3A_2055[15] : i32 from vector<16xi32>
      %get3A_2057 = arith.constant 144 : index
      %get3A_2058 = tpu.vector_load %arg11[%get3A_2057] {strides = array<i32>} : memref<256xi32, #tpu.memory_space<vmem>>, vector<16xi32>,
      %reduce_sum3A_2059 = arith.constant true
      %reduce_sum3A_2060 = vector.broadcast %reduce_sum3A_2059 : i1 to vector<16xi1>
      %reduce_sum3A_2061 = tpu.scan <sum>, %get3A_2058 masked %reduce_sum3A_2060 : vector<16xi32>, vector<16xi1> -> vector<16xi32>
      %reduce_sum3A_2062 = vector.extract %reduce_sum3A_2061[15] : i32 from vector<16xi32>
      %get3A_2063 = arith.constant 160 : index
      %get3A_2064 = tpu.vector_load %arg11[%get3A_2063] {strides = array<i32>} : memref<256xi32, #tpu.memory_space<vmem>>, vector<16xi32>,
      %reduce_sum3A_2065 = arith.constant true
      %reduce_sum3A_2066 = vector.broadcast %reduce_sum3A_2065 : i1 to vector<16xi1>
      %reduce_sum3A_2067 = tpu.scan <sum>, %get3A_2064 masked %reduce_sum3A_2066 : vector<16xi32>, vector<16xi1> -> vector<16xi32>
      %reduce_sum3A_2068 = vector.extract %reduce_sum3A_2067[15] : i32 from vector<16xi32>
      %get3A_2069 = arith.constant 176 : index
      %get3A_2070 = tpu.vector_load %arg11[%get3A_2069] {strides = array<i32>} : memref<256xi32, #tpu.memory_space<vmem>>, vector<16xi32>,
      %reduce_sum3A_2071 = arith.constant true
      %reduce_sum3A_2072 = vector.broadcast %reduce_sum3A_2071 : i1 to vector<16xi1>
      %reduce_sum3A_2073 = tpu.scan <sum>, %get3A_2070 masked %reduce_sum3A_2072 : vector<16xi32>, vector<16xi1> -> vector<16xi32>
      %reduce_sum3A_2074 = vector.extract %reduce_sum3A_2073[15] : i32 from vector<16xi32>
      %get3A_2075 = arith.constant 192 : index
      %get3A_2076 = tpu.vector_load %arg11[%get3A_2075] {strides = array<i32>} : memref<256xi32, #tpu.memory_space<vmem>>, vector<16xi32>,
      %reduce_sum3A_2077 = arith.constant true
      %reduce_sum3A_2078 = vector.broadcast %reduce_sum3A_2077 : i1 to vector<16xi1>
      %reduce_sum3A_2079 = tpu.scan <sum>, %get3A_2076 masked %reduce_sum3A_2078 : vector<16xi32>, vector<16xi1> -> vector<16xi32>
      %reduce_sum3A_2080 = vector.extract %reduce_sum3A_2079[15] : i32 from vector<16xi32>
      %get3A_2081 = arith.constant 208 : index
      %get3A_2082 = tpu.vector_load %arg11[%get3A_2081] {strides = array<i32>} : memref<256xi32, #tpu.memory_space<vmem>>, vector<16xi32>,
      %reduce_sum3A_2083 = arith.constant true
      %reduce_sum3A_2084 = vector.broadcast %reduce_sum3A_2083 : i1 to vector<16xi1>
      %reduce_sum3A_2085 = tpu.scan <sum>, %get3A_2082 masked %reduce_sum3A_2084 : vector<16xi32>, vector<16xi1> -> vector<16xi32>
      %reduce_sum3A_2086 = vector.extract %reduce_sum3A_2085[15] : i32 from vector<16xi32>
      %get3A_2087 = arith.constant 224 : index
      %get3A_2088 = tpu.vector_load %arg11[%get3A_2087] {strides = array<i32>} : memref<256xi32, #tpu.memory_space<vmem>>, vector<16xi32>,
      %reduce_sum3A_2089 = arith.constant true
      %reduce_sum3A_2090 = vector.broadcast %reduce_sum3A_2089 : i1 to vector<16xi1>
      %reduce_sum3A_2091 = tpu.scan <sum>, %get3A_2088 masked %reduce_sum3A_2090 : vector<16xi32>, vector<16xi1> -> vector<16xi32>
      %reduce_sum3A_2092 = vector.extract %reduce_sum3A_2091[15] : i32 from vector<16xi32>
      %get3A_2093 = arith.constant 240 : index
      %get3A_2094 = tpu.vector_load %arg11[%get3A_2093] {strides = array<i32>} : memref<256xi32, #tpu.memory_space<vmem>>, vector<16xi32>,
      %reduce_sum3A_2095 = arith.constant true
      %reduce_sum3A_2096 = vector.broadcast %reduce_sum3A_2095 : i1 to vector<16xi1>
      %reduce_sum3A_2097 = tpu.scan <sum>, %get3A_2094 masked %reduce_sum3A_2096 : vector<16xi32>, vector<16xi1> -> vector<16xi32>
      %reduce_sum3A_2098 = vector.extract %reduce_sum3A_2097[15] : i32 from vector<16xi32>
      %add3A_2099 = arith.constant 0 : i32
      %add3A_2100 = arith.addi %add3A_2099, %reduce_sum3A_2008 : i32
      %add3A_2101 = arith.addi %add3A_2100, %reduce_sum3A_2014 : i32
      %add3A_2102 = arith.addi %add3A_2101, %reduce_sum3A_2020 : i32
      %add3A_2103 = arith.addi %add3A_2102, %reduce_sum3A_2026 : i32
      %add3A_2104 = arith.addi %add3A_2103, %reduce_sum3A_2032 : i32
      %add3A_2105 = arith.addi %add3A_2104, %reduce_sum3A_2038 : i32
      %add3A_2106 = arith.addi %add3A_2105, %reduce_sum3A_2044 : i32
      %add3A_2107 = arith.addi %add3A_2106, %reduce_sum3A_2050 : i32
      %add3A_2108 = arith.addi %add3A_2107, %reduce_sum3A_2056 : i32
      %add3A_2109 = arith.addi %add3A_2108, %reduce_sum3A_2062 : i32
      %add3A_2110 = arith.addi %add3A_2109, %reduce_sum3A_2068 : i32
      %add3A_2111 = arith.addi %add3A_2110, %reduce_sum3A_2074 : i32
      %add3A_2112 = arith.addi %add3A_2111, %reduce_sum3A_2080 : i32
      %add3A_2113 = arith.addi %add3A_2112, %reduce_sum3A_2086 : i32
      %add3A_2114 = arith.addi %add3A_2113, %reduce_sum3A_2092 : i32
      %add3A_2115 = arith.addi %add3A_2114, %reduce_sum3A_2098 : i32
      %get3A_2116 = arith.constant 0 : index
      %get3A_2117 = tpu.vector_load %arg11[%get3A_2116] {strides = array<i32>} : memref<256xi32, #tpu.memory_space<vmem>>, vector<16xi32>,
      %broadcast_in_dim3A_2118 = arith.constant true
      %broadcast_in_dim3A_2119 = vector.broadcast %broadcast_in_dim3A_2118 : i1 to vector<16xi1>
      %masked_cumsum3A_2120 = tpu.scan <sum>, %get3A_2117 masked %broadcast_in_dim3A_2119 : vector<16xi32>, vector<16xi1> -> vector<16xi32>
      %add3A_2121 = arith.constant 0 : i32
      %add3A_2122 = vector.broadcast %add3A_2121 : i32 to vector<16xi32>
      %add3A_2123 = arith.addi %add3A_2122, %masked_cumsum3A_2120 : vector<16xi32>
      %sub3A_2124 = arith.subi %add3A_2123, %get3A_2117 : vector<16xi32>
      %swap3A_2125 = arith.constant 0 : index
      %swap3A_2126 = tpu.vector_load %arg11[%swap3A_2125] {strides = array<i32>} : memref<256xi32, #tpu.memory_space<vmem>>, vector<16xi32>,
      tpu.vector_store %arg11[%swap3A_2125], %sub3A_2124 {strides = array<i32>} : memref<256xi32, #tpu.memory_space<vmem>>, vector<16xi32>,
      %get3A_2127 = arith.constant 16 : index
      %get3A_2128 = tpu.vector_load %arg11[%get3A_2127] {strides = array<i32>} : memref<256xi32, #tpu.memory_space<vmem>>, vector<16xi32>,
      %broadcast_in_dim3A_2129 = arith.constant true
      %broadcast_in_dim3A_2130 = vector.broadcast %broadcast_in_dim3A_2129 : i1 to vector<16xi1>
      %masked_cumsum3A_2131 = tpu.scan <sum>, %get3A_2128 masked %broadcast_in_dim3A_2130 : vector<16xi32>, vector<16xi1> -> vector<16xi32>
      %add3A_2132 = vector.broadcast %add3A_2100 : i32 to vector<16xi32>
      %add3A_2133 = arith.addi %add3A_2132, %masked_cumsum3A_2131 : vector<16xi32>
      %sub3A_2134 = arith.subi %add3A_2133, %get3A_2128 : vector<16xi32>
      %swap3A_2135 = arith.constant 16 : index
      %swap3A_2136 = tpu.vector_load %arg11[%swap3A_2135] {strides = array<i32>} : memref<256xi32, #tpu.memory_space<vmem>>, vector<16xi32>,
      tpu.vector_store %arg11[%swap3A_2135], %sub3A_2134 {strides = array<i32>} : memref<256xi32, #tpu.memory_space<vmem>>, vector<16xi32>,
      %get3A_2137 = arith.constant 32 : index
      %get3A_2138 = tpu.vector_load %arg11[%get3A_2137] {strides = array<i32>} : memref<256xi32, #tpu.memory_space<vmem>>, vector<16xi32>,
      %broadcast_in_dim3A_2139 = arith.constant true
      %broadcast_in_dim3A_2140 = vector.broadcast %broadcast_in_dim3A_2139 : i1 to vector<16xi1>
      %masked_cumsum3A_2141 = tpu.scan <sum>, %get3A_2138 masked %broadcast_in_dim3A_2140 : vector<16xi32>, vector<16xi1> -> vector<16xi32>
      %add3A_2142 = vector.broadcast %add3A_2101 : i32 to vector<16xi32>
      %add3A_2143 = arith.addi %add3A_2142, %masked_cumsum3A_2141 : vector<16xi32>
      %sub3A_2144 = arith.subi %add3A_2143, %get3A_2138 : vector<16xi32>
      %swap3A_2145 = arith.constant 32 : index
      %swap3A_2146 = tpu.vector_load %arg11[%swap3A_2145] {strides = array<i32>} : memref<256xi32, #tpu.memory_space<vmem>>, vector<16xi32>,
      tpu.vector_store %arg11[%swap3A_2145], %sub3A_2144 {strides = array<i32>} : memref<256xi32, #tpu.memory_space<vmem>>, vector<16xi32>,
      %get3A_2147 = arith.constant 48 : index
      %get3A_2148 = tpu.vector_load %arg11[%get3A_2147] {strides = array<i32>} : memref<256xi32, #tpu.memory_space<vmem>>, vector<16xi32>,
      %broadcast_in_dim3A_2149 = arith.constant true
      %broadcast_in_dim3A_2150 = vector.broadcast %broadcast_in_dim3A_2149 : i1 to vector<16xi1>
      %masked_cumsum3A_2151 = tpu.scan <sum>, %get3A_2148 masked %broadcast_in_dim3A_2150 : vector<16xi32>, vector<16xi1> -> vector<16xi32>
      %add3A_2152 = vector.broadcast %add3A_2102 : i32 to vector<16xi32>
      %add3A_2153 = arith.addi %add3A_2152, %masked_cumsum3A_2151 : vector<16xi32>
      %sub3A_2154 = arith.subi %add3A_2153, %get3A_2148 : vector<16xi32>
      %swap3A_2155 = arith.constant 48 : index
      %swap3A_2156 = tpu.vector_load %arg11[%swap3A_2155] {strides = array<i32>} : memref<256xi32, #tpu.memory_space<vmem>>, vector<16xi32>,
      tpu.vector_store %arg11[%swap3A_2155], %sub3A_2154 {strides = array<i32>} : memref<256xi32, #tpu.memory_space<vmem>>, vector<16xi32>,
      %get3A_2157 = arith.constant 64 : index
      %get3A_2158 = tpu.vector_load %arg11[%get3A_2157] {strides = array<i32>} : memref<256xi32, #tpu.memory_space<vmem>>, vector<16xi32>,
      %broadcast_in_dim3A_2159 = arith.constant true
      %broadcast_in_dim3A_2160 = vector.broadcast %broadcast_in_dim3A_2159 : i1 to vector<16xi1>
      %masked_cumsum3A_2161 = tpu.scan <sum>, %get3A_2158 masked %broadcast_in_dim3A_2160 : vector<16xi32>, vector<16xi1> -> vector<16xi32>
      %add3A_2162 = vector.broadcast %add3A_2103 : i32 to vector<16xi32>
      %add3A_2163 = arith.addi %add3A_2162, %masked_cumsum3A_2161 : vector<16xi32>
      %sub3A_2164 = arith.subi %add3A_2163, %get3A_2158 : vector<16xi32>
      %swap3A_2165 = arith.constant 64 : index
      %swap3A_2166 = tpu.vector_load %arg11[%swap3A_2165] {strides = array<i32>} : memref<256xi32, #tpu.memory_space<vmem>>, vector<16xi32>,
      tpu.vector_store %arg11[%swap3A_2165], %sub3A_2164 {strides = array<i32>} : memref<256xi32, #tpu.memory_space<vmem>>, vector<16xi32>,
      %get3A_2167 = arith.constant 80 : index
      %get3A_2168 = tpu.vector_load %arg11[%get3A_2167] {strides = array<i32>} : memref<256xi32, #tpu.memory_space<vmem>>, vector<16xi32>,
      %broadcast_in_dim3A_2169 = arith.constant true
      %broadcast_in_dim3A_2170 = vector.broadcast %broadcast_in_dim3A_2169 : i1 to vector<16xi1>
      %masked_cumsum3A_2171 = tpu.scan <sum>, %get3A_2168 masked %broadcast_in_dim3A_2170 : vector<16xi32>, vector<16xi1> -> vector<16xi32>
      %add3A_2172 = vector.broadcast %add3A_2104 : i32 to vector<16xi32>
      %add3A_2173 = arith.addi %add3A_2172, %masked_cumsum3A_2171 : vector<16xi32>
      %sub3A_2174 = arith.subi %add3A_2173, %get3A_2168 : vector<16xi32>
      %swap3A_2175 = arith.constant 80 : index
      %swap3A_2176 = tpu.vector_load %arg11[%swap3A_2175] {strides = array<i32>} : memref<256xi32, #tpu.memory_space<vmem>>, vector<16xi32>,
      tpu.vector_store %arg11[%swap3A_2175], %sub3A_2174 {strides = array<i32>} : memref<256xi32, #tpu.memory_space<vmem>>, vector<16xi32>,
      %get3A_2177 = arith.constant 96 : index
      %get3A_2178 = tpu.vector_load %arg11[%get3A_2177] {strides = array<i32>} : memref<256xi32, #tpu.memory_space<vmem>>, vector<16xi32>,
      %broadcast_in_dim3A_2179 = arith.constant true
      %broadcast_in_dim3A_2180 = vector.broadcast %broadcast_in_dim3A_2179 : i1 to vector<16xi1>
      %masked_cumsum3A_2181 = tpu.scan <sum>, %get3A_2178 masked %broadcast_in_dim3A_2180 : vector<16xi32>, vector<16xi1> -> vector<16xi32>
      %add3A_2182 = vector.broadcast %add3A_2105 : i32 to vector<16xi32>
      %add3A_2183 = arith.addi %add3A_2182, %masked_cumsum3A_2181 : vector<16xi32>
      %sub3A_2184 = arith.subi %add3A_2183, %get3A_2178 : vector<16xi32>
      %swap3A_2185 = arith.constant 96 : index
      %swap3A_2186 = tpu.vector_load %arg11[%swap3A_2185] {strides = array<i32>} : memref<256xi32, #tpu.memory_space<vmem>>, vector<16xi32>,
      tpu.vector_store %arg11[%swap3A_2185], %sub3A_2184 {strides = array<i32>} : memref<256xi32, #tpu.memory_space<vmem>>, vector<16xi32>,
      %get3A_2187 = arith.constant 112 : index
      %get3A_2188 = tpu.vector_load %arg11[%get3A_2187] {strides = array<i32>} : memref<256xi32, #tpu.memory_space<vmem>>, vector<16xi32>,
      %broadcast_in_dim3A_2189 = arith.constant true
      %broadcast_in_dim3A_2190 = vector.broadcast %broadcast_in_dim3A_2189 : i1 to vector<16xi1>
      %masked_cumsum3A_2191 = tpu.scan <sum>, %get3A_2188 masked %broadcast_in_dim3A_2190 : vector<16xi32>, vector<16xi1> -> vector<16xi32>
      %add3A_2192 = vector.broadcast %add3A_2106 : i32 to vector<16xi32>
      %add3A_2193 = arith.addi %add3A_2192, %masked_cumsum3A_2191 : vector<16xi32>
      %sub3A_2194 = arith.subi %add3A_2193, %get3A_2188 : vector<16xi32>
      %swap3A_2195 = arith.constant 112 : index
      %swap3A_2196 = tpu.vector_load %arg11[%swap3A_2195] {strides = array<i32>} : memref<256xi32, #tpu.memory_space<vmem>>, vector<16xi32>,
      tpu.vector_store %arg11[%swap3A_2195], %sub3A_2194 {strides = array<i32>} : memref<256xi32, #tpu.memory_space<vmem>>, vector<16xi32>,
      %get3A_2197 = arith.constant 128 : index
      %get3A_2198 = tpu.vector_load %arg11[%get3A_2197] {strides = array<i32>} : memref<256xi32, #tpu.memory_space<vmem>>, vector<16xi32>,
      %broadcast_in_dim3A_2199 = arith.constant true
      %broadcast_in_dim3A_2200 = vector.broadcast %broadcast_in_dim3A_2199 : i1 to vector<16xi1>
      %masked_cumsum3A_2201 = tpu.scan <sum>, %get3A_2198 masked %broadcast_in_dim3A_2200 : vector<16xi32>, vector<16xi1> -> vector<16xi32>
      %add3A_2202 = vector.broadcast %add3A_2107 : i32 to vector<16xi32>
      %add3A_2203 = arith.addi %add3A_2202, %masked_cumsum3A_2201 : vector<16xi32>
      %sub3A_2204 = arith.subi %add3A_2203, %get3A_2198 : vector<16xi32>
      %swap3A_2205 = arith.constant 128 : index
      %swap3A_2206 = tpu.vector_load %arg11[%swap3A_2205] {strides = array<i32>} : memref<256xi32, #tpu.memory_space<vmem>>, vector<16xi32>,
      tpu.vector_store %arg11[%swap3A_2205], %sub3A_2204 {strides = array<i32>} : memref<256xi32, #tpu.memory_space<vmem>>, vector<16xi32>,
      %get3A_2207 = arith.constant 144 : index
      %get3A_2208 = tpu.vector_load %arg11[%get3A_2207] {strides = array<i32>} : memref<256xi32, #tpu.memory_space<vmem>>, vector<16xi32>,
      %broadcast_in_dim3A_2209 = arith.constant true
      %broadcast_in_dim3A_2210 = vector.broadcast %broadcast_in_dim3A_2209 : i1 to vector<16xi1>
      %masked_cumsum3A_2211 = tpu.scan <sum>, %get3A_2208 masked %broadcast_in_dim3A_2210 : vector<16xi32>, vector<16xi1> -> vector<16xi32>
      %add3A_2212 = vector.broadcast %add3A_2108 : i32 to vector<16xi32>
      %add3A_2213 = arith.addi %add3A_2212, %masked_cumsum3A_2211 : vector<16xi32>
      %sub3A_2214 = arith.subi %add3A_2213, %get3A_2208 : vector<16xi32>
      %swap3A_2215 = arith.constant 144 : index
      %swap3A_2216 = tpu.vector_load %arg11[%swap3A_2215] {strides = array<i32>} : memref<256xi32, #tpu.memory_space<vmem>>, vector<16xi32>,
      tpu.vector_store %arg11[%swap3A_2215], %sub3A_2214 {strides = array<i32>} : memref<256xi32, #tpu.memory_space<vmem>>, vector<16xi32>,
      %get3A_2217 = arith.constant 160 : index
      %get3A_2218 = tpu.vector_load %arg11[%get3A_2217] {strides = array<i32>} : memref<256xi32, #tpu.memory_space<vmem>>, vector<16xi32>,
      %broadcast_in_dim3A_2219 = arith.constant true
      %broadcast_in_dim3A_2220 = vector.broadcast %broadcast_in_dim3A_2219 : i1 to vector<16xi1>
      %masked_cumsum3A_2221 = tpu.scan <sum>, %get3A_2218 masked %broadcast_in_dim3A_2220 : vector<16xi32>, vector<16xi1> -> vector<16xi32>
      %add3A_2222 = vector.broadcast %add3A_2109 : i32 to vector<16xi32>
      %add3A_2223 = arith.addi %add3A_2222, %masked_cumsum3A_2221 : vector<16xi32>
      %sub3A_2224 = arith.subi %add3A_2223, %get3A_2218 : vector<16xi32>
      %swap3A_2225 = arith.constant 160 : index
      %swap3A_2226 = tpu.vector_load %arg11[%swap3A_2225] {strides = array<i32>} : memref<256xi32, #tpu.memory_space<vmem>>, vector<16xi32>,
      tpu.vector_store %arg11[%swap3A_2225], %sub3A_2224 {strides = array<i32>} : memref<256xi32, #tpu.memory_space<vmem>>, vector<16xi32>,
      %get3A_2227 = arith.constant 176 : index
      %get3A_2228 = tpu.vector_load %arg11[%get3A_2227] {strides = array<i32>} : memref<256xi32, #tpu.memory_space<vmem>>, vector<16xi32>,
      %broadcast_in_dim3A_2229 = arith.constant true
      %broadcast_in_dim3A_2230 = vector.broadcast %broadcast_in_dim3A_2229 : i1 to vector<16xi1>
      %masked_cumsum3A_2231 = tpu.scan <sum>, %get3A_2228 masked %broadcast_in_dim3A_2230 : vector<16xi32>, vector<16xi1> -> vector<16xi32>
      %add3A_2232 = vector.broadcast %add3A_2110 : i32 to vector<16xi32>
      %add3A_2233 = arith.addi %add3A_2232, %masked_cumsum3A_2231 : vector<16xi32>
      %sub3A_2234 = arith.subi %add3A_2233, %get3A_2228 : vector<16xi32>
      %swap3A_2235 = arith.constant 176 : index
      %swap3A_2236 = tpu.vector_load %arg11[%swap3A_2235] {strides = array<i32>} : memref<256xi32, #tpu.memory_space<vmem>>, vector<16xi32>,
      tpu.vector_store %arg11[%swap3A_2235], %sub3A_2234 {strides = array<i32>} : memref<256xi32, #tpu.memory_space<vmem>>, vector<16xi32>,
      %get3A_2237 = arith.constant 192 : index
      %get3A_2238 = tpu.vector_load %arg11[%get3A_2237] {strides = array<i32>} : memref<256xi32, #tpu.memory_space<vmem>>, vector<16xi32>,
      %broadcast_in_dim3A_2239 = arith.constant true
      %broadcast_in_dim3A_2240 = vector.broadcast %broadcast_in_dim3A_2239 : i1 to vector<16xi1>
      %masked_cumsum3A_2241 = tpu.scan <sum>, %get3A_2238 masked %broadcast_in_dim3A_2240 : vector<16xi32>, vector<16xi1> -> vector<16xi32>
      %add3A_2242 = vector.broadcast %add3A_2111 : i32 to vector<16xi32>
      %add3A_2243 = arith.addi %add3A_2242, %masked_cumsum3A_2241 : vector<16xi32>
      %sub3A_2244 = arith.subi %add3A_2243, %get3A_2238 : vector<16xi32>
      %swap3A_2245 = arith.constant 192 : index
      %swap3A_2246 = tpu.vector_load %arg11[%swap3A_2245] {strides = array<i32>} : memref<256xi32, #tpu.memory_space<vmem>>, vector<16xi32>,
      tpu.vector_store %arg11[%swap3A_2245], %sub3A_2244 {strides = array<i32>} : memref<256xi32, #tpu.memory_space<vmem>>, vector<16xi32>,
      %get3A_2247 = arith.constant 208 : index
      %get3A_2248 = tpu.vector_load %arg11[%get3A_2247] {strides = array<i32>} : memref<256xi32, #tpu.memory_space<vmem>>, vector<16xi32>,
      %broadcast_in_dim3A_2249 = arith.constant true
      %broadcast_in_dim3A_2250 = vector.broadcast %broadcast_in_dim3A_2249 : i1 to vector<16xi1>
      %masked_cumsum3A_2251 = tpu.scan <sum>, %get3A_2248 masked %broadcast_in_dim3A_2250 : vector<16xi32>, vector<16xi1> -> vector<16xi32>
      %add3A_2252 = vector.broadcast %add3A_2112 : i32 to vector<16xi32>
      %add3A_2253 = arith.addi %add3A_2252, %masked_cumsum3A_2251 : vector<16xi32>
      %sub3A_2254 = arith.subi %add3A_2253, %get3A_2248 : vector<16xi32>
      %swap3A_2255 = arith.constant 208 : index
      %swap3A_2256 = tpu.vector_load %arg11[%swap3A_2255] {strides = array<i32>} : memref<256xi32, #tpu.memory_space<vmem>>, vector<16xi32>,
      tpu.vector_store %arg11[%swap3A_2255], %sub3A_2254 {strides = array<i32>} : memref<256xi32, #tpu.memory_space<vmem>>, vector<16xi32>,
      %get3A_2257 = arith.constant 224 : index
      %get3A_2258 = tpu.vector_load %arg11[%get3A_2257] {strides = array<i32>} : memref<256xi32, #tpu.memory_space<vmem>>, vector<16xi32>,
      %broadcast_in_dim3A_2259 = arith.constant true
      %broadcast_in_dim3A_2260 = vector.broadcast %broadcast_in_dim3A_2259 : i1 to vector<16xi1>
      %masked_cumsum3A_2261 = tpu.scan <sum>, %get3A_2258 masked %broadcast_in_dim3A_2260 : vector<16xi32>, vector<16xi1> -> vector<16xi32>
      %add3A_2262 = vector.broadcast %add3A_2113 : i32 to vector<16xi32>
      %add3A_2263 = arith.addi %add3A_2262, %masked_cumsum3A_2261 : vector<16xi32>
      %sub3A_2264 = arith.subi %add3A_2263, %get3A_2258 : vector<16xi32>
      %swap3A_2265 = arith.constant 224 : index
      %swap3A_2266 = tpu.vector_load %arg11[%swap3A_2265] {strides = array<i32>} : memref<256xi32, #tpu.memory_space<vmem>>, vector<16xi32>,
      tpu.vector_store %arg11[%swap3A_2265], %sub3A_2264 {strides = array<i32>} : memref<256xi32, #tpu.memory_space<vmem>>, vector<16xi32>,
      %get3A_2267 = arith.constant 240 : index
      %get3A_2268 = tpu.vector_load %arg11[%get3A_2267] {strides = array<i32>} : memref<256xi32, #tpu.memory_space<vmem>>, vector<16xi32>,
      %broadcast_in_dim3A_2269 = arith.constant true
      %broadcast_in_dim3A_2270 = vector.broadcast %broadcast_in_dim3A_2269 : i1 to vector<16xi1>
      %masked_cumsum3A_2271 = tpu.scan <sum>, %get3A_2268 masked %broadcast_in_dim3A_2270 : vector<16xi32>, vector<16xi1> -> vector<16xi32>
      %add3A_2272 = vector.broadcast %add3A_2114 : i32 to vector<16xi32>
      %add3A_2273 = arith.addi %add3A_2272, %masked_cumsum3A_2271 : vector<16xi32>
      %sub3A_2274 = arith.subi %add3A_2273, %get3A_2268 : vector<16xi32>
      %swap3A_2275 = arith.constant 240 : index
      %swap3A_2276 = tpu.vector_load %arg11[%swap3A_2275] {strides = array<i32>} : memref<256xi32, #tpu.memory_space<vmem>>, vector<16xi32>,
      tpu.vector_store %arg11[%swap3A_2275], %sub3A_2274 {strides = array<i32>} : memref<256xi32, #tpu.memory_space<vmem>>, vector<16xi32>,
      %while3A_2277 = arith.constant 0 : i32
      %while3A_2278 = arith.constant 0 : i32
      %while3A_2279 = arith.subi %shift_right_logical3A_1331, %while3A_2277 : i32
      %while3A_2280 = arith.addi %while3A_2277, %while3A_2279 : i32
      %while3A_2281 = arith.constant 1 : i32
      %while3A_2282 = arith.divsi %while3A_2279, %while3A_2281 : i32
      %while3A_2283 = arith.muli %while3A_2282, %while3A_2281 : i32
      %while3A_2284 = arith.addi %while3A_2277, %while3A_2283 : i32
      %while3A_2285 = arith.constant 1 : i32
      %while3A_2286 = scf.for %while3A_2628 = %while3A_2277 to %while3A_2284 step %while3A_2285 iter_args(%while3A_2629 = %while3A_2278) -> (i32)  : i32 {
        %mul3A_2630 = arith.constant 16 : i32
        %mul3A_2631 = arith.muli %while3A_2628, %mul3A_2630 : i32
        %get3A_2632 = arith.index_cast %mul3A_2631 : i32 to index
        %get3A_2633 = tpu.vector_load %arg7[%get3A_2632] {strides = array<i32>} : memref<2048xi32, #tpu.memory_space<vmem>>, vector<16xi32>,
        %mul3A_2634 = arith.constant 16 : i32
        %mul3A_2635 = arith.muli %while3A_2628, %mul3A_2634 : i32
        %get3A_2636 = arith.index_cast %mul3A_2635 : i32 to index
        %get3A_2637 = tpu.vector_load %arg8[%get3A_2636] {strides = array<i32>} : memref<2048xi32, #tpu.memory_space<vmem>>, vector<16xi32>,
        %shift_right_logical3A_2638 = arith.constant 16 : i32
        %shift_right_logical3A_2639 = vector.broadcast %shift_right_logical3A_2638 : i32 to vector<16xi32>
        %shift_right_logical3A_2640 = arith.shrui %get3A_2633, %shift_right_logical3A_2639 : vector<16xi32>
        %and3A_2641 = arith.constant 255 : i32
        %and3A_2642 = vector.broadcast %and3A_2641 : i32 to vector<16xi32>
        %and3A_2643 = arith.andi %shift_right_logical3A_2640, %and3A_2642 : vector<16xi32>
        %mul3A_2644 = arith.constant 16 : i32
        %mul3A_2645 = arith.muli %while3A_2628, %mul3A_2644 : i32
        %get3A_2646 = arith.index_cast %mul3A_2645 : i32 to index
        %get3A_2647 = tpu.vector_load %arg12[%get3A_2646] {strides = array<i32>} : memref<2048xi32, #tpu.memory_space<vmem>>, vector<16xi32>,
        %and3A_2648 = arith.constant 255 : i32
        %and3A_2649 = vector.broadcast %and3A_2648 : i32 to vector<16xi32>
        %and3A_2650 = arith.andi %get3A_2647, %and3A_2649 : vector<16xi32>
        %ge3A_2651 = arith.constant 256 : i32
        %ge3A_2652 = vector.broadcast %ge3A_2651 : i32 to vector<16xi32>
        %ge3A_2653 = arith.cmpi sge, %get3A_2647, %ge3A_2652 : vector<16xi32>
        %gather3A_2654 = tpu.vector_load_idx %arg11[%and3A_2643] : memref<256xi32, #tpu.memory_space<vmem>>[vector<16xi32>], vector<16xi32>,
        %add3A_2655 = arith.addi %gather3A_2654, %and3A_2650 : vector<16xi32>
        %sub3A_2656 = arith.constant 1 : i32
        %sub3A_2657 = vector.broadcast %sub3A_2656 : i32 to vector<16xi32>
        %sub3A_2658 = arith.subi %add3A_2655, %sub3A_2657 : vector<16xi32>
        tpu.vector_store_idx %arg9[%sub3A_2658], %get3A_2633 : memref<2048xi32, #tpu.memory_space<vmem>>[vector<16xi32>], vector<16xi32>,
        tpu.vector_store_idx %arg10[%sub3A_2658], %get3A_2637 : memref<2048xi32, #tpu.memory_space<vmem>>[vector<16xi32>], vector<16xi32>,
        tpu.vector_store_idx %arg11[%and3A_2643], %and3A_2650 masked %ge3A_2653 {add = true} : memref<256xi32, #tpu.memory_space<vmem>>[vector<16xi32>], vector<16xi32>, vector<16xi1>
        %while3A_2659 = arith.constant 0 : i32
        scf.yield %while3A_2659 : i32
      }
      %while3A_2287 = arith.constant 1 : i32
      %while3A_2288 = scf.for %while3A_2628 = %while3A_2284 to %while3A_2280 step %while3A_2287 iter_args(%while3A_2629 = %while3A_2286) -> (i32)  : i32 {
        %mul3A_2630 = arith.constant 16 : i32
        %mul3A_2631 = arith.muli %while3A_2628, %mul3A_2630 : i32
        %get3A_2632 = arith.index_cast %mul3A_2631 : i32 to index
        %get3A_2633 = tpu.vector_load %arg7[%get3A_2632] {strides = array<i32>} : memref<2048xi32, #tpu.memory_space<vmem>>, vector<16xi32>,
        %mul3A_2634 = arith.constant 16 : i32
        %mul3A_2635 = arith.muli %while3A_2628, %mul3A_2634 : i32
        %get3A_2636 = arith.index_cast %mul3A_2635 : i32 to index
        %get3A_2637 = tpu.vector_load %arg8[%get3A_2636] {strides = array<i32>} : memref<2048xi32, #tpu.memory_space<vmem>>, vector<16xi32>,
        %shift_right_logical3A_2638 = arith.constant 16 : i32
        %shift_right_logical3A_2639 = vector.broadcast %shift_right_logical3A_2638 : i32 to vector<16xi32>
        %shift_right_logical3A_2640 = arith.shrui %get3A_2633, %shift_right_logical3A_2639 : vector<16xi32>
        %and3A_2641 = arith.constant 255 : i32
        %and3A_2642 = vector.broadcast %and3A_2641 : i32 to vector<16xi32>
        %and3A_2643 = arith.andi %shift_right_logical3A_2640, %and3A_2642 : vector<16xi32>
        %mul3A_2644 = arith.constant 16 : i32
        %mul3A_2645 = arith.muli %while3A_2628, %mul3A_2644 : i32
        %get3A_2646 = arith.index_cast %mul3A_2645 : i32 to index
        %get3A_2647 = tpu.vector_load %arg12[%get3A_2646] {strides = array<i32>} : memref<2048xi32, #tpu.memory_space<vmem>>, vector<16xi32>,
        %and3A_2648 = arith.constant 255 : i32
        %and3A_2649 = vector.broadcast %and3A_2648 : i32 to vector<16xi32>
        %and3A_2650 = arith.andi %get3A_2647, %and3A_2649 : vector<16xi32>
        %ge3A_2651 = arith.constant 256 : i32
        %ge3A_2652 = vector.broadcast %ge3A_2651 : i32 to vector<16xi32>
        %ge3A_2653 = arith.cmpi sge, %get3A_2647, %ge3A_2652 : vector<16xi32>
        %gather3A_2654 = tpu.vector_load_idx %arg11[%and3A_2643] : memref<256xi32, #tpu.memory_space<vmem>>[vector<16xi32>], vector<16xi32>,
        %add3A_2655 = arith.addi %gather3A_2654, %and3A_2650 : vector<16xi32>
        %sub3A_2656 = arith.constant 1 : i32
        %sub3A_2657 = vector.broadcast %sub3A_2656 : i32 to vector<16xi32>
        %sub3A_2658 = arith.subi %add3A_2655, %sub3A_2657 : vector<16xi32>
        tpu.vector_store_idx %arg9[%sub3A_2658], %get3A_2633 : memref<2048xi32, #tpu.memory_space<vmem>>[vector<16xi32>], vector<16xi32>,
        tpu.vector_store_idx %arg10[%sub3A_2658], %get3A_2637 : memref<2048xi32, #tpu.memory_space<vmem>>[vector<16xi32>], vector<16xi32>,
        tpu.vector_store_idx %arg11[%and3A_2643], %and3A_2650 masked %ge3A_2653 {add = true} : memref<256xi32, #tpu.memory_space<vmem>>[vector<16xi32>], vector<16xi32>, vector<16xi1>
        %while3A_2659 = arith.constant 0 : i32
        scf.yield %while3A_2659 : i32
      }
      %swap3A_2289 = arith.constant 0 : index
      %swap3A_2290 = tpu.vector_load %arg11[%swap3A_2289] {strides = array<i32>} : memref<256xi32, #tpu.memory_space<vmem>>, vector<16xi32>,
      tpu.vector_store %arg11[%swap3A_2289], %broadcast_in_dim3A_7 {strides = array<i32>} : memref<256xi32, #tpu.memory_space<vmem>>, vector<16xi32>,
      %swap3A_2291 = arith.constant 16 : index
      %swap3A_2292 = tpu.vector_load %arg11[%swap3A_2291] {strides = array<i32>} : memref<256xi32, #tpu.memory_space<vmem>>, vector<16xi32>,
      tpu.vector_store %arg11[%swap3A_2291], %broadcast_in_dim3A_7 {strides = array<i32>} : memref<256xi32, #tpu.memory_space<vmem>>, vector<16xi32>,
      %swap3A_2293 = arith.constant 32 : index
      %swap3A_2294 = tpu.vector_load %arg11[%swap3A_2293] {strides = array<i32>} : memref<256xi32, #tpu.memory_space<vmem>>, vector<16xi32>,
      tpu.vector_store %arg11[%swap3A_2293], %broadcast_in_dim3A_7 {strides = array<i32>} : memref<256xi32, #tpu.memory_space<vmem>>, vector<16xi32>,
      %swap3A_2295 = arith.constant 48 : index
      %swap3A_2296 = tpu.vector_load %arg11[%swap3A_2295] {strides = array<i32>} : memref<256xi32, #tpu.memory_space<vmem>>, vector<16xi32>,
      tpu.vector_store %arg11[%swap3A_2295], %broadcast_in_dim3A_7 {strides = array<i32>} : memref<256xi32, #tpu.memory_space<vmem>>, vector<16xi32>,
      %swap3A_2297 = arith.constant 64 : index
      %swap3A_2298 = tpu.vector_load %arg11[%swap3A_2297] {strides = array<i32>} : memref<256xi32, #tpu.memory_space<vmem>>, vector<16xi32>,
      tpu.vector_store %arg11[%swap3A_2297], %broadcast_in_dim3A_7 {strides = array<i32>} : memref<256xi32, #tpu.memory_space<vmem>>, vector<16xi32>,
      %swap3A_2299 = arith.constant 80 : index
      %swap3A_2300 = tpu.vector_load %arg11[%swap3A_2299] {strides = array<i32>} : memref<256xi32, #tpu.memory_space<vmem>>, vector<16xi32>,
      tpu.vector_store %arg11[%swap3A_2299], %broadcast_in_dim3A_7 {strides = array<i32>} : memref<256xi32, #tpu.memory_space<vmem>>, vector<16xi32>,
      %swap3A_2301 = arith.constant 96 : index
      %swap3A_2302 = tpu.vector_load %arg11[%swap3A_2301] {strides = array<i32>} : memref<256xi32, #tpu.memory_space<vmem>>, vector<16xi32>,
      tpu.vector_store %arg11[%swap3A_2301], %broadcast_in_dim3A_7 {strides = array<i32>} : memref<256xi32, #tpu.memory_space<vmem>>, vector<16xi32>,
      %swap3A_2303 = arith.constant 112 : index
      %swap3A_2304 = tpu.vector_load %arg11[%swap3A_2303] {strides = array<i32>} : memref<256xi32, #tpu.memory_space<vmem>>, vector<16xi32>,
      tpu.vector_store %arg11[%swap3A_2303], %broadcast_in_dim3A_7 {strides = array<i32>} : memref<256xi32, #tpu.memory_space<vmem>>, vector<16xi32>,
      %swap3A_2305 = arith.constant 128 : index
      %swap3A_2306 = tpu.vector_load %arg11[%swap3A_2305] {strides = array<i32>} : memref<256xi32, #tpu.memory_space<vmem>>, vector<16xi32>,
      tpu.vector_store %arg11[%swap3A_2305], %broadcast_in_dim3A_7 {strides = array<i32>} : memref<256xi32, #tpu.memory_space<vmem>>, vector<16xi32>,
      %swap3A_2307 = arith.constant 144 : index
      %swap3A_2308 = tpu.vector_load %arg11[%swap3A_2307] {strides = array<i32>} : memref<256xi32, #tpu.memory_space<vmem>>, vector<16xi32>,
      tpu.vector_store %arg11[%swap3A_2307], %broadcast_in_dim3A_7 {strides = array<i32>} : memref<256xi32, #tpu.memory_space<vmem>>, vector<16xi32>,
      %swap3A_2309 = arith.constant 160 : index
      %swap3A_2310 = tpu.vector_load %arg11[%swap3A_2309] {strides = array<i32>} : memref<256xi32, #tpu.memory_space<vmem>>, vector<16xi32>,
      tpu.vector_store %arg11[%swap3A_2309], %broadcast_in_dim3A_7 {strides = array<i32>} : memref<256xi32, #tpu.memory_space<vmem>>, vector<16xi32>,
      %swap3A_2311 = arith.constant 176 : index
      %swap3A_2312 = tpu.vector_load %arg11[%swap3A_2311] {strides = array<i32>} : memref<256xi32, #tpu.memory_space<vmem>>, vector<16xi32>,
      tpu.vector_store %arg11[%swap3A_2311], %broadcast_in_dim3A_7 {strides = array<i32>} : memref<256xi32, #tpu.memory_space<vmem>>, vector<16xi32>,
      %swap3A_2313 = arith.constant 192 : index
      %swap3A_2314 = tpu.vector_load %arg11[%swap3A_2313] {strides = array<i32>} : memref<256xi32, #tpu.memory_space<vmem>>, vector<16xi32>,
      tpu.vector_store %arg11[%swap3A_2313], %broadcast_in_dim3A_7 {strides = array<i32>} : memref<256xi32, #tpu.memory_space<vmem>>, vector<16xi32>,
      %swap3A_2315 = arith.constant 208 : index
      %swap3A_2316 = tpu.vector_load %arg11[%swap3A_2315] {strides = array<i32>} : memref<256xi32, #tpu.memory_space<vmem>>, vector<16xi32>,
      tpu.vector_store %arg11[%swap3A_2315], %broadcast_in_dim3A_7 {strides = array<i32>} : memref<256xi32, #tpu.memory_space<vmem>>, vector<16xi32>,
      %swap3A_2317 = arith.constant 224 : index
      %swap3A_2318 = tpu.vector_load %arg11[%swap3A_2317] {strides = array<i32>} : memref<256xi32, #tpu.memory_space<vmem>>, vector<16xi32>,
      tpu.vector_store %arg11[%swap3A_2317], %broadcast_in_dim3A_7 {strides = array<i32>} : memref<256xi32, #tpu.memory_space<vmem>>, vector<16xi32>,
      %swap3A_2319 = arith.constant 240 : index
      %swap3A_2320 = tpu.vector_load %arg11[%swap3A_2319] {strides = array<i32>} : memref<256xi32, #tpu.memory_space<vmem>>, vector<16xi32>,
      tpu.vector_store %arg11[%swap3A_2319], %broadcast_in_dim3A_7 {strides = array<i32>} : memref<256xi32, #tpu.memory_space<vmem>>, vector<16xi32>,
      %parallel_loop3A_2321 = arith.constant 0 : i32
      %parallel_loop3A_2322 = arith.constant 1 : i32
      scf.for %parallel_loop3A_2628 = %parallel_loop3A_2321 to %shift_right_logical3A_1331 step %parallel_loop3A_2322  : i32 {
        %parallel_loop3A_2629 = arith.constant 16 : i32
        %parallel_loop3A_2630 = arith.muli %parallel_loop3A_2628, %parallel_loop3A_2629 : i32
        %parallel_loop3A_2631 = arith.index_cast %parallel_loop3A_2630 : i32 to index
        %parallel_loop3A_2632 = tpu.vector_load %arg9[%parallel_loop3A_2631] {strides = array<i32>} : memref<2048xi32, #tpu.memory_space<vmem>>, vector<16xi32>,
        %parallel_loop3A_2633 = arith.constant 24 : i32
        %parallel_loop3A_2634 = vector.broadcast %parallel_loop3A_2633 : i32 to vector<16xi32>
        %parallel_loop3A_2635 = arith.shrui %parallel_loop3A_2632, %parallel_loop3A_2634 : vector<16xi32>
        %parallel_loop3A_2636 = arith.constant 255 : i32
        %parallel_loop3A_2637 = vector.broadcast %parallel_loop3A_2636 : i32 to vector<16xi32>
        %parallel_loop3A_2638 = arith.andi %parallel_loop3A_2635, %parallel_loop3A_2637 : vector<16xi32>
        %parallel_loop3A_2639 = arith.constant true
        %parallel_loop3A_2640 = vector.broadcast %parallel_loop3A_2639 : i1 to vector<16xi1>
        %parallel_loop3A_2641, %parallel_loop3A_2642 = tpu.scan_count mask(%parallel_loop3A_2640 : vector<16xi1>) value(%parallel_loop3A_2638 : vector<16xi32>) : vector<16xi1>, vector<16xi32>
        tpu.vector_store_idx %arg11[%parallel_loop3A_2638], %parallel_loop3A_2642 masked %parallel_loop3A_2641 {add = true} : memref<256xi32, #tpu.memory_space<vmem>>[vector<16xi32>], vector<16xi32>, vector<16xi1>
        %parallel_loop3A_2643 = arith.constant 256 : i32
        %parallel_loop3A_2644 = arith.constant 0 : i32
        %parallel_loop3A_2645 = vector.broadcast %parallel_loop3A_2643 : i32 to vector<16xi32>
        %parallel_loop3A_2646 = vector.broadcast %parallel_loop3A_2644 : i32 to vector<16xi32>
        %parallel_loop3A_2647 = arith.select %parallel_loop3A_2641, %parallel_loop3A_2645, %parallel_loop3A_2646 : vector<16xi1>, vector<16xi32>
        %parallel_loop3A_2648 = arith.addi %parallel_loop3A_2642, %parallel_loop3A_2647 : vector<16xi32>
        %parallel_loop3A_2649 = arith.constant 16 : i32
        %parallel_loop3A_2650 = arith.muli %parallel_loop3A_2628, %parallel_loop3A_2649 : i32
        %parallel_loop3A_2651 = arith.index_cast %parallel_loop3A_2650 : i32 to index
        %parallel_loop3A_2652 = tpu.vector_load %arg12[%parallel_loop3A_2651] {strides = array<i32>} : memref<2048xi32, #tpu.memory_space<vmem>>, vector<16xi32>,
        tpu.vector_store %arg12[%parallel_loop3A_2651], %parallel_loop3A_2648 {strides = array<i32>} : memref<2048xi32, #tpu.memory_space<vmem>>, vector<16xi32>,
      } {sc.loop_unroll_factor = 8 : i64, sc.parallel_access}
      %get3A_2323 = arith.constant 0 : index
      %get3A_2324 = tpu.vector_load %arg11[%get3A_2323] {strides = array<i32>} : memref<256xi32, #tpu.memory_space<vmem>>, vector<16xi32>,
      %reduce_sum3A_2325 = arith.constant true
      %reduce_sum3A_2326 = vector.broadcast %reduce_sum3A_2325 : i1 to vector<16xi1>
      %reduce_sum3A_2327 = tpu.scan <sum>, %get3A_2324 masked %reduce_sum3A_2326 : vector<16xi32>, vector<16xi1> -> vector<16xi32>
      %reduce_sum3A_2328 = vector.extract %reduce_sum3A_2327[15] : i32 from vector<16xi32>
      %get3A_2329 = arith.constant 16 : index
      %get3A_2330 = tpu.vector_load %arg11[%get3A_2329] {strides = array<i32>} : memref<256xi32, #tpu.memory_space<vmem>>, vector<16xi32>,
      %reduce_sum3A_2331 = arith.constant true
      %reduce_sum3A_2332 = vector.broadcast %reduce_sum3A_2331 : i1 to vector<16xi1>
      %reduce_sum3A_2333 = tpu.scan <sum>, %get3A_2330 masked %reduce_sum3A_2332 : vector<16xi32>, vector<16xi1> -> vector<16xi32>
      %reduce_sum3A_2334 = vector.extract %reduce_sum3A_2333[15] : i32 from vector<16xi32>
      %get3A_2335 = arith.constant 32 : index
      %get3A_2336 = tpu.vector_load %arg11[%get3A_2335] {strides = array<i32>} : memref<256xi32, #tpu.memory_space<vmem>>, vector<16xi32>,
      %reduce_sum3A_2337 = arith.constant true
      %reduce_sum3A_2338 = vector.broadcast %reduce_sum3A_2337 : i1 to vector<16xi1>
      %reduce_sum3A_2339 = tpu.scan <sum>, %get3A_2336 masked %reduce_sum3A_2338 : vector<16xi32>, vector<16xi1> -> vector<16xi32>
      %reduce_sum3A_2340 = vector.extract %reduce_sum3A_2339[15] : i32 from vector<16xi32>
      %get3A_2341 = arith.constant 48 : index
      %get3A_2342 = tpu.vector_load %arg11[%get3A_2341] {strides = array<i32>} : memref<256xi32, #tpu.memory_space<vmem>>, vector<16xi32>,
      %reduce_sum3A_2343 = arith.constant true
      %reduce_sum3A_2344 = vector.broadcast %reduce_sum3A_2343 : i1 to vector<16xi1>
      %reduce_sum3A_2345 = tpu.scan <sum>, %get3A_2342 masked %reduce_sum3A_2344 : vector<16xi32>, vector<16xi1> -> vector<16xi32>
      %reduce_sum3A_2346 = vector.extract %reduce_sum3A_2345[15] : i32 from vector<16xi32>
      %get3A_2347 = arith.constant 64 : index
      %get3A_2348 = tpu.vector_load %arg11[%get3A_2347] {strides = array<i32>} : memref<256xi32, #tpu.memory_space<vmem>>, vector<16xi32>,
      %reduce_sum3A_2349 = arith.constant true
      %reduce_sum3A_2350 = vector.broadcast %reduce_sum3A_2349 : i1 to vector<16xi1>
      %reduce_sum3A_2351 = tpu.scan <sum>, %get3A_2348 masked %reduce_sum3A_2350 : vector<16xi32>, vector<16xi1> -> vector<16xi32>
      %reduce_sum3A_2352 = vector.extract %reduce_sum3A_2351[15] : i32 from vector<16xi32>
      %get3A_2353 = arith.constant 80 : index
      %get3A_2354 = tpu.vector_load %arg11[%get3A_2353] {strides = array<i32>} : memref<256xi32, #tpu.memory_space<vmem>>, vector<16xi32>,
      %reduce_sum3A_2355 = arith.constant true
      %reduce_sum3A_2356 = vector.broadcast %reduce_sum3A_2355 : i1 to vector<16xi1>
      %reduce_sum3A_2357 = tpu.scan <sum>, %get3A_2354 masked %reduce_sum3A_2356 : vector<16xi32>, vector<16xi1> -> vector<16xi32>
      %reduce_sum3A_2358 = vector.extract %reduce_sum3A_2357[15] : i32 from vector<16xi32>
      %get3A_2359 = arith.constant 96 : index
      %get3A_2360 = tpu.vector_load %arg11[%get3A_2359] {strides = array<i32>} : memref<256xi32, #tpu.memory_space<vmem>>, vector<16xi32>,
      %reduce_sum3A_2361 = arith.constant true
      %reduce_sum3A_2362 = vector.broadcast %reduce_sum3A_2361 : i1 to vector<16xi1>
      %reduce_sum3A_2363 = tpu.scan <sum>, %get3A_2360 masked %reduce_sum3A_2362 : vector<16xi32>, vector<16xi1> -> vector<16xi32>
      %reduce_sum3A_2364 = vector.extract %reduce_sum3A_2363[15] : i32 from vector<16xi32>
      %get3A_2365 = arith.constant 112 : index
      %get3A_2366 = tpu.vector_load %arg11[%get3A_2365] {strides = array<i32>} : memref<256xi32, #tpu.memory_space<vmem>>, vector<16xi32>,
      %reduce_sum3A_2367 = arith.constant true
      %reduce_sum3A_2368 = vector.broadcast %reduce_sum3A_2367 : i1 to vector<16xi1>
      %reduce_sum3A_2369 = tpu.scan <sum>, %get3A_2366 masked %reduce_sum3A_2368 : vector<16xi32>, vector<16xi1> -> vector<16xi32>
      %reduce_sum3A_2370 = vector.extract %reduce_sum3A_2369[15] : i32 from vector<16xi32>
      %get3A_2371 = arith.constant 128 : index
      %get3A_2372 = tpu.vector_load %arg11[%get3A_2371] {strides = array<i32>} : memref<256xi32, #tpu.memory_space<vmem>>, vector<16xi32>,
      %reduce_sum3A_2373 = arith.constant true
      %reduce_sum3A_2374 = vector.broadcast %reduce_sum3A_2373 : i1 to vector<16xi1>
      %reduce_sum3A_2375 = tpu.scan <sum>, %get3A_2372 masked %reduce_sum3A_2374 : vector<16xi32>, vector<16xi1> -> vector<16xi32>
      %reduce_sum3A_2376 = vector.extract %reduce_sum3A_2375[15] : i32 from vector<16xi32>
      %get3A_2377 = arith.constant 144 : index
      %get3A_2378 = tpu.vector_load %arg11[%get3A_2377] {strides = array<i32>} : memref<256xi32, #tpu.memory_space<vmem>>, vector<16xi32>,
      %reduce_sum3A_2379 = arith.constant true
      %reduce_sum3A_2380 = vector.broadcast %reduce_sum3A_2379 : i1 to vector<16xi1>
      %reduce_sum3A_2381 = tpu.scan <sum>, %get3A_2378 masked %reduce_sum3A_2380 : vector<16xi32>, vector<16xi1> -> vector<16xi32>
      %reduce_sum3A_2382 = vector.extract %reduce_sum3A_2381[15] : i32 from vector<16xi32>
      %get3A_2383 = arith.constant 160 : index
      %get3A_2384 = tpu.vector_load %arg11[%get3A_2383] {strides = array<i32>} : memref<256xi32, #tpu.memory_space<vmem>>, vector<16xi32>,
      %reduce_sum3A_2385 = arith.constant true
      %reduce_sum3A_2386 = vector.broadcast %reduce_sum3A_2385 : i1 to vector<16xi1>
      %reduce_sum3A_2387 = tpu.scan <sum>, %get3A_2384 masked %reduce_sum3A_2386 : vector<16xi32>, vector<16xi1> -> vector<16xi32>
      %reduce_sum3A_2388 = vector.extract %reduce_sum3A_2387[15] : i32 from vector<16xi32>
      %get3A_2389 = arith.constant 176 : index
      %get3A_2390 = tpu.vector_load %arg11[%get3A_2389] {strides = array<i32>} : memref<256xi32, #tpu.memory_space<vmem>>, vector<16xi32>,
      %reduce_sum3A_2391 = arith.constant true
      %reduce_sum3A_2392 = vector.broadcast %reduce_sum3A_2391 : i1 to vector<16xi1>
      %reduce_sum3A_2393 = tpu.scan <sum>, %get3A_2390 masked %reduce_sum3A_2392 : vector<16xi32>, vector<16xi1> -> vector<16xi32>
      %reduce_sum3A_2394 = vector.extract %reduce_sum3A_2393[15] : i32 from vector<16xi32>
      %get3A_2395 = arith.constant 192 : index
      %get3A_2396 = tpu.vector_load %arg11[%get3A_2395] {strides = array<i32>} : memref<256xi32, #tpu.memory_space<vmem>>, vector<16xi32>,
      %reduce_sum3A_2397 = arith.constant true
      %reduce_sum3A_2398 = vector.broadcast %reduce_sum3A_2397 : i1 to vector<16xi1>
      %reduce_sum3A_2399 = tpu.scan <sum>, %get3A_2396 masked %reduce_sum3A_2398 : vector<16xi32>, vector<16xi1> -> vector<16xi32>
      %reduce_sum3A_2400 = vector.extract %reduce_sum3A_2399[15] : i32 from vector<16xi32>
      %get3A_2401 = arith.constant 208 : index
      %get3A_2402 = tpu.vector_load %arg11[%get3A_2401] {strides = array<i32>} : memref<256xi32, #tpu.memory_space<vmem>>, vector<16xi32>,
      %reduce_sum3A_2403 = arith.constant true
      %reduce_sum3A_2404 = vector.broadcast %reduce_sum3A_2403 : i1 to vector<16xi1>
      %reduce_sum3A_2405 = tpu.scan <sum>, %get3A_2402 masked %reduce_sum3A_2404 : vector<16xi32>, vector<16xi1> -> vector<16xi32>
      %reduce_sum3A_2406 = vector.extract %reduce_sum3A_2405[15] : i32 from vector<16xi32>
      %get3A_2407 = arith.constant 224 : index
      %get3A_2408 = tpu.vector_load %arg11[%get3A_2407] {strides = array<i32>} : memref<256xi32, #tpu.memory_space<vmem>>, vector<16xi32>,
      %reduce_sum3A_2409 = arith.constant true
      %reduce_sum3A_2410 = vector.broadcast %reduce_sum3A_2409 : i1 to vector<16xi1>
      %reduce_sum3A_2411 = tpu.scan <sum>, %get3A_2408 masked %reduce_sum3A_2410 : vector<16xi32>, vector<16xi1> -> vector<16xi32>
      %reduce_sum3A_2412 = vector.extract %reduce_sum3A_2411[15] : i32 from vector<16xi32>
      %get3A_2413 = arith.constant 240 : index
      %get3A_2414 = tpu.vector_load %arg11[%get3A_2413] {strides = array<i32>} : memref<256xi32, #tpu.memory_space<vmem>>, vector<16xi32>,
      %reduce_sum3A_2415 = arith.constant true
      %reduce_sum3A_2416 = vector.broadcast %reduce_sum3A_2415 : i1 to vector<16xi1>
      %reduce_sum3A_2417 = tpu.scan <sum>, %get3A_2414 masked %reduce_sum3A_2416 : vector<16xi32>, vector<16xi1> -> vector<16xi32>
      %reduce_sum3A_2418 = vector.extract %reduce_sum3A_2417[15] : i32 from vector<16xi32>
      %add3A_2419 = arith.constant 0 : i32
      %add3A_2420 = arith.addi %add3A_2419, %reduce_sum3A_2328 : i32
      %add3A_2421 = arith.addi %add3A_2420, %reduce_sum3A_2334 : i32
      %add3A_2422 = arith.addi %add3A_2421, %reduce_sum3A_2340 : i32
      %add3A_2423 = arith.addi %add3A_2422, %reduce_sum3A_2346 : i32
      %add3A_2424 = arith.addi %add3A_2423, %reduce_sum3A_2352 : i32
      %add3A_2425 = arith.addi %add3A_2424, %reduce_sum3A_2358 : i32
      %add3A_2426 = arith.addi %add3A_2425, %reduce_sum3A_2364 : i32
      %add3A_2427 = arith.addi %add3A_2426, %reduce_sum3A_2370 : i32
      %add3A_2428 = arith.addi %add3A_2427, %reduce_sum3A_2376 : i32
      %add3A_2429 = arith.addi %add3A_2428, %reduce_sum3A_2382 : i32
      %add3A_2430 = arith.addi %add3A_2429, %reduce_sum3A_2388 : i32
      %add3A_2431 = arith.addi %add3A_2430, %reduce_sum3A_2394 : i32
      %add3A_2432 = arith.addi %add3A_2431, %reduce_sum3A_2400 : i32
      %add3A_2433 = arith.addi %add3A_2432, %reduce_sum3A_2406 : i32
      %add3A_2434 = arith.addi %add3A_2433, %reduce_sum3A_2412 : i32
      %add3A_2435 = arith.addi %add3A_2434, %reduce_sum3A_2418 : i32
      %get3A_2436 = arith.constant 0 : index
      %get3A_2437 = tpu.vector_load %arg11[%get3A_2436] {strides = array<i32>} : memref<256xi32, #tpu.memory_space<vmem>>, vector<16xi32>,
      %broadcast_in_dim3A_2438 = arith.constant true
      %broadcast_in_dim3A_2439 = vector.broadcast %broadcast_in_dim3A_2438 : i1 to vector<16xi1>
      %masked_cumsum3A_2440 = tpu.scan <sum>, %get3A_2437 masked %broadcast_in_dim3A_2439 : vector<16xi32>, vector<16xi1> -> vector<16xi32>
      %add3A_2441 = arith.constant 0 : i32
      %add3A_2442 = vector.broadcast %add3A_2441 : i32 to vector<16xi32>
      %add3A_2443 = arith.addi %add3A_2442, %masked_cumsum3A_2440 : vector<16xi32>
      %sub3A_2444 = arith.subi %add3A_2443, %get3A_2437 : vector<16xi32>
      %swap3A_2445 = arith.constant 0 : index
      %swap3A_2446 = tpu.vector_load %arg11[%swap3A_2445] {strides = array<i32>} : memref<256xi32, #tpu.memory_space<vmem>>, vector<16xi32>,
      tpu.vector_store %arg11[%swap3A_2445], %sub3A_2444 {strides = array<i32>} : memref<256xi32, #tpu.memory_space<vmem>>, vector<16xi32>,
      %get3A_2447 = arith.constant 16 : index
      %get3A_2448 = tpu.vector_load %arg11[%get3A_2447] {strides = array<i32>} : memref<256xi32, #tpu.memory_space<vmem>>, vector<16xi32>,
      %broadcast_in_dim3A_2449 = arith.constant true
      %broadcast_in_dim3A_2450 = vector.broadcast %broadcast_in_dim3A_2449 : i1 to vector<16xi1>
      %masked_cumsum3A_2451 = tpu.scan <sum>, %get3A_2448 masked %broadcast_in_dim3A_2450 : vector<16xi32>, vector<16xi1> -> vector<16xi32>
      %add3A_2452 = vector.broadcast %add3A_2420 : i32 to vector<16xi32>
      %add3A_2453 = arith.addi %add3A_2452, %masked_cumsum3A_2451 : vector<16xi32>
      %sub3A_2454 = arith.subi %add3A_2453, %get3A_2448 : vector<16xi32>
      %swap3A_2455 = arith.constant 16 : index
      %swap3A_2456 = tpu.vector_load %arg11[%swap3A_2455] {strides = array<i32>} : memref<256xi32, #tpu.memory_space<vmem>>, vector<16xi32>,
      tpu.vector_store %arg11[%swap3A_2455], %sub3A_2454 {strides = array<i32>} : memref<256xi32, #tpu.memory_space<vmem>>, vector<16xi32>,
      %get3A_2457 = arith.constant 32 : index
      %get3A_2458 = tpu.vector_load %arg11[%get3A_2457] {strides = array<i32>} : memref<256xi32, #tpu.memory_space<vmem>>, vector<16xi32>,
      %broadcast_in_dim3A_2459 = arith.constant true
      %broadcast_in_dim3A_2460 = vector.broadcast %broadcast_in_dim3A_2459 : i1 to vector<16xi1>
      %masked_cumsum3A_2461 = tpu.scan <sum>, %get3A_2458 masked %broadcast_in_dim3A_2460 : vector<16xi32>, vector<16xi1> -> vector<16xi32>
      %add3A_2462 = vector.broadcast %add3A_2421 : i32 to vector<16xi32>
      %add3A_2463 = arith.addi %add3A_2462, %masked_cumsum3A_2461 : vector<16xi32>
      %sub3A_2464 = arith.subi %add3A_2463, %get3A_2458 : vector<16xi32>
      %swap3A_2465 = arith.constant 32 : index
      %swap3A_2466 = tpu.vector_load %arg11[%swap3A_2465] {strides = array<i32>} : memref<256xi32, #tpu.memory_space<vmem>>, vector<16xi32>,
      tpu.vector_store %arg11[%swap3A_2465], %sub3A_2464 {strides = array<i32>} : memref<256xi32, #tpu.memory_space<vmem>>, vector<16xi32>,
      %get3A_2467 = arith.constant 48 : index
      %get3A_2468 = tpu.vector_load %arg11[%get3A_2467] {strides = array<i32>} : memref<256xi32, #tpu.memory_space<vmem>>, vector<16xi32>,
      %broadcast_in_dim3A_2469 = arith.constant true
      %broadcast_in_dim3A_2470 = vector.broadcast %broadcast_in_dim3A_2469 : i1 to vector<16xi1>
      %masked_cumsum3A_2471 = tpu.scan <sum>, %get3A_2468 masked %broadcast_in_dim3A_2470 : vector<16xi32>, vector<16xi1> -> vector<16xi32>
      %add3A_2472 = vector.broadcast %add3A_2422 : i32 to vector<16xi32>
      %add3A_2473 = arith.addi %add3A_2472, %masked_cumsum3A_2471 : vector<16xi32>
      %sub3A_2474 = arith.subi %add3A_2473, %get3A_2468 : vector<16xi32>
      %swap3A_2475 = arith.constant 48 : index
      %swap3A_2476 = tpu.vector_load %arg11[%swap3A_2475] {strides = array<i32>} : memref<256xi32, #tpu.memory_space<vmem>>, vector<16xi32>,
      tpu.vector_store %arg11[%swap3A_2475], %sub3A_2474 {strides = array<i32>} : memref<256xi32, #tpu.memory_space<vmem>>, vector<16xi32>,
      %get3A_2477 = arith.constant 64 : index
      %get3A_2478 = tpu.vector_load %arg11[%get3A_2477] {strides = array<i32>} : memref<256xi32, #tpu.memory_space<vmem>>, vector<16xi32>,
      %broadcast_in_dim3A_2479 = arith.constant true
      %broadcast_in_dim3A_2480 = vector.broadcast %broadcast_in_dim3A_2479 : i1 to vector<16xi1>
      %masked_cumsum3A_2481 = tpu.scan <sum>, %get3A_2478 masked %broadcast_in_dim3A_2480 : vector<16xi32>, vector<16xi1> -> vector<16xi32>
      %add3A_2482 = vector.broadcast %add3A_2423 : i32 to vector<16xi32>
      %add3A_2483 = arith.addi %add3A_2482, %masked_cumsum3A_2481 : vector<16xi32>
      %sub3A_2484 = arith.subi %add3A_2483, %get3A_2478 : vector<16xi32>
      %swap3A_2485 = arith.constant 64 : index
      %swap3A_2486 = tpu.vector_load %arg11[%swap3A_2485] {strides = array<i32>} : memref<256xi32, #tpu.memory_space<vmem>>, vector<16xi32>,
      tpu.vector_store %arg11[%swap3A_2485], %sub3A_2484 {strides = array<i32>} : memref<256xi32, #tpu.memory_space<vmem>>, vector<16xi32>,
      %get3A_2487 = arith.constant 80 : index
      %get3A_2488 = tpu.vector_load %arg11[%get3A_2487] {strides = array<i32>} : memref<256xi32, #tpu.memory_space<vmem>>, vector<16xi32>,
      %broadcast_in_dim3A_2489 = arith.constant true
      %broadcast_in_dim3A_2490 = vector.broadcast %broadcast_in_dim3A_2489 : i1 to vector<16xi1>
      %masked_cumsum3A_2491 = tpu.scan <sum>, %get3A_2488 masked %broadcast_in_dim3A_2490 : vector<16xi32>, vector<16xi1> -> vector<16xi32>
      %add3A_2492 = vector.broadcast %add3A_2424 : i32 to vector<16xi32>
      %add3A_2493 = arith.addi %add3A_2492, %masked_cumsum3A_2491 : vector<16xi32>
      %sub3A_2494 = arith.subi %add3A_2493, %get3A_2488 : vector<16xi32>
      %swap3A_2495 = arith.constant 80 : index
      %swap3A_2496 = tpu.vector_load %arg11[%swap3A_2495] {strides = array<i32>} : memref<256xi32, #tpu.memory_space<vmem>>, vector<16xi32>,
      tpu.vector_store %arg11[%swap3A_2495], %sub3A_2494 {strides = array<i32>} : memref<256xi32, #tpu.memory_space<vmem>>, vector<16xi32>,
      %get3A_2497 = arith.constant 96 : index
      %get3A_2498 = tpu.vector_load %arg11[%get3A_2497] {strides = array<i32>} : memref<256xi32, #tpu.memory_space<vmem>>, vector<16xi32>,
      %broadcast_in_dim3A_2499 = arith.constant true
      %broadcast_in_dim3A_2500 = vector.broadcast %broadcast_in_dim3A_2499 : i1 to vector<16xi1>
      %masked_cumsum3A_2501 = tpu.scan <sum>, %get3A_2498 masked %broadcast_in_dim3A_2500 : vector<16xi32>, vector<16xi1> -> vector<16xi32>
      %add3A_2502 = vector.broadcast %add3A_2425 : i32 to vector<16xi32>
      %add3A_2503 = arith.addi %add3A_2502, %masked_cumsum3A_2501 : vector<16xi32>
      %sub3A_2504 = arith.subi %add3A_2503, %get3A_2498 : vector<16xi32>
      %swap3A_2505 = arith.constant 96 : index
      %swap3A_2506 = tpu.vector_load %arg11[%swap3A_2505] {strides = array<i32>} : memref<256xi32, #tpu.memory_space<vmem>>, vector<16xi32>,
      tpu.vector_store %arg11[%swap3A_2505], %sub3A_2504 {strides = array<i32>} : memref<256xi32, #tpu.memory_space<vmem>>, vector<16xi32>,
      %get3A_2507 = arith.constant 112 : index
      %get3A_2508 = tpu.vector_load %arg11[%get3A_2507] {strides = array<i32>} : memref<256xi32, #tpu.memory_space<vmem>>, vector<16xi32>,
      %broadcast_in_dim3A_2509 = arith.constant true
      %broadcast_in_dim3A_2510 = vector.broadcast %broadcast_in_dim3A_2509 : i1 to vector<16xi1>
      %masked_cumsum3A_2511 = tpu.scan <sum>, %get3A_2508 masked %broadcast_in_dim3A_2510 : vector<16xi32>, vector<16xi1> -> vector<16xi32>
      %add3A_2512 = vector.broadcast %add3A_2426 : i32 to vector<16xi32>
      %add3A_2513 = arith.addi %add3A_2512, %masked_cumsum3A_2511 : vector<16xi32>
      %sub3A_2514 = arith.subi %add3A_2513, %get3A_2508 : vector<16xi32>
      %swap3A_2515 = arith.constant 112 : index
      %swap3A_2516 = tpu.vector_load %arg11[%swap3A_2515] {strides = array<i32>} : memref<256xi32, #tpu.memory_space<vmem>>, vector<16xi32>,
      tpu.vector_store %arg11[%swap3A_2515], %sub3A_2514 {strides = array<i32>} : memref<256xi32, #tpu.memory_space<vmem>>, vector<16xi32>,
      %get3A_2517 = arith.constant 128 : index
      %get3A_2518 = tpu.vector_load %arg11[%get3A_2517] {strides = array<i32>} : memref<256xi32, #tpu.memory_space<vmem>>, vector<16xi32>,
      %broadcast_in_dim3A_2519 = arith.constant true
      %broadcast_in_dim3A_2520 = vector.broadcast %broadcast_in_dim3A_2519 : i1 to vector<16xi1>
      %masked_cumsum3A_2521 = tpu.scan <sum>, %get3A_2518 masked %broadcast_in_dim3A_2520 : vector<16xi32>, vector<16xi1> -> vector<16xi32>
      %add3A_2522 = vector.broadcast %add3A_2427 : i32 to vector<16xi32>
      %add3A_2523 = arith.addi %add3A_2522, %masked_cumsum3A_2521 : vector<16xi32>
      %sub3A_2524 = arith.subi %add3A_2523, %get3A_2518 : vector<16xi32>
      %swap3A_2525 = arith.constant 128 : index
      %swap3A_2526 = tpu.vector_load %arg11[%swap3A_2525] {strides = array<i32>} : memref<256xi32, #tpu.memory_space<vmem>>, vector<16xi32>,
      tpu.vector_store %arg11[%swap3A_2525], %sub3A_2524 {strides = array<i32>} : memref<256xi32, #tpu.memory_space<vmem>>, vector<16xi32>,
      %get3A_2527 = arith.constant 144 : index
      %get3A_2528 = tpu.vector_load %arg11[%get3A_2527] {strides = array<i32>} : memref<256xi32, #tpu.memory_space<vmem>>, vector<16xi32>,
      %broadcast_in_dim3A_2529 = arith.constant true
      %broadcast_in_dim3A_2530 = vector.broadcast %broadcast_in_dim3A_2529 : i1 to vector<16xi1>
      %masked_cumsum3A_2531 = tpu.scan <sum>, %get3A_2528 masked %broadcast_in_dim3A_2530 : vector<16xi32>, vector<16xi1> -> vector<16xi32>
      %add3A_2532 = vector.broadcast %add3A_2428 : i32 to vector<16xi32>
      %add3A_2533 = arith.addi %add3A_2532, %masked_cumsum3A_2531 : vector<16xi32>
      %sub3A_2534 = arith.subi %add3A_2533, %get3A_2528 : vector<16xi32>
      %swap3A_2535 = arith.constant 144 : index
      %swap3A_2536 = tpu.vector_load %arg11[%swap3A_2535] {strides = array<i32>} : memref<256xi32, #tpu.memory_space<vmem>>, vector<16xi32>,
      tpu.vector_store %arg11[%swap3A_2535], %sub3A_2534 {strides = array<i32>} : memref<256xi32, #tpu.memory_space<vmem>>, vector<16xi32>,
      %get3A_2537 = arith.constant 160 : index
      %get3A_2538 = tpu.vector_load %arg11[%get3A_2537] {strides = array<i32>} : memref<256xi32, #tpu.memory_space<vmem>>, vector<16xi32>,
      %broadcast_in_dim3A_2539 = arith.constant true
      %broadcast_in_dim3A_2540 = vector.broadcast %broadcast_in_dim3A_2539 : i1 to vector<16xi1>
      %masked_cumsum3A_2541 = tpu.scan <sum>, %get3A_2538 masked %broadcast_in_dim3A_2540 : vector<16xi32>, vector<16xi1> -> vector<16xi32>
      %add3A_2542 = vector.broadcast %add3A_2429 : i32 to vector<16xi32>
      %add3A_2543 = arith.addi %add3A_2542, %masked_cumsum3A_2541 : vector<16xi32>
      %sub3A_2544 = arith.subi %add3A_2543, %get3A_2538 : vector<16xi32>
      %swap3A_2545 = arith.constant 160 : index
      %swap3A_2546 = tpu.vector_load %arg11[%swap3A_2545] {strides = array<i32>} : memref<256xi32, #tpu.memory_space<vmem>>, vector<16xi32>,
      tpu.vector_store %arg11[%swap3A_2545], %sub3A_2544 {strides = array<i32>} : memref<256xi32, #tpu.memory_space<vmem>>, vector<16xi32>,
      %get3A_2547 = arith.constant 176 : index
      %get3A_2548 = tpu.vector_load %arg11[%get3A_2547] {strides = array<i32>} : memref<256xi32, #tpu.memory_space<vmem>>, vector<16xi32>,
      %broadcast_in_dim3A_2549 = arith.constant true
      %broadcast_in_dim3A_2550 = vector.broadcast %broadcast_in_dim3A_2549 : i1 to vector<16xi1>
      %masked_cumsum3A_2551 = tpu.scan <sum>, %get3A_2548 masked %broadcast_in_dim3A_2550 : vector<16xi32>, vector<16xi1> -> vector<16xi32>
      %add3A_2552 = vector.broadcast %add3A_2430 : i32 to vector<16xi32>
      %add3A_2553 = arith.addi %add3A_2552, %masked_cumsum3A_2551 : vector<16xi32>
      %sub3A_2554 = arith.subi %add3A_2553, %get3A_2548 : vector<16xi32>
      %swap3A_2555 = arith.constant 176 : index
      %swap3A_2556 = tpu.vector_load %arg11[%swap3A_2555] {strides = array<i32>} : memref<256xi32, #tpu.memory_space<vmem>>, vector<16xi32>,
      tpu.vector_store %arg11[%swap3A_2555], %sub3A_2554 {strides = array<i32>} : memref<256xi32, #tpu.memory_space<vmem>>, vector<16xi32>,
      %get3A_2557 = arith.constant 192 : index
      %get3A_2558 = tpu.vector_load %arg11[%get3A_2557] {strides = array<i32>} : memref<256xi32, #tpu.memory_space<vmem>>, vector<16xi32>,
      %broadcast_in_dim3A_2559 = arith.constant true
      %broadcast_in_dim3A_2560 = vector.broadcast %broadcast_in_dim3A_2559 : i1 to vector<16xi1>
      %masked_cumsum3A_2561 = tpu.scan <sum>, %get3A_2558 masked %broadcast_in_dim3A_2560 : vector<16xi32>, vector<16xi1> -> vector<16xi32>
      %add3A_2562 = vector.broadcast %add3A_2431 : i32 to vector<16xi32>
      %add3A_2563 = arith.addi %add3A_2562, %masked_cumsum3A_2561 : vector<16xi32>
      %sub3A_2564 = arith.subi %add3A_2563, %get3A_2558 : vector<16xi32>
      %swap3A_2565 = arith.constant 192 : index
      %swap3A_2566 = tpu.vector_load %arg11[%swap3A_2565] {strides = array<i32>} : memref<256xi32, #tpu.memory_space<vmem>>, vector<16xi32>,
      tpu.vector_store %arg11[%swap3A_2565], %sub3A_2564 {strides = array<i32>} : memref<256xi32, #tpu.memory_space<vmem>>, vector<16xi32>,
      %get3A_2567 = arith.constant 208 : index
      %get3A_2568 = tpu.vector_load %arg11[%get3A_2567] {strides = array<i32>} : memref<256xi32, #tpu.memory_space<vmem>>, vector<16xi32>,
      %broadcast_in_dim3A_2569 = arith.constant true
      %broadcast_in_dim3A_2570 = vector.broadcast %broadcast_in_dim3A_2569 : i1 to vector<16xi1>
      %masked_cumsum3A_2571 = tpu.scan <sum>, %get3A_2568 masked %broadcast_in_dim3A_2570 : vector<16xi32>, vector<16xi1> -> vector<16xi32>
      %add3A_2572 = vector.broadcast %add3A_2432 : i32 to vector<16xi32>
      %add3A_2573 = arith.addi %add3A_2572, %masked_cumsum3A_2571 : vector<16xi32>
      %sub3A_2574 = arith.subi %add3A_2573, %get3A_2568 : vector<16xi32>
      %swap3A_2575 = arith.constant 208 : index
      %swap3A_2576 = tpu.vector_load %arg11[%swap3A_2575] {strides = array<i32>} : memref<256xi32, #tpu.memory_space<vmem>>, vector<16xi32>,
      tpu.vector_store %arg11[%swap3A_2575], %sub3A_2574 {strides = array<i32>} : memref<256xi32, #tpu.memory_space<vmem>>, vector<16xi32>,
      %get3A_2577 = arith.constant 224 : index
      %get3A_2578 = tpu.vector_load %arg11[%get3A_2577] {strides = array<i32>} : memref<256xi32, #tpu.memory_space<vmem>>, vector<16xi32>,
      %broadcast_in_dim3A_2579 = arith.constant true
      %broadcast_in_dim3A_2580 = vector.broadcast %broadcast_in_dim3A_2579 : i1 to vector<16xi1>
      %masked_cumsum3A_2581 = tpu.scan <sum>, %get3A_2578 masked %broadcast_in_dim3A_2580 : vector<16xi32>, vector<16xi1> -> vector<16xi32>
      %add3A_2582 = vector.broadcast %add3A_2433 : i32 to vector<16xi32>
      %add3A_2583 = arith.addi %add3A_2582, %masked_cumsum3A_2581 : vector<16xi32>
      %sub3A_2584 = arith.subi %add3A_2583, %get3A_2578 : vector<16xi32>
      %swap3A_2585 = arith.constant 224 : index
      %swap3A_2586 = tpu.vector_load %arg11[%swap3A_2585] {strides = array<i32>} : memref<256xi32, #tpu.memory_space<vmem>>, vector<16xi32>,
      tpu.vector_store %arg11[%swap3A_2585], %sub3A_2584 {strides = array<i32>} : memref<256xi32, #tpu.memory_space<vmem>>, vector<16xi32>,
      %get3A_2587 = arith.constant 240 : index
      %get3A_2588 = tpu.vector_load %arg11[%get3A_2587] {strides = array<i32>} : memref<256xi32, #tpu.memory_space<vmem>>, vector<16xi32>,
      %broadcast_in_dim3A_2589 = arith.constant true
      %broadcast_in_dim3A_2590 = vector.broadcast %broadcast_in_dim3A_2589 : i1 to vector<16xi1>
      %masked_cumsum3A_2591 = tpu.scan <sum>, %get3A_2588 masked %broadcast_in_dim3A_2590 : vector<16xi32>, vector<16xi1> -> vector<16xi32>
      %add3A_2592 = vector.broadcast %add3A_2434 : i32 to vector<16xi32>
      %add3A_2593 = arith.addi %add3A_2592, %masked_cumsum3A_2591 : vector<16xi32>
      %sub3A_2594 = arith.subi %add3A_2593, %get3A_2588 : vector<16xi32>
      %swap3A_2595 = arith.constant 240 : index
      %swap3A_2596 = tpu.vector_load %arg11[%swap3A_2595] {strides = array<i32>} : memref<256xi32, #tpu.memory_space<vmem>>, vector<16xi32>,
      tpu.vector_store %arg11[%swap3A_2595], %sub3A_2594 {strides = array<i32>} : memref<256xi32, #tpu.memory_space<vmem>>, vector<16xi32>,
      %while3A_2597 = arith.constant 0 : i32
      %while3A_2598 = arith.constant 0 : i32
      %while3A_2599 = arith.subi %shift_right_logical3A_1331, %while3A_2597 : i32
      %while3A_2600 = arith.addi %while3A_2597, %while3A_2599 : i32
      %while3A_2601 = arith.constant 1 : i32
      %while3A_2602 = arith.divsi %while3A_2599, %while3A_2601 : i32
      %while3A_2603 = arith.muli %while3A_2602, %while3A_2601 : i32
      %while3A_2604 = arith.addi %while3A_2597, %while3A_2603 : i32
      %while3A_2605 = arith.constant 1 : i32
      %while3A_2606 = scf.for %while3A_2628 = %while3A_2597 to %while3A_2604 step %while3A_2605 iter_args(%while3A_2629 = %while3A_2598) -> (i32)  : i32 {
        %mul3A_2630 = arith.constant 16 : i32
        %mul3A_2631 = arith.muli %while3A_2628, %mul3A_2630 : i32
        %get3A_2632 = arith.index_cast %mul3A_2631 : i32 to index
        %get3A_2633 = tpu.vector_load %arg9[%get3A_2632] {strides = array<i32>} : memref<2048xi32, #tpu.memory_space<vmem>>, vector<16xi32>,
        %mul3A_2634 = arith.constant 16 : i32
        %mul3A_2635 = arith.muli %while3A_2628, %mul3A_2634 : i32
        %get3A_2636 = arith.index_cast %mul3A_2635 : i32 to index
        %get3A_2637 = tpu.vector_load %arg10[%get3A_2636] {strides = array<i32>} : memref<2048xi32, #tpu.memory_space<vmem>>, vector<16xi32>,
        %shift_right_logical3A_2638 = arith.constant 24 : i32
        %shift_right_logical3A_2639 = vector.broadcast %shift_right_logical3A_2638 : i32 to vector<16xi32>
        %shift_right_logical3A_2640 = arith.shrui %get3A_2633, %shift_right_logical3A_2639 : vector<16xi32>
        %and3A_2641 = arith.constant 255 : i32
        %and3A_2642 = vector.broadcast %and3A_2641 : i32 to vector<16xi32>
        %and3A_2643 = arith.andi %shift_right_logical3A_2640, %and3A_2642 : vector<16xi32>
        %mul3A_2644 = arith.constant 16 : i32
        %mul3A_2645 = arith.muli %while3A_2628, %mul3A_2644 : i32
        %get3A_2646 = arith.index_cast %mul3A_2645 : i32 to index
        %get3A_2647 = tpu.vector_load %arg12[%get3A_2646] {strides = array<i32>} : memref<2048xi32, #tpu.memory_space<vmem>>, vector<16xi32>,
        %and3A_2648 = arith.constant 255 : i32
        %and3A_2649 = vector.broadcast %and3A_2648 : i32 to vector<16xi32>
        %and3A_2650 = arith.andi %get3A_2647, %and3A_2649 : vector<16xi32>
        %ge3A_2651 = arith.constant 256 : i32
        %ge3A_2652 = vector.broadcast %ge3A_2651 : i32 to vector<16xi32>
        %ge3A_2653 = arith.cmpi sge, %get3A_2647, %ge3A_2652 : vector<16xi32>
        %gather3A_2654 = tpu.vector_load_idx %arg11[%and3A_2643] : memref<256xi32, #tpu.memory_space<vmem>>[vector<16xi32>], vector<16xi32>,
        %add3A_2655 = arith.addi %gather3A_2654, %and3A_2650 : vector<16xi32>
        %sub3A_2656 = arith.constant 1 : i32
        %sub3A_2657 = vector.broadcast %sub3A_2656 : i32 to vector<16xi32>
        %sub3A_2658 = arith.subi %add3A_2655, %sub3A_2657 : vector<16xi32>
        tpu.vector_store_idx %arg8[%sub3A_2658], %get3A_2637 : memref<2048xi32, #tpu.memory_space<vmem>>[vector<16xi32>], vector<16xi32>,
        tpu.vector_store_idx %arg11[%and3A_2643], %and3A_2650 masked %ge3A_2653 {add = true} : memref<256xi32, #tpu.memory_space<vmem>>[vector<16xi32>], vector<16xi32>, vector<16xi1>
        %while3A_2659 = arith.constant 0 : i32
        scf.yield %while3A_2659 : i32
      }
      %while3A_2607 = arith.constant 1 : i32
      %while3A_2608 = scf.for %while3A_2628 = %while3A_2604 to %while3A_2600 step %while3A_2607 iter_args(%while3A_2629 = %while3A_2606) -> (i32)  : i32 {
        %mul3A_2630 = arith.constant 16 : i32
        %mul3A_2631 = arith.muli %while3A_2628, %mul3A_2630 : i32
        %get3A_2632 = arith.index_cast %mul3A_2631 : i32 to index
        %get3A_2633 = tpu.vector_load %arg9[%get3A_2632] {strides = array<i32>} : memref<2048xi32, #tpu.memory_space<vmem>>, vector<16xi32>,
        %mul3A_2634 = arith.constant 16 : i32
        %mul3A_2635 = arith.muli %while3A_2628, %mul3A_2634 : i32
        %get3A_2636 = arith.index_cast %mul3A_2635 : i32 to index
        %get3A_2637 = tpu.vector_load %arg10[%get3A_2636] {strides = array<i32>} : memref<2048xi32, #tpu.memory_space<vmem>>, vector<16xi32>,
        %shift_right_logical3A_2638 = arith.constant 24 : i32
        %shift_right_logical3A_2639 = vector.broadcast %shift_right_logical3A_2638 : i32 to vector<16xi32>
        %shift_right_logical3A_2640 = arith.shrui %get3A_2633, %shift_right_logical3A_2639 : vector<16xi32>
        %and3A_2641 = arith.constant 255 : i32
        %and3A_2642 = vector.broadcast %and3A_2641 : i32 to vector<16xi32>
        %and3A_2643 = arith.andi %shift_right_logical3A_2640, %and3A_2642 : vector<16xi32>
        %mul3A_2644 = arith.constant 16 : i32
        %mul3A_2645 = arith.muli %while3A_2628, %mul3A_2644 : i32
        %get3A_2646 = arith.index_cast %mul3A_2645 : i32 to index
        %get3A_2647 = tpu.vector_load %arg12[%get3A_2646] {strides = array<i32>} : memref<2048xi32, #tpu.memory_space<vmem>>, vector<16xi32>,
        %and3A_2648 = arith.constant 255 : i32
        %and3A_2649 = vector.broadcast %and3A_2648 : i32 to vector<16xi32>
        %and3A_2650 = arith.andi %get3A_2647, %and3A_2649 : vector<16xi32>
        %ge3A_2651 = arith.constant 256 : i32
        %ge3A_2652 = vector.broadcast %ge3A_2651 : i32 to vector<16xi32>
        %ge3A_2653 = arith.cmpi sge, %get3A_2647, %ge3A_2652 : vector<16xi32>
        %gather3A_2654 = tpu.vector_load_idx %arg11[%and3A_2643] : memref<256xi32, #tpu.memory_space<vmem>>[vector<16xi32>], vector<16xi32>,
        %add3A_2655 = arith.addi %gather3A_2654, %and3A_2650 : vector<16xi32>
        %sub3A_2656 = arith.constant 1 : i32
        %sub3A_2657 = vector.broadcast %sub3A_2656 : i32 to vector<16xi32>
        %sub3A_2658 = arith.subi %add3A_2655, %sub3A_2657 : vector<16xi32>
        tpu.vector_store_idx %arg8[%sub3A_2658], %get3A_2637 : memref<2048xi32, #tpu.memory_space<vmem>>[vector<16xi32>], vector<16xi32>,
        tpu.vector_store_idx %arg11[%and3A_2643], %and3A_2650 masked %ge3A_2653 {add = true} : memref<256xi32, #tpu.memory_space<vmem>>[vector<16xi32>], vector<16xi32>, vector<16xi1>
        %while3A_2659 = arith.constant 0 : i32
        scf.yield %while3A_2659 : i32
      }
      %mul3A_2609 = arith.constant 768 : i32
      %mul3A_2610 = arith.muli %and3A_58, %mul3A_2609 : i32
      %ge3A_2611 = arith.constant 2 : i32
      %ge3A_2612 = arith.cmpi sge, %scan3A_53, %ge3A_2611 : i32
      %convert_element_type3A_2613 = arith.extui %ge3A_2612 : i1 to i32
      %cond3A_2614 = arith.constant 0 : i32
      %cond3A_2615 = arith.cmpi ne, %convert_element_type3A_2613, %cond3A_2614 : i32
      scf.if %cond3A_2615 {
        %dma_wait3A_2628 = tpu.memref_slice %arg13[%mul3A_2610] : memref<1536xf32, #tpu.memory_space<vmem>> -> memref<768xf32, #tpu.memory_space<vmem>>
        %dma_wait3A_2629 = arith.constant 0 : i32
        %dma_wait3A_2630 = tpu.memref_slice %arg3[%add3A_57, %dma_wait3A_2629] : memref<4096x768xf32, #tpu.memory_space<hbm>> -> memref<1x768xf32, #tpu.memory_space<hbm>>
        %dma_wait3A_2631 = tpu.memref_squeeze %dma_wait3A_2630 : memref<1x768xf32, #tpu.memory_space<hbm>> -> memref<768xf32, #tpu.memory_space<hbm>>
        %dma_wait3A_2632 = arith.constant 0 : i32
        %dma_wait3A_2633 = tpu.memref_slice %arg3[%add3A_57, %dma_wait3A_2632] : memref<4096x768xf32, #tpu.memory_space<hbm>> -> memref<1x768xf32, #tpu.memory_space<hbm>>
        %dma_wait3A_2634 = tpu.memref_squeeze %dma_wait3A_2633 : memref<1x768xf32, #tpu.memory_space<hbm>> -> memref<768xf32, #tpu.memory_space<hbm>>
        %dma_wait3A_2635 = tpu.memref_slice %arg13[%mul3A_2610] : memref<1536xf32, #tpu.memory_space<vmem>> -> memref<768xf32, #tpu.memory_space<vmem>>
        tpu.wait_dma2 semaphore(%arg15 : memref<!tpu.dma_semaphore, #tpu.memory_space<semaphore_mem>>) src(%dma_wait3A_2635 : memref<768xf32, #tpu.memory_space<vmem>>) dst(%dma_wait3A_2634 : memref<768xf32, #tpu.memory_space<hbm>>)
      } else {
      }
      %parallel_loop3A_2616 = arith.constant 0 : i32
      %parallel_loop3A_2617 = arith.constant 16 : i32
      %parallel_loop3A_2618 = arith.constant 1 : i32
      scf.for %parallel_loop3A_2628 = %parallel_loop3A_2616 to %parallel_loop3A_2617 step %parallel_loop3A_2618  : i32 {
        %parallel_loop3A_2629 = arith.constant 16 : i32
        %parallel_loop3A_2630 = arith.muli %parallel_loop3A_2628, %parallel_loop3A_2629 : i32
        %parallel_loop3A_2631 = arith.index_cast %parallel_loop3A_2630 : i32 to index
        %parallel_loop3A_2632 = tpu.vector_load %arg8[%parallel_loop3A_2631] {strides = array<i32>} : memref<2048xi32, #tpu.memory_space<vmem>>, vector<16xi32>,
        %parallel_loop3A_2633 = arith.constant 3 : i32
        %parallel_loop3A_2634 = vector.broadcast %parallel_loop3A_2633 : i32 to vector<16xi32>
        %parallel_loop3A_2635 = arith.muli %parallel_loop3A_2632, %parallel_loop3A_2634 : vector<16xi32>
        %parallel_loop3A_2636 = vector.broadcast %mul3A_60 : i32 to vector<16xi32>
        %parallel_loop3A_2637 = arith.addi %parallel_loop3A_2635, %parallel_loop3A_2636 : vector<16xi32>
        %parallel_loop3A_2638 = tpu.vector_load_idx %arg4[%parallel_loop3A_2637] : memref<12288xf32, #tpu.memory_space<vmem>>[vector<16xi32>], vector<16xf32>,
        %parallel_loop3A_2639 = arith.constant 1 : i32
        %parallel_loop3A_2640 = vector.broadcast %parallel_loop3A_2639 : i32 to vector<16xi32>
        %parallel_loop3A_2641 = arith.addi %parallel_loop3A_2637, %parallel_loop3A_2640 : vector<16xi32>
        %parallel_loop3A_2642 = tpu.vector_load_idx %arg4[%parallel_loop3A_2641] : memref<12288xf32, #tpu.memory_space<vmem>>[vector<16xi32>], vector<16xf32>,
        %parallel_loop3A_2643 = arith.constant 2 : i32
        %parallel_loop3A_2644 = vector.broadcast %parallel_loop3A_2643 : i32 to vector<16xi32>
        %parallel_loop3A_2645 = arith.addi %parallel_loop3A_2637, %parallel_loop3A_2644 : vector<16xi32>
        %parallel_loop3A_2646 = tpu.vector_load_idx %arg4[%parallel_loop3A_2645] : memref<12288xf32, #tpu.memory_space<vmem>>[vector<16xi32>], vector<16xf32>,
        %parallel_loop3A_2647 = arith.constant 48 : i32
        %parallel_loop3A_2648 = arith.muli %parallel_loop3A_2628, %parallel_loop3A_2647 : i32
        %parallel_loop3A_2649 = vector.broadcast %parallel_loop3A_2648 : i32 to vector<16xi32>
        %parallel_loop3A_2650 = arith.addi %mul3A_3, %parallel_loop3A_2649 : vector<16xi32>
        %parallel_loop3A_2651 = vector.broadcast %mul3A_2610 : i32 to vector<16xi32>
        %parallel_loop3A_2652 = arith.addi %parallel_loop3A_2650, %parallel_loop3A_2651 : vector<16xi32>
        tpu.vector_store_idx %arg13[%parallel_loop3A_2652], %parallel_loop3A_2638 : memref<1536xf32, #tpu.memory_space<vmem>>[vector<16xi32>], vector<16xf32>,
        %parallel_loop3A_2653 = arith.constant 1 : i32
        %parallel_loop3A_2654 = vector.broadcast %parallel_loop3A_2653 : i32 to vector<16xi32>
        %parallel_loop3A_2655 = arith.addi %parallel_loop3A_2652, %parallel_loop3A_2654 : vector<16xi32>
        tpu.vector_store_idx %arg13[%parallel_loop3A_2655], %parallel_loop3A_2642 : memref<1536xf32, #tpu.memory_space<vmem>>[vector<16xi32>], vector<16xf32>,
        %parallel_loop3A_2656 = arith.constant 2 : i32
        %parallel_loop3A_2657 = vector.broadcast %parallel_loop3A_2656 : i32 to vector<16xi32>
        %parallel_loop3A_2658 = arith.addi %parallel_loop3A_2652, %parallel_loop3A_2657 : vector<16xi32>
        tpu.vector_store_idx %arg13[%parallel_loop3A_2658], %parallel_loop3A_2646 : memref<1536xf32, #tpu.memory_space<vmem>>[vector<16xi32>], vector<16xf32>,
      } {sc.loop_unroll_factor = 8 : i64, sc.parallel_access}
      %dma_start3A_2619 = tpu.memref_slice %arg13[%mul3A_2610] : memref<1536xf32, #tpu.memory_space<vmem>> -> memref<768xf32, #tpu.memory_space<vmem>>
      %dma_start3A_2620 = arith.constant 0 : i32
      %dma_start3A_2621 = tpu.memref_slice %arg3[%add3A_57, %dma_start3A_2620] : memref<4096x768xf32, #tpu.memory_space<hbm>> -> memref<1x768xf32, #tpu.memory_space<hbm>>
      %dma_start3A_2622 = tpu.memref_squeeze %dma_start3A_2621 : memref<1x768xf32, #tpu.memory_space<hbm>> -> memref<768xf32, #tpu.memory_space<hbm>>
      %dma_start3A_2623 = arith.constant 0 : i32
      %dma_start3A_2624 = tpu.memref_slice %arg3[%add3A_57, %dma_start3A_2623] : memref<4096x768xf32, #tpu.memory_space<hbm>> -> memref<1x768xf32, #tpu.memory_space<hbm>>
      %dma_start3A_2625 = tpu.memref_squeeze %dma_start3A_2624 : memref<1x768xf32, #tpu.memory_space<hbm>> -> memref<768xf32, #tpu.memory_space<hbm>>
      %dma_start3A_2626 = tpu.memref_slice %arg13[%mul3A_2610] : memref<1536xf32, #tpu.memory_space<vmem>> -> memref<768xf32, #tpu.memory_space<vmem>>
      tpu.enqueue_dma source(%dma_start3A_2626 : memref<768xf32, #tpu.memory_space<vmem>>) target(%dma_start3A_2625 : memref<768xf32, #tpu.memory_space<hbm>>) target_semaphore(%arg15 : memref<!tpu.dma_semaphore, #tpu.memory_space<semaphore_mem>>)
      %scan3A_2627 = arith.constant 0 : i32
      scf.yield %scan3A_2627 : i32
    }
    %scan3A_29 = arith.constant 128 : i32
    %mul3A_30 = arith.constant 128 : i32
    %mul3A_31 = arith.muli %add3A, %mul3A_30 : i32
    %dma_wait3A = arith.constant 0 : i32
    %dma_wait3A_32 = tpu.memref_slice %arg13[%dma_wait3A] : memref<1536xf32, #tpu.memory_space<vmem>> -> memref<768xf32, #tpu.memory_space<vmem>>
    %dma_wait3A_33 = arith.constant 0 : i32
    %dma_wait3A_34 = tpu.memref_slice %arg3[%mul3A_31, %dma_wait3A_33] : memref<4096x768xf32, #tpu.memory_space<hbm>> -> memref<1x768xf32, #tpu.memory_space<hbm>>
    %dma_wait3A_35 = tpu.memref_squeeze %dma_wait3A_34 : memref<1x768xf32, #tpu.memory_space<hbm>> -> memref<768xf32, #tpu.memory_space<hbm>>
    %dma_wait3A_36 = arith.constant 0 : i32
    %dma_wait3A_37 = tpu.memref_slice %arg3[%mul3A_31, %dma_wait3A_36] : memref<4096x768xf32, #tpu.memory_space<hbm>> -> memref<1x768xf32, #tpu.memory_space<hbm>>
    %dma_wait3A_38 = tpu.memref_squeeze %dma_wait3A_37 : memref<1x768xf32, #tpu.memory_space<hbm>> -> memref<768xf32, #tpu.memory_space<hbm>>
    %dma_wait3A_39 = arith.constant 0 : i32
    %dma_wait3A_40 = tpu.memref_slice %arg13[%dma_wait3A_39] : memref<1536xf32, #tpu.memory_space<vmem>> -> memref<768xf32, #tpu.memory_space<vmem>>
    tpu.wait_dma2 semaphore(%arg15 : memref<!tpu.dma_semaphore, #tpu.memory_space<semaphore_mem>>) src(%dma_wait3A_40 : memref<768xf32, #tpu.memory_space<vmem>>) dst(%dma_wait3A_38 : memref<768xf32, #tpu.memory_space<hbm>>)
    %mul3A_41 = arith.constant 128 : i32
    %mul3A_42 = arith.muli %add3A, %mul3A_41 : i32
    %dma_wait3A_43 = arith.constant 0 : i32
    %dma_wait3A_44 = tpu.memref_slice %arg13[%dma_wait3A_43] : memref<1536xf32, #tpu.memory_space<vmem>> -> memref<768xf32, #tpu.memory_space<vmem>>
    %dma_wait3A_45 = arith.constant 0 : i32
    %dma_wait3A_46 = tpu.memref_slice %arg3[%mul3A_42, %dma_wait3A_45] : memref<4096x768xf32, #tpu.memory_space<hbm>> -> memref<1x768xf32, #tpu.memory_space<hbm>>
    %dma_wait3A_47 = tpu.memref_squeeze %dma_wait3A_46 : memref<1x768xf32, #tpu.memory_space<hbm>> -> memref<768xf32, #tpu.memory_space<hbm>>
    %dma_wait3A_48 = arith.constant 0 : i32
    %dma_wait3A_49 = tpu.memref_slice %arg3[%mul3A_42, %dma_wait3A_48] : memref<4096x768xf32, #tpu.memory_space<hbm>> -> memref<1x768xf32, #tpu.memory_space<hbm>>
    %dma_wait3A_50 = tpu.memref_squeeze %dma_wait3A_49 : memref<1x768xf32, #tpu.memory_space<hbm>> -> memref<768xf32, #tpu.memory_space<hbm>>
    %dma_wait3A_51 = arith.constant 0 : i32
    %dma_wait3A_52 = tpu.memref_slice %arg13[%dma_wait3A_51] : memref<1536xf32, #tpu.memory_space<vmem>> -> memref<768xf32, #tpu.memory_space<vmem>>
    tpu.wait_dma2 semaphore(%arg15 : memref<!tpu.dma_semaphore, #tpu.memory_space<semaphore_mem>>) src(%dma_wait3A_52 : memref<768xf32, #tpu.memory_space<vmem>>) dst(%dma_wait3A_50 : memref<768xf32, #tpu.memory_space<hbm>>)
    return
  }
}

</mosaic_0001>

<sc_bundles>
// kernel: kernel.3.cloned.1.call-start
scs
__scs_entry_jumppad:
0x0: {  	(pc) =	sbr.rel $0x88, $3  }
0x1: {  	(tag) =	ssettag $0x0;
	lr =	simm.s32 $0x1  }
0x2: {  	[smem:$0x3FA0] =	sst lr;
	_ =	strace $0xD0000000  }
0x3: {  	_ = 	snop  }
0x4: {  	_ = 	snop  }
0x5: {  	_ = 	snop  }
0x6: {  	_ = 	snop  }
0x7: {  	_ = 	snop  }
__scs_overlays_trampoline_lowered:
0x8: {  	[smem:$0x3FAF] =	sst s0  }
0x9: {  	[smem:$0x3FB0] =	sst s1  }
0xa: {  	[smem:$0x3FB1] =	sst s2  }
0xb: {  	[smem:$0x3FB2] =	sst s3  }
0xc: {  	[smem:$0x3FB3] =	sst s4  }
0xd: {  	[smem:$0x3FB4] =	sst s5  }
0xe: {  	[smem:$0x3FB5] =	sst s6  }
0xf: {  	[smem:$0x3FB6] =	sst s7  }
0x10: {  	[smem:$0x3FB7] =	sst s8  }
0x11: {  	[smem:$0x3FB8] =	sst s9;
	s0 =	simm.s32 @!p0 $0x0  }
0x12: {  	s1 =	sld [smem:$0x3F9E];
	s0 =	simm.s32 @p0 $0x1  }
0x13: {  	[smem:$0x3FB9] =	sst s0;
	s0 =	simm.s32 @!p1 $0x0  }
0x14: {  	s2 =	sld [smem:$0x3F9D];
	s0 =	simm.s32 @p1 $0x1  }
0x15: {  	[smem:$0x3FBA] =	sst s0;
	s0 =	simm.s32 @!p2 $0x0  }
0x16: {  	s3 =	sld [smem:$0x3FDB];
	s0 =	simm.s32 @p2 $0x1  }
0x17: {  	s4 =	simm.s32 $0x1BF5;
	[smem:$0x3FBC] =	sst s0  }
0x18: {  	s0 =	sld [smem:$0x3F9F];
	_ =	swait.ge [sflag:s4], $0x0  }
0x19: {  	s7 =	sld [smem:$0x3FA0]  }
0x1a: {  	s8 =	sadd.s32 $0xFFFFE003, lr  }
0x1b: {  	s9 =	sadd.s32 $0xFFFFFEF7, lr;
	s5 =	simm.s32 $0xFFFFFFFF;
	p2 =	slt.u32 s8, $0xFFFFF086  }
0x1c: {  	p1 =	slt.u32 s9, $0xF7A;
	s5 =	simm.s32 @!p2 $0x0  }
0x1d: {  	s5 =	simm.s32 @p1 $0x1;
	p0 =	seq.s32 s7, s2  }
0x1e: {  	s7 =	smul.u32 @!p0 $0xF7A, s2;
	p2 =	seq.s32 @!p0 s5, $0x0  }
0x1f: {  	s9 =	smul.u32 $0xF7A, s1;
	s8 =	simm.s32 @!p0 $0x1BF5;
	p2 =	por !p2, p0  }
0x20: {  	[sflag:s8] =	ssyncset.s32 @!p0 $0xFFFFF086;
	s6 =	sadd.s32 @!p0 s3, s7;
	s7 =	simm.s32 @!p0 $0x108  }
0x21: {  	s3 =	sadd.s32 s3, s9;
	s6 =	sadd.s32 @!p0 $0x88, s6;
	s7 =	simm.s32 @p2 $0x1082  }
0x22: {  	[simem:s7], [sflag:s8] =	dma.local @!p0 [hbm:s6], $0xF7A  }
0x23: {  	s9 =	sor.u32 $0xD0000000, s2;
	s6 =	simm.s32 $0x108;
	_ =	swait.ge @!p0 [sflag:s8], $0x0  }
0x24: {  	s3 =	sadd.s32 $0x88, s3;
	s6 =	simm.s32 @!p1 $0x1082;
	[sflag:s4] =	ssyncset.s32 $0xFFFFF086  }
0x25: {  	[simem:s6], [sflag:s4] =	dma.local [hbm:s3], $0xF7A  }
0x26: {  	[smem:$0x3FA0] =	sst s1;
	(tag) =	ssettag s2;
	_ =	strace s9  }
0x27: {  	s1 =	sld [smem:$0x3FB0]  }
0x28: {  	s2 =	sld [smem:$0x3FB1]  }
0x29: {  	s4 =	sld [smem:$0x3FB3]  }
0x2a: {  	p0 =	seq.s32 s5, $0x0;
	s5 =	sld [smem:$0x3FB4]  }
0x2b: {  	s6 =	sld [smem:$0x3FB5]  }
0x2c: {  	s7 =	sld [smem:$0x3FB6]  }
0x2d: {  	s3 =	simm.s32 $0x108;
	s8 =	sld [smem:$0x3FB7]  }
0x2e: {  	s3 =	simm.s32 @!p0 $0x1082;
	s9 =	sld [smem:$0x3FB8]  }
0x2f: {  	lr =	sadd.s32 s0, s3;
	s0 =	sld [smem:$0x3FAF]  }
0x30: {  	s3 =	sld [smem:$0x3FB2]  }
0x31: {  	[smem:$0x3FBB] =	sst s10  }
0x32: {  	s10 =	sld [smem:$0x3FB9];
	_ =	sdelay $0x3  }
0x33: {  	p0 =	seq.s32 s10, $0x1;
	s10 =	sld [smem:$0x3FBB];
	_ =	sdelay $0x3  }
0x34: {  	[smem:$0x3FBB] =	sst s10  }
0x35: {  	s10 =	sld [smem:$0x3FBA];
	_ =	sdelay $0x3  }
0x36: {  	p1 =	seq.s32 s10, $0x1;
	s10 =	sld [smem:$0x3FBB];
	_ =	sdelay $0x3  }
0x37: {  	[smem:$0x3FBB] =	sst s10  }
0x38: {  	s10 =	sld [smem:$0x3FBC]  }
0x39: {  	_ = 	snop;
	(pc) =	sbr.ind lr, $3  }
0x3a: {  	_ = 	snop  }
0x3b: {  	_ = 	snop  }
0x3c: {  	p2 =	seq.s32 s10, $0x1;
	s10 =	sld [smem:$0x3FBB]  }
0x3d: {  	_ =	shalt  }
0x3e: {  	_ =	shalt  }
0x3f: {  	_ =	shalt  }
0x40: {  	_ =	shalt  }
0x41: {  	_ =	shalt  }
0x42: {  	_ =	shalt  }
0x43: {  	_ =	shalt  }
0x44: {  	_ =	shalt  }
0x45: {  	_ =	shalt  }
0x46: {  	_ =	shalt  }
0x47: {  	_ =	shalt  }
0x48: {  	_ =	shalt  }
0x49: {  	_ =	shalt  }
0x4a: {  	_ =	shalt  }
0x4b: {  	_ =	shalt  }
0x4c: {  	_ =	shalt  }
0x4d: {  	_ =	shalt  }
0x4e: {  	_ =	shalt  }
0x4f: {  	_ =	shalt  }
0x50: {  	_ =	shalt  }
0x51: {  	_ =	shalt  }
0x52: {  	_ =	shalt  }
0x53: {  	_ =	shalt  }
0x54: {  	_ =	shalt  }
0x55: {  	_ =	shalt  }
0x56: {  	_ =	shalt  }
0x57: {  	_ =	shalt  }
0x58: {  	_ =	shalt  }
0x59: {  	_ =	shalt  }
0x5a: {  	_ =	shalt  }
0x5b: {  	_ =	shalt  }
0x5c: {  	_ =	shalt  }
0x5d: {  	_ =	shalt  }
0x5e: {  	_ =	shalt  }
0x5f: {  	_ =	shalt  }
0x60: {  	_ =	shalt  }
0x61: {  	_ =	shalt  }
0x62: {  	_ =	shalt  }
0x63: {  	_ =	shalt  }
0x64: {  	_ =	shalt  }
0x65: {  	_ =	shalt  }
0x66: {  	_ =	shalt  }
0x67: {  	_ =	shalt  }
0x68: {  	_ =	shalt  }
0x69: {  	_ =	shalt  }
0x6a: {  	_ =	shalt  }
0x6b: {  	_ =	shalt  }
0x6c: {  	_ =	shalt  }
0x6d: {  	_ =	shalt  }
0x6e: {  	_ =	shalt  }
0x6f: {  	_ =	shalt  }
0x70: {  	_ =	shalt  }
0x71: {  	_ =	shalt  }
0x72: {  	_ =	shalt  }
0x73: {  	_ =	shalt  }
0x74: {  	_ =	shalt  }
0x75: {  	_ =	shalt  }
0x76: {  	_ =	shalt  }
0x77: {  	_ =	shalt  }
0x78: {  	_ =	shalt  }
0x79: {  	_ =	shalt  }
0x7a: {  	_ =	shalt  }
0x7b: {  	_ =	shalt  }
0x7c: {  	_ =	shalt  }
0x7d: {  	_ =	shalt  }
0x7e: {  	_ =	shalt  }
0x7f: {  	_ =	shalt  }
0x80: {  	_ =	shalt  }
0x81: {  	_ =	shalt  }
0x82: {  	_ =	shalt  }
0x83: {  	_ =	shalt  }
0x84: {  	_ =	shalt  }
0x85: {  	_ =	shalt  }
0x86: {  	_ =	shalt  }
0x87: {  	_ =	shalt  }
.Lfunc_end0:
.L_simem_size_0:
called_computation_lowered:
.L_overlay_start_0:
0x88: {  	s2 =	sld [smem:$0x3FD9]  }
0x89: {  	s3 =	sld [smem:$0x3FFE];
	_ =	sdelay $0x1  }
0x8a: {  	s1 =	srdreg.scid  }
0x8b: {  	s0 =	sand.u32 $0x1, s1  }
0x8c: {  	s18 =	sshll.u32 s0, $0xA;
	s2 =	sadd.s32 s3, s2  }
0x8d: {  	s2 =	sadd.s32 s2, s18  }
0x8e: {  	[smem:$0x3FC7] =	sst s2  }
0x8f: {  	_ = 	snop  }
0x90: {  	s2 =	sld [smem:$0x3FC9]  }
0x91: {  	s19 =	sld [smem:$0x3FD0];
	(tm) =	ssettm $0x1  }
0x92: {  	s4 =	sld [smem:$0x3FFB];
	_ =	sdelay $0x3  }
0x93: {  	_ =	strace s4  }
0x94: {  	s4 =	sld [smem:$0x3FFC];
	_ =	sdelay $0x3  }
0x95: {  	_ =	strace s4  }
0x96: {  	s4 =	sld [smem:$0x3FFD];
	_ =	sdelay $0x3  }
0x97: {  	_ =	strace s4  }
0x98: {  	_ =	strace $0x8FFFFFFF  }
0x99: {  	s20 =	sld [smem:$0x3FDB];
	_ =	sdelay $0x1  }
0x9a: {  	s5 =	simm.s32 $_scs_section_size  }
0x9b: {  	s6 =	simm.s32 $_size__tile_overlayer_lowered;
	s7 =	simm.s32 $_tile_overlayer_lowered  }
0x9c: {  	s23 =	simm.s32 $0x1BFF;
	s22 =	sshll.u32 s7, $0x1;
	s4 =	sadd.s32 s5, s20  }
0x9d: {  	s8 =	simm.s32 $0x0;
	s21 =	sshll.u32 s6, $0x1;
	s6 =	sadd.s32 s22, s4  }
0x9e: {  	[timem:s8], [sflag:s23] =	dma.local [hbm:s6], s21  }
0x9f: {  	_ =	swait.ge [sflag:s23], s21  }
0xa0: {  	s5 =	ssub.s32 $0x0, s21;
	[sflag:s23] =	ssyncset.done $0x0  }
0xa1: {  	[sflag:s23] =	ssyncadd.s32 s5;
	_ =	sdelay $0x1  }
0xa2: {  	s24 =	simm.s32 $0x1B8B  }
0xa3: {  	_ =	swait.ge [sflag:s24], $0x1  }
0xa4: {  	[sflag:s24] =	ssyncset.done $0x0  }
0xa5: {  	s25 =	simm.s32 $0x1B8E;
	[sflag:s24] =	ssyncadd.s32 $0xFFFFFFFF  }
0xa6: {  	s26 =	simm.s32 $execute0_lowered;
	[smem:$0x3FD2] =	sst s25  }
0xa7: {  	s5 =	sshll.u32 s26, $0x1;
	_ =	strace $0x80000046;
	[dreg:$0x1] =	wrdreg $0xFFFFFFFF  }
0xa8: {  	s28 =	simm.s32 $_size_execute0_lowered;
	s4 =	sadd.s32 s4, s5;
	[dreg:$0x0] =	wrdreg $0x0  }
0xa9: {  	s5 =	sshll.u32 s28, $0x1;
	[dreg:$0x2] =	wrdreg s4  }
0xaa: {  	[dreg:$0x3] =	wrdreg s5  }
0xab: {  	[dreg:$0x4] =	wrdreg $0xC0  }
0xac: {  	_ =	task [dreg:s8], $0x5FFFF  }
0xad: {  	[dreg:$0x1] =	wrdreg $0xFFFFFFFF  }
0xae: {  	[dreg:$0x0] =	wrdreg $0x60  }
0xaf: {  	[dreg:$0x2] =	wrdreg s2  }
0xb0: {  	[dreg:$0x3] =	wrdreg s19  }
0xb1: {  	[dreg:$0x4] =	wrdreg $0x9  }
0xb2: {  	_ =	task.clear_ibuf [dreg:s8], $0x5FFFF;
	_ =	strace $0x90000046  }
0xb3: {  	s29 =	simm.s32 $0x9;
	_ =	strace $0x80000048  }
0xb4: {  	_ =	swait.ge [sflag:s29], $0x1  }
0xb5: {  	[sflag:s29] =	ssyncadd.s32 $0xFFFFFFFF  }
0xb6: {  	_ =	strace $0x90000048  }
0xb7: {  	_ =	sfence  }
0xb8: {  	s30 =	sld [smem:$0x0];
	_ =	sdelay $0x2  }
0xb9: {  	s31 =	sshll.u32 s1, $0xD;
	s1 =	sshrl.u32 s1, $0x2  }
0xba: {  	s3 =	sand.u32 $0x4000, s31;
	s1 =	sadd.s32 s1, s30  }
0xbb: {  	s0 =	sor.u32 s3, s0;
	s1 =	sshll.u32 s1, $0x11  }
0xbc: {  	s0 =	sor.u32 s1, s0  }
0xbd: {  	s0 =	sadd.s32 $0x8F2B, s0  }
0xbe: {  	[sflag:s0] =	ssyncadd.remote.s32 $0x1  }
0xbf: {  	_ =	sfence.sel $0xFFFF  }
0xc0: {  	[dreg:$0x0] =	wrdreg $0xFFFFFFFF;
	(pc) =	sbr.abs _section_cstart, $3  }
0xc1: {  	[dreg:$0x1] =	wrdreg $0xFFFFFFFF  }
0xc2: {  	_ =	task.clear_ibuf [dreg:s8], $0x2FFFF;
	_ =	strace $0x9FFFFFFF  }
0xc3: {  	(tm) =	ssettm $0x7FFFFFFF  }
tec
execute0_lowered:
.L_overlay_start_1:
0x0: {  	(tag) =	ssettag $0x1  }
0x1: {  	s0 =	srdreg.scid;
	s1 =	stileid.u32  }
0x2: {  	s3 =	rddreg [dreg:$0x0];
	s5 =	simm.s32 $0x0;
	s11 =	simm.s32 $0x3800  }
0x3: {  	s12 =	simm.s32 $0x4000;
	s13 =	simm.s32 $0x4800;
	s0 =	sand.u32 $0x1, s0  }
0x4: {  	s1 =	sshll.u32 s1, $0x8;
	s2 =	sshll.u32 s0, $0x7;
	s0 =	ssub.s32 $0x2, s0  }
0x5: {  	s14 =	simm.s32 $0x6900;
	s1 =	sor.u32 s2, s1;
	s31 =	sshrl.u32 s0, $0x1  }
.Ltmp0:
0x6: {  	v0 =	vlaneseq.u32;
	[dreg:$0x3] =	wrdreg s1;
	s1 =	sshrl.u32 s1, $0x3;
	(pc) =	sbr.rel .LBB2_1-.Ltmp0, $4  }
0x7: {  	s16 =	simm.s32 $0x6000;
	v1 =	vmul.u32 $0x3, v0;
	v2 =	vmul.u32 $0x10, v0;
	s0 =	ssub.s32 s0, s31;
	s1 =	smul.u32 $0x1800, s1  }
0x8: {  	v3 =	vimm.s32 $0x0;
	vm0 =	vmxor vm0, vm0;
	v10 =	vimm.s32 $0x7FFFFFFF;
	s17 =	simm.s32 $0x5000;
	[smem:$0x7FF] =	sst s5;
	s0 =	smax.u32 s0, $0x1  }
0x9: {  	v4 =	vadd.s32 $0x1, v1;
	v5 =	vadd.s32 $0x2, v1;
	v6 =	vor.u32 $0x8, v2;
	_ =	strace $0x80000047;
	[dreg:$0x5] =	wrdreg s0;
	s1 =	sadd.s32 s3, s1  }
0xa: {  	s18 =	simm.s32 $0x5800;
	v7 =	vor.u32 $0x1, v2;
	v8 =	vor.u32 $0x9, v2;
	v9 =	vor.u32 $0x2, v2;
	s2 =	simm.s32 $0x0;
	[dreg:$0x4] =	wrdreg s1  }
.LBB2_68:
0xb: {  	s1 =	simm.s32 $0x2  }
0xc: {  	_ =	swait.ge [sflag:s1], $0x300  }
0xd: {  	[sflag:s1] =	ssyncset.done $0x0  }
0xe: {  	[sflag:s1] =	ssyncadd.s32 $0xFFFFFD00  }
0xf: {  	_ =	swait.ge [sflag:s1], $0x300  }
0x10: {  	s2 =	rddreg [dreg:$0x6]  }
0x11: {  	s0 =	rddreg [dreg:$0x5];
	s2 =	sadd.s32 $0x1, s2  }
0x12: {  	p0 =	sne.s32 s2, s0  }
.Ltmp1:
0x13: {  	_ = 	snop;
	(pc) =	sbr.rel @!p0 .LBB2_69-.Ltmp1, $3  }
0x14: {  	_ =	sdelay $0x1  }
0x15: {  	[sflag:s1] =	ssyncset.done $0x0  }
0x16: {  	[sflag:s1] =	ssyncadd.s32 $0xFFFFFD00  }
.LBB2_1:
0x17: {  	[dreg:$0x6] =	wrdreg s2;
	s0 =	simm.s32 $0x3820  }
0x18: {  	[tilespmem:s0+$0xFFFFFFE0] =	vst v3  }
0x19: {  	[tilespmem:s0+$0x10] =	vst v3  }
0x1a: {  	s1 =	simm.s32 $0x0;
	[tilespmem:s0+$0x0] =	vst v3  }
.LBB2_2:
0x1b: {  	s1 =	sadd.s32 $0x4, s1  }
0x1c: {  	[tilespmem:s0+$0xFFFFFFF0] =	vst v3;
	s0 =	sadd.s32 $0x40, s0;
	p0 =	slt.u32 s1, $0x7C  }
.Ltmp2:
0x1d: {  	[tilespmem:s0+$0xFFFFFFE0] =	vst v3;
	(pc) =	sbr.rel @p0 .LBB2_2-.Ltmp2, $3  }
0x1e: {  	_ =	sdelay $0x1  }
0x1f: {  	[tilespmem:s0+$0x10] =	vst v3  }
0x20: {  	[tilespmem:s0+$0x0] =	vst v3  }
0x21: {  	[tilespmem:s0+$0xFFFFFFF0] =	vst v3;
	s3 =	simm.s32 $0x0;
	s1 =	simm.s32 $0x80  }
0x22: {  	s2 =	simm.s32 $0x400;
	s22 =	simm.s32 $0x0;
	s0 =	rddreg [dreg:$0x4]  }
0x23: {  	[tilespmem:s3], [sflag:$0x1] =	stream.strided.gather [hbm4b:s0+s1], $0x1800, s2, s1, $0x38;
	[tilespmem:$0x6F00] =	vst v63  }
.LBB2_4:
0x24: {  	s21 =	sand.u32 $0x1, s22  }
0x25: {  	s1 =	rddreg [dreg:$0x3];
	s0 =	smul.u32 $0x1800, s21  }
0x26: {  	p0 =	seq.s32 s22, $0x7F;
	s23 =	sor.u32 s1, s22  }
0x27: {  	s3 =	simm.s32 $0x0;
	s1 =	sadd.s32 @!p0 $0x1, s23;
	v11 =	vmov s0  }
0x28: {  	s24 =	simm.s32 $0x1;
	s29 =	simm.s32 $0xC0;
	s2 =	sshrl.u32 @!p0 s1, $0x3;
	v12 =	vadd.s32 s3, v11  }
0x29: {  	_ =	swait.ge [sflag:s24], $0x1800;
	s1 =	sshll.u32 @!p0 s1, $0x7;
	s2 =	smul.u32 @!p0 $0xC000, s2;
	v21 =	vadd.s32 s29, v11;
	v12 =	vadd.s32 v1, v12  }
0x2a: {  	s25 =	simm.s32 $0x30;
	[sflag:s24] =	ssyncset.done $0x0;
	s1 =	sand.u32 @!p0 $0x380, s1;
	v24 =	vadd.s32 v1, v21;
	v26 =	vadd.s32 v5, v21;
	v21 =	vadd.s32 v4, v21  }
0x2b: {  	s28 =	simm.s32 $0x90;
	[sflag:s24] =	ssyncadd.s32 $0xFFFFE800;
	v14 =	vadd.s32 $0x2, v12;
	s1 =	sor.u32 @!p0 s1, s2  }
0x2c: {  	s4 =	simm.s32 @!p0 $0x400;
	s3 =	rddreg [dreg:$0x0];
	v13 =	vand.u32 $0x3F80, v12;
	v15 =	vadd.s32 $0x1, v12;
	s1 =	sshrl.u32 @!p0 s1, $0x3  }
0x2d: {  	s2 =	ssub.s32 @!p0 $0x1800, s0;
	v12 =	vor.u32 s0, v1;
	v13 =	vor.u32 v1, v13;
	s1 =	sadd.s32 @!p0 s3, s1;
	s3 =	simm.s32 @!p0 $0x80  }
0x2e: {  	v16 =	vadd.s32 s25, v12;
	[tilespmem:s2], [sflag:$0x1] =	stream.strided.gather @!p0 [hbm4b:s1+s3], $0x1800, s4, s3, $0x38;
	[tilespmem:$0x6F00] =	vst v63  }
0x2f: {  	s30 =	simm.s32 $0xF0;
	v19 =	vadd.s32 s28, v12;
	v21 =	vld.idx.msk [tilespmem:v21+s5+$0x0], $0xffff  }
0x30: {  	s26 =	simm.s32 $0x60;
	v23 =	vadd.s32 s30, v12;
	v14 =	vld.idx.msk [tilespmem:v14+s5+$0x0], $0xffff  }
0x31: {  	s9 =	simm.s32 $0x2A0;
	v17 =	vadd.s32 s26, v12;
	v18 =	vadd.s32 $0x2, v16;
	v15 =	vld.idx.msk [tilespmem:v15+s5+$0x0], $0xffff  }
0x32: {  	v37 =	vadd.s32 s9, v12;
	v20 =	vadd.s32 $0x2, v17;
	v13 =	vld.idx.msk [tilespmem:v13+s5+$0x0], $0xffff  }
0x33: {  	v43 =	vadd.s32 $0x2, v37;
	v25 =	vld.idx.msk [tilespmem:v16+s5+$0x0], $0xffff  }
0x34: {  	v22 =	vadd.s32 $0x2, v19;
	v30 =	vadd.s32 $0x1, v19;
	v16 =	vadd.s32 $0x1, v16;
	v19 =	vld.idx.msk [tilespmem:v19+s5+$0x0], $0xffff  }
0x35: {  	v28 =	vadd.s32 $0x2, v23;
	v31 =	vadd.s32 $0x1, v23;
	v23 =	vld.idx.msk [tilespmem:v23+s5+$0x0], $0xffff  }
0x36: {  	v18 =	vld.idx.msk [tilespmem:v18+s5+$0x0], $0xffff  }
0x37: {  	s31 =	simm.s32 $0x120;
	v20 =	vld.idx.msk [tilespmem:v20+s5+$0x0], $0xffff;
	v14 =	vmul.f32 v14, v14;
	v13 =	vmul.f32 v13, v13  }
0x38: {  	v27 =	vadd.s32 s31, v12;
	v43 =	vld.idx.msk [tilespmem:v43+s5+$0x0], $0xffff  }
0x39: {  	v29 =	vadd.s32 $0x2, v27;
	v16 =	vld.idx.msk [tilespmem:v16+s5+$0x0], $0xffff;
	v13 =	vadd.f32 v14, v13;
	v14 =	vmul.f32 v15, v15  }
0x3a: {  	s7 =	simm.s32 $0x240;
	s8 =	simm.s32 $0x270;
	v15 =	vld.idx.msk [tilespmem:v22+s5+$0x0], $0xffff  }
0x3b: {  	v55 =	vadd.s32 s7, v11;
	v56 =	vadd.s32 s8, v12;
	v22 =	vld.idx.msk [tilespmem:v24+s5+$0x0], $0xffff;
	v13 =	vadd.f32 v13, v14  }
0x3c: {  	v40 =	vadd.s32 v1, v55;
	v42 =	vadd.s32 $0x2, v56;
	v24 =	vld.idx.msk [tilespmem:v28+s5+$0x0], $0xffff  }
0x3d: {  	s15 =	simm.s32 $0x2D0;
	v41 =	vadd.s32 v5, v55;
	v46 =	vadd.s32 $0x1, v56;
	v14 =	vld.idx.msk [tilespmem:v26+s5+$0x0], $0xffff;
	v13 =	vxor.u32 $0x7FFFFFFF, v13  }
0x3e: {  	v48 =	vadd.s32 s15, v12;
	v26 =	vld.idx.msk [tilespmem:v29+s5+$0x0], $0xffff;
	v29 =	vadd.s32 $0x1, v17;
	v28 =	vshrl.u32 v13, $0x14  }
0x3f: {  	v32 =	vadd.s32 $0x1, v27;
	v47 =	vadd.s32 $0x1, v37;
	v49 =	vadd.s32 $0x1, v48;
	s1 =	simm.s32 $0x150;
	v17 =	vld.idx.msk [tilespmem:v17+s5+$0x0], $0xffff;
	(xrf1) =	vunique.msk.u32 $0xffff, v28  }
0x40: {  	v50 =	vadd.s32 $0x2, v48;
	v33 =	vadd.s32 s1, v12;
	v27 =	vld.idx.msk [tilespmem:v27+s5+$0x0], $0xffff;
	v25 =	vmul.f32 v25, v25  }
0x41: {  	v34 =	vadd.s32 $0x1, v33;
	v59 =	vld.idx.msk [tilespmem:v42+s5+$0x0], $0xffff;
	v19 =	vmul.f32 v19, v19;
	v18 =	vmul.f32 v18, v18  }
0x42: {  	v35 =	vadd.s32 $0x2, v33;
	v54 =	vld.idx.msk [tilespmem:v46+s5+$0x0], $0xffff;
	v20 =	vmul.f32 v20, v20;
	v51 =	vmul.f32 v43, v43  }
0x43: {  	s29 =	simm.s32 $0x420;
	v18 =	vadd.f32 v18, v25;
	v16 =	vmul.f32 v16, v16;
	v22 =	vmul.f32 v22, v22;
	v25 =	vld.idx.msk [tilespmem:v29+s5+$0x0], $0xffff  }
0x44: {  	s2 =	simm.s32 $0x180;
	v46 =	vld.idx.msk [tilespmem:v48+s5+$0x0], $0xffff;
	v48 =	vadd.s32 s29, v12;
	v15 =	vmul.f32 v15, v15;
	v17 =	vmul.f32 v17, v17  }
0x45: {  	v33 =	vld.idx.msk [tilespmem:v33+s5+$0x0], $0xffff;
	v24 =	vmul.f32 v24, v24;
	v14 =	vmul.f32 v14, v14;
	v29 =	vadd.s32 s2, v11  }
0x46: {  	v34 =	vld.idx.msk [tilespmem:v34+s5+$0x0], $0xffff;
	v17 =	vadd.f32 v20, v17;
	v20 =	vmul.f32 v23, v23;
	v23 =	vadd.s32 v1, v29  }
0x47: {  	v43 =	vld.idx.msk [tilespmem:v47+s5+$0x0], $0xffff;
	v15 =	vadd.f32 v15, v19;
	v14 =	vadd.f32 v14, v22;
	v19 =	vand.u32 $0x3F80, v23  }
0x48: {  	v22 =	vld.idx.msk [tilespmem:v30+s5+$0x0], $0xffff;
	v30 =	vadd.s32 $0x2, v23;
	v20 =	vadd.f32 v24, v20;
	v24 =	vmul.f32 v25, v25  }
0x49: {  	v21 =	vmul.f32 v21, v21;
	v27 =	vmul.f32 v27, v27;
	v29 =	vld.idx.msk [tilespmem:v31+s5+$0x0], $0xffff;
	v19 =	vor.u32 v1, v19  }
0x4a: {  	s20 =	simm.s32 $0x330;
	v16 =	vadd.f32 v18, v16;
	v26 =	vmul.f32 v26, v26;
	v18 =	vadd.s32 $0x1, v23;
	v23 =	vld.idx.msk [tilespmem:v35+s5+$0x0], $0xffff  }
0x4b: {  	s3 =	simm.s32 $0x1B0;
	v62 =	vmul.f32 v59, v59;
	v47 =	vadd.s32 s20, v12;
	v33 =	vmul.f32 v33, v33;
	v35 =	vld.idx.msk [tilespmem:v56+s5+$0x0], $0xffff  }
0x4c: {  	s6 =	simm.s32 $0x210;
	v61 =	vmul.f32 v34, v34;
	v26 =	vadd.f32 v26, v27;
	v27 =	vadd.s32 s3, v12;
	v25 =	vld.idx.msk [tilespmem:v32+s5+$0x0], $0xffff  }
0x4d: {  	v16 =	vxor.u32 $0x7FFFFFFF, v16;
	v31 =	vadd.s32 s6, v12;
	v17 =	vadd.f32 v17, v24;
	v30 =	vld.idx.msk [tilespmem:v30+s5+$0x0], $0xffff;
	_, v24, vm1 =	vpop (xrf1)  }
0x4e: {  	v36 =	vadd.s32 $0x2, v27;
	v39 =	vadd.s32 $0x2, v31;
	v22 =	vmul.f32 v22, v22;
	v19 =	vld.idx.msk [tilespmem:v19+s5+$0x0], $0xffff  }
0x4f: {  	s4 =	simm.s32 $0x1E0;
	v57 =	vld.idx.msk [tilespmem:v40+s5+$0x0], $0xffff;
	v44 =	vadd.s32 $0x1, v31;
	v14 =	vadd.f32 v14, v21;
	v32 =	vadd.s32 v4, v55  }
0x50: {  	v18 =	vld.idx.msk [tilespmem:v18+s5+$0x0], $0xffff;
	v15 =	vadd.f32 v15, v22;
	v22 =	vmul.f32 v29, v29;
	v29 =	vadd.s32 s4, v12  }
0x51: {  	s10 =	simm.s32 $0x3040;
	v21 =	vld.idx.msk [tilespmem:v27+s5+$0x0], $0xffff;
	v27 =	vadd.s32 $0x1, v27;
	v23 =	vmul.f32 v23, v23;
	v38 =	vadd.s32 $0x2, v29  }
0x52: {  	[tilespmem:s10+$0xFFFFFFC0] =	vst v13;
	v31 =	vld.idx.msk [tilespmem:v31+s5+$0x0], $0xffff;
	v35 =	vmul.f32 v35, v35;
	v17 =	vxor.u32 $0x7FFFFFFF, v17;
	v13 =	vmul.f32 v25, v25  }
0x53: {  	v25 =	vshrl.u32 v16, $0x14;
	v19 =	vmul.f32 v19, v19;
	[tilespmem:v28+s11+$0x0] =	vst.idx.add.s32.msk vm1, v24;
	v24 =	vmul.f32 v30, v30  }
0x54: {  	v60 =	vadd.s32 $0x1, v29;
	v20 =	vadd.f32 v20, v22;
	v22 =	vld.idx.msk [tilespmem:v36+s5+$0x0], $0xffff;
	v36 =	vshrl.u32 v17, $0x14;
	(xrf1) =	vunique.msk.u32 $0xffff, v25  }
0x55: {  	v52 =	vld.idx.msk [tilespmem:v44+s5+$0x0], $0xffff;
	(xrf1) =	vunique.msk.u32 $0xffff, v36;
	v18 =	vmul.f32 v18, v18;
	v28 =	vxor.u32 $0x7FFFFFFF, v15;
	v19 =	vadd.f32 v24, v19  }
0x56: {  	[tilespmem:s10+$0xFFFFFFD0] =	vst v16;
	v15 =	vld.idx.msk [tilespmem:v38+s5+$0x0], $0xffff;
	v38 =	vshrl.u32 v28, $0x14;
	v24 =	vadd.f32 v26, v13;
	v26 =	vxor.u32 $0x7FFFFFFF, v14  }
0x57: {  	v27 =	vld.idx.msk [tilespmem:v27+s5+$0x0], $0xffff;
	v20 =	vxor.u32 $0x7FFFFFFF, v20;
	(xrf1) =	vunique.msk.u32 $0xffff, v38;
	v13 =	vshrl.u32 v26, $0x14;
	v18 =	vadd.f32 v19, v18  }
0x58: {  	v44 =	vld.idx.msk [tilespmem:v50+s5+$0x0], $0xffff;
	v23 =	vadd.f32 v23, v33;
	v19 =	vxor.u32 $0x7FFFFFFF, v24;
	v24 =	vshrl.u32 v20, $0x14;
	(xrf1) =	vunique.msk.u32 $0xffff, v13  }
0x59: {  	v58 =	vld.idx.msk [tilespmem:v41+s5+$0x0], $0xffff;
	v34 =	vadd.f32 v62, v35;
	v14 =	vshrl.u32 v19, $0x14;
	(xrf1) =	vunique.msk.u32 $0xffff, v24;
	v18 =	vxor.u32 $0x7FFFFFFF, v18  }
0x5a: {  	s19 =	simm.s32 $0x300;
	s26 =	simm.s32 $0x3C0;
	v21 =	vmul.f32 v21, v21;
	v29 =	vld.idx.msk [tilespmem:v29+s5+$0x0], $0xffff;
	v22 =	vmul.f32 v22, v22;
	(xrf1) =	vunique.msk.u32 $0xffff, v14;
	v45 =	vshrl.u32 v18, $0x14  }
0x5b: {  	v37 =	vld.idx.msk [tilespmem:v37+s5+$0x0], $0xffff;
	v16 =	vadd.s32 s19, v11;
	v62 =	vadd.s32 s26, v11;
	v23 =	vadd.f32 v23, v61;
	(xrf1) =	vunique.msk.u32 $0xffff, v45  }
0x5c: {  	v35 =	vadd.s32 v4, v62;
	v63 =	vld.idx.msk [tilespmem:v60+s5+$0x0], $0xffff;
	v27 =	vmul.f32 v27, v27;
	v21 =	vadd.f32 v22, v21  }
0x5d: {  	v31 =	vmul.f32 v31, v31;
	v44 =	vmul.f32 v44, v44;
	v23 =	vxor.u32 $0x7FFFFFFF, v23;
	v30 =	vld.idx.msk [tilespmem:v39+s5+$0x0], $0xffff  }
0x5e: {  	v22 =	vmul.f32 v58, v58;
	v21 =	vadd.f32 v21, v27;
	v27 =	vadd.s32 v1, v16  }
0x5f: {  	v29 =	vmul.f32 v29, v29;
	v58 =	vadd.s32 $0x2, v27;
	v15 =	vmul.f32 v15, v15  }
0x60: {  	v32 =	vld.idx.msk [tilespmem:v32+s5+$0x0], $0xffff;
	[tilespmem:s10+$0xFFFFFFE0] =	vst v17;
	v39 =	vmul.f32 v57, v57;
	v57 =	vand.u32 $0x3F80, v27;
	v27 =	vadd.s32 $0x1, v27  }
0x61: {  	v33 =	vld.idx.msk [tilespmem:v49+s5+$0x0], $0xffff;
	v59 =	vor.u32 v1, v57;
	v29 =	vadd.f32 v15, v29;
	v15 =	vmul.f32 v37, v37  }
0x62: {  	v40 =	vmul.f32 v63, v63;
	[tilespmem:s10+$0x0] =	vst v26;
	v26 =	vadd.s32 v1, v62;
	v30 =	vmul.f32 v30, v30;
	_, v53, vm6 =	vpop (xrf1)  }
0x63: {  	v60 =	vld.idx.msk [tilespmem:v47+s5+$0x0], $0xffff;
	[tilespmem:s10+$0xFFFFFFF0] =	vst v28;
	v28 =	vmul.f32 v52, v52;
	v16 =	vshrl.u32 v23, $0x14;
	v63 =	vadd.s32 $0x2, v47;
	_, v55, vm4 =	vpop (xrf1)  }
0x64: {  	[tilespmem:s10+$0x10] =	vst v20;
	v52 =	vadd.s32 v5, v62;
	v47 =	vadd.s32 $0x1, v47;
	v31 =	vadd.f32 v30, v31;
	v49 =	vld.idx.msk [tilespmem:v58+s5+$0x0], $0xffff  }
0x65: {  	s25 =	simm.s32 $0x390;
	v22 =	vadd.f32 v22, v39;
	v20 =	vxor.u32 $0x7FFFFFFF, v21;
	[tilespmem:s10+$0x20] =	vst v19;
	v19 =	vmul.f32 v43, v43;
	v27 =	vld.idx.msk [tilespmem:v27+s5+$0x0], $0xffff;
	_, v56, vm5 =	vpop (xrf1)  }
0x66: {  	s30 =	simm.s32 $0x450;
	s1 =	simm.s32 $0x30C0;
	[tilespmem:s10+$0x30] =	vst v23;
	v37 =	vadd.s32 s25, v12;
	v41 =	vadd.f32 v51, v15;
	v29 =	vadd.f32 v29, v40;
	v40 =	vld.idx.msk [tilespmem:v59+s5+$0x0], $0xffff;
	_, v15, vm2 =	vpop (xrf1)  }
0x67: {  	[tilespmem:s1+$0xFFFFFFD0] =	vst v20;
	v58 =	vadd.s32 s30, v12;
	v26 =	vld.idx.msk [tilespmem:v26+s5+$0x0], $0xffff;
	v28 =	vadd.f32 v31, v28;
	v51 =	vadd.s32 $0x2, v37;
	_, v30, vm3 =	vpop (xrf1)  }
0x68: {  	s24 =	simm.s32 $0x360;
	v39 =	vadd.s32 $0x2, v58;
	v29 =	vxor.u32 $0x7FFFFFFF, v29;
	v19 =	vadd.f32 v41, v19;
	[tilespmem:v25+s11+$0x0] =	vst.idx.add.s32.msk vm6, v53;
	_, v17, vm1 =	vpop (xrf1)  }
0x69: {  	v28 =	vxor.u32 $0x7FFFFFFF, v28;
	v25 =	vmul.f32 v32, v32;
	[tilespmem:v36+s11+$0x0] =	vst.idx.add.s32.msk vm4, v55;
	v36 =	vadd.s32 s24, v12;
	_, v31, vm6 =	vpop (xrf1)  }
0x6a: {  	[tilespmem:s1+$0xFFFFFFC0] =	vst v18;
	v41 =	vld.idx.msk [tilespmem:v52+s5+$0x0], $0xffff;
	v32 =	vmul.f32 v54, v54;
	v62 =	vmul.f32 v49, v49;
	v61 =	vadd.s32 $0x2, v36  }
0x6b: {  	v18 =	vadd.f32 v22, v25;
	v25 =	vld.idx.msk [tilespmem:v63+s5+$0x0], $0xffff;
	v22 =	vshrl.u32 v20, $0x14;
	v40 =	vmul.f32 v40, v40;
	(xrf1) =	vunique.msk.u32 $0xffff, v16  }
0x6c: {  	v54 =	vadd.s32 $0x2, v48;
	v21 =	vshrl.u32 v29, $0x14;
	v23 =	vadd.f32 v34, v32;
	v32 =	vld.idx.msk [tilespmem:v51+s5+$0x0], $0xffff;
	(xrf1) =	vunique.msk.u32 $0xffff, v22  }
0x6d: {  	[tilespmem:s1+$0xFFFFFFE0] =	vst v29;
	v29 =	vmul.f32 v46, v46;
	v40 =	vadd.f32 v62, v40;
	v62 =	vld.idx.msk [tilespmem:v47+s5+$0x0], $0xffff;
	(xrf1) =	vunique.msk.u32 $0xffff, v21  }
0x6e: {  	v27 =	vmul.f32 v27, v27;
	v50 =	vxor.u32 $0x7FFFFFFF, v19;
	v55 =	vadd.s32 $0x1, v36;
	[tilespmem:v38+s11+$0x0] =	vst.idx.add.s32.msk vm5, v56  }
0x6f: {  	s28 =	simm.s32 $0x3F0;
	v34 =	vmul.f32 v60, v60;
	v20 =	vshrl.u32 v28, $0x14;
	v29 =	vadd.f32 v44, v29;
	[tilespmem:v45+s11+$0x0] =	vst.idx.add.s32.msk vm6, v31  }
0x70: {  	[tilespmem:s1+$0xFFFFFFF0] =	vst v28;
	v18 =	vxor.u32 $0x7FFFFFFF, v18;
	v63 =	vxor.u32 $0x7FFFFFFF, v23;
	v38 =	vadd.s32 s28, v12;
	v31 =	vld.idx.msk [tilespmem:v61+s5+$0x0], $0xffff  }
0x71: {  	v60 =	vld.idx.msk [tilespmem:v54+s5+$0x0], $0xffff;
	v19 =	vshrl.u32 v18, $0x14;
	v25 =	vmul.f32 v25, v25;
	v53 =	vadd.s32 $0x2, v38;
	(xrf1) =	vunique.msk.u32 $0xffff, v20  }
0x72: {  	[tilespmem:s1+$0x0] =	vst v18;
	v18 =	vshrl.u32 v63, $0x14;
	v36 =	vld.idx.msk [tilespmem:v36+s5+$0x0], $0xffff;
	v27 =	vadd.f32 v40, v27;
	(xrf1) =	vunique.msk.u32 $0xffff, v19  }
0x73: {  	v23 =	vshrl.u32 v50, $0x14;
	[tilespmem:s1+$0x10] =	vst v63;
	v63 =	vld.idx.msk [tilespmem:v55+s5+$0x0], $0xffff;
	v28 =	vadd.f32 v25, v34;
	(xrf1) =	vunique.msk.u32 $0xffff, v18  }
0x74: {  	v55 =	vld.idx.msk [tilespmem:v35+s5+$0x0], $0xffff;
	v25 =	vxor.u32 $0x7FFFFFFF, v27;
	v27 =	vmul.f32 v26, v26;
	v56 =	vadd.s32 $0x1, v37;
	(xrf1) =	vunique.msk.u32 $0xffff, v23  }
0x75: {  	v37 =	vld.idx.msk [tilespmem:v37+s5+$0x0], $0xffff;
	v26 =	vshrl.u32 v25, $0x14;
	v61 =	vmul.f32 v31, v31;
	v31 =	vmul.f32 v33, v33  }
0x76: {  	v57 =	vadd.s32 $0x1, v38;
	v43 =	vld.idx.msk [tilespmem:v53+s5+$0x0], $0xffff;
	(xrf1) =	vunique.msk.u32 $0xffff, v26  }
0x77: {  	v59 =	vadd.s32 $0x1, v58;
	v52 =	vmul.f32 v41, v41;
	v34 =	vld.idx.msk [tilespmem:v48+s5+$0x0], $0xffff;
	v29 =	vadd.f32 v29, v31  }
0x78: {  	v32 =	vmul.f32 v32, v32;
	vm4 =	vmmov vm2;
	v38 =	vld.idx.msk [tilespmem:v38+s5+$0x0], $0xffff;
	v45 =	vadd.s32 $0x1, v48  }
0x79: {  	v62 =	vmul.f32 v62, v62;
	v54 =	vld.idx.msk [tilespmem:v56+s5+$0x0], $0xffff;
	v31 =	vadd.f32 v52, v27;
	_, v27, vm2 =	vpop (xrf1);
	v29 =	vxor.u32 $0x7FFFFFFF, v29  }
0x7a: {  	v36 =	vmul.f32 v36, v36;
	v37 =	vmul.f32 v37, v37;
	v33 =	vld.idx.msk [tilespmem:v39+s5+$0x0], $0xffff;
	_, v39, vm6 =	vpop (xrf1);
	[tilespmem:s1+$0x30] =	vst v29;
	v29 =	vshrl.u32 v29, $0x14  }
0x7b: {  	s31 =	sshll.u32 s22, $0x7;
	[tilespmem:s1+$0x20] =	vst v50;
	v63 =	vmul.f32 v63, v63;
	v53 =	vmul.f32 v43, v43;
	v43 =	vld.idx.msk [tilespmem:v57+s5+$0x0], $0xffff;
	_, v40, vm7 =	vpop (xrf1);
	(xrf1) =	vunique.msk.u32 $0xffff, v29  }
0x7c: {  	s0 =	sand.u32 $0x380, s31;
	v34 =	vmul.f32 v34, v34;
	v56 =	vmul.f32 v60, v60;
	v44 =	vadd.f32 v32, v37;
	v32 =	vld.idx.msk [tilespmem:v58+s5+$0x0], $0xffff  }
0x7d: {  	v42 =	vmul.f32 v55, v55;
	v35 =	vld.idx.msk [tilespmem:v45+s5+$0x0], $0xffff;
	v60 =	vadd.f32 v61, v36;
	v61 =	vmul.f32 v38, v38;
	[dreg:$0x7] =	wrdreg s0  }
0x7e: {  	s3 =	simm.s32 $0x480;
	v34 =	vadd.f32 v56, v34;
	v37 =	vadd.f32 v28, v62;
	v45 =	vmul.f32 v54, v54;
	v28 =	vld.idx.msk [tilespmem:v59+s5+$0x0], $0xffff  }
0x7f: {  	s25 =	sshrl.u32 s23, $0x3;
	s23 =	sadd.s32 $0x1, s22;
	v36 =	vadd.f32 v53, v61;
	v38 =	vadd.f32 v60, v63;
	s0 =	simm.s32 $0x10;
	_, v41, vm8 =	vpop (xrf1);
	[tilespmem:v24+s11+$0x0] =	vst.idx.add.s32.msk vm3, v30  }
.LBB2_5:
0x80: {  	v47 =	vadd.s32 s3, v11;
	s2 =	sadd.s32 $0x30, s3;
	s4 =	sadd.s32 $0x60, s3;
	s0 =	sadd.s32 $0x8, s0;
	v30 =	vadd.f32 v44, v45;
	v43 =	vmul.f32 v43, v43;
	_, v44, vm5 =	vpop (xrf1);
	[tilespmem:v14+s11+$0x0] =	vst.idx.add.s32.msk vm1, v17  }
0x81: {  	v14 =	vadd.s32 v1, v47;
	v45 =	vadd.s32 s2, v12;
	v46 =	vadd.s32 s4, v12;
	s2 =	sadd.s32 $0x90, s3;
	s4 =	sadd.s32 $0xC0, s3;
	p0 =	slt.u32 s0, $0x78;
	_, v24, vm3 =	vpop (xrf1);
	[tilespmem:v16+s11+$0x0] =	vst.idx.add.s32.msk vm2, v27  }
0x82: {  	s6 =	sadd.s32 $0x120, s3;
	s7 =	sadd.s32 $0x150, s3;
	v16 =	vand.u32 $0x3F80, v14;
	v27 =	vadd.s32 $0x2, v14;
	v47 =	vadd.s32 s2, v12;
	s2 =	sadd.s32 $0xF0, s3;
	_, v17, vm1 =	vpop (xrf1);
	[tilespmem:v13+s11+$0x0] =	vst.idx.add.s32.msk vm4, v15  }
0x83: {  	v49 =	vadd.s32 s4, v11;
	v15 =	vmovc v44;
	v48 =	vor.u32 v1, v16;
	v50 =	vadd.s32 s2, v12;
	[tilespmem:v22+s11+$0x0] =	vst.idx.add.s32.msk vm6, v39  }
0x84: {  	v44 =	vadd.s32 s6, v12;
	v22 =	vadd.s32 $0x1, v14;
	v39 =	vadd.s32 $0x2, v45;
	_, v51, vm4 =	vpop (xrf1);
	[tilespmem:v21+s11+$0x0] =	vst.idx.add.s32.msk vm7, v40  }
0x85: {  	v13 =	vmovc v19;
	v52 =	vadd.s32 v1, v49;
	v21 =	vadd.s32 $0x2, v46;
	v40 =	vadd.s32 $0x2, v47;
	[tilespmem:v20+s11+$0x0] =	vst.idx.add.s32.msk vm8, v41  }
0x86: {  	v53 =	vadd.s32 $0x2, v44;
	v14 =	vmovc v23;
	v20 =	vadd.s32 v5, v49;
	v41 =	vadd.s32 $0x2, v50;
	v16 =	vmovc v29;
	v19 =	vld.idx.msk [tilespmem:v45+s5+$0x0], $0xffff  }
0x87: {  	v54 =	vadd.s32 $0x1, v47;
	v29 =	vadd.s32 $0x1, v45;
	v45 =	vadd.s32 $0x1, v46;
	v23 =	vld.idx.msk [tilespmem:v27+s5+$0x0], $0xffff  }
0x88: {  	s1 =	sadd.s32 $0x80, s1;
	v56 =	vadd.s32 $0x1, v44;
	v55 =	vadd.s32 $0x1, v50;
	v49 =	vadd.s32 v4, v49;
	v48 =	vld.idx.msk [tilespmem:v48+s5+$0x0], $0xffff  }
0x89: {  	v58 =	vadd.s32 s7, v12;
	v57 =	vld.idx.msk [tilespmem:v22+s5+$0x0], $0xffff;
	[tilespmem:s1+$0xFFFFFFC0] =	vst v25;
	v22 =	vadd.f32 v31, v42;
	v25 =	vmul.f32 v35, v35;
	_, v27, vm2 =	vpop (xrf1)  }
0x8a: {  	v59 =	vadd.s32 $0x2, v58;
	v42 =	vadd.s32 $0x1, v58;
	[tilespmem:v26+s11+$0x0] =	vst.idx.add.s32.msk vm4, v51;
	v26 =	vadd.f32 v36, v43  }
0x8b: {  	v35 =	vxor.u32 $0x7FFFFFFF, v37;
	v36 =	vxor.u32 $0x7FFFFFFF, v38;
	v31 =	vld.idx.msk [tilespmem:v39+s5+$0x0], $0xffff;
	v25 =	vadd.f32 v34, v25  }
0x8c: {  	v30 =	vxor.u32 $0x7FFFFFFF, v30;
	v34 =	vmul.f32 v19, v19;
	v19 =	vxor.u32 $0x7FFFFFFF, v22;
	v37 =	vld.idx.msk [tilespmem:v21+s5+$0x0], $0xffff;
	[tilespmem:s1+$0xFFFFFFD0] =	vst v35  }
0x8d: {  	v33 =	vmul.f32 v33, v33;
	v26 =	vxor.u32 $0x7FFFFFFF, v26;
	v38 =	vld.idx.msk [tilespmem:v40+s5+$0x0], $0xffff;
	[tilespmem:s1+$0xFFFFFFE0] =	vst v36;
	v39 =	vxor.u32 $0x7FFFFFFF, v25  }
0x8e: {  	v22 =	vshrl.u32 v35, $0x14;
	v23 =	vmul.f32 v23, v23;
	v25 =	vmul.f32 v48, v48;
	v40 =	vld.idx.msk [tilespmem:v52+s5+$0x0], $0xffff;
	[tilespmem:s1+$0x0] =	vst v19  }
0x8f: {  	v32 =	vmul.f32 v32, v32;
	v21 =	vshrl.u32 v36, $0x14;
	v35 =	vld.idx.msk [tilespmem:v20+s5+$0x0], $0xffff;
	v20 =	vshrl.u32 v30, $0x14;
	(xrf1) =	vunique.msk.u32 $0xffff, v22  }
0x90: {  	v36 =	vmul.f32 v57, v57;
	v19 =	vshrl.u32 v19, $0x14;
	v25 =	vadd.f32 v23, v25;
	v41 =	vld.idx.msk [tilespmem:v41+s5+$0x0], $0xffff;
	(xrf1) =	vunique.msk.u32 $0xffff, v21  }
0x91: {  	v48 =	vshrl.u32 v26, $0x14;
	v23 =	vshrl.u32 v39, $0x14;
	v31 =	vmul.f32 v31, v31;
	v43 =	vld.idx.msk [tilespmem:v53+s5+$0x0], $0xffff;
	(xrf1) =	vunique.msk.u32 $0xffff, v20  }
0x92: {  	v25 =	vadd.f32 v25, v36;
	v37 =	vmul.f32 v37, v37;
	v36 =	vld.idx.msk [tilespmem:v46+s5+$0x0], $0xffff;
	[tilespmem:s1+$0xFFFFFFF0] =	vst v30;
	(xrf1) =	vunique.msk.u32 $0xffff, v19  }
0x93: {  	v30 =	vadd.f32 v31, v34;
	v38 =	vmul.f32 v38, v38;
	v34 =	vld.idx.msk [tilespmem:v47+s5+$0x0], $0xffff;
	[tilespmem:s1+$0x10] =	vst v26;
	(xrf1) =	vunique.msk.u32 $0xffff, v48  }
0x94: {  	v32 =	vadd.f32 v33, v32;
	v25 =	vxor.u32 $0x7FFFFFFF, v25;
	v31 =	vmul.f32 v40, v40;
	v40 =	vld.idx.msk [tilespmem:v50+s5+$0x0], $0xffff;
	(xrf1) =	vunique.msk.u32 $0xffff, v23  }
0x95: {  	v28 =	vmul.f32 v28, v28;
	v26 =	vshrl.u32 v25, $0x14;
	v33 =	vmul.f32 v35, v35;
	v46 =	vld.idx.msk [tilespmem:v44+s5+$0x0], $0xffff;
	[tilespmem:s1+$0x20] =	vst v39  }
0x96: {  	vm4 =	vmmov vm5;
	v41 =	vmul.f32 v41, v41;
	v39 =	vld.idx.msk [tilespmem:v29+s5+$0x0], $0xffff;
	(xrf1) =	vunique.msk.u32 $0xffff, v26  }
0x97: {  	v28 =	vadd.f32 v32, v28;
	v31 =	vadd.f32 v33, v31;
	v47 =	vmul.f32 v43, v43;
	v45 =	vld.idx.msk [tilespmem:v45+s5+$0x0], $0xffff  }
0x98: {  	v29 =	vmul.f32 v36, v36;
	v50 =	vld.idx.msk [tilespmem:v54+s5+$0x0], $0xffff  }
0x99: {  	v28 =	vxor.u32 $0x7FFFFFFF, v28;
	v32 =	vmul.f32 v34, v34;
	v49 =	vld.idx.msk [tilespmem:v49+s5+$0x0], $0xffff  }
0x9a: {  	v51 =	vadd.f32 v37, v29;
	v33 =	vmul.f32 v40, v40;
	v29 =	vshrl.u32 v28, $0x14;
	v43 =	vld.idx.msk [tilespmem:v55+s5+$0x0], $0xffff;
	[tilespmem:s1+$0x30] =	vst v28  }
.Ltmp3:
0x9b: {  	v44 =	vadd.f32 v38, v32;
	v28 =	vmul.f32 v46, v46;
	v35 =	vld.idx.msk [tilespmem:v56+s5+$0x0], $0xffff;
	(xrf1) =	vunique.msk.u32 $0xffff, v29;
	(pc) =	sbr.rel @p0 .LBB2_5-.Ltmp3, $4  }
0x9c: {  	v37 =	vmul.f32 v39, v39;
	v36 =	vadd.f32 v41, v33;
	v33 =	vld.idx.msk [tilespmem:v59+s5+$0x0], $0xffff  }
0x9d: {  	v38 =	vmul.f32 v45, v45;
	v34 =	vadd.f32 v47, v28;
	v32 =	vld.idx.msk [tilespmem:v58+s5+$0x0], $0xffff;
	_, v39, vm6 =	vpop (xrf1)  }
0x9e: {  	v37 =	vadd.f32 v30, v37;
	v45 =	vmul.f32 v50, v50;
	v28 =	vld.idx.msk [tilespmem:v42+s5+$0x0], $0xffff;
	_, v40, vm7 =	vpop (xrf1)  }
0x9f: {  	s3 =	sadd.s32 $0x180, s3;
	v38 =	vadd.f32 v51, v38;
	v42 =	vmul.f32 v49, v49;
	_, v41, vm8 =	vpop (xrf1);
	[tilespmem:v18+s11+$0x0] =	vst.idx.add.s32.msk vm3, v24;
	v18 =	vmov v48  }
0xa0: {  	_ =	sdelay $0x2  }
0xa1: {  	v12 =	vmul.f32 v43, v43;
	v24 =	vadd.f32 v44, v45  }
0xa2: {  	v60 =	vxor.u32 $0x7FFFFFFF, v37;
	v30 =	vadd.f32 v31, v42;
	v31 =	vmul.f32 v35, v35  }
0xa3: {  	[tilespmem:v14+s11+$0x0] =	vst.idx.add.s32.msk vm1, v17;
	v33 =	vmul.f32 v33, v33;
	v14 =	vxor.u32 $0x7FFFFFFF, v38;
	v12 =	vadd.f32 v36, v12  }
0xa4: {  	v32 =	vmul.f32 v32, v32;
	v17 =	vxor.u32 $0x7FFFFFFF, v24;
	v24 =	vshrl.u32 v60, $0x14  }
0xa5: {  	_, v61, vm3 =	vpop (xrf1);
	v62 =	vshrl.u32 v14, $0x14;
	(xrf1) =	vunique.msk.u32 $0xffff, v24;
	v28 =	vmul.f32 v28, v28;
	v31 =	vadd.f32 v34, v31  }
0xa6: {  	_, v63, vm1 =	vpop (xrf1);
	v30 =	vxor.u32 $0x7FFFFFFF, v30;
	v45 =	vshrl.u32 v17, $0x14;
	v32 =	vadd.f32 v33, v32;
	(xrf1) =	vunique.msk.u32 $0xffff, v62  }
0xa7: {  	[tilespmem:v16+s11+$0x0] =	vst.idx.add.s32.msk vm2, v27;
	_, v46, vm5 =	vpop (xrf1);
	v12 =	vxor.u32 $0x7FFFFFFF, v12;
	v47 =	vshrl.u32 v30, $0x14;
	(xrf1) =	vunique.msk.u32 $0xffff, v45  }
0xa8: {  	_, v16, vm2 =	vpop (xrf1);
	v27 =	vxor.u32 $0x7FFFFFFF, v31;
	v31 =	vshrl.u32 v12, $0x14;
	v28 =	vadd.f32 v32, v28;
	(xrf1) =	vunique.msk.u32 $0xffff, v47  }
0xa9: {  	[tilespmem:v13+s11+$0x0] =	vst.idx.add.s32.msk vm4, v15;
	(xrf1) =	vunique.msk.u32 $0xffff, v31  }
0xaa: {  	[tilespmem:v22+s11+$0x0] =	vst.idx.add.s32.msk vm6, v39;
	v13 =	vshrl.u32 v27, $0x14;
	v15 =	vxor.u32 $0x7FFFFFFF, v28  }
0xab: {  	[tilespmem:v21+s11+$0x0] =	vst.idx.add.s32.msk vm7, v40;
	(xrf1) =	vunique.msk.u32 $0xffff, v13;
	v22 =	vshrl.u32 v15, $0x14  }
0xac: {  	[tilespmem:v20+s11+$0x0] =	vst.idx.add.s32.msk vm8, v41;
	s0 =	sadd.s32 $0x80, s1;
	(xrf1) =	vunique.msk.u32 $0xffff, v22  }
0xad: {  	[tilespmem:s0+$0xFFFFFFC0] =	vst v25  }
0xae: {  	[tilespmem:s0+$0xFFFFFFD0] =	vst v60  }
0xaf: {  	[tilespmem:s0+$0xFFFFFFE0] =	vst v14  }
0xb0: {  	[tilespmem:s0+$0xFFFFFFF0] =	vst v17  }
0xb1: {  	[tilespmem:s0+$0x0] =	vst v30  }
0xb2: {  	vm3 =	vmmov vm3;
	[tilespmem:v26+s11+$0x0] =	vst.idx.add.s32.msk vm2, v16;
	_, v14, vm2 =	vpop (xrf1)  }
0xb3: {  	[tilespmem:s0+$0x10] =	vst v12;
	_, v12, vm4 =	vpop (xrf1)  }
0xb4: {  	[tilespmem:s0+$0x20] =	vst v27;
	_, v16, vm6 =	vpop (xrf1)  }
0xb5: {  	[tilespmem:s0+$0x30] =	vst v15;
	_, v15, vm7 =	vpop (xrf1)  }
0xb6: {  	[tilespmem:v18+s11+$0x0] =	vst.idx.add.s32.msk vm1, v63;
	_, v17, vm1 =	vpop (xrf1)  }
0xb7: {  	[tilespmem:v23+s11+$0x0] =	vst.idx.add.s32.msk vm5, v46;
	_, v18, vm5 =	vpop (xrf1)  }
0xb8: {  	[tilespmem:v19+s11+$0x0] =	vst.idx.add.s32.msk vm3, v61;
	vm1 =	vmmov vm1  }
0xb9: {  	[tilespmem:v29+s11+$0x0] =	vst.idx.add.s32.msk vm2, v14;
	_, v14, vm2 =	vpop (xrf1)  }
0xba: {  	[tilespmem:v24+s11+$0x0] =	vst.idx.add.s32.msk vm4, v12;
	_, v19, vm3 =	vpop (xrf1)  }
0xbb: {  	[tilespmem:v62+s11+$0x0] =	vst.idx.add.s32.msk vm6, v16  }
0xbc: {  	[tilespmem:v45+s11+$0x0] =	vst.idx.add.s32.msk vm7, v15  }
0xbd: {  	[tilespmem:v31+s11+$0x0] =	vst.idx.add.s32.msk vm5, v18  }
0xbe: {  	[tilespmem:v47+s11+$0x0] =	vst.idx.add.s32.msk vm1, v17  }
0xbf: {  	[tilespmem:v13+s11+$0x0] =	vst.idx.add.s32.msk vm2, v14  }
0xc0: {  	[tilespmem:v22+s11+$0x0] =	vst.idx.add.s32.msk vm3, v19  }
0xc1: {  	v13 =	vor.u32 $0xA, v2;
	v12 =	vld.idx.msk [tilespmem:v2+s11+$0x0], $0xffff  }
0xc2: {  	v15 =	vor.u32 $0x3, v2;
	v14 =	vld.idx.msk [tilespmem:v6+s11+$0x0], $0xffff  }
0xc3: {  	v17 =	vor.u32 $0xB, v2;
	v16 =	vld.idx.msk [tilespmem:v7+s11+$0x0], $0xffff  }
0xc4: {  	v19 =	vor.u32 $0x4, v2;
	v18 =	vld.idx.msk [tilespmem:v8+s11+$0x0], $0xffff  }
0xc5: {  	v21 =	vor.u32 $0xC, v2;
	v20 =	vld.idx.msk [tilespmem:v9+s11+$0x0], $0xffff  }
0xc6: {  	v22 =	vor.u32 $0x5, v2;
	v13 =	vld.idx.msk [tilespmem:v13+s11+$0x0], $0xffff  }
0xc7: {  	v23 =	vor.u32 $0xD, v2;
	v15 =	vld.idx.msk [tilespmem:v15+s11+$0x0], $0xffff;
	v12 =	vadd.s32 v12, v14  }
0xc8: {  	v14 =	vld.idx.msk [tilespmem:v17+s11+$0x0], $0xffff;
	v17 =	vor.u32 $0x6, v2;
	v12 =	vadd.s32 v16, v12  }
0xc9: {  	v16 =	vld.idx.msk [tilespmem:v19+s11+$0x0], $0xffff;
	v19 =	vor.u32 $0xE, v2;
	v12 =	vadd.s32 v18, v12  }
0xca: {  	v18 =	vld.idx.msk [tilespmem:v21+s11+$0x0], $0xffff;
	v21 =	vor.u32 $0x7, v2;
	v12 =	vadd.s32 v20, v12  }
0xcb: {  	v20 =	vld.idx.msk [tilespmem:v22+s11+$0x0], $0xffff;
	v22 =	vor.u32 $0xF, v2;
	v12 =	vadd.s32 v13, v12  }
0xcc: {  	v13 =	vld.idx.msk [tilespmem:v23+s11+$0x0], $0xffff;
	v12 =	vadd.s32 v15, v12  }
0xcd: {  	v15 =	vld.idx.msk [tilespmem:v17+s11+$0x0], $0xffff;
	v12 =	vadd.s32 v14, v12  }
0xce: {  	v14 =	vld.idx.msk [tilespmem:v19+s11+$0x0], $0xffff;
	v12 =	vadd.s32 v16, v12  }
0xcf: {  	v16 =	vld.idx.msk [tilespmem:v21+s11+$0x0], $0xffff;
	v12 =	vadd.s32 v18, v12  }
0xd0: {  	v17 =	vld.idx.msk [tilespmem:v22+s11+$0x0], $0xffff;
	v12 =	vadd.s32 v20, v12  }
0xd1: {  	v12 =	vadd.s32 v13, v12  }
0xd2: {  	v12 =	vadd.s32 v15, v12  }
0xd3: {  	v12 =	vadd.s32 v14, v12  }
0xd4: {  	v12 =	vadd.s32 v16, v12  }
0xd5: {  	v14 =	vor.u32 $0x108, v2;
	v13 =	vadd.s32 v17, v12  }
0xd6: {  	v12 =	vor.u32 $0x100, v2;
	(xrf0) =	vadd.scan.msk.s32 $0xffff, v13  }
0xd7: {  	v15 =	vor.u32 $0x101, v2  }
0xd8: {  	v16 =	vor.u32 $0x109, v2  }
0xd9: {  	v17 =	vor.u32 $0x102, v2  }
0xda: {  	v18 =	vor.u32 $0x10A, v2;
	v14 =	vld.idx.msk [tilespmem:v14+s11+$0x0], $0xffff  }
0xdb: {  	v19 =	vor.u32 $0x103, v2;
	v12 =	vld.idx.msk [tilespmem:v12+s11+$0x0], $0xffff  }
0xdc: {  	v21 =	vor.u32 $0x10B, v2;
	v15 =	vld.idx.msk [tilespmem:v15+s11+$0x0], $0xffff;
	v20, _, _ =	vpop (xrf0)  }
0xdd: {  	v23 =	vor.u32 $0x104, v2;
	v16 =	vld.idx.msk [tilespmem:v16+s11+$0x0], $0xffff;
	v22 =	vxor.u32 $0x80000000, v20  }
0xde: {  	v17 =	vld.idx.msk [tilespmem:v17+s11+$0x0], $0xffff;
	(xrf0) =	vmax.scan.msk.u32 $0xffff, v22;
	v22 =	vor.u32 $0x10C, v2  }
0xdf: {  	v24 =	vor.u32 $0x105, v2;
	v18 =	vld.idx.msk [tilespmem:v18+s11+$0x0], $0xffff  }
0xe0: {  	v25 =	vor.u32 $0x10D, v2;
	v19 =	vld.idx.msk [tilespmem:v19+s11+$0x0], $0xffff;
	v12 =	vadd.s32 v12, v14  }
0xe1: {  	v14 =	vld.idx.msk [tilespmem:v21+s11+$0x0], $0xffff;
	v21 =	vor.u32 $0x106, v2;
	v12 =	vadd.s32 v15, v12  }
0xe2: {  	v15 =	vld.idx.msk [tilespmem:v23+s11+$0x0], $0xffff;
	v23 =	vor.u32 $0x10E, v2;
	v12 =	vadd.s32 v16, v12  }
0xe3: {  	v12 =	vadd.s32 v17, v12;
	v16 =	vld.idx.msk [tilespmem:v22+s11+$0x0], $0xffff;
	v22 =	vor.u32 $0x107, v2  }
0xe4: {  	v26 =	vor.u32 $0x10F, v2;
	v24 =	vld.idx.msk [tilespmem:v24+s11+$0x0], $0xffff;
	vm1 =	vgt.s32 v20, $0xFF;
	v18 =	vadd.s32 v18, v12;
	v17, _, _ =	vpop (xrf0)  }
0xe5: {  	v12 =	vmctz.xlane vm1;
	v18 =	vadd.s32 v19, v18;
	(v2sf) =	vpush v17, $0xF;
	v17 =	vld.idx.msk [tilespmem:v25+s11+$0x0], $0xffff  }
0xe6: {  	v19 =	vld.idx.msk [tilespmem:v21+s11+$0x0], $0xffff;
	v14 =	vadd.s32 v14, v18  }
0xe7: {  	v18 =	vshrl.u32 v12, $0x1B;
	v21 =	vld.idx.msk [tilespmem:v23+s11+$0x0], $0xffff;
	v14 =	vadd.s32 v15, v14  }
0xe8: {  	v15 =	vand.u32 $0x10, v18;
	v18 =	vld.idx.msk [tilespmem:v22+s11+$0x0], $0xffff;
	v14 =	vadd.s32 v16, v14  }
0xe9: {  	v15 =	vadd.s32 v12, v15;
	v16 =	vld.idx.msk [tilespmem:v26+s11+$0x0], $0xffff;
	v14 =	vadd.s32 v24, v14  }
0xea: {  	v20 =	vperm.xlane v20, v15;
	v14 =	vadd.s32 v17, v14  }
0xeb: {  	v13 =	vperm.xlane v13, v15;
	v14 =	vadd.s32 v19, v14  }
0xec: {  	v15 =	vxor.u32 $0x80000000, v20;
	v14 =	vadd.s32 v21, v14  }
0xed: {  	v13 =	vxor.u32 $0x80000000, v13;
	(xrf0) =	vmax.scan.msk.u32 $0xffff, v15;
	v14 =	vadd.s32 v18, v14  }
0xee: {  	(xrf0) =	vmax.scan.msk.u32 $0xffff, v13;
	v14 =	vadd.s32 v16, v14  }
0xef: {  	v15 =	vor.u32 $0x208, v2;
	(xrf0) =	vadd.scan.msk.s32 $0xffff, v14  }
0xf0: {  	v13 =	vor.u32 $0x200, v2  }
0xf1: {  	v16 =	vor.u32 $0x201, v2  }
0xf2: {  	v17 =	vor.u32 $0x209, v2  }
0xf3: {  	v19 =	vor.u32 $0x202, v2;
	v18, _, _ =	vpop (xrf0)  }
0xf4: {  	v21 =	vor.u32 $0x20A, v2;
	v15 =	vld.idx.msk [tilespmem:v15+s11+$0x0], $0xffff;
	v20, _, _ =	vpop (xrf0);
	s6 =	spop (v2sf)  }
0xf5: {  	v23 =	vor.u32 $0x203, v2;
	v13 =	vld.idx.msk [tilespmem:v13+s11+$0x0], $0xffff;
	s29 =	sxor.u32 $0x80000000, s6;
	v22, _, _ =	vpop (xrf0)  }
0xf6: {  	v24 =	vor.u32 $0x20B, v2;
	v16 =	vld.idx.msk [tilespmem:v16+s11+$0x0], $0xffff;
	v22 =	vadd.s32 s29, v22  }
0xf7: {  	v26 =	vor.u32 $0x204, v2;
	v17 =	vld.idx.msk [tilespmem:v17+s11+$0x0], $0xffff;
	v25 =	vxor.u32 $0x80000000, v22  }
0xf8: {  	v19 =	vld.idx.msk [tilespmem:v19+s11+$0x0], $0xffff;
	(xrf0) =	vmax.scan.msk.u32 $0xffff, v25;
	v25 =	vor.u32 $0x20C, v2  }
0xf9: {  	v27 =	vor.u32 $0x205, v2;
	v21 =	vld.idx.msk [tilespmem:v21+s11+$0x0], $0xffff  }
0xfa: {  	v28 =	vor.u32 $0x20D, v2;
	v23 =	vld.idx.msk [tilespmem:v23+s11+$0x0], $0xffff;
	v13 =	vadd.s32 v13, v15  }
0xfb: {  	v15 =	vld.idx.msk [tilespmem:v24+s11+$0x0], $0xffff;
	v24 =	vor.u32 $0x206, v2;
	v13 =	vadd.s32 v16, v13  }
0xfc: {  	v16 =	vld.idx.msk [tilespmem:v26+s11+$0x0], $0xffff;
	v26 =	vor.u32 $0x20E, v2;
	v13 =	vadd.s32 v17, v13  }
0xfd: {  	(v2sf) =	vpush v18, $0xF;
	v18 =	vor.u32 $0x207, v2;
	v13 =	vadd.s32 v19, v13;
	v17 =	vld.idx.msk [tilespmem:v25+s11+$0x0], $0xffff  }
0xfe: {  	(v2sf) =	vpush v20, $0xF;
	v20 =	vld.idx.msk [tilespmem:v27+s11+$0x0], $0xffff;
	v13 =	vadd.s32 v21, v13;
	v25 =	vor.u32 $0x20F, v2;
	v19, _, _ =	vpop (xrf0)  }
0xff: {  	vm1 =	vgt.s32 v22, $0xFF;
	v13 =	vadd.s32 v23, v13;
	(v2sf) =	vpush v19, $0xF;
	v19 =	vld.idx.msk [tilespmem:v28+s11+$0x0], $0xffff  }
0x100: {  	v21 =	vmctz.xlane vm1;
	v23 =	vld.idx.msk [tilespmem:v24+s11+$0x0], $0xffff;
	v13 =	vadd.s32 v15, v13  }
0x101: {  	v15 =	vld.idx.msk [tilespmem:v26+s11+$0x0], $0xffff;
	v16 =	vadd.s32 v16, v13  }
0x102: {  	v18 =	vld.idx.msk [tilespmem:v18+s11+$0x0], $0xffff;
	vm1 =	vlt.s32 v21, $0x0;
	v13 =	vadd.s32 $0x10, v21;
	v16 =	vadd.s32 v17, v16  }
0x103: {  	v17 =	vsel vm1, v13, v21;
	v21 =	vld.idx.msk [tilespmem:v25+s11+$0x0], $0xffff;
	v16 =	vadd.s32 v20, v16  }
0x104: {  	v20 =	vperm.xlane v22, v17;
	v16 =	vadd.s32 v19, v16  }
0x105: {  	v14 =	vperm.xlane v14, v17;
	v16 =	vadd.s32 v23, v16  }
0x106: {  	v17 =	vxor.u32 $0x80000000, v20;
	v15 =	vadd.s32 v15, v16  }
0x107: {  	v14 =	vxor.u32 $0x80000000, v14;
	(xrf0) =	vmax.scan.msk.u32 $0xffff, v17;
	v15 =	vadd.s32 v18, v15  }
0x108: {  	(xrf0) =	vmax.scan.msk.u32 $0xffff, v14;
	v15 =	vadd.s32 v21, v15  }
0x109: {  	v16 =	vor.u32 $0x308, v2;
	(xrf0) =	vadd.scan.msk.s32 $0xffff, v15  }
0x10a: {  	v14 =	vor.u32 $0x300, v2  }
0x10b: {  	v17 =	vor.u32 $0x301, v2  }
0x10c: {  	s26 =	spop (v2sf);
	v18 =	vor.u32 $0x309, v2  }
0x10d: {  	s28 =	spop (v2sf);
	v20 =	vor.u32 $0x302, v2;
	v19, _, _ =	vpop (xrf0)  }
0x10e: {  	v22 =	vor.u32 $0x30A, v2;
	v16 =	vld.idx.msk [tilespmem:v16+s11+$0x0], $0xffff;
	v21, _, _ =	vpop (xrf0);
	s7 =	spop (v2sf)  }
0x10f: {  	v24 =	vor.u32 $0x303, v2;
	v14 =	vld.idx.msk [tilespmem:v14+s11+$0x0], $0xffff;
	s1 =	sxor.u32 $0x80000000, s7;
	v23, _, _ =	vpop (xrf0)  }
0x110: {  	v25 =	vor.u32 $0x30B, v2;
	v17 =	vld.idx.msk [tilespmem:v17+s11+$0x0], $0xffff;
	v23 =	vadd.s32 s1, v23  }
0x111: {  	v27 =	vor.u32 $0x304, v2;
	v18 =	vld.idx.msk [tilespmem:v18+s11+$0x0], $0xffff;
	v26 =	vxor.u32 $0x80000000, v23  }
0x112: {  	v20 =	vld.idx.msk [tilespmem:v20+s11+$0x0], $0xffff;
	(xrf0) =	vmax.scan.msk.u32 $0xffff, v26;
	v26 =	vor.u32 $0x30C, v2  }
0x113: {  	v28 =	vor.u32 $0x305, v2;
	v22 =	vld.idx.msk [tilespmem:v22+s11+$0x0], $0xffff  }
0x114: {  	v29 =	vor.u32 $0x30D, v2;
	v24 =	vld.idx.msk [tilespmem:v24+s11+$0x0], $0xffff;
	v14 =	vadd.s32 v14, v16  }
0x115: {  	v16 =	vld.idx.msk [tilespmem:v25+s11+$0x0], $0xffff;
	v25 =	vor.u32 $0x306, v2;
	v14 =	vadd.s32 v17, v14  }
0x116: {  	(v2sf) =	vpush v19, $0xF;
	v19 =	vor.u32 $0x30E, v2;
	v17 =	vld.idx.msk [tilespmem:v27+s11+$0x0], $0xffff;
	v14 =	vadd.s32 v18, v14  }
0x117: {  	(v2sf) =	vpush v21, $0xF;
	v21 =	vor.u32 $0x307, v2;
	v14 =	vadd.s32 v20, v14;
	v18 =	vld.idx.msk [tilespmem:v26+s11+$0x0], $0xffff  }
0x118: {  	vm1 =	vgt.s32 v23, $0xFF;
	v27 =	vor.u32 $0x30F, v2;
	v22 =	vadd.s32 v22, v14;
	v26 =	vld.idx.msk [tilespmem:v28+s11+$0x0], $0xffff;
	v20, _, _ =	vpop (xrf0)  }
0x119: {  	v14 =	vmctz.xlane vm1;
	v22 =	vadd.s32 v24, v22;
	(v2sf) =	vpush v20, $0xF;
	v20 =	vld.idx.msk [tilespmem:v29+s11+$0x0], $0xffff  }
0x11a: {  	v24 =	vld.idx.msk [tilespmem:v25+s11+$0x0], $0xffff;
	v16 =	vadd.s32 v16, v22  }
0x11b: {  	v19 =	vld.idx.msk [tilespmem:v19+s11+$0x0], $0xffff;
	v22 =	vshrl.u32 v14, $0x1B;
	v16 =	vadd.s32 v17, v16  }
0x11c: {  	v21 =	vld.idx.msk [tilespmem:v21+s11+$0x0], $0xffff;
	v17 =	vand.u32 $0x10, v22;
	v16 =	vadd.s32 v18, v16  }
0x11d: {  	v17 =	vadd.s32 v14, v17;
	v18 =	vld.idx.msk [tilespmem:v27+s11+$0x0], $0xffff;
	v16 =	vadd.s32 v26, v16  }
0x11e: {  	v22 =	vperm.xlane v23, v17;
	v16 =	vadd.s32 v20, v16  }
0x11f: {  	v15 =	vperm.xlane v15, v17;
	v16 =	vadd.s32 v24, v16  }
0x120: {  	v17 =	vxor.u32 $0x80000000, v22;
	v16 =	vadd.s32 v19, v16  }
0x121: {  	v15 =	vxor.u32 $0x80000000, v15;
	(xrf0) =	vmax.scan.msk.u32 $0xffff, v17;
	v16 =	vadd.s32 v21, v16  }
0x122: {  	(xrf0) =	vmax.scan.msk.u32 $0xffff, v15;
	v16 =	vadd.s32 v18, v16  }
0x123: {  	v17 =	vor.u32 $0x408, v2;
	(xrf0) =	vadd.scan.msk.s32 $0xffff, v16  }
0x124: {  	v15 =	vor.u32 $0x400, v2  }
0x125: {  	v18 =	vor.u32 $0x401, v2  }
0x126: {  	s30 =	spop (v2sf);
	v19 =	vor.u32 $0x409, v2  }
0x127: {  	s31 =	spop (v2sf);
	v21 =	vor.u32 $0x402, v2;
	v20, _, _ =	vpop (xrf0)  }
0x128: {  	v23 =	vor.u32 $0x40A, v2;
	v17 =	vld.idx.msk [tilespmem:v17+s11+$0x0], $0xffff;
	v22, _, _ =	vpop (xrf0);
	s8 =	spop (v2sf)  }
0x129: {  	v25 =	vor.u32 $0x403, v2;
	v15 =	vld.idx.msk [tilespmem:v15+s11+$0x0], $0xffff;
	s7 =	sxor.u32 $0x80000000, s8;
	v24, _, _ =	vpop (xrf0)  }
0x12a: {  	v26 =	vor.u32 $0x40B, v2;
	v18 =	vld.idx.msk [tilespmem:v18+s11+$0x0], $0xffff;
	v24 =	vadd.s32 s7, v24  }
0x12b: {  	v28 =	vor.u32 $0x404, v2;
	v19 =	vld.idx.msk [tilespmem:v19+s11+$0x0], $0xffff;
	v27 =	vxor.u32 $0x80000000, v24  }
0x12c: {  	v21 =	vld.idx.msk [tilespmem:v21+s11+$0x0], $0xffff;
	(xrf0) =	vmax.scan.msk.u32 $0xffff, v27;
	v27 =	vor.u32 $0x40C, v2  }
0x12d: {  	v29 =	vor.u32 $0x405, v2;
	v23 =	vld.idx.msk [tilespmem:v23+s11+$0x0], $0xffff  }
0x12e: {  	v30 =	vor.u32 $0x40D, v2;
	v25 =	vld.idx.msk [tilespmem:v25+s11+$0x0], $0xffff;
	v15 =	vadd.s32 v15, v17  }
0x12f: {  	v17 =	vld.idx.msk [tilespmem:v26+s11+$0x0], $0xffff;
	v26 =	vor.u32 $0x406, v2;
	v15 =	vadd.s32 v18, v15  }
0x130: {  	(v2sf) =	vpush v20, $0xF;
	v20 =	vor.u32 $0x40E, v2;
	v18 =	vld.idx.msk [tilespmem:v28+s11+$0x0], $0xffff;
	v15 =	vadd.s32 v19, v15  }
0x131: {  	(v2sf) =	vpush v22, $0xF;
	v22 =	vor.u32 $0x407, v2;
	v15 =	vadd.s32 v21, v15;
	v19 =	vld.idx.msk [tilespmem:v27+s11+$0x0], $0xffff  }
0x132: {  	vm1 =	vgt.s32 v24, $0xFF;
	v28 =	vor.u32 $0x40F, v2;
	v23 =	vadd.s32 v23, v15;
	v27 =	vld.idx.msk [tilespmem:v29+s11+$0x0], $0xffff;
	v21, _, _ =	vpop (xrf0)  }
0x133: {  	v15 =	vmctz.xlane vm1;
	v23 =	vadd.s32 v25, v23;
	(v2sf) =	vpush v21, $0xF;
	v21 =	vld.idx.msk [tilespmem:v30+s11+$0x0], $0xffff  }
0x134: {  	v25 =	vld.idx.msk [tilespmem:v26+s11+$0x0], $0xffff;
	v17 =	vadd.s32 v17, v23  }
0x135: {  	v20 =	vld.idx.msk [tilespmem:v20+s11+$0x0], $0xffff;
	v23 =	vshrl.u32 v15, $0x1B;
	v17 =	vadd.s32 v18, v17  }
0x136: {  	v22 =	vld.idx.msk [tilespmem:v22+s11+$0x0], $0xffff;
	v18 =	vand.u32 $0x10, v23;
	v17 =	vadd.s32 v19, v17  }
0x137: {  	v18 =	vadd.s32 v15, v18;
	v19 =	vld.idx.msk [tilespmem:v28+s11+$0x0], $0xffff;
	v17 =	vadd.s32 v27, v17  }
0x138: {  	v23 =	vperm.xlane v24, v18;
	v17 =	vadd.s32 v21, v17  }
0x139: {  	v16 =	vperm.xlane v16, v18;
	v17 =	vadd.s32 v25, v17  }
0x13a: {  	v18 =	vxor.u32 $0x80000000, v23;
	v17 =	vadd.s32 v20, v17  }
0x13b: {  	v16 =	vxor.u32 $0x80000000, v16;
	(xrf0) =	vmax.scan.msk.u32 $0xffff, v18;
	v17 =	vadd.s32 v22, v17  }
0x13c: {  	(xrf0) =	vmax.scan.msk.u32 $0xffff, v16;
	v17 =	vadd.s32 v19, v17  }
0x13d: {  	v18 =	vor.u32 $0x508, v2;
	(xrf0) =	vadd.scan.msk.s32 $0xffff, v17  }
0x13e: {  	v16 =	vor.u32 $0x500, v2  }
0x13f: {  	v19 =	vor.u32 $0x501, v2  }
0x140: {  	s0 =	spop (v2sf);
	v20 =	vor.u32 $0x509, v2  }
0x141: {  	s6 =	spop (v2sf);
	v22 =	vor.u32 $0x502, v2;
	v21, _, _ =	vpop (xrf0)  }
0x142: {  	v24 =	vor.u32 $0x50A, v2;
	v18 =	vld.idx.msk [tilespmem:v18+s11+$0x0], $0xffff;
	v23, _, _ =	vpop (xrf0);
	s2 =	spop (v2sf)  }
0x143: {  	v26 =	vor.u32 $0x503, v2;
	v16 =	vld.idx.msk [tilespmem:v16+s11+$0x0], $0xffff;
	s3 =	sxor.u32 $0x80000000, s2;
	v25, _, _ =	vpop (xrf0)  }
0x144: {  	v27 =	vor.u32 $0x50B, v2;
	v19 =	vld.idx.msk [tilespmem:v19+s11+$0x0], $0xffff;
	v25 =	vadd.s32 s3, v25  }
0x145: {  	v29 =	vor.u32 $0x504, v2;
	v20 =	vld.idx.msk [tilespmem:v20+s11+$0x0], $0xffff;
	v28 =	vxor.u32 $0x80000000, v25  }
0x146: {  	v22 =	vld.idx.msk [tilespmem:v22+s11+$0x0], $0xffff;
	(xrf0) =	vmax.scan.msk.u32 $0xffff, v28;
	v28 =	vor.u32 $0x50C, v2  }
0x147: {  	v30 =	vor.u32 $0x505, v2;
	v24 =	vld.idx.msk [tilespmem:v24+s11+$0x0], $0xffff  }
0x148: {  	v31 =	vor.u32 $0x50D, v2;
	v26 =	vld.idx.msk [tilespmem:v26+s11+$0x0], $0xffff;
	v16 =	vadd.s32 v16, v18  }
0x149: {  	v18 =	vld.idx.msk [tilespmem:v27+s11+$0x0], $0xffff;
	v27 =	vor.u32 $0x506, v2;
	v16 =	vadd.s32 v19, v16  }
0x14a: {  	(v2sf) =	vpush v21, $0xF;
	v21 =	vor.u32 $0x50E, v2;
	v19 =	vld.idx.msk [tilespmem:v29+s11+$0x0], $0xffff;
	v16 =	vadd.s32 v20, v16  }
0x14b: {  	(v2sf) =	vpush v23, $0xF;
	v23 =	vor.u32 $0x507, v2;
	v16 =	vadd.s32 v22, v16;
	v20 =	vld.idx.msk [tilespmem:v28+s11+$0x0], $0xffff  }
0x14c: {  	vm1 =	vgt.s32 v25, $0xFF;
	v29 =	vor.u32 $0x50F, v2;
	v24 =	vadd.s32 v24, v16;
	v28 =	vld.idx.msk [tilespmem:v30+s11+$0x0], $0xffff;
	v22, _, _ =	vpop (xrf0)  }
0x14d: {  	v16 =	vmctz.xlane vm1;
	v24 =	vadd.s32 v26, v24;
	(v2sf) =	vpush v22, $0xF;
	v22 =	vld.idx.msk [tilespmem:v31+s11+$0x0], $0xffff  }
0x14e: {  	v26 =	vld.idx.msk [tilespmem:v27+s11+$0x0], $0xffff;
	v18 =	vadd.s32 v18, v24  }
0x14f: {  	v21 =	vld.idx.msk [tilespmem:v21+s11+$0x0], $0xffff;
	v24 =	vshrl.u32 v16, $0x1B;
	v18 =	vadd.s32 v19, v18  }
0x150: {  	v23 =	vld.idx.msk [tilespmem:v23+s11+$0x0], $0xffff;
	v19 =	vand.u32 $0x10, v24;
	v18 =	vadd.s32 v20, v18  }
0x151: {  	v19 =	vadd.s32 v16, v19;
	v20 =	vld.idx.msk [tilespmem:v29+s11+$0x0], $0xffff;
	v18 =	vadd.s32 v28, v18  }
0x152: {  	v24 =	vperm.xlane v25, v19;
	v18 =	vadd.s32 v22, v18  }
0x153: {  	v17 =	vperm.xlane v17, v19;
	v18 =	vadd.s32 v26, v18  }
0x154: {  	v19 =	vxor.u32 $0x80000000, v24;
	v18 =	vadd.s32 v21, v18  }
0x155: {  	v17 =	vxor.u32 $0x80000000, v17;
	(xrf0) =	vmax.scan.msk.u32 $0xffff, v19;
	v18 =	vadd.s32 v23, v18  }
0x156: {  	(xrf0) =	vmax.scan.msk.u32 $0xffff, v17;
	v18 =	vadd.s32 v20, v18  }
0x157: {  	v19 =	vor.u32 $0x608, v2;
	(xrf0) =	vadd.scan.msk.s32 $0xffff, v18  }
0x158: {  	v17 =	vor.u32 $0x600, v2  }
0x159: {  	v20 =	vor.u32 $0x601, v2  }
0x15a: {  	s15 =	spop (v2sf);
	v21 =	vor.u32 $0x609, v2  }
0x15b: {  	s19 =	spop (v2sf);
	v23 =	vor.u32 $0x602, v2;
	v22, _, _ =	vpop (xrf0)  }
0x15c: {  	v25 =	vor.u32 $0x60A, v2;
	v19 =	vld.idx.msk [tilespmem:v19+s11+$0x0], $0xffff;
	v24, _, _ =	vpop (xrf0);
	s9 =	spop (v2sf)  }
0x15d: {  	v27 =	vor.u32 $0x603, v2;
	v17 =	vld.idx.msk [tilespmem:v17+s11+$0x0], $0xffff;
	s9 =	sxor.u32 $0x80000000, s9;
	v26, _, _ =	vpop (xrf0)  }
0x15e: {  	v28 =	vor.u32 $0x60B, v2;
	v20 =	vld.idx.msk [tilespmem:v20+s11+$0x0], $0xffff;
	v26 =	vadd.s32 s9, v26  }
0x15f: {  	v30 =	vor.u32 $0x604, v2;
	v21 =	vld.idx.msk [tilespmem:v21+s11+$0x0], $0xffff;
	v29 =	vxor.u32 $0x80000000, v26  }
0x160: {  	v23 =	vld.idx.msk [tilespmem:v23+s11+$0x0], $0xffff;
	(xrf0) =	vmax.scan.msk.u32 $0xffff, v29;
	v29 =	vor.u32 $0x60C, v2  }
0x161: {  	v31 =	vor.u32 $0x605, v2;
	v25 =	vld.idx.msk [tilespmem:v25+s11+$0x0], $0xffff  }
0x162: {  	v48 =	vor.u32 $0x60D, v2;
	v27 =	vld.idx.msk [tilespmem:v27+s11+$0x0], $0xffff;
	v17 =	vadd.s32 v17, v19  }
0x163: {  	v19 =	vld.idx.msk [tilespmem:v28+s11+$0x0], $0xffff;
	v28 =	vor.u32 $0x606, v2;
	v17 =	vadd.s32 v20, v17  }
0x164: {  	(v2sf) =	vpush v22, $0xF;
	v22 =	vor.u32 $0x60E, v2;
	v20 =	vld.idx.msk [tilespmem:v30+s11+$0x0], $0xffff;
	v17 =	vadd.s32 v21, v17  }
0x165: {  	(v2sf) =	vpush v24, $0xF;
	v24 =	vor.u32 $0x607, v2;
	v17 =	vadd.s32 v23, v17;
	v21 =	vld.idx.msk [tilespmem:v29+s11+$0x0], $0xffff  }
0x166: {  	vm1 =	vgt.s32 v26, $0xFF;
	v30 =	vor.u32 $0x60F, v2;
	v25 =	vadd.s32 v25, v17;
	v29 =	vld.idx.msk [tilespmem:v31+s11+$0x0], $0xffff;
	v23, _, _ =	vpop (xrf0)  }
0x167: {  	v17 =	vmctz.xlane vm1;
	v25 =	vadd.s32 v27, v25;
	(v2sf) =	vpush v23, $0xF;
	v23 =	vld.idx.msk [tilespmem:v48+s11+$0x0], $0xffff  }
0x168: {  	v27 =	vld.idx.msk [tilespmem:v28+s11+$0x0], $0xffff;
	v19 =	vadd.s32 v19, v25  }
0x169: {  	v22 =	vld.idx.msk [tilespmem:v22+s11+$0x0], $0xffff;
	v25 =	vshrl.u32 v17, $0x1B;
	v19 =	vadd.s32 v20, v19  }
0x16a: {  	v24 =	vld.idx.msk [tilespmem:v24+s11+$0x0], $0xffff;
	v20 =	vand.u32 $0x10, v25;
	v19 =	vadd.s32 v21, v19  }
0x16b: {  	v20 =	vadd.s32 v17, v20;
	v21 =	vld.idx.msk [tilespmem:v30+s11+$0x0], $0xffff;
	v19 =	vadd.s32 v29, v19  }
0x16c: {  	v25 =	vperm.xlane v26, v20;
	v19 =	vadd.s32 v23, v19  }
0x16d: {  	v18 =	vperm.xlane v18, v20;
	v19 =	vadd.s32 v27, v19  }
0x16e: {  	v20 =	vxor.u32 $0x80000000, v25;
	v19 =	vadd.s32 v22, v19  }
0x16f: {  	v18 =	vxor.u32 $0x80000000, v18;
	(xrf0) =	vmax.scan.msk.u32 $0xffff, v20;
	v19 =	vadd.s32 v24, v19  }
0x170: {  	(xrf0) =	vmax.scan.msk.u32 $0xffff, v18;
	v18 =	vadd.s32 v21, v19  }
0x171: {  	v20 =	vor.u32 $0x708, v2;
	(xrf0) =	vadd.scan.msk.s32 $0xffff, v18  }
0x172: {  	v19 =	vor.u32 $0x700, v2  }
0x173: {  	v21 =	vor.u32 $0x701, v2  }
0x174: {  	s2 =	spop (v2sf);
	v22 =	vor.u32 $0x709, v2  }
0x175: {  	s8 =	spop (v2sf);
	v24 =	vor.u32 $0x702, v2;
	v23, _, _ =	vpop (xrf0)  }
0x176: {  	v26 =	vor.u32 $0x70A, v2;
	v20 =	vld.idx.msk [tilespmem:v20+s11+$0x0], $0xffff;
	v25, _, _ =	vpop (xrf0);
	s4 =	spop (v2sf)  }
0x177: {  	v28 =	vor.u32 $0x703, v2;
	v19 =	vld.idx.msk [tilespmem:v19+s11+$0x0], $0xffff;
	s10 =	sxor.u32 $0x80000000, s4;
	v27, _, _ =	vpop (xrf0)  }
0x178: {  	v29 =	vor.u32 $0x70B, v2;
	v21 =	vld.idx.msk [tilespmem:v21+s11+$0x0], $0xffff;
	v27 =	vadd.s32 s10, v27  }
0x179: {  	v31 =	vor.u32 $0x704, v2;
	v22 =	vld.idx.msk [tilespmem:v22+s11+$0x0], $0xffff;
	v30 =	vxor.u32 $0x80000000, v27  }
0x17a: {  	v24 =	vld.idx.msk [tilespmem:v24+s11+$0x0], $0xffff;
	(xrf0) =	vmax.scan.msk.u32 $0xffff, v30;
	v30 =	vor.u32 $0x70C, v2  }
0x17b: {  	v49 =	vor.u32 $0x705, v2;
	v26 =	vld.idx.msk [tilespmem:v26+s11+$0x0], $0xffff  }
0x17c: {  	v50 =	vor.u32 $0x70D, v2;
	v28 =	vld.idx.msk [tilespmem:v28+s11+$0x0], $0xffff;
	v19 =	vadd.s32 v19, v20  }
0x17d: {  	v20 =	vld.idx.msk [tilespmem:v29+s11+$0x0], $0xffff;
	v29 =	vor.u32 $0x706, v2;
	v19 =	vadd.s32 v21, v19  }
0x17e: {  	(v2sf) =	vpush v23, $0xF;
	v23 =	vor.u32 $0x70E, v2;
	v21 =	vld.idx.msk [tilespmem:v31+s11+$0x0], $0xffff;
	v19 =	vadd.s32 v22, v19  }
0x17f: {  	(v2sf) =	vpush v25, $0xF;
	v25 =	vor.u32 $0x707, v2;
	v19 =	vadd.s32 v24, v19;
	v22 =	vld.idx.msk [tilespmem:v30+s11+$0x0], $0xffff  }
0x180: {  	vm1 =	vgt.s32 v27, $0xFF;
	v31 =	vor.u32 $0x70F, v2;
	v19 =	vadd.s32 v26, v19;
	v30 =	vld.idx.msk [tilespmem:v49+s11+$0x0], $0xffff;
	v24, _, _ =	vpop (xrf0)  }
0x181: {  	v26 =	vld.idx.msk [tilespmem:v50+s11+$0x0], $0xffff;
	v19 =	vadd.s32 v28, v19;
	(v2sf) =	vpush v24, $0xF;
	v24 =	vmctz.xlane vm1  }
0x182: {  	v28 =	vld.idx.msk [tilespmem:v29+s11+$0x0], $0xffff;
	v19 =	vadd.s32 v20, v19  }
0x183: {  	v23 =	vld.idx.msk [tilespmem:v23+s11+$0x0], $0xffff;
	v19 =	vadd.s32 v21, v19;
	v20 =	vshrl.u32 v24, $0x1B  }
0x184: {  	v21 =	vld.idx.msk [tilespmem:v25+s11+$0x0], $0xffff;
	v20 =	vand.u32 $0x10, v20;
	v19 =	vadd.s32 v22, v19  }
0x185: {  	v22 =	vld.idx.msk [tilespmem:v31+s11+$0x0], $0xffff;
	v20 =	vadd.s32 v24, v20;
	v19 =	vadd.s32 v30, v19  }
0x186: {  	v25 =	vperm.xlane v27, v20;
	v19 =	vadd.s32 v26, v19  }
0x187: {  	v18 =	vperm.xlane v18, v20;
	v19 =	vadd.s32 v28, v19  }
0x188: {  	v20 =	vxor.u32 $0x80000000, v25;
	v19 =	vadd.s32 v23, v19  }
0x189: {  	v18 =	vxor.u32 $0x80000000, v18;
	(xrf0) =	vmax.scan.msk.u32 $0xffff, v20;
	v19 =	vadd.s32 v21, v19  }
0x18a: {  	(xrf0) =	vmax.scan.msk.u32 $0xffff, v18;
	v18 =	vadd.s32 v22, v19  }
0x18b: {  	(xrf0) =	vadd.scan.msk.s32 $0xffff, v18;
	_ =	sdelay $0x2  }
0x18c: {  	s20 =	spop (v2sf)  }
0x18d: {  	s4 =	spop (v2sf);
	v19, _, _ =	vpop (xrf0)  }
0x18e: {  	s24 =	spop (v2sf);
	v20, _, _ =	vpop (xrf0)  }
0x18f: {  	s24 =	sxor.u32 $0x80000000, s24;
	v21, _, _ =	vpop (xrf0)  }
0x190: {  	v21 =	vadd.s32 s24, v21  }
0x191: {  	v22 =	vxor.u32 $0x80000000, v21  }
0x192: {  	(xrf0) =	vmax.scan.msk.u32 $0xffff, v22;
	_ =	sdelay $0x4  }
0x193: {  	vm4 =	vmmov vm0;
	(v2sf) =	vpush v19, $0xF  }
0x194: {  	vm2 =	vmmov vm0;
	p0 =	sgt.s32 s29, $0xFF;
	p1 =	sgt.s32 s1, $0xFF;
	vm1 =	vmmov vm0;
	(v2sf) =	vpush v20, $0xF;
	v19, _, _ =	vpop (xrf0)  }
0x195: {  	vm2 =	vmneg @p1 vm2;
	vm1 =	vmneg @p0 vm1;
	(v2sf) =	vpush v19, $0xF  }
0x196: {  	vm6 =	vmmov vm0;
	vm5 =	vmmov vm0;
	vm1 =	vmor vm1, vm2  }
0x197: {  	vm3 =	vmmov vm0;
	v13 =	vpsel !p1, $0x0, v13;
	v19 =	vsel vm1, $0x1, v3  }
0x198: {  	v12 =	vpsel p0, v12, v13;
	p2 =	sgt.s32 s7, $0xFF;
	p3 =	sgt.s32 s3, $0xFF;
	vm1 =	vmmov vm0;
	v19 =	vbroadcast v19, $0x0  }
0x199: {  	v13 =	vadd.s32 $0x20, v14;
	vm3 =	vmneg @p3 vm3;
	vm1 =	vmneg @p2 vm1;
	p2 =	sgt.s32 s9, $0xFF  }
0x19a: {  	v14 =	vadd.s32 $0x40, v16;
	vm4 =	vmneg @p2 vm4;
	p2 =	sgt.s32 s10, $0xFF;
	v19 =	vand.u32 $0x1, v19  }
0x19b: {  	v16 =	vadd.s32 $0x60, v24;
	vm5 =	vmneg @p2 vm5;
	p2 =	sgt.s32 s24, $0xFF;
	vm2 =	veq.s32 v19, $0x1  }
0x19c: {  	vm6 =	vmneg @p2 vm6;
	vm7 =	vmneg vm2;
	vm8 =	vmor vm2, vm1  }
0x19d: {  	vm1 =	vmand vm1, vm7;
	vm2 =	vmneg vm8;
	vm7 =	vmmov vm0  }
0x19e: {  	vm8 =	vmor vm8, vm3;
	v12 =	vsel vm1, v13, v12;
	vm2 =	vmand vm3, vm2  }
0x19f: {  	v13 =	vadd.s32 $0x30, v15;
	vm3 =	vgt.s32 v21, $0xFF;
	vm9 =	vmneg vm8  }
0x1a0: {  	vm8 =	vmor vm8, vm4;
	v12 =	vsel vm2, v13, v12;
	v13 =	vmctz.xlane vm3  }
0x1a1: {  	v15 =	vadd.s32 $0x50, v17;
	vm3 =	vmand vm4, vm9;
	vm4 =	vmneg vm8  }
0x1a2: {  	s1 =	spop (v2sf);
	vm8 =	vmor vm8, vm5;
	v12 =	vsel vm3, v14, v12;
	v14 =	vshrl.u32 v13, $0x1B  }
0x1a3: {  	s3 =	spop (v2sf);
	vm4 =	vmand vm5, vm4;
	vm5 =	vmneg vm8;
	v14 =	vand.u32 $0x10, v14  }
0x1a4: {  	v12 =	vsel vm4, v15, v12;
	vm5 =	vmand vm6, vm5;
	v14 =	vadd.s32 v13, v14;
	s10 =	spop (v2sf)  }
0x1a5: {  	vm6 =	vmor vm8, vm6;
	v12 =	vsel vm5, v16, v12;
	v15 =	vperm.xlane v21, v14;
	p2 =	sgt.u32 s10, $0x800000FF  }
0x1a6: {  	vm6 =	vmneg vm6;
	v14 =	vperm.xlane v18, v14;
	vm7 =	vmneg @p2 vm7  }
0x1a7: {  	v13 =	vadd.s32 $0x70, v13;
	v15 =	vxor.u32 $0x80000000, v15;
	vm6 =	vmand vm7, vm6  }
0x1a8: {  	v14 =	vxor.u32 $0x80000000, v14;
	(xrf0) =	vmax.scan.msk.u32 $0xffff, v15;
	v12 =	vsel vm6, v13, v12  }
0x1a9: {  	(xrf0) =	vmax.scan.msk.u32 $0xffff, v14;
	v12 =	vxor.u32 $0x80000000, v12  }
0x1aa: {  	(xrf0) =	vmax.scan.msk.u32 $0xffff, v12;
	_ =	sdelay $0x3  }
0x1ab: {  	v12, _, _ =	vpop (xrf0)  }
0x1ac: {  	(v2sf) =	vpush v12, $0xF;
	v12, _, _ =	vpop (xrf0)  }
0x1ad: {  	(v2sf) =	vpush v12, $0xF;
	v12, _, _ =	vpop (xrf0)  }
0x1ae: {  	(v2sf) =	vpush v12, $0xF;
	_ =	sdelay $0xa  }
0x1af: {  	s29 =	sxor.u32 $0x80000000, s31;
	s31 =	sxor.u32 $0x80000000, s28;
	s24 =	sxor.u32 $0x80000000, s30  }
0x1b0: {  	s0 =	sxor.u32 $0x80000000, s0;
	s6 =	sxor.u32 $0x80000000, s6;
	s7 =	ssub.s32 s24, s29  }
0x1b1: {  	s15 =	sxor.u32 $0x80000000, s15;
	s30 =	sxor.u32 $0x80000000, s26;
	v12 =	vmov s7;
	s9 =	spop (v2sf)  }
0x1b2: {  	s19 =	sxor.u32 $0x80000000, s19;
	s10 =	ssub.s32 s30, s31;
	v12 =	vpsel !p1, $0x0, v12;
	s7 =	spop (v2sf)  }
0x1b3: {  	s0 =	ssub.s32 s0, s6;
	s15 =	ssub.s32 s15, s19;
	v12 =	vpsel p0, s10, v12;
	s19 =	spop (v2sf)  }
0x1b4: {  	s26 =	sxor.u32 $0x80000000, s8;
	s24 =	sxor.u32 $0x80000000, s2;
	v12 =	vsel vm1, s0, v12;
	s28 =	sshll.u32 s19, $0x4  }
0x1b5: {  	s4 =	sxor.u32 $0x80000000, s4;
	s29 =	sxor.u32 $0x80000000, s20;
	s0 =	ssub.s32 s24, s26;
	v12 =	vsel vm2, s15, v12;
	v13 =	vld [tilespmem:s28+$0x3800]  }
0x1b6: {  	s1 =	sxor.u32 $0x80000000, s1;
	s30 =	ssub.s32 s29, s4;
	s31 =	sxor.u32 $0x80000000, s3;
	v12 =	vsel vm3, s0, v12  }
0x1b7: {  	s2 =	ssub.s32 s1, s31;
	v12 =	vsel vm4, s30, v12;
	s3 =	sxor.u32 $0x80000000, s9;
	s4 =	sxor.u32 $0x80000000, s7  }
0x1b8: {  	v12 =	vsel vm5, s2, v12;
	s6 =	ssub.s32 s3, s4  }
0x1b9: {  	v12 =	vsel vm6, s6, v12  }
0x1ba: {  	v12 =	vxor.u32 $0x80000000, v12;
	(xrf0) =	vadd.scan.msk.s32 $0xffff, v13  }
0x1bb: {  	(xrf0) =	vmax.scan.msk.u32 $0xffff, v12;
	_ =	sdelay $0x4  }
0x1bc: {  	v12, _, _ =	vpop (xrf0)  }
0x1bd: {  	v13, _, _ =	vpop (xrf0)  }
0x1be: {  	(v2sf) =	vpush v13, $0xF;
	_ =	sdelay $0xb  }
0x1bf: {  	s7 =	simm.s32 $0x3040  }
0x1c0: {  	v14 =	vld [tilespmem:s7+$0xFFFFFFC0]  }
0x1c1: {  	v24 =	vld [tilespmem:s7+$0x30]  }
0x1c2: {  	v27 =	vld [tilespmem:s7+$0xFFFFFFF0];
	s9 =	spop (v2sf)  }
0x1c3: {  	v17 =	vld [tilespmem:s7+$0xFFFFFFD0];
	s1 =	sxor.u32 $0x80000000, s9  }
0x1c4: {  	v15 =	vld [tilespmem:s7+$0x20];
	v12 =	vadd.s32 s1, v12  }
0x1c5: {  	vm1 =	vgt.s32 v12, $0xFF  }
0x1c6: {  	v26 =	vld [tilespmem:s7+$0xFFFFFFE0];
	v12 =	vmctz.xlane vm1  }
0x1c7: {  	v16 =	vimm.s32 $0x0;
	v18 =	vshrl.u32 v24, $0x14;
	v19 =	vshrl.u32 v27, $0x14  }
0x1c8: {  	v22 =	vshrl.u32 v17, $0x14;
	v13 =	vshrl.u32 v14, $0x14;
	v12 =	vadd.s32 s28, v12  }
0x1c9: {  	v25 =	vld [tilespmem:s7+$0x10];
	vm3 =	vle.s32 v13, v12;
	v13 =	vshrl.u32 v15, $0x14;
	vm1 =	vle.s32 v19, v12  }
0x1ca: {  	vm4 =	vle.s32 v22, v12;
	vm5 =	vle.s32 v18, v12;
	v20 =	vsel vm3, $0x1, v3  }
0x1cb: {  	v28 =	vld [tilespmem:s7+$0x0];
	v18 =	vshrl.u32 v26, $0x14;
	v19 =	vmpcnt.ones.xlane vm3;
	vm2 =	vle.s32 v13, v12;
	(xrf0) =	vadd.scan.msk.s32 $0xffff, v20  }
0x1cc: {  	vm6 =	vle.s32 v18, v12;
	v13 =	vmpcnt.ones.xlane vm4;
	v20 =	vsel vm1, $0x1, v3  }
0x1cd: {  	v22 =	vsel vm4, $0x1, v3;
	(xrf0) =	vadd.scan.msk.s32 $0xffff, v20;
	v18 =	vadd.s32 v16, v19;
	v20 =	vmpcnt.ones.xlane vm6  }
0x1ce: {  	(xrf0) =	vadd.scan.msk.s32 $0xffff, v22;
	v22 =	vshrl.u32 v25, $0x14;
	v23 =	vadd.s32 v18, v13;
	v13 =	vmpcnt.ones.xlane vm1  }
0x1cf: {  	v19 =	vsel vm2, $0x1, v3;
	v20 =	vadd.s32 v23, v20;
	vm7 =	vle.s32 v22, v12  }
0x1d0: {  	(xrf0) =	vadd.scan.msk.s32 $0xffff, v19;
	v19 =	vshrl.u32 v28, $0x14;
	v30 =	vadd.s32 v20, v13;
	v13 =	vsel vm7, $0x1, v3  }
0x1d1: {  	vm11 =	vle.s32 v19, v12;
	v22, _, _ =	vpop (xrf0)  }
0x1d2: {  	(xrf0) =	vadd.scan.msk.s32 $0xffff, v13;
	v51 =	vmpcnt.ones.xlane vm11;
	v16 =	vadd.s32 v22, v16;
	v22 =	vsel vm11, $0x1, v3  }
0x1d3: {  	vm12 =	vmmov vm1;
	v19 =	vmpcnt.ones.xlane vm2;
	v13, _, _ =	vpop (xrf0);
	(xrf0) =	vadd.scan.msk.s32 $0xffff, v22;
	v22 =	vsel vm6, $0x1, v3  }
0x1d4: {  	v53 =	vmpcnt.ones.xlane vm7;
	v32 =	vadd.s32 v30, v51;
	v52, _, _ =	vpop (xrf0);
	v16 =	vadd.s32 $0xFFFFFFFF, v16  }
0x1d5: {  	v13 =	vadd.s32 v13, v20;
	v18 =	vadd.s32 v52, v18;
	v16 =	vnsel vm3, $0x0, v16  }
0x1d6: {  	v54 =	vadd.s32 v32, v53;
	(xrf0) =	vadd.scan.msk.s32 $0xffff, v22;
	v56 =	vadd.s32 $0xFFFFFFFF, v13;
	v18 =	vadd.s32 $0xFFFFFFFF, v18;
	v22, _, _ =	vpop (xrf0)  }
0x1d7: {  	s29 =	simm.s32 $0x20;
	v35 =	vnsel vm12, $0x0, v56;
	v55 =	vnsel vm4, $0x0, v18;
	v18 =	vadd.s32 v22, v54  }
0x1d8: {  	v61 =	vor.u32 s29, v0;
	s10 =	simm.s32 $0x0;
	s26 =	simm.s32 $0x30;
	s15 =	simm.s32 $0x30C0;
	v18 =	vadd.s32 $0xFFFFFFFF, v18  }
0x1d9: {  	v21 =	vor.u32 s10, v0;
	v59 =	vor.u32 s26, v0;
	s28 =	simm.s32 $0x10;
	v20 =	vld [tilespmem:s15+$0xFFFFFFC0];
	v57 =	vnsel vm2, $0x0, v18  }
0x1da: {  	v60 =	vor.u32 s28, v0;
	v29 =	vmpcnt.ones.xlane vm5;
	v33 =	vadd.s32 v54, v19;
	v13 =	vld [tilespmem:s15+$0x30];
	v19, _, _ =	vpop (xrf0);
	[tilespmem:v16+s12+$0x0] =	vst.idx.msk vm3, v14  }
0x1db: {  	v31 =	vsel vm5, $0x1, v3;
	vm10 =	vmmov vm5;
	v32 =	vadd.s32 v19, v32;
	v19 =	vld [tilespmem:s15+$0x20];
	[tilespmem:v16+s13+$0x0] =	vst.idx.msk vm3, v21;
	v18, _, _ =	vpop (xrf0)  }
0x1dc: {  	vm8 =	vmmov vm6;
	vm9 =	vmmov vm7;
	v29 =	vadd.s32 v33, v29;
	v14 =	vld [tilespmem:s15+$0xFFFFFFE0];
	[tilespmem:v35+s12+$0x0] =	vst.idx.msk vm12, v27;
	v58, _, _ =	vpop (xrf0)  }
0x1dd: {  	vm1 =	vmmov vm11;
	v16 =	vld [tilespmem:s15+$0x0];
	[tilespmem:v55+s12+$0x0] =	vst.idx.msk vm4, v17;
	v22 =	vadd.s32 v18, v30;
	v21 =	vadd.s32 v58, v23  }
0x1de: {  	s0 =	simm.s32 $0x3840;
	v62 =	vshrl.u32 v20, $0x14;
	v22 =	vadd.s32 $0xFFFFFFFF, v22;
	v21 =	vadd.s32 $0xFFFFFFFF, v21;
	[tilespmem:v57+s12+$0x0] =	vst.idx.msk vm2, v15;
	v15 =	vld [tilespmem:s15+$0xFFFFFFF0]  }
0x1df: {  	vm3 =	vle.s32 v62, v12;
	[tilespmem:s0+$0xFFFFFFC0] =	vst v3;
	v23 =	vnsel vm1, $0x0, v22;
	v63 =	vnsel vm8, $0x0, v21;
	v21 =	vld [tilespmem:s15+$0xFFFFFFD0]  }
0x1e0: {  	s31 =	simm.s32 $0x60;
	(xrf0) =	vadd.scan.msk.s32 $0xffff, v31;
	v44 =	vshrl.u32 v13, $0x14;
	v41 =	vmpcnt.ones.xlane vm3;
	[tilespmem:v35+s13+$0x0] =	vst.idx.msk vm12, v59  }
0x1e1: {  	v17 =	vor.u32 s31, v0;
	v45 =	vsel vm3, $0x1, v3;
	[tilespmem:v55+s13+$0x0] =	vst.idx.msk vm4, v60;
	v31 =	vshrl.u32 v19, $0x14  }
0x1e2: {  	v41 =	vadd.s32 v29, v41;
	v46 =	vshrl.u32 v14, $0x14;
	[tilespmem:v57+s13+$0x0] =	vst.idx.msk vm2, v17;
	v17 =	vld [tilespmem:s15+$0x10];
	vm2 =	vle.s32 v31, v12  }
0x1e3: {  	(xrf0) =	vadd.scan.msk.s32 $0xffff, v45;
	v49 =	vshrl.u32 v16, $0x14;
	vm7 =	vle.s32 v46, v12;
	v31 =	vshrl.u32 v15, $0x14  }
0x1e4: {  	v48 =	vsel vm2, $0x1, v3;
	[tilespmem:v23+s12+$0x0] =	vst.idx.msk vm1, v28;
	v28 =	vshrl.u32 v21, $0x14;
	vm6 =	vle.s32 v31, v12  }
0x1e5: {  	[tilespmem:s0+$0xFFFFFFF0] =	vst v3;
	vm11 =	vle.s32 v49, v12;
	vm4 =	vle.s32 v28, v12;
	v50 =	vsel vm6, $0x1, v3  }
0x1e6: {  	[tilespmem:v63+s12+$0x0] =	vst.idx.msk vm8, v26;
	v26, _, _ =	vpop (xrf0);
	v28 =	vmpcnt.ones.xlane vm4;
	v51 =	vsel vm4, $0x1, v3;
	(xrf0) =	vadd.scan.msk.s32 $0xffff, v50  }
0x1e7: {  	v31 =	vmpcnt.ones.xlane vm7;
	v52 =	vshrl.u32 v17, $0x14;
	v33 =	vadd.s32 v26, v33;
	(xrf0) =	vadd.scan.msk.s32 $0xffff, v51  }
0x1e8: {  	[tilespmem:v63+s13+$0x0] =	vst.idx.msk vm8, v61;
	v33 =	vadd.s32 $0xFFFFFFFF, v33;
	v26 =	vadd.s32 v41, v28;
	v28 =	vmpcnt.ones.xlane vm6  }
0x1e9: {  	vm8 =	vle.s32 v52, v12;
	v54 =	vnsel vm10, $0x0, v33;
	(xrf0) =	vadd.scan.msk.s32 $0xffff, v48;
	v53 =	vadd.s32 v26, v31  }
0x1ea: {  	[tilespmem:s0+$0xFFFFFFD0] =	vst v3;
	v55, _, _ =	vpop (xrf0);
	v56 =	vsel vm8, $0x1, v3;
	v31 =	vadd.s32 v53, v28;
	v28 =	vadd.s32 $0xFFFFFFFF, v32  }
0x1eb: {  	v27 =	vadd.s32 v55, v29;
	(xrf0) =	vadd.scan.msk.s32 $0xffff, v56;
	v58 =	vnsel vm9, $0x0, v28;
	v28 =	vsel vm11, $0x1, v3  }
0x1ec: {  	v59 =	vmpcnt.ones.xlane vm11;
	v27 =	vadd.s32 $0xFFFFFFFF, v27;
	v60, _, _ =	vpop (xrf0);
	(xrf0) =	vadd.scan.msk.s32 $0xffff, v28;
	v28 =	vsel vm7, $0x1, v3  }
0x1ed: {  	s20 =	simm.s32 $0x70;
	vm5 =	vle.s32 v44, v12;
	[tilespmem:s0+$0x20] =	vst v3;
	v33 =	vnsel vm3, $0x0, v27;
	v27 =	vmpcnt.ones.xlane vm8;
	v61, _, _ =	vpop (xrf0)  }
0x1ee: {  	v37 =	vor.u32 s20, v0;
	v62 =	vadd.s32 v31, v59;
	[tilespmem:v54+s12+$0x0] =	vst.idx.msk vm10, v24;
	v24 =	vadd.s32 v61, v41  }
0x1ef: {  	[tilespmem:s0+$0xFFFFFFE0] =	vst v3;
	v27 =	vadd.s32 v62, v27;
	(xrf0) =	vadd.scan.msk.s32 $0xffff, v28;
	v24 =	vadd.s32 $0xFFFFFFFF, v24;
	v28, _, _ =	vpop (xrf0)  }
0x1f0: {  	s24 =	simm.s32 $0x50;
	s19 =	simm.s32 $0x40;
	v57 =	vmpcnt.ones.xlane vm2;
	[tilespmem:v54+s13+$0x0] =	vst.idx.msk vm10, v37;
	v32 =	vnsel vm4, $0x0, v24;
	v24 =	vadd.s32 v28, v27  }
0x1f1: {  	s30 =	simm.s32 $0x80;
	v47 =	vmpcnt.ones.xlane vm5;
	v18 =	vor.u32 s19, v0;
	v30 =	vor.u32 s24, v0;
	[tilespmem:s0+$0x30] =	vst v3  }
0x1f2: {  	s2 =	simm.s32 $0x3140;
	v22 =	vor.u32 s30, v0;
	v29 =	vsel vm5, $0x1, v3;
	v27 =	vadd.s32 v27, v57;
	[tilespmem:v58+s12+$0x0] =	vst.idx.msk vm9, v25  }
0x1f3: {  	s3 =	simm.s32 $0x8;
	s7 =	simm.s32 $0xF0;
	s6 =	simm.s32 $0x38C0;
	v25 =	vadd.s32 v60, v53;
	v63 =	vadd.s32 $0xFFFFFFFF, v24;
	v28 =	vadd.s32 v27, v47;
	[tilespmem:v58+s13+$0x0] =	vst.idx.msk vm9, v30;
	v24, _, _ =	vpop (xrf0)  }
0x1f4: {  	s1 =	simm.s32 $0xC0;
	s19 =	simm.s32 $0x38C0;
	s15 =	simm.s32 $0xF0;
	v34 =	vadd.s32 $0xFFFFFFFF, v25;
	v35 =	vnsel vm2, $0x0, v63;
	[tilespmem:s0+$0x10] =	vst v3;
	v24 =	vadd.s32 v24, v62  }
.LBB2_7:
0x1f5: {  	vm10 =	vmmov vm5;
	vm13 =	vmmov vm7  }
0x1f6: {  	v36 =	vld [tilespmem:s2+$0xFFFFFFC0];
	s3 =	sadd.s32 $0x8, s3;
	s15 =	sadd.s32 $0x80, s15;
	s19 =	sadd.s32 $0x80, s19;
	v30, _, _ =	vpop (xrf0);
	[tilespmem:v23+s13+$0x0] =	vst.idx.msk vm1, v18;
	vm12 =	vmmov vm6;
	vm9 =	vmmov vm8;
	vm1 =	vmmov vm11  }
0x1f7: {  	v18 =	vor.u32 s1, v0;
	s4 =	sadd.s32 $0xFFFFFFE0, s7;
	v25 =	vld [tilespmem:s2+$0x30];
	p0 =	slt.u32 s3, $0x78;
	v38 =	vadd.s32 v30, v31;
	s1 =	sadd.s32 $0xFFFFFFD0, s15;
	[tilespmem:s0+$0x0] =	vst v3  }
0x1f8: {  	s8 =	sadd.s32 $0xFFFFFFC0, s7;
	v37 =	vor.u32 s7, v0;
	v30 =	vor.u32 s4, v0;
	s0 =	smov.u32 s6;
	s6 =	smov.u32 s19;
	v31 =	vld [tilespmem:s2+$0x20];
	[tilespmem:v33+s12+$0x0] =	vst.idx.msk vm3, v20;
	v20 =	vadd.s32 $0xFFFFFFFF, v38;
	v23, _, _ =	vpop (xrf0)  }
0x1f9: {  	s9 =	sadd.s32 $0xFFFFFFB0, s7;
	s4 =	sadd.s32 $0xFFFFFFA0, s7;
	v38 =	vld [tilespmem:s2+$0xFFFFFFE0];
	[tilespmem:v33+s13+$0x0] =	vst.idx.msk vm3, v22;
	v22 =	vadd.s32 v23, v26;
	v33 =	vor.u32 s8, v0;
	v23 =	vnsel vm1, $0x0, v20  }
0x1fa: {  	v40 =	vor.u32 s9, v0;
	v39 =	vor.u32 s4, v0;
	s8 =	sadd.s32 $0xFFFFFF90, s15;
	v26 =	vld [tilespmem:s2+$0x0];
	v43 =	vadd.s32 $0xFFFFFFFF, v22;
	[tilespmem:v35+s12+$0x0] =	vst.idx.msk vm2, v19  }
0x1fb: {  	s4 =	sadd.s32 $0xFFFFFFF0, s7;
	s7 =	smov.u32 s15;
	v22 =	vor.u32 s8, v0;
	v44 =	vshrl.u32 v36, $0x14;
	v41 =	vld [tilespmem:s2+$0xFFFFFFF0];
	[tilespmem:v32+s12+$0x0] =	vst.idx.msk vm4, v21;
	v42 =	vnsel vm13, $0x0, v43;
	v20 =	vmovc v36  }
0x1fc: {  	vm3 =	vle.s32 v44, v12;
	v21 =	vld [tilespmem:s2+$0xFFFFFFD0];
	[tilespmem:v32+s13+$0x0] =	vst.idx.msk vm4, v39;
	v32 =	vor.u32 s4, v0;
	(xrf0) =	vadd.scan.msk.s32 $0xffff, v29  }
0x1fd: {  	v34 =	vnsel vm12, $0x0, v34;
	v36 =	vshrl.u32 v25, $0x14;
	v29 =	vshrl.u32 v31, $0x14;
	[tilespmem:s0+$0xFFFFFFD0] =	vst v3;
	v19 =	vmovc v31  }
0x1fe: {  	v31 =	vsel vm3, $0x1, v3;
	v39 =	vmpcnt.ones.xlane vm3;
	vm5 =	vle.s32 v36, v12;
	[tilespmem:v35+s13+$0x0] =	vst.idx.msk vm2, v32  }
0x1ff: {  	v32 =	vshrl.u32 v38, $0x14;
	vm2 =	vle.s32 v29, v12;
	v35 =	vmpcnt.ones.xlane vm5;
	v36 =	vld [tilespmem:s2+$0x10];
	[tilespmem:s0+$0x20] =	vst v3  }
0x200: {  	v39 =	vadd.s32 v28, v39;
	v29 =	vsel vm2, $0x1, v3;
	(xrf0) =	vadd.scan.msk.s32 $0xffff, v31;
	[tilespmem:v23+s12+$0x0] =	vst.idx.msk vm1, v16;
	v16 =	vmovc v26  }
0x201: {  	v31 =	vshrl.u32 v41, $0x14;
	v44 =	vshrl.u32 v21, $0x14;
	v43 =	vshrl.u32 v16, $0x14;
	[tilespmem:v42+s12+$0x0] =	vst.idx.msk vm13, v14;
	v14 =	vmovc v38  }
0x202: {  	vm7 =	vle.s32 v32, v12;
	vm6 =	vle.s32 v31, v12;
	vm4 =	vle.s32 v44, v12;
	[tilespmem:s0+$0xFFFFFFC0] =	vst v3;
	v26, _, _ =	vpop (xrf0)  }
0x203: {  	v44 =	vmpcnt.ones.xlane vm7;
	v38 =	vsel vm6, $0x1, v3;
	v31 =	vmpcnt.ones.xlane vm4;
	[tilespmem:v42+s13+$0x0] =	vst.idx.msk vm13, v40  }
0x204: {  	v40 =	vsel vm4, $0x1, v3;
	v27 =	vadd.s32 v26, v27;
	v42 =	vshrl.u32 v36, $0x14;
	(xrf0) =	vadd.scan.msk.s32 $0xffff, v38  }
0x205: {  	v27 =	vadd.s32 $0xFFFFFFFF, v27;
	v26 =	vadd.s32 v39, v31;
	v31 =	vmpcnt.ones.xlane vm6;
	(xrf0) =	vadd.scan.msk.s32 $0xffff, v40  }
0x206: {  	vm8 =	vle.s32 v42, v12;
	v27 =	vnsel vm10, $0x0, v27;
	v38 =	vadd.s32 v26, v44;
	v32, _, _ =	vpop (xrf0);
	[tilespmem:s0+$0xFFFFFFE0] =	vst v3  }
0x207: {  	v24 =	vadd.s32 $0xFFFFFFFF, v24;
	vm11 =	vle.s32 v43, v12;
	v31 =	vadd.s32 v38, v31;
	(xrf0) =	vadd.scan.msk.s32 $0xffff, v29  }
0x208: {  	v24 =	vnsel vm9, $0x0, v24;
	v42 =	vmpcnt.ones.xlane vm2;
	v43 =	vsel vm8, $0x1, v3;
	[tilespmem:v34+s12+$0x0] =	vst.idx.msk vm12, v15;
	v15 =	vmovc v41  }
0x209: {  	v28 =	vadd.s32 v32, v28;
	v29 =	vsel vm5, $0x1, v3;
	(xrf0) =	vadd.scan.msk.s32 $0xffff, v43;
	[tilespmem:v34+s13+$0x0] =	vst.idx.msk vm12, v33  }
0x20a: {  	v32 =	vsel vm11, $0x1, v3;
	v28 =	vadd.s32 $0xFFFFFFFF, v28;
	v34 =	vmpcnt.ones.xlane vm11;
	v40, _, _ =	vpop (xrf0);
	[tilespmem:s0+$0xFFFFFFF0] =	vst v3  }
0x20b: {  	v33 =	vnsel vm3, $0x0, v28;
	v43 =	vmpcnt.ones.xlane vm8;
	v41, _, _ =	vpop (xrf0);
	(xrf0) =	vadd.scan.msk.s32 $0xffff, v32;
	[tilespmem:v27+s12+$0x0] =	vst.idx.msk vm10, v13  }
.Ltmp4:
0x20c: {  	v32 =	vsel vm7, $0x1, v3;
	v13 =	vadd.s32 v41, v39;
	v39 =	vadd.s32 v31, v34;
	[tilespmem:v27+s13+$0x0] =	vst.idx.msk vm10, v37;
	(pc) =	sbr.rel @p0 .LBB2_7-.Ltmp4, $4  }
0x20d: {  	v13 =	vadd.s32 $0xFFFFFFFF, v13;
	v27 =	vadd.s32 v39, v43;
	(xrf0) =	vadd.scan.msk.s32 $0xffff, v32;
	v28, _, _ =	vpop (xrf0);
	[tilespmem:s0+$0x30] =	vst v3  }
0x20e: {  	v32 =	vnsel vm4, $0x0, v13;
	v41 =	vadd.s32 v28, v27;
	v27 =	vadd.s32 v27, v42;
	[tilespmem:v24+s12+$0x0] =	vst.idx.msk vm9, v17  }
0x20f: {  	v38 =	vadd.s32 v40, v38;
	v37 =	vadd.s32 $0xFFFFFFFF, v41;
	v28 =	vadd.s32 v27, v35;
	v35, _, _ =	vpop (xrf0);
	[tilespmem:v24+s13+$0x0] =	vst.idx.msk vm9, v30  }
0x210: {  	s2 =	sadd.s32 $0x80, s2;
	v34 =	vadd.s32 $0xFFFFFFFF, v38;
	v17 =	vmovc v36;
	v24 =	vadd.s32 v35, v39;
	v35 =	vnsel vm2, $0x0, v37;
	[tilespmem:s0+$0x10] =	vst v3;
	v13 =	vmovc v25  }
0x211: {  	(xrf0) =	vadd.scan.msk.s32 $0xffff, v29;
	v12 =	vxor.u32 $0x80000000, v28  }
0x212: {  	(xrf0) =	vmax.scan.msk.u32 $0xffff, v12;
	_ =	sdelay $0x2  }
0x213: {  	v47, _, _ =	vpop (xrf0)  }
0x214: {  	v25, _, _ =	vpop (xrf0)  }
0x215: {  	v48, _, _ =	vpop (xrf0)  }
0x216: {  	v49, _, _ =	vpop (xrf0)  }
0x217: {  	[tilespmem:v23+s13+$0x0] =	vst.idx.msk vm1, v18;
	(v2sf) =	vpush v49, $0xF  }
0x218: {  	[tilespmem:v33+s12+$0x0] =	vst.idx.msk vm3, v20  }
0x219: {  	[tilespmem:v35+s12+$0x0] =	vst.idx.msk vm2, v19  }
0x21a: {  	[tilespmem:v32+s12+$0x0] =	vst.idx.msk vm4, v21  }
0x21b: {  	s19 =	sadd.s32 $0xFFFFFFA0, s7;
	[tilespmem:s0+$0x0] =	vst v3  }
0x21c: {  	s20 =	sadd.s32 $0xFFFFFFF0, s7;
	vm15 =	vmmov vm8;
	v57 =	vadd.s32 $0xFFFFFFFF, v24;
	[tilespmem:v33+s13+$0x0] =	vst.idx.msk vm3, v22;
	v51 =	vor.u32 s19, v0  }
0x21d: {  	v12 =	vadd.s32 v47, v31;
	v52 =	vor.u32 s20, v0;
	v58 =	vnsel vm15, $0x0, v57;
	[tilespmem:v32+s13+$0x0] =	vst.idx.msk vm4, v51  }
0x21e: {  	vm1 =	vmmov vm11;
	v12 =	vadd.s32 $0xFFFFFFFF, v12;
	[tilespmem:v35+s13+$0x0] =	vst.idx.msk vm2, v52;
	v50 =	vadd.s32 v25, v26  }
0x21f: {  	vm7 =	vmmov vm7;
	[tilespmem:s6+$0xFFFFFFC0] =	vst v3;
	v12 =	vnsel vm1, $0x0, v12;
	v18 =	vadd.s32 $0xFFFFFFFF, v50  }
0x220: {  	vm2 =	vmmov vm6;
	[tilespmem:s6+$0xFFFFFFD0] =	vst v3;
	v18 =	vnsel vm7, $0x0, v18  }
0x221: {  	s31 =	sadd.s32 $0xFFFFFFE0, s7;
	[tilespmem:s6+$0x20] =	vst v3;
	v53 =	vnsel vm2, $0x0, v34  }
0x222: {  	v62 =	vor.u32 s31, v0;
	[tilespmem:v58+s12+$0x0] =	vst.idx.msk vm8, v17  }
0x223: {  	[tilespmem:v58+s13+$0x0] =	vst.idx.msk vm8, v62  }
0x224: {  	v54 =	vadd.s32 v48, v27;
	[tilespmem:v12+s12+$0x0] =	vst.idx.msk vm11, v16  }
0x225: {  	vm3 =	vmmov vm5;
	[tilespmem:v18+s12+$0x0] =	vst.idx.msk vm7, v14;
	v14 =	vadd.s32 $0xFFFFFFFF, v54  }
0x226: {  	s26 =	sadd.s32 $0xFFFFFFC0, s7;
	[tilespmem:v53+s12+$0x0] =	vst.idx.msk vm6, v15;
	v14 =	vnsel vm3, $0x0, v14;
	s30 =	spop (v2sf)  }
0x227: {  	v56 =	vor.u32 s26, v0;
	[tilespmem:s6+$0x10] =	vst v3;
	s28 =	sadd.s32 $0x8000000F, s30  }
0x228: {  	v63 =	vor.u32 s1, v0;
	[tilespmem:v53+s13+$0x0] =	vst.idx.msk vm6, v56;
	s0 =	sxor.u32 $0x80000000, s30;
	s2 =	sand.u32 $0xFFFFFFF0, s28  }
0x229: {  	[tilespmem:v12+s13+$0x0] =	vst.idx.msk vm1, v63;
	s2 =	ssub.s32 s2, s0  }
0x22a: {  	[tilespmem:s6+$0xFFFFFFF0] =	vst v3;
	v61 =	vadd.s32 s0, v0;
	v60 =	vmov s2  }
0x22b: {  	v59 =	vor.u32 s7, v0;
	[tilespmem:v14+s12+$0x0] =	vst.idx.msk vm5, v13;
	vm3 =	vlt.s32 v61, $0x7FF;
	vm2 =	vgt.s32 v60, v0  }
0x22c: {  	s24 =	sadd.s32 $0xFFFFFFB0, s7;
	[tilespmem:v14+s13+$0x0] =	vst.idx.msk vm5, v59;
	v14 =	vnsel vm3, $0x7FF, v61  }
0x22d: {  	v55 =	vor.u32 s24, v0;
	[tilespmem:s6+$0x0] =	vst v3  }
0x22e: {  	[tilespmem:v18+s13+$0x0] =	vst.idx.msk vm7, v55  }
0x22f: {  	[tilespmem:s6+$0xFFFFFFE0] =	vst v3  }
0x230: {  	[tilespmem:s6+$0x30] =	vst v3  }
0x231: {  	[tilespmem:v14+s12+$0x0] =	vst.idx.msk vm2, v10  }
0x232: {  	[tilespmem:v14+s13+$0x0] =	vst.idx.msk vm2, v3  }
0x233: {  	[tilespmem:$0x6000] =	vst v3  }
0x234: {  	[tilespmem:$0x6010] =	vst v3  }
0x235: {  	[tilespmem:$0x6020] =	vst v3  }
0x236: {  	[tilespmem:$0x6030] =	vst v3  }
0x237: {  	[tilespmem:$0x6040] =	vst v3  }
0x238: {  	[tilespmem:$0x6050] =	vst v3  }
0x239: {  	[tilespmem:$0x6060] =	vst v3  }
0x23a: {  	[tilespmem:$0x6070] =	vst v3  }
0x23b: {  	s26 =	sshrl.u32 s28, $0x4;
	[tilespmem:$0x6080] =	vst v3  }
0x23c: {  	s29 =	sand.u32 $0xFFFFFF8, s26;
	[tilespmem:$0x6090] =	vst v3  }
0x23d: {  	p0 =	seq.s32 s29, $0x0;
	[tilespmem:$0x60A0] =	vst v3  }
.Ltmp5:
0x23e: {  	[tilespmem:$0x60B0] =	vst v3;
	(pc) =	sbr.rel @p0 .LBB2_11-.Ltmp5, $4  }
0x23f: {  	[tilespmem:$0x60C0] =	vst v3  }
0x240: {  	[tilespmem:$0x60D0] =	vst v3  }
0x241: {  	[tilespmem:$0x60E0] =	vst v3  }
0x242: {  	[tilespmem:$0x60F0] =	vst v3  }
0x243: {  	s0 =	simm.s32 $0x4040  }
0x244: {  	v12 =	vld [tilespmem:s0+$0xFFFFFFD0]  }
0x245: {  	v13 =	vld [tilespmem:s0+$0xFFFFFFE0]  }
0x246: {  	v15 =	vld [tilespmem:s0+$0x30]  }
0x247: {  	v16 =	vld [tilespmem:s0+$0x10]  }
0x248: {  	v18 =	vld [tilespmem:s0+$0xFFFFFFC0]  }
0x249: {  	p3 =	sgt.u32 s29, $0x8;
	v19 =	vld [tilespmem:s0+$0x0]  }
.Ltmp6:
0x24a: {  	v14 =	vand.u32 $0xFF, v13;
	(pc) =	sbr.rel @!p3 .LBB2_10-.Ltmp6, $4  }
0x24b: {  	v13 =	vand.u32 $0xFF, v15;
	v12 =	vand.u32 $0xFF, v12;
	(xrf1) =	vunique.msk.u32 $0xffff, v14  }
0x24c: {  	v17 =	vand.u32 $0xFF, v16;
	(xrf1) =	vunique.msk.u32 $0xffff, v13  }
0x24d: {  	s30 =	simm.s32 $0x6140;
	v33 =	vld [tilespmem:s0+$0xFFFFFFF0];
	(xrf1) =	vunique.msk.u32 $0xffff, v17  }
0x24e: {  	p1 =	por $0x0, $0x0;
	p2 =	por $0x0, $0x0;
	v25 =	vld [tilespmem:s0+$0x20];
	s0 =	simm.s32 $0x40C0;
	v44 =	vand.u32 $0xFF, v18;
	v43 =	vand.u32 $0xFF, v19;
	(xrf1) =	vunique.msk.u32 $0xffff, v12  }
0x24f: {  	_ =	sdelay $0x1  }
0x250: {  	(xrf1) =	vunique.msk.u32 $0xffff, v43  }
0x251: {  	(xrf1) =	vunique.msk.u32 $0xffff, v44;
	_ =	sdelay $0x2  }
0x252: {  	v15 =	vld [tilespmem:s0+$0xFFFFFFD0]  }
0x253: {  	v18 =	vld [tilespmem:s0+$0x30]  }
0x254: {  	v16 =	vld [tilespmem:s0+$0xFFFFFFE0]  }
0x255: {  	v19 =	vld [tilespmem:s0+$0x10]  }
0x256: {  	v20 =	vld [tilespmem:s0+$0xFFFFFFC0];
	_, v27, vm5 =	vpop (xrf1)  }
0x257: {  	v23 =	vld [tilespmem:s0+$0x0];
	v38 =	vand.u32 $0xFF, v33;
	_, v26, vm4 =	vpop (xrf1)  }
0x258: {  	p3 =	sgt.u32 s29, $0x10;
	(xrf1) =	vunique.msk.u32 $0xffff, v38;
	v45 =	vand.u32 $0xFF, v25;
	v21 =	vand.u32 $0xFF, v18;
	v18 =	vsel vm4, $0x100, v3  }
.Ltmp7:
0x259: {  	(xrf1) =	vunique.msk.u32 $0xffff, v45;
	v30 =	vand.u32 $0xFF, v16;
	(pc) =	sbr.rel @!p3 .LBB2_21-.Ltmp7, $4  }
0x25a: {  	(xrf1) =	vunique.msk.u32 $0xffff, v30;
	_, v37, vm1 =	vpop (xrf1)  }
0x25b: {  	v31 =	vand.u32 $0xFF, v15;
	v19 =	vand.u32 $0xFF, v19;
	v36 =	vand.u32 $0xFF, v20;
	(xrf1) =	vunique.msk.u32 $0xffff, v21;
	_, v22, vm3 =	vpop (xrf1)  }
0x25c: {  	v33 =	vld [tilespmem:s0+$0xFFFFFFF0];
	v34 =	vand.u32 $0xFF, v23;
	v16 =	vsel vm5, $0x100, v3;
	(xrf1) =	vunique.msk.u32 $0xffff, v19;
	v32 =	vadd.s32 v26, v18;
	_, v18, vm2 =	vpop (xrf1)  }
0x25d: {  	p1 =	por $0x1, $0x1;
	v25 =	vld [tilespmem:s0+$0x20];
	s0 =	simm.s32 $0x4140;
	v15 =	vadd.s32 v27, v16;
	(xrf1) =	vunique.msk.u32 $0xffff, v31;
	v39 =	vsel vm3, $0x100, v3;
	v24 =	vsel vm2, $0x100, v3;
	_, v42, vm7 =	vpop (xrf1)  }
0x25e: {  	_ =	sdelay $0x5  }
0x25f: {  	(xrf1) =	vunique.msk.u32 $0xffff, v34;
	v16 =	vld [tilespmem:s0+$0xFFFFFFD0]  }
0x260: {  	[tilespmem:v14+s16+$0x0] =	vst.idx.add.s32.msk vm5, v27;
	(xrf1) =	vunique.msk.u32 $0xffff, v36;
	v41 =	vand.u32 $0xFF, v33  }
0x261: {  	v14 =	vld [tilespmem:s0+$0xFFFFFFE0];
	_, v46, vm8 =	vpop (xrf1);
	(xrf1) =	vunique.msk.u32 $0xffff, v41  }
0x262: {  	v29 =	vld [tilespmem:s0+$0x10]  }
0x263: {  	[tilespmem:v13+s16+$0x0] =	vst.idx.add.s32.msk vm4, v26;
	v40 =	vand.u32 $0xFF, v25  }
0x264: {  	v27 =	vsel vm7, $0x100, v3;
	[tilespmem:v44+s16+$0x0] =	vst.idx.add.s32.msk vm7, v42;
	vm7 =	vmmov vm1;
	_, v20, vm9 =	vpop (xrf1);
	(xrf1) =	vunique.msk.u32 $0xffff, v40  }
0x265: {  	[tilespmem:v43+s16+$0x0] =	vst.idx.add.s32.msk vm2, v18;
	v26 =	vadd.s32 v42, v27;
	v27 =	vsel vm1, $0x100, v3;
	v13 =	vsel vm8, $0x100, v3  }
0x266: {  	[tilespmem:s30+$0x30] =	vst v32;
	v28 =	vadd.s32 v46, v13;
	v13 =	vld [tilespmem:s0+$0x30]  }
0x267: {  	v62 =	vld [tilespmem:s0+$0xFFFFFFC0];
	v18 =	vadd.s32 v18, v24;
	[tilespmem:s30+$0xFFFFFFE0] =	vst v15  }
0x268: {  	v23 =	vadd.s32 v22, v39;
	v63 =	vld [tilespmem:s0+$0x0];
	[tilespmem:s30+$0x0] =	vst v18;
	v14 =	vand.u32 $0xFF, v14  }
0x269: {  	vm6 =	vmmov vm3;
	p3 =	sgt.u32 s29, $0x18;
	[tilespmem:s30+$0xFFFFFFC0] =	vst v26;
	v35 =	vadd.s32 v37, v27;
	v33 =	vld [tilespmem:s0+$0xFFFFFFF0];
	_, v27, vm5 =	vpop (xrf1);
	(xrf1) =	vunique.msk.u32 $0xffff, v14  }
.Ltmp8:
0x26a: {  	v44 =	vand.u32 $0xFF, v16;
	v43 =	vand.u32 $0xFF, v29;
	[tilespmem:v17+s16+$0x0] =	vst.idx.add.s32.msk vm7, v37;
	v25 =	vsel vm9, $0x100, v3;
	_, v26, vm4 =	vpop (xrf1);
	(pc) =	sbr.rel @!p3 .LBB2_23-.Ltmp8, $4  }
0x26b: {  	v15 =	vsel vm5, $0x100, v3;
	v16 =	vsel vm4, $0x100, v3;
	[tilespmem:v45+s16+$0x0] =	vst.idx.add.s32.msk vm9, v20;
	v13 =	vand.u32 $0xFF, v13;
	_, v45, vm1 =	vpop (xrf1)  }
0x26c: {  	v25 =	vadd.s32 v20, v25;
	v15 =	vadd.s32 v27, v15;
	v32 =	vadd.s32 v26, v16;
	(xrf1) =	vunique.msk.u32 $0xffff, v13;
	_, v29, vm3 =	vpop (xrf1)  }
0x26d: {  	s3 =	simm.s32 $0x18;
	s4 =	simm.s32 $0x41C0;
	p2 =	por $0x1, $0x1;
	v16 =	vand.u32 $0xFF, v63;
	[tilespmem:v38+s16+$0x0] =	vst.idx.add.s32.msk vm8, v46;
	v20 =	vand.u32 $0xFF, v62;
	(xrf1) =	vunique.msk.u32 $0xffff, v43;
	_, v18, vm2 =	vpop (xrf1)  }
0x26e: {  	s1 =	simm.s32 $0x6140;
	s2 =	simm.s32 $0x61C0;
	[tilespmem:s30+$0x20] =	vst v25;
	v25 =	vld [tilespmem:s0+$0x20];
	s0 =	simm.s32 $0x61C0;
	v39 =	vsel vm3, $0x100, v3;
	(xrf1) =	vunique.msk.u32 $0xffff, v44;
	v24 =	vsel vm2, $0x100, v3;
	_, v42, vm7 =	vpop (xrf1)  }
.LBB2_24:
0x26f: {  	v17 =	vld [tilespmem:s4+$0xFFFFFFD0];
	s3 =	sadd.s32 $0x8, s3;
	(xrf1) =	vunique.msk.u32 $0xffff, v16;
	v37 =	vadd.s32 v29, v39;
	v39 =	vsel vm1, $0x100, v3;
	s0 =	sadd.s32 $0x80, s0;
	_, v46, vm8 =	vpop (xrf1);
	[tilespmem:s1+$0xFFFFFFF0] =	vst v28  }
0x270: {  	v47 =	vmovc v41;
	p3 =	slt.u32 s3, s29;
	(xrf1) =	vunique.msk.u32 $0xffff, v20;
	v28 =	vsel vm8, $0x100, v3;
	[tilespmem:v12+s16+$0x0] =	vst.idx.add.s32.msk vm6, v22;
	v41 =	vand.u32 $0xFF, v33  }
0x271: {  	v22 =	vadd.s32 v45, v39;
	(xrf1) =	vunique.msk.u32 $0xffff, v41;
	[tilespmem:v30+s16+$0x0] =	vst.idx.add.s32.msk vm5, v27;
	v28 =	vadd.s32 v46, v28  }
0x272: {  	v12 =	vmov v31;
	v30 =	vmov v14;
	v33 =	vld [tilespmem:s4+$0xFFFFFFE0];
	_, v38, vm9 =	vpop (xrf1);
	[tilespmem:s1+$0xFFFFFFD0] =	vst v23;
	v23 =	vmov v37  }
0x273: {  	v31 =	vmovc v44;
	v25 =	vand.u32 $0xFF, v25;
	v14 =	vsel vm7, $0x100, v3;
	v37 =	vld [tilespmem:s4+$0x10];
	v27 =	vsel vm9, $0x100, v3;
	[tilespmem:s1+$0x10] =	vst v35;
	v35 =	vmovc v22;
	s1 =	smov.u32 s2;
	s2 =	smov.u32 s0  }
0x274: {  	v14 =	vadd.s32 v42, v14;
	(xrf1) =	vunique.msk.u32 $0xffff, v25;
	v39 =	vadd.s32 v38, v27;
	[tilespmem:v21+s16+$0x0] =	vst.idx.add.s32.msk vm4, v26  }
0x275: {  	v48 =	vmovc v19;
	v19 =	vmovc v43;
	v22 =	vmov v29;
	v21 =	vmov v13;
	[tilespmem:v36+s16+$0x0] =	vst.idx.add.s32.msk vm7, v42;
	v42 =	vmov v45  }
0x276: {  	vm6 =	vmmov vm3;
	v36 =	vmov v20;
	vm7 =	vmmov vm1;
	v13 =	vld [tilespmem:s4+$0x30];
	[tilespmem:s1+$0xFFFFFFC0] =	vst v14  }
0x277: {  	v20 =	vld [tilespmem:s4+$0xFFFFFFC0];
	_, v27, vm5 =	vpop (xrf1);
	[tilespmem:s1+$0x30] =	vst v32  }
0x278: {  	v14 =	vand.u32 $0xFF, v33;
	v49 =	vld [tilespmem:s4+$0x0];
	v29 =	vsel vm5, $0x100, v3;
	[tilespmem:s1+$0xFFFFFFE0] =	vst v15  }
0x279: {  	v44 =	vand.u32 $0xFF, v17;
	(xrf1) =	vunique.msk.u32 $0xffff, v14;
	v15 =	vadd.s32 v27, v29;
	[tilespmem:v40+s16+$0x0] =	vst.idx.add.s32.msk vm9, v38;
	v40 =	vmovc v25  }
.Ltmp9:
0x27a: {  	_, v26, vm4 =	vpop (xrf1);
	[tilespmem:v34+s16+$0x0] =	vst.idx.add.s32.msk vm2, v18;
	v34 =	vmov v16;
	(pc) =	sbr.rel @p3 .LBB2_24-.Ltmp9, $4  }
0x27b: {  	v17 =	vadd.s32 v18, v24;
	v33 =	vld [tilespmem:s4+$0xFFFFFFF0];
	v13 =	vand.u32 $0xFF, v13;
	v16 =	vsel vm4, $0x100, v3;
	_, v45, vm1 =	vpop (xrf1);
	[tilespmem:s1+$0x20] =	vst v39  }
0x27c: {  	v43 =	vand.u32 $0xFF, v37;
	v25 =	vld [tilespmem:s4+$0x20];
	(xrf1) =	vunique.msk.u32 $0xffff, v13;
	v32 =	vadd.s32 v26, v16;
	_, v29, vm3 =	vpop (xrf1);
	[tilespmem:s1+$0x0] =	vst v17  }
0x27d: {  	v20 =	vand.u32 $0xFF, v20;
	(xrf1) =	vunique.msk.u32 $0xffff, v43;
	v39 =	vsel vm3, $0x100, v3;
	_, v18, vm2 =	vpop (xrf1);
	[tilespmem:v48+s16+$0x0] =	vst.idx.add.s32.msk vm7, v42  }
0x27e: {  	s4 =	sadd.s32 $0x80, s4;
	v16 =	vand.u32 $0xFF, v49;
	(xrf1) =	vunique.msk.u32 $0xffff, v44;
	v24 =	vsel vm2, $0x100, v3;
	_, v42, vm7 =	vpop (xrf1);
	[tilespmem:v47+s16+$0x0] =	vst.idx.add.s32.msk vm8, v46  }
0x27f: {  	v47 =	vmov v12;
	v38 =	vmov v41  }
0x280: {  	v46 =	vmovc v30;
	v37 =	vmovc v45;
	v41 =	vmov v31;
	v12 =	vmov v44;
	v49 =	vmov v21  }
0x281: {  	v44 =	vmovc v36;
	v48 =	vmovc v19;
	v17 =	vmov v43;
	v45 =	vmov v40;
	v43 =	vmov v34  }
.LBB2_26:
0x282: {  	_ =	sdelay $0x3  }
0x283: {  	[tilespmem:s1+$0xFFFFFFF0] =	vst @p2 v28  }
0x284: {  	[tilespmem:v47+s16+$0x0] =	vst.idx.add.s32.msk @p2 vm6, v22  }
0x285: {  	[tilespmem:v46+s16+$0x0] =	vst.idx.add.s32.msk @p1 vm5, v27  }
0x286: {  	[tilespmem:s1+$0x10] =	vst @p2 v35  }
0x287: {  	[tilespmem:v49+s16+$0x0] =	vst.idx.add.s32.msk @p1 vm4, v26  }
0x288: {  	_, v19, vm5 =	vpop @p1 (xrf1);
	[tilespmem:v44+s16+$0x0] =	vst.idx.add.s32.msk @p1 vm7, v42  }
0x289: {  	v40 =	vand.u32 $0xFF, v25;
	v25 =	vsel @p1 vm7, $0x100, v3;
	[tilespmem:v43+s16+$0x0] =	vst.idx.add.s32.msk @p1 vm2, v18;
	_, v22, vm6 =	vpop @p1 (xrf1)  }
0x28a: {  	[tilespmem:s1+$0xFFFFFFD0] =	vst @p2 v23;
	s1 =	smov.u32 @p1 s2;
	v25 =	vadd.s32 @p1 v42, v25  }
0x28b: {  	(xrf1) =	vunique.msk.u32 $0xffff, v16;
	[tilespmem:s1+$0xFFFFFFE0] =	vst @p1 v15;
	v15 =	vmov @p1 v38  }
0x28c: {  	vm8 =	vmmov @p1 vm1;
	(xrf1) =	vunique.msk.u32 $0xffff, v20;
	[tilespmem:s1+$0xFFFFFFC0] =	vst @p1 v25  }
0x28d: {  	v21 =	vand.u32 $0xFF, v33;
	v18 =	vadd.s32 @p1 v18, v24;
	[tilespmem:s1+$0x30] =	vst @p1 v32;
	v25 =	vmov @p1 v48  }
0x28e: {  	v27 =	vmov @p1 v41;
	(xrf1) =	vunique.msk.u32 $0xffff, v21;
	[tilespmem:s1+$0x0] =	vst @p1 v18;
	_, v46, vm4 =	vpop (xrf1)  }
0x28f: {  	v26 =	vsel @p1 vm6, $0x100, v3;
	(xrf1) =	vunique.msk.u32 $0xffff, v40;
	[tilespmem:v45+s16+$0x0] =	vst.idx.add.s32.msk @p1 vm6, v22  }
0x290: {  	vm3 =	vmmov @p1 vm3;
	v24 =	vsel @p1 vm5, $0x100, v3;
	v22 =	vadd.s32 @p1 v22, v26;
	[tilespmem:v15+s16+$0x0] =	vst.idx.add.s32.msk @p1 vm5, v19  }
0x291: {  	vm9 =	vmmov @p1 vm3;
	v18 =	vadd.s32 @p1 v19, v24;
	[tilespmem:s1+$0x20] =	vst @p1 v22;
	v22 =	vpsel p1, v27, v0;
	v27 =	vmovc @p1 v37  }
0x292: {  	v15 =	vpsel p1, v18, v0;
	v19 =	vsel @p1 vm1, $0x100, v3;
	s1 =	smov.u32 @p1 s1;
	[tilespmem:v25+s16+$0x0] =	vst.idx.add.s32.msk @p1 vm8, v27  }
0x293: {  	_, v47, vm15 =	vpop (xrf1);
	[tilespmem:s1+$0xFFFFFFF0] =	vst @p1 v15;
	v15 =	vadd.s32 @p1 v37, v19  }
0x294: {  	s0 =	sadd.s32 @p1 $0x80, s0;
	v55 =	vsel vm4, $0x100, v3;
	[tilespmem:v14+s16+$0x0] =	vst.idx.add.s32.msk vm4, v46;
	v14 =	vpsel p1, v15, v0  }
0x295: {  	s30 =	smov.u32 @p1 s0;
	v56 =	vadd.s32 v46, v55;
	_, v30, vm2 =	vpop (xrf1);
	v25 =	vmov @p1 v29;
	[tilespmem:s1+$0x10] =	vst @p1 v14  }
0x296: {  	v18 =	vadd.s32 @p1 v29, v39;
	_, v48, vm3 =	vpop (xrf1);
	v25 =	vpsel p1, v25, v0;
	[tilespmem:s30+$0xFFFFFFE0] =	vst v56  }
0x297: {  	v18 =	vpsel p1, v18, v0;
	[tilespmem:v22+s16+$0x0] =	vst.idx.add.s32.msk @p1 vm9, v25  }
0x298: {  	v54 =	vsel vm15, $0x100, v3;
	[tilespmem:s1+$0xFFFFFFD0] =	vst @p1 v18  }
0x299: {  	_, v49, vm12 =	vpop (xrf1);
	[tilespmem:v13+s16+$0x0] =	vst.idx.add.s32.msk vm15, v47;
	v13 =	vadd.s32 v47, v54  }
0x29a: {  	_, v50, vm1 =	vpop (xrf1);
	[tilespmem:s30+$0x30] =	vst v13  }
0x29b: {  	v62 =	vsel vm2, $0x100, v3;
	[tilespmem:v17+s16+$0x0] =	vst.idx.add.s32.msk vm2, v30  }
0x29c: {  	v60 =	vsel vm3, $0x100, v3;
	v63 =	vadd.s32 v30, v62;
	_, v51, vm13 =	vpop (xrf1);
	[tilespmem:v12+s16+$0x0] =	vst.idx.add.s32.msk vm3, v48  }
0x29d: {  	v61 =	vadd.s32 v48, v60;
	[tilespmem:s30+$0x10] =	vst v63;
	_, v52, vm14 =	vpop (xrf1)  }
0x29e: {  	[tilespmem:s30+$0xFFFFFFD0] =	vst v61  }
0x29f: {  	v53 =	vsel vm1, $0x100, v3;
	[tilespmem:v16+s16+$0x0] =	vst.idx.add.s32.msk vm12, v49  }
0x2a0: {  	v14 =	vadd.s32 v50, v53;
	[tilespmem:v20+s16+$0x0] =	vst.idx.add.s32.msk vm1, v50  }
0x2a1: {  	[tilespmem:s30+$0xFFFFFFC0] =	vst v14  }
0x2a2: {  	v58 =	vsel vm12, $0x100, v3;
	[tilespmem:v21+s16+$0x0] =	vst.idx.add.s32.msk vm13, v51  }
0x2a3: {  	v57 =	vsel vm14, $0x100, v3;
	v14 =	vadd.s32 v49, v58;
	[tilespmem:v40+s16+$0x0] =	vst.idx.add.s32.msk vm14, v52  }
0x2a4: {  	v59 =	vsel vm13, $0x100, v3;
	v13 =	vadd.s32 v52, v57;
	[tilespmem:s30+$0x0] =	vst v14  }
0x2a5: {  	[tilespmem:s30+$0x20] =	vst v13;
	v13 =	vadd.s32 v51, v59  }
0x2a6: {  	vm15 =	vmmov vm3;
	vm1 =	vmmov vm2;
	[tilespmem:s30+$0xFFFFFFF0] =	vst v13  }
.LBB2_11:
0x2a7: {  	p1 =	seq.s32 s29, s26  }
.Ltmp10:
0x2a8: {  	_ = 	snop;
	(pc) =	sbr.rel @p1 .LBB2_14-.Ltmp10, $1  }
0x2a9: {  	_ =	sdelay $0x3  }
0x2aa: {  	s0 =	sshll.u32 s28, $0x2  }
0x2ab: {  	s0 =	sshra.s32 s0, $0x2  }
0x2ac: {  	s1 =	sand.u32 $0xFFFFFF80, s0  }
0x2ad: {  	s2 =	smov.u32 s29;
	s0 =	sadd.s32 $0x4000, s1;
	s1 =	sadd.s32 $0x6100, s1  }
.LBB2_13:
0x2ae: {  	v12 =	vld [tilespmem:s0+$0x0];
	_ =	sdelay $0x4  }
0x2af: {  	v12 =	vand.u32 $0xFF, v12  }
0x2b0: {  	(xrf1) =	vunique.msk.u32 $0xffff, v12;
	_ =	sdelay $0xd  }
0x2b1: {  	_, v13, vm1 =	vpop (xrf1)  }
0x2b2: {  	s2 =	sadd.s32 $0x1, s2  }
0x2b3: {  	p2 =	slt.u32 s2, s26  }
.Ltmp11:
0x2b4: {  	_ = 	snop;
	(pc) =	sbr.rel @p2 .LBB2_13-.Ltmp11, $4  }
0x2b5: {  	_ = 	snop  }
0x2b6: {  	v14 =	vsel vm1, $0x100, v3  }
0x2b7: {  	v63 =	vadd.s32 v13, v14;
	[tilespmem:v12+s16+$0x0] =	vst.idx.add.s32.msk vm1, v13  }
0x2b8: {  	s0 =	sadd.s32 $0x10, s0;
	[tilespmem:s1+$0x0] =	vst v63;
	s1 =	sadd.s32 $0x10, s1  }
.LBB2_14:
0x2b9: {  	v12 =	vld [tilespmem:$0x6000]  }
0x2ba: {  	v13 =	vld [tilespmem:$0x6010]  }
0x2bb: {  	v14 =	vld [tilespmem:$0x6020]  }
0x2bc: {  	v15 =	vld [tilespmem:$0x6030]  }
0x2bd: {  	v16 =	vld [tilespmem:$0x6040]  }
0x2be: {  	v17 =	vld [tilespmem:$0x6050];
	(xrf0) =	vadd.scan.msk.s32 $0xffff, v12  }
0x2bf: {  	v18 =	vld [tilespmem:$0x6060];
	(xrf0) =	vadd.scan.msk.s32 $0xffff, v13  }
0x2c0: {  	v19 =	vld [tilespmem:$0x6070];
	(xrf0) =	vadd.scan.msk.s32 $0xffff, v14  }
0x2c1: {  	v20 =	vld [tilespmem:$0x6080];
	(xrf0) =	vadd.scan.msk.s32 $0xffff, v15  }
0x2c2: {  	v21 =	vld [tilespmem:$0x6090];
	(xrf0) =	vadd.scan.msk.s32 $0xffff, v16  }
0x2c3: {  	v22 =	vld [tilespmem:$0x60A0];
	(xrf0) =	vadd.scan.msk.s32 $0xffff, v17  }
0x2c4: {  	v24 =	vld [tilespmem:$0x60B0];
	v23, _, _ =	vpop (xrf0);
	(xrf0) =	vadd.scan.msk.s32 $0xffff, v18  }
0x2c5: {  	v26 =	vld [tilespmem:$0x60C0];
	(v2sf) =	vpush v23, $0xF;
	v25, _, _ =	vpop (xrf0);
	(xrf0) =	vadd.scan.msk.s32 $0xffff, v19  }
0x2c6: {  	v28 =	vld [tilespmem:$0x60D0];
	(v2sf) =	vpush v25, $0xF;
	v27, _, _ =	vpop (xrf0);
	(xrf0) =	vadd.scan.msk.s32 $0xffff, v20  }
0x2c7: {  	v30 =	vld [tilespmem:$0x60E0];
	(v2sf) =	vpush v27, $0xF;
	v29, _, _ =	vpop (xrf0);
	(xrf0) =	vadd.scan.msk.s32 $0xffff, v21  }
0x2c8: {  	(v2sf) =	vpush v29, $0xF;
	v31, _, _ =	vpop (xrf0);
	(xrf0) =	vadd.scan.msk.s32 $0xffff, v22  }
0x2c9: {  	(v2sf) =	vpush v31, $0xF;
	v32, _, _ =	vpop (xrf0);
	(xrf0) =	vadd.scan.msk.s32 $0xffff, v24  }
0x2ca: {  	(v2sf) =	vpush v32, $0xF;
	v33, _, _ =	vpop (xrf0);
	(xrf0) =	vadd.scan.msk.s32 $0xffff, v26  }
0x2cb: {  	(v2sf) =	vpush v33, $0xF;
	v34, _, _ =	vpop (xrf0);
	(xrf0) =	vadd.scan.msk.s32 $0xffff, v28  }
0x2cc: {  	(v2sf) =	vpush v34, $0xF;
	v35, _, _ =	vpop (xrf0);
	(xrf0) =	vadd.scan.msk.s32 $0xffff, v30  }
0x2cd: {  	v36, _, _ =	vpop (xrf0);
	(v2sf) =	vpush v35, $0xF  }
0x2ce: {  	v37, _, _ =	vpop (xrf0);
	(v2sf) =	vpush v36, $0xF  }
0x2cf: {  	v38, _, _ =	vpop (xrf0);
	(v2sf) =	vpush v37, $0xF  }
0x2d0: {  	v39, _, _ =	vpop (xrf0);
	(v2sf) =	vpush v38, $0xF  }
0x2d1: {  	v40, _, _ =	vpop (xrf0);
	(v2sf) =	vpush v39, $0xF  }
0x2d2: {  	(v2sf) =	vpush v40, $0xF;
	v41, _, _ =	vpop (xrf0)  }
0x2d3: {  	(v2sf) =	vpush v41, $0xF  }
0x2d4: {  	s0 =	spop (v2sf)  }
0x2d5: {  	v42 =	vbroadcast v23, $0xF;
	s1 =	spop (v2sf)  }
0x2d6: {  	v12 =	vsub.s32 v23, v12;
	v13 =	vsub.s32 v25, v13;
	s2 =	spop (v2sf);
	s0 =	sadd.s32 s0, s1  }
0x2d7: {  	[tilespmem:$0x6000] =	vst v12;
	v61 =	vadd.s32 v42, v13;
	v62 =	vsub.s32 v27, v14;
	s4 =	spop (v2sf);
	s2 =	sadd.s32 s2, s0  }
0x2d8: {  	[tilespmem:$0x6010] =	vst v61;
	v23 =	vsub.s32 v29, v15;
	v63 =	vadd.s32 s0, v62;
	s3 =	spop (v2sf);
	s1 =	sadd.s32 s4, s2  }
0x2d9: {  	v29 =	vld [tilespmem:$0x60F0];
	v27 =	vsub.s32 v31, v16;
	[tilespmem:$0x6020] =	vst v63;
	v25 =	vadd.s32 s2, v23;
	s6 =	spop (v2sf);
	s3 =	sadd.s32 s3, s1  }
0x2da: {  	v42 =	vsub.s32 v32, v17;
	[tilespmem:$0x6030] =	vst v25;
	v31 =	vadd.s32 s1, v27;
	s7 =	spop (v2sf);
	s0 =	sadd.s32 s6, s3  }
0x2db: {  	v44 =	vsub.s32 v33, v18;
	[tilespmem:$0x6040] =	vst v31;
	v43 =	vadd.s32 s3, v42;
	s8 =	spop (v2sf);
	s2 =	sadd.s32 s7, s0  }
0x2dc: {  	v46 =	vsub.s32 v34, v19;
	[tilespmem:$0x6050] =	vst v43;
	v45 =	vadd.s32 s0, v44;
	s9 =	spop (v2sf);
	s1 =	sadd.s32 s8, s2  }
0x2dd: {  	v48 =	vsub.s32 v35, v20;
	[tilespmem:$0x6060] =	vst v45;
	v47 =	vadd.s32 s2, v46;
	s10 =	spop (v2sf);
	s3 =	sadd.s32 s9, s1  }
0x2de: {  	v50 =	vsub.s32 v36, v21;
	(xrf0) =	vadd.scan.msk.s32 $0xffff, v29;
	[tilespmem:$0x6070] =	vst v47;
	v49 =	vadd.s32 s1, v48;
	s15 =	spop (v2sf);
	s0 =	sadd.s32 s10, s3  }
0x2df: {  	v52 =	vsub.s32 v37, v22;
	[tilespmem:$0x6080] =	vst v49;
	v51 =	vadd.s32 s3, v50;
	s19 =	spop (v2sf);
	s2 =	sadd.s32 s15, s0  }
0x2e0: {  	v54 =	vsub.s32 v38, v24;
	[tilespmem:$0x6090] =	vst v51;
	v53 =	vadd.s32 s0, v52;
	s20 =	spop (v2sf);
	s1 =	sadd.s32 s19, s2  }
0x2e1: {  	p2 =	seq.s32 s26, $0x0;
	v56 =	vsub.s32 v39, v26;
	[tilespmem:$0x60A0] =	vst v53;
	v55 =	vadd.s32 s2, v54;
	s24 =	spop (v2sf);
	s3 =	sadd.s32 s20, s1  }
.Ltmp12:
0x2e2: {  	v58 =	vsub.s32 v40, v28;
	[tilespmem:$0x60B0] =	vst v55;
	v57 =	vadd.s32 s1, v56;
	s30 =	spop (v2sf);
	s0 =	sadd.s32 s24, s3;
	(pc) =	sbr.rel @p2 .LBB2_17-.Ltmp12, $4  }
0x2e3: {  	v60 =	vsub.s32 v41, v30;
	[tilespmem:$0x60C0] =	vst v57;
	v59 =	vadd.s32 s3, v58;
	s31 =	sadd.s32 s30, s0  }
0x2e4: {  	v62, _, _ =	vpop (xrf0);
	[tilespmem:$0x60D0] =	vst v59;
	v61 =	vadd.s32 s0, v60;
	v14 =	vsub.s32 s31, v29  }
0x2e5: {  	[tilespmem:$0x60E0] =	vst v61;
	v63 =	vadd.s32 v62, v14  }
0x2e6: {  	[tilespmem:$0x60F0] =	vst v63  }
0x2e7: {  	s0 =	simm.s32 $0x4000  }
0x2e8: {  	s1 =	simm.s32 $0x4800;
	s2 =	simm.s32 $0x6100;
	s3 =	smov.u32 s26  }
.LBB2_16:
0x2e9: {  	v12 =	vld [tilespmem:s0+$0x0];
	_ =	sdelay $0x4  }
0x2ea: {  	v13 =	vand.u32 $0xFF, v12;
	_ =	sdelay $0x3  }
0x2eb: {  	v14 =	vld [tilespmem:s2+$0x0]  }
0x2ec: {  	v15 =	vld.idx.msk [tilespmem:v13+s16+$0x0], $0xffff;
	_ =	sdelay $0x3  }
0x2ed: {  	v16 =	vand.u32 $0xFF, v14  }
0x2ee: {  	v15 =	vadd.s32 v15, v16  }
0x2ef: {  	v15 =	vadd.s32 $0xFFFFFFFF, v15  }
0x2f0: {  	v63 =	vld [tilespmem:s1+$0x0];
	vm1 =	vgt.s32 v14, $0xFF  }
0x2f1: {  	p3 =	sne.s32 s3, $0x1  }
.Ltmp13:
0x2f2: {  	_ = 	snop;
	(pc) =	sbr.rel @p3 .LBB2_16-.Ltmp13, $4  }
0x2f3: {  	_ = 	snop  }
0x2f4: {  	[tilespmem:v15+s17+$0x0] =	vst.idx.msk $0xffff, v12  }
0x2f5: {  	s0 =	sadd.s32 $0x10, s0;
	[tilespmem:v15+s18+$0x0] =	vst.idx.msk $0xffff, v63  }
0x2f6: {  	s1 =	sadd.s32 $0x10, s1;
	s2 =	sadd.s32 $0x10, s2;
	s3 =	sadd.s32 $0xFFFFFFFF, s3;
	[tilespmem:v13+s16+$0x0] =	vst.idx.add.s32.msk vm1, v16  }
.LBB2_17:
0x2f7: {  	[tilespmem:$0x6000] =	vst v3  }
0x2f8: {  	[tilespmem:$0x6010] =	vst v3  }
0x2f9: {  	[tilespmem:$0x6020] =	vst v3  }
0x2fa: {  	[tilespmem:$0x6030] =	vst v3  }
0x2fb: {  	[tilespmem:$0x6040] =	vst v3  }
0x2fc: {  	[tilespmem:$0x6050] =	vst v3  }
0x2fd: {  	[tilespmem:$0x6060] =	vst v3  }
0x2fe: {  	[tilespmem:$0x6070] =	vst v3  }
0x2ff: {  	[tilespmem:$0x6080] =	vst v3  }
0x300: {  	[tilespmem:$0x6090] =	vst v3  }
0x301: {  	[tilespmem:$0x60A0] =	vst v3  }
.Ltmp14:
0x302: {  	[tilespmem:$0x60B0] =	vst v3;
	(pc) =	sbr.rel @p0 .LBB2_27-.Ltmp14, $4  }
0x303: {  	[tilespmem:$0x60C0] =	vst v3  }
0x304: {  	[tilespmem:$0x60D0] =	vst v3  }
0x305: {  	[tilespmem:$0x60E0] =	vst v3  }
0x306: {  	[tilespmem:$0x60F0] =	vst v3  }
0x307: {  	s0 =	simm.s32 $0x5040  }
0x308: {  	v12 =	vld [tilespmem:s0+$0xFFFFFFD0]  }
0x309: {  	v13 =	vld [tilespmem:s0+$0xFFFFFFC0]  }
0x30a: {  	v14 =	vld [tilespmem:s0+$0x10]  }
0x30b: {  	v16 =	vld [tilespmem:s0+$0xFFFFFFF0]  }
0x30c: {  	v17 =	vld [tilespmem:s0+$0x0]  }
0x30d: {  	p5 =	sgt.u32 s29, $0x8;
	v18 =	vld [tilespmem:s0+$0x30];
	v12 =	vshrl.u32 v12, $0x8  }
.Ltmp15:
0x30e: {  	v13 =	vshrl.u32 v13, $0x8;
	v12 =	vand.u32 $0xFF, v12;
	(pc) =	sbr.rel @!p5 .LBB2_19-.Ltmp15, $4  }
0x30f: {  	v15 =	vand.u32 $0xFF, v13;
	v13 =	vshrl.u32 v14, $0x8;
	(xrf1) =	vunique.msk.u32 $0xffff, v12  }
0x310: {  	v14 =	vand.u32 $0xFF, v13;
	v13 =	vshrl.u32 v16, $0x8;
	(xrf1) =	vunique.msk.u32 $0xffff, v15  }
0x311: {  	s30 =	simm.s32 $0x6140;
	v24 =	vld [tilespmem:s0+$0x20];
	v13 =	vand.u32 $0xFF, v13;
	(xrf1) =	vunique.msk.u32 $0xffff, v14  }
0x312: {  	p3 =	por $0x0, $0x0;
	p4 =	por $0x0, $0x0;
	v23 =	vld [tilespmem:s0+$0xFFFFFFE0];
	s0 =	simm.s32 $0x50C0;
	v20 =	vshrl.u32 v17, $0x8;
	v42 =	vshrl.u32 v18, $0x8;
	(xrf1) =	vunique.msk.u32 $0xffff, v13  }
0x313: {  	v39 =	vand.u32 $0xFF, v42  }
0x314: {  	(xrf1) =	vunique.msk.u32 $0xffff, v39;
	_ =	sdelay $0x2  }
0x315: {  	v18 =	vld [tilespmem:s0+$0x10]  }
0x316: {  	v16 =	vld [tilespmem:s0+$0xFFFFFFD0]  }
0x317: {  	v17 =	vld [tilespmem:s0+$0xFFFFFFC0]  }
0x318: {  	v21 =	vld [tilespmem:s0+$0xFFFFFFF0];
	v19 =	vshrl.u32 v24, $0x8  }
0x319: {  	v27 =	vld [tilespmem:s0+$0x30];
	v37 =	vand.u32 $0xFF, v19  }
0x31a: {  	v22 =	vld [tilespmem:s0+$0x0];
	v34 =	vand.u32 $0xFF, v20;
	v19 =	vshrl.u32 v23, $0x8;
	(xrf1) =	vunique.msk.u32 $0xffff, v37  }
0x31b: {  	p5 =	sgt.u32 s29, $0x10;
	v26 =	vand.u32 $0xFF, v19;
	v19 =	vshrl.u32 v16, $0x8;
	(xrf1) =	vunique.msk.u32 $0xffff, v34  }
.Ltmp16:
0x31c: {  	v20 =	vshrl.u32 v17, $0x8;
	v17 =	vand.u32 $0xFF, v19;
	(xrf1) =	vunique.msk.u32 $0xffff, v26;
	_, v16, vm1 =	vpop (xrf1);
	(pc) =	sbr.rel @!p5 .LBB2_37-.Ltmp16, $4  }
0x31d: {  	v18 =	vshrl.u32 v18, $0x8;
	v19 =	vand.u32 $0xFF, v20;
	v20 =	vshrl.u32 v21, $0x8;
	(xrf1) =	vunique.msk.u32 $0xffff, v17;
	_, v25, vm2 =	vpop (xrf1)  }
0x31e: {  	v42 =	vshrl.u32 v27, $0x8;
	v18 =	vand.u32 $0xFF, v18;
	v21 =	vand.u32 $0xFF, v20;
	(xrf1) =	vunique.msk.u32 $0xffff, v19;
	_, v31, vm4 =	vpop (xrf1)  }
0x31f: {  	v24 =	vld [tilespmem:s0+$0x20];
	v20 =	vshrl.u32 v22, $0x8;
	v23 =	vsel vm1, $0x100, v3;
	(xrf1) =	vunique.msk.u32 $0xffff, v18;
	_, v36, vm5 =	vpop (xrf1);
	v28 =	vsel vm4, $0x100, v3  }
0x320: {  	p3 =	por $0x1, $0x1;
	v35 =	vsel vm2, $0x100, v3;
	v30 =	vadd.s32 v16, v23;
	v23 =	vld [tilespmem:s0+$0xFFFFFFE0];
	s0 =	simm.s32 $0x5140;
	(xrf1) =	vunique.msk.u32 $0xffff, v21;
	v38 =	vadd.s32 v31, v28;
	_, v32, vm3 =	vpop (xrf1)  }
0x321: {  	_ =	sdelay $0x4  }
0x322: {  	[tilespmem:v15+s16+$0x0] =	vst.idx.add.s32.msk vm2, v25  }
0x323: {  	v15 =	vld [tilespmem:s0+$0xFFFFFFD0]  }
0x324: {  	[tilespmem:v14+s16+$0x0] =	vst.idx.add.s32.msk vm4, v31  }
0x325: {  	v22 =	vand.u32 $0xFF, v42;
	v60 =	vld [tilespmem:s0+$0xFFFFFFF0]  }
0x326: {  	[tilespmem:v12+s16+$0x0] =	vst.idx.add.s32.msk vm1, v16;
	(xrf1) =	vunique.msk.u32 $0xffff, v22;
	v24 =	vshrl.u32 v24, $0x8  }
0x327: {  	[tilespmem:v39+s16+$0x0] =	vst.idx.add.s32.msk vm3, v32;
	v33 =	vand.u32 $0xFF, v24  }
0x328: {  	v62 =	vld [tilespmem:s0+$0x30];
	_, v31, vm4 =	vpop (xrf1);
	(xrf1) =	vunique.msk.u32 $0xffff, v33  }
0x329: {  	v25 =	vadd.s32 v25, v35;
	[tilespmem:v13+s16+$0x0] =	vst.idx.add.s32.msk vm5, v36  }
0x32a: {  	v14 =	vsel vm5, $0x100, v3;
	[tilespmem:s30+$0xFFFFFFC0] =	vst v25;
	v24 =	vld [tilespmem:s0+$0xFFFFFFC0]  }
0x32b: {  	v40 =	vld [tilespmem:s0+$0x10];
	v29 =	vand.u32 $0xFF, v20;
	[tilespmem:s30+$0x10] =	vst v38;
	v61 =	vadd.s32 v36, v14;
	v14 =	vsel vm3, $0x100, v3  }
0x32c: {  	[tilespmem:s30+$0xFFFFFFD0] =	vst v30;
	v12 =	vadd.s32 v32, v14;
	v23 =	vshrl.u32 v23, $0x8;
	v25 =	vsel vm4, $0x100, v3  }
0x32d: {  	[tilespmem:s30+$0x30] =	vst v12;
	v41 =	vand.u32 $0xFF, v23;
	v23 =	vshrl.u32 v15, $0x8;
	_, v27, vm6 =	vpop (xrf1);
	(xrf1) =	vunique.msk.u32 $0xffff, v29  }
0x32e: {  	v30 =	vshrl.u32 v60, $0x8;
	v42 =	vshrl.u32 v62, $0x8;
	v12 =	vand.u32 $0xFF, v23;
	_, v45, vm7 =	vpop (xrf1);
	(xrf1) =	vunique.msk.u32 $0xffff, v41  }
0x32f: {  	v44 =	vld [tilespmem:s0+$0x0];
	p5 =	sgt.u32 s29, $0x18;
	[tilespmem:s30+$0xFFFFFFF0] =	vst v61;
	v13 =	vand.u32 $0xFF, v30;
	v43 =	vadd.s32 v31, v25;
	v14 =	vshrl.u32 v24, $0x8;
	_, v16, vm1 =	vpop (xrf1)  }
.Ltmp17:
0x330: {  	v28 =	vsel vm6, $0x100, v3;
	v24 =	vld [tilespmem:s0+$0x20];
	v15 =	vand.u32 $0xFF, v14;
	v14 =	vshrl.u32 v40, $0x8;
	(xrf1) =	vunique.msk.u32 $0xffff, v12;
	_, v25, vm2 =	vpop (xrf1);
	(pc) =	sbr.rel @!p5 .LBB2_39-.Ltmp17, $4  }
0x331: {  	v20 =	vsel vm7, $0x100, v3;
	v14 =	vand.u32 $0xFF, v14;
	(xrf1) =	vunique.msk.u32 $0xffff, v15;
	[tilespmem:v37+s16+$0x0] =	vst.idx.add.s32.msk vm4, v31  }
0x332: {  	v23 =	vld [tilespmem:s0+$0xFFFFFFE0];
	v40 =	vadd.s32 v45, v20;
	v20 =	vsel vm1, $0x100, v3;
	_, v31, vm4 =	vpop (xrf1);
	(xrf1) =	vunique.msk.u32 $0xffff, v14;
	[tilespmem:s30+$0x20] =	vst v43  }
0x333: {  	s3 =	simm.s32 $0x18;
	s4 =	simm.s32 $0x51C0;
	p4 =	por $0x1, $0x1;
	v30 =	vadd.s32 v16, v20;
	_, v36, vm5 =	vpop (xrf1);
	(xrf1) =	vunique.msk.u32 $0xffff, v13;
	v63 =	vsel vm4, $0x100, v3;
	[tilespmem:v34+s16+$0x0] =	vst.idx.add.s32.msk vm6, v27  }
0x334: {  	s1 =	simm.s32 $0x6140;
	s2 =	simm.s32 $0x61C0;
	s0 =	simm.s32 $0x61C0;
	v20 =	vshrl.u32 v44, $0x8;
	v35 =	vsel vm2, $0x100, v3;
	v38 =	vadd.s32 v31, v63;
	_, v32, vm3 =	vpop (xrf1);
	[tilespmem:v26+s16+$0x0] =	vst.idx.add.s32.msk vm7, v45  }
.LBB2_40:
0x335: {  	v26 =	vld [tilespmem:s4+$0x10];
	s3 =	sadd.s32 $0x8, s3;
	v34 =	vand.u32 $0xFF, v42;
	v35 =	vadd.s32 v25, v35;
	s0 =	sadd.s32 $0x80, s0;
	[tilespmem:s1+$0xFFFFFFE0] =	vst v40;
	v27 =	vadd.s32 v27, v28;
	v37 =	vmovc v41  }
0x336: {  	v24 =	vshrl.u32 v24, $0x8;
	p5 =	slt.u32 s3, s29;
	(xrf1) =	vunique.msk.u32 $0xffff, v34;
	[tilespmem:v19+s16+$0x0] =	vst.idx.add.s32.msk vm2, v25;
	v25 =	vsel vm5, $0x100, v3;
	_, v39, vm6 =	vpop (xrf1)  }
0x337: {  	v43 =	vmovc v21;
	v42 =	vand.u32 $0xFF, v24;
	v19 =	vmovc v15;
	v40 =	vld [tilespmem:s4+$0xFFFFFFD0];
	v23 =	vshrl.u32 v23, $0x8;
	[tilespmem:s2+$0xFFFFFFC0] =	vst v35;
	v24 =	vsel vm6, $0x100, v3  }
0x338: {  	v44 =	vadd.s32 v36, v25;
	(xrf1) =	vunique.msk.u32 $0xffff, v42;
	[tilespmem:v18+s16+$0x0] =	vst.idx.add.s32.msk vm4, v31;
	v45 =	vadd.s32 v39, v24  }
0x339: {  	v21 =	vmov v13;
	v24 =	vsel vm3, $0x100, v3;
	v18 =	vmov v14;
	v15 =	vld [tilespmem:s4+$0xFFFFFFC0];
	[tilespmem:s2+$0x10] =	vst v38  }
0x33a: {  	v14 =	vadd.s32 v32, v24;
	v13 =	vld [tilespmem:s4+$0xFFFFFFF0];
	[tilespmem:s1+$0x0] =	vst v27;
	s1 =	smov.u32 s2;
	s2 =	smov.u32 s0  }
0x33b: {  	[tilespmem:v17+s16+$0x0] =	vst.idx.add.s32.msk vm1, v16;
	_, v27, vm8 =	vpop (xrf1);
	v17 =	vmov v12  }
0x33c: {  	v20 =	vand.u32 $0xFF, v20;
	v38 =	vld [tilespmem:s4+$0x0];
	[tilespmem:s1+$0xFFFFFFD0] =	vst v30;
	v28 =	vsel vm8, $0x100, v3;
	_, v46, vm7 =	vpop (xrf1)  }
0x33d: {  	v41 =	vand.u32 $0xFF, v23;
	(xrf1) =	vunique.msk.u32 $0xffff, v20;
	v23 =	vsel vm7, $0x100, v3;
	[tilespmem:v22+s16+$0x0] =	vst.idx.add.s32.msk vm3, v32;
	v22 =	vmovc v34  }
0x33e: {  	v24 =	vshrl.u32 v40, $0x8;
	v12 =	vshrl.u32 v15, $0x8;
	v32 =	vld [tilespmem:s4+$0x30];
	_, v16, vm1 =	vpop (xrf1);
	(xrf1) =	vunique.msk.u32 $0xffff, v41;
	[tilespmem:s1+$0x30] =	vst v14  }
0x33f: {  	v14 =	vshrl.u32 v26, $0x8;
	v15 =	vand.u32 $0xFF, v12;
	v12 =	vand.u32 $0xFF, v24;
	_, v25, vm2 =	vpop (xrf1);
	[tilespmem:v33+s16+$0x0] =	vst.idx.add.s32.msk vm6, v39  }
.Ltmp18:
0x340: {  	v14 =	vand.u32 $0xFF, v14;
	v24 =	vld [tilespmem:s4+$0x20];
	(xrf1) =	vunique.msk.u32 $0xffff, v12;
	v35 =	vsel vm2, $0x100, v3;
	_, v31, vm4 =	vpop (xrf1);
	[tilespmem:s1+$0x20] =	vst v45;
	(pc) =	sbr.rel @p5 .LBB2_40-.Ltmp18, $4  }
0x341: {  	v40 =	vadd.s32 v46, v23;
	v13 =	vshrl.u32 v13, $0x8;
	(xrf1) =	vunique.msk.u32 $0xffff, v15;
	[tilespmem:v43+s16+$0x0] =	vst.idx.add.s32.msk vm5, v36;
	_, v36, vm5 =	vpop (xrf1)  }
0x342: {  	v26 =	vsel vm1, $0x100, v3;
	v33 =	vmovc v42;
	v13 =	vand.u32 $0xFF, v13;
	v23 =	vld [tilespmem:s4+$0xFFFFFFE0];
	(xrf1) =	vunique.msk.u32 $0xffff, v14;
	[tilespmem:s1+$0xFFFFFFF0] =	vst v44  }
0x343: {  	v30 =	vadd.s32 v16, v26;
	v26 =	vsel vm4, $0x100, v3;
	(xrf1) =	vunique.msk.u32 $0xffff, v13;
	[tilespmem:v29+s16+$0x0] =	vst.idx.add.s32.msk vm8, v27;
	v29 =	vmovc v20  }
0x344: {  	s4 =	sadd.s32 $0x80, s4;
	v20 =	vshrl.u32 v38, $0x8;
	v42 =	vshrl.u32 v32, $0x8;
	v38 =	vadd.s32 v31, v26;
	_, v32, vm3 =	vpop (xrf1);
	[tilespmem:v37+s16+$0x0] =	vst.idx.add.s32.msk vm7, v46  }
0x345: {  	v26 =	vmov v41;
	v43 =	vmov v19;
	v41 =	vmov v21  }
0x346: {  	v45 =	vmovc v18;
	v44 =	vmovc v17;
	v39 =	vmov v22;
	v37 =	vmov v33;
	v34 =	vmov v29  }
.LBB2_42:
0x347: {  	_ =	sdelay $0x3  }
0x348: {  	[tilespmem:s1+$0xFFFFFFE0] =	vst @p4 v40  }
0x349: {  	[tilespmem:v43+s16+$0x0] =	vst.idx.add.s32.msk @p3 vm2, v25  }
0x34a: {  	[tilespmem:v45+s16+$0x0] =	vst.idx.add.s32.msk @p3 vm4, v31  }
0x34b: {  	[tilespmem:v44+s16+$0x0] =	vst.idx.add.s32.msk @p3 vm1, v16  }
0x34c: {  	v17 =	vadd.s32 @p3 v25, v35;
	[tilespmem:v39+s16+$0x0] =	vst.idx.add.s32.msk @p3 vm3, v32  }
0x34d: {  	v43 =	vand.u32 $0xFF, v42;
	_, v21, vm4 =	vpop @p3 (xrf1);
	v16 =	vmov @p3 v41;
	[tilespmem:s2+$0xFFFFFFC0] =	vst @p3 v17  }
0x34e: {  	v18 =	vadd.s32 @p4 v27, v28;
	v19 =	vshrl.u32 v24, $0x8;
	(xrf1) =	vunique.msk.u32 $0xffff, v43;
	[tilespmem:s2+$0x10] =	vst @p3 v38  }
0x34f: {  	v19 =	vand.u32 $0xFF, v19;
	[tilespmem:s1+$0x0] =	vst @p4 v18;
	s1 =	smov.u32 @p3 s2;
	v18 =	vsel @p3 vm3, $0x100, v3  }
0x350: {  	(xrf1) =	vunique.msk.u32 $0xffff, v19;
	[tilespmem:s1+$0xFFFFFFD0] =	vst @p3 v30;
	v18 =	vadd.s32 @p3 v32, v18;
	_, v24, vm2 =	vpop @p3 (xrf1)  }
0x351: {  	v22 =	vmov @p3 v26;
	v20 =	vand.u32 $0xFF, v20;
	[tilespmem:s1+$0x30] =	vst @p3 v18;
	_, v26, vm3 =	vpop @p3 (xrf1)  }
0x352: {  	v23 =	vshrl.u32 v23, $0x8;
	v25 =	vsel @p3 vm4, $0x100, v3;
	(xrf1) =	vunique.msk.u32 $0xffff, v20;
	[tilespmem:v16+s16+$0x0] =	vst.idx.add.s32.msk @p3 vm5, v36  }
0x353: {  	v23 =	vand.u32 $0xFF, v23;
	v18 =	vadd.s32 @p3 v21, v25;
	[tilespmem:v37+s16+$0x0] =	vst.idx.add.s32.msk @p3 vm4, v21;
	v21 =	vsel @p3 vm5, $0x100, v3;
	_, v44, vm1 =	vpop (xrf1)  }
0x354: {  	(xrf1) =	vunique.msk.u32 $0xffff, v23;
	[tilespmem:s1+$0x20] =	vst @p3 v18;
	v18 =	vadd.s32 @p3 v36, v21;
	_, v45, vm13 =	vpop (xrf1)  }
0x355: {  	v16 =	vsel @p3 vm3, $0x100, v3;
	[tilespmem:s1+$0xFFFFFFF0] =	vst @p3 v18  }
0x356: {  	v16 =	vadd.s32 @p3 v26, v16;
	[tilespmem:v34+s16+$0x0] =	vst.idx.add.s32.msk @p3 vm2, v24  }
0x357: {  	v16 =	vpsel p3, v16, v0;
	s1 =	smov.u32 @p3 s1;
	_, v46, vm14 =	vpop (xrf1);
	[tilespmem:v22+s16+$0x0] =	vst.idx.add.s32.msk @p3 vm3, v26  }
0x358: {  	[tilespmem:s1+$0xFFFFFFE0] =	vst @p3 v16  }
0x359: {  	s0 =	sadd.s32 @p3 $0x80, s0;
	v52 =	vsel vm1, $0x100, v3;
	[tilespmem:v12+s16+$0x0] =	vst.idx.add.s32.msk vm1, v44  }
0x35a: {  	s30 =	smov.u32 @p3 s0;
	v47 =	vsel vm13, $0x100, v3;
	v53 =	vadd.s32 v44, v52;
	_, v48, vm3 =	vpop (xrf1);
	[tilespmem:v15+s16+$0x0] =	vst.idx.add.s32.msk vm13, v45  }
0x35b: {  	v49 =	vsel vm14, $0x100, v3;
	v18 =	vadd.s32 v45, v47;
	[tilespmem:s30+$0xFFFFFFD0] =	vst v53  }
0x35c: {  	v22 =	vadd.s32 v46, v49;
	v15 =	vsel @p3 vm2, $0x100, v3;
	_, v50, vm2 =	vpop (xrf1);
	[tilespmem:s30+$0xFFFFFFC0] =	vst v18  }
0x35d: {  	v15 =	vpsel p3, v15, v0;
	v18 =	vpsel p3, v24, v0;
	[tilespmem:v14+s16+$0x0] =	vst.idx.add.s32.msk vm14, v46  }
0x35e: {  	v14 =	vadd.s32 @p3 v18, v15;
	_, v51, vm15 =	vpop (xrf1);
	[tilespmem:s30+$0x10] =	vst v22  }
0x35f: {  	v59 =	vsel vm3, $0x100, v3;
	[tilespmem:s1+$0x0] =	vst @p3 v14  }
0x360: {  	v60 =	vadd.s32 v48, v59;
	[tilespmem:v13+s16+$0x0] =	vst.idx.add.s32.msk vm3, v48;
	_, v55, vm1 =	vpop (xrf1)  }
0x361: {  	v54 =	vsel vm2, $0x100, v3;
	[tilespmem:s30+$0xFFFFFFF0] =	vst v60  }
0x362: {  	v12 =	vadd.s32 v50, v54;
	[tilespmem:v43+s16+$0x0] =	vst.idx.add.s32.msk vm2, v50;
	_, v57, vm2 =	vpop (xrf1)  }
0x363: {  	v56 =	vsel vm15, $0x100, v3;
	[tilespmem:s30+$0x30] =	vst v12  }
0x364: {  	v58 =	vadd.s32 v51, v56;
	[tilespmem:v19+s16+$0x0] =	vst.idx.add.s32.msk vm15, v51  }
0x365: {  	v62 =	vsel vm1, $0x100, v3;
	[tilespmem:s30+$0x20] =	vst v58  }
0x366: {  	v63 =	vadd.s32 v55, v62;
	[tilespmem:v20+s16+$0x0] =	vst.idx.add.s32.msk vm1, v55  }
0x367: {  	v61 =	vsel vm2, $0x100, v3;
	[tilespmem:s30+$0x0] =	vst v63  }
0x368: {  	v12 =	vadd.s32 v57, v61;
	[tilespmem:v23+s16+$0x0] =	vst.idx.add.s32.msk vm2, v57  }
0x369: {  	[tilespmem:s30+$0xFFFFFFE0] =	vst v12  }
.LBB2_27:
.Ltmp19:
0x36a: {  	(pc) =	sbr.rel @p1 .LBB2_30-.Ltmp19, $1  }
0x36b: {  	_ =	sdelay $0x3  }
0x36c: {  	s0 =	sshll.u32 s28, $0x2  }
0x36d: {  	s0 =	sshra.s32 s0, $0x2  }
0x36e: {  	s1 =	sand.u32 $0xFFFFFF80, s0  }
0x36f: {  	s2 =	smov.u32 s29;
	s0 =	sadd.s32 $0x5000, s1;
	s1 =	sadd.s32 $0x6100, s1  }
.LBB2_29:
0x370: {  	v12 =	vld [tilespmem:s0+$0x0];
	_ =	sdelay $0x4  }
0x371: {  	v12 =	vshrl.u32 v12, $0x8  }
0x372: {  	v12 =	vand.u32 $0xFF, v12  }
0x373: {  	(xrf1) =	vunique.msk.u32 $0xffff, v12;
	_ =	sdelay $0xd  }
0x374: {  	_, v13, vm1 =	vpop (xrf1)  }
0x375: {  	s2 =	sadd.s32 $0x1, s2  }
0x376: {  	p3 =	slt.u32 s2, s26  }
.Ltmp20:
0x377: {  	_ = 	snop;
	(pc) =	sbr.rel @p3 .LBB2_29-.Ltmp20, $4  }
0x378: {  	_ = 	snop  }
0x379: {  	v14 =	vsel vm1, $0x100, v3  }
0x37a: {  	v63 =	vadd.s32 v13, v14;
	[tilespmem:v12+s16+$0x0] =	vst.idx.add.s32.msk vm1, v13  }
0x37b: {  	s0 =	sadd.s32 $0x10, s0;
	[tilespmem:s1+$0x0] =	vst v63;
	s1 =	sadd.s32 $0x10, s1  }
.LBB2_30:
0x37c: {  	v12 =	vld [tilespmem:$0x6000]  }
0x37d: {  	v13 =	vld [tilespmem:$0x6010]  }
0x37e: {  	v14 =	vld [tilespmem:$0x6020]  }
0x37f: {  	v15 =	vld [tilespmem:$0x6030]  }
0x380: {  	v16 =	vld [tilespmem:$0x6040]  }
0x381: {  	v17 =	vld [tilespmem:$0x6050];
	(xrf0) =	vadd.scan.msk.s32 $0xffff, v12  }
0x382: {  	v18 =	vld [tilespmem:$0x6060];
	(xrf0) =	vadd.scan.msk.s32 $0xffff, v13  }
0x383: {  	v19 =	vld [tilespmem:$0x6070];
	(xrf0) =	vadd.scan.msk.s32 $0xffff, v14  }
0x384: {  	v20 =	vld [tilespmem:$0x6080];
	(xrf0) =	vadd.scan.msk.s32 $0xffff, v15  }
0x385: {  	v21 =	vld [tilespmem:$0x6090];
	(xrf0) =	vadd.scan.msk.s32 $0xffff, v16  }
0x386: {  	v22 =	vld [tilespmem:$0x60A0];
	(xrf0) =	vadd.scan.msk.s32 $0xffff, v17  }
0x387: {  	v24 =	vld [tilespmem:$0x60B0];
	v23, _, _ =	vpop (xrf0);
	(xrf0) =	vadd.scan.msk.s32 $0xffff, v18  }
0x388: {  	v26 =	vld [tilespmem:$0x60C0];
	(v2sf) =	vpush v23, $0xF;
	v25, _, _ =	vpop (xrf0);
	(xrf0) =	vadd.scan.msk.s32 $0xffff, v19  }
0x389: {  	v28 =	vld [tilespmem:$0x60D0];
	(v2sf) =	vpush v25, $0xF;
	v27, _, _ =	vpop (xrf0);
	(xrf0) =	vadd.scan.msk.s32 $0xffff, v20  }
0x38a: {  	v30 =	vld [tilespmem:$0x60E0];
	(v2sf) =	vpush v27, $0xF;
	v29, _, _ =	vpop (xrf0);
	(xrf0) =	vadd.scan.msk.s32 $0xffff, v21  }
0x38b: {  	(v2sf) =	vpush v29, $0xF;
	v31, _, _ =	vpop (xrf0);
	(xrf0) =	vadd.scan.msk.s32 $0xffff, v22  }
0x38c: {  	(v2sf) =	vpush v31, $0xF;
	v32, _, _ =	vpop (xrf0);
	(xrf0) =	vadd.scan.msk.s32 $0xffff, v24  }
0x38d: {  	(v2sf) =	vpush v32, $0xF;
	v33, _, _ =	vpop (xrf0);
	(xrf0) =	vadd.scan.msk.s32 $0xffff, v26  }
0x38e: {  	(v2sf) =	vpush v33, $0xF;
	v34, _, _ =	vpop (xrf0);
	(xrf0) =	vadd.scan.msk.s32 $0xffff, v28  }
0x38f: {  	(v2sf) =	vpush v34, $0xF;
	v35, _, _ =	vpop (xrf0);
	(xrf0) =	vadd.scan.msk.s32 $0xffff, v30  }
0x390: {  	v36, _, _ =	vpop (xrf0);
	(v2sf) =	vpush v35, $0xF  }
0x391: {  	v37, _, _ =	vpop (xrf0);
	(v2sf) =	vpush v36, $0xF  }
0x392: {  	v38, _, _ =	vpop (xrf0);
	(v2sf) =	vpush v37, $0xF  }
0x393: {  	v39, _, _ =	vpop (xrf0);
	(v2sf) =	vpush v38, $0xF  }
0x394: {  	v40, _, _ =	vpop (xrf0);
	(v2sf) =	vpush v39, $0xF  }
0x395: {  	(v2sf) =	vpush v40, $0xF;
	v41, _, _ =	vpop (xrf0)  }
0x396: {  	(v2sf) =	vpush v41, $0xF  }
0x397: {  	s0 =	spop (v2sf)  }
0x398: {  	v42 =	vbroadcast v23, $0xF;
	s1 =	spop (v2sf)  }
0x399: {  	v12 =	vsub.s32 v23, v12;
	v13 =	vsub.s32 v25, v13;
	s2 =	spop (v2sf);
	s0 =	sadd.s32 s0, s1  }
0x39a: {  	[tilespmem:$0x6000] =	vst v12;
	v61 =	vadd.s32 v42, v13;
	v62 =	vsub.s32 v27, v14;
	s4 =	spop (v2sf);
	s2 =	sadd.s32 s2, s0  }
0x39b: {  	[tilespmem:$0x6010] =	vst v61;
	v23 =	vsub.s32 v29, v15;
	v63 =	vadd.s32 s0, v62;
	s3 =	spop (v2sf);
	s1 =	sadd.s32 s4, s2  }
0x39c: {  	v29 =	vld [tilespmem:$0x60F0];
	v27 =	vsub.s32 v31, v16;
	[tilespmem:$0x6020] =	vst v63;
	v25 =	vadd.s32 s2, v23;
	s6 =	spop (v2sf);
	s3 =	sadd.s32 s3, s1  }
0x39d: {  	v42 =	vsub.s32 v32, v17;
	[tilespmem:$0x6030] =	vst v25;
	v31 =	vadd.s32 s1, v27;
	s7 =	spop (v2sf);
	s0 =	sadd.s32 s6, s3  }
0x39e: {  	v44 =	vsub.s32 v33, v18;
	[tilespmem:$0x6040] =	vst v31;
	v43 =	vadd.s32 s3, v42;
	s8 =	spop (v2sf);
	s2 =	sadd.s32 s7, s0  }
0x39f: {  	v46 =	vsub.s32 v34, v19;
	[tilespmem:$0x6050] =	vst v43;
	v45 =	vadd.s32 s0, v44;
	s9 =	spop (v2sf);
	s1 =	sadd.s32 s8, s2  }
0x3a0: {  	v48 =	vsub.s32 v35, v20;
	[tilespmem:$0x6060] =	vst v45;
	v47 =	vadd.s32 s2, v46;
	s10 =	spop (v2sf);
	s3 =	sadd.s32 s9, s1  }
0x3a1: {  	v50 =	vsub.s32 v36, v21;
	(xrf0) =	vadd.scan.msk.s32 $0xffff, v29;
	[tilespmem:$0x6070] =	vst v47;
	v49 =	vadd.s32 s1, v48;
	s15 =	spop (v2sf);
	s0 =	sadd.s32 s10, s3  }
0x3a2: {  	v52 =	vsub.s32 v37, v22;
	[tilespmem:$0x6080] =	vst v49;
	v51 =	vadd.s32 s3, v50;
	s19 =	spop (v2sf);
	s2 =	sadd.s32 s15, s0  }
0x3a3: {  	v54 =	vsub.s32 v38, v24;
	[tilespmem:$0x6090] =	vst v51;
	v53 =	vadd.s32 s0, v52;
	s20 =	spop (v2sf);
	s1 =	sadd.s32 s19, s2  }
0x3a4: {  	v56 =	vsub.s32 v39, v26;
	[tilespmem:$0x60A0] =	vst v53;
	v55 =	vadd.s32 s2, v54;
	s24 =	spop (v2sf);
	s3 =	sadd.s32 s20, s1  }
.Ltmp21:
0x3a5: {  	v58 =	vsub.s32 v40, v28;
	[tilespmem:$0x60B0] =	vst v55;
	v57 =	vadd.s32 s1, v56;
	s30 =	spop (v2sf);
	s0 =	sadd.s32 s24, s3;
	(pc) =	sbr.rel @p2 .LBB2_33-.Ltmp21, $4  }
0x3a6: {  	v60 =	vsub.s32 v41, v30;
	[tilespmem:$0x60C0] =	vst v57;
	v59 =	vadd.s32 s3, v58;
	s31 =	sadd.s32 s30, s0  }
0x3a7: {  	v62, _, _ =	vpop (xrf0);
	[tilespmem:$0x60D0] =	vst v59;
	v61 =	vadd.s32 s0, v60;
	v14 =	vsub.s32 s31, v29  }
0x3a8: {  	[tilespmem:$0x60E0] =	vst v61;
	v63 =	vadd.s32 v62, v14  }
0x3a9: {  	[tilespmem:$0x60F0] =	vst v63  }
0x3aa: {  	s0 =	simm.s32 $0x5000  }
0x3ab: {  	s1 =	simm.s32 $0x5800;
	s2 =	simm.s32 $0x6100;
	s3 =	smov.u32 s26  }
.LBB2_32:
0x3ac: {  	v12 =	vld [tilespmem:s0+$0x0];
	_ =	sdelay $0x4  }
0x3ad: {  	v13 =	vshrl.u32 v12, $0x8  }
0x3ae: {  	v13 =	vand.u32 $0xFF, v13;
	_ =	sdelay $0x3  }
0x3af: {  	v14 =	vld [tilespmem:s2+$0x0]  }
0x3b0: {  	v15 =	vld.idx.msk [tilespmem:v13+s16+$0x0], $0xffff;
	_ =	sdelay $0x3  }
0x3b1: {  	v16 =	vand.u32 $0xFF, v14  }
0x3b2: {  	v15 =	vadd.s32 v15, v16  }
0x3b3: {  	v15 =	vadd.s32 $0xFFFFFFFF, v15  }
0x3b4: {  	v63 =	vld [tilespmem:s1+$0x0];
	vm1 =	vgt.s32 v14, $0xFF  }
0x3b5: {  	p3 =	sne.s32 s3, $0x1  }
.Ltmp22:
0x3b6: {  	_ = 	snop;
	(pc) =	sbr.rel @p3 .LBB2_32-.Ltmp22, $4  }
0x3b7: {  	_ = 	snop  }
0x3b8: {  	[tilespmem:v15+s12+$0x0] =	vst.idx.msk $0xffff, v12  }
0x3b9: {  	s0 =	sadd.s32 $0x10, s0;
	[tilespmem:v15+s13+$0x0] =	vst.idx.msk $0xffff, v63  }
0x3ba: {  	s1 =	sadd.s32 $0x10, s1;
	s2 =	sadd.s32 $0x10, s2;
	s3 =	sadd.s32 $0xFFFFFFFF, s3;
	[tilespmem:v13+s16+$0x0] =	vst.idx.add.s32.msk vm1, v16  }
.LBB2_33:
0x3bb: {  	[tilespmem:$0x6000] =	vst v3  }
0x3bc: {  	[tilespmem:$0x6010] =	vst v3  }
0x3bd: {  	[tilespmem:$0x6020] =	vst v3  }
0x3be: {  	[tilespmem:$0x6030] =	vst v3  }
0x3bf: {  	[tilespmem:$0x6040] =	vst v3  }
0x3c0: {  	[tilespmem:$0x6050] =	vst v3  }
0x3c1: {  	[tilespmem:$0x6060] =	vst v3  }
0x3c2: {  	[tilespmem:$0x6070] =	vst v3  }
0x3c3: {  	[tilespmem:$0x6080] =	vst v3  }
0x3c4: {  	[tilespmem:$0x6090] =	vst v3  }
0x3c5: {  	[tilespmem:$0x60A0] =	vst v3  }
.Ltmp23:
0x3c6: {  	[tilespmem:$0x60B0] =	vst v3;
	(pc) =	sbr.rel @p0 .LBB2_43-.Ltmp23, $4  }
0x3c7: {  	[tilespmem:$0x60C0] =	vst v3  }
0x3c8: {  	[tilespmem:$0x60D0] =	vst v3  }
0x3c9: {  	[tilespmem:$0x60E0] =	vst v3  }
0x3ca: {  	[tilespmem:$0x60F0] =	vst v3  }
0x3cb: {  	s0 =	simm.s32 $0x4040  }
0x3cc: {  	v12 =	vld [tilespmem:s0+$0xFFFFFFD0]  }
0x3cd: {  	v13 =	vld [tilespmem:s0+$0xFFFFFFC0]  }
0x3ce: {  	v14 =	vld [tilespmem:s0+$0x10]  }
0x3cf: {  	v16 =	vld [tilespmem:s0+$0xFFFFFFF0]  }
0x3d0: {  	v17 =	vld [tilespmem:s0+$0x0]  }
0x3d1: {  	p5 =	sgt.u32 s29, $0x8;
	v18 =	vld [tilespmem:s0+$0x30];
	v12 =	vshrl.u32 v12, $0x10  }
.Ltmp24:
0x3d2: {  	v13 =	vshrl.u32 v13, $0x10;
	v12 =	vand.u32 $0xFF, v12;
	(pc) =	sbr.rel @!p5 .LBB2_35-.Ltmp24, $4  }
0x3d3: {  	v15 =	vand.u32 $0xFF, v13;
	v13 =	vshrl.u32 v14, $0x10;
	(xrf1) =	vunique.msk.u32 $0xffff, v12  }
0x3d4: {  	v14 =	vand.u32 $0xFF, v13;
	v13 =	vshrl.u32 v16, $0x10;
	(xrf1) =	vunique.msk.u32 $0xffff, v15  }
0x3d5: {  	s30 =	simm.s32 $0x6140;
	v24 =	vld [tilespmem:s0+$0x20];
	v13 =	vand.u32 $0xFF, v13;
	(xrf1) =	vunique.msk.u32 $0xffff, v14  }
0x3d6: {  	p3 =	por $0x0, $0x0;
	p4 =	por $0x0, $0x0;
	v23 =	vld [tilespmem:s0+$0xFFFFFFE0];
	s0 =	simm.s32 $0x40C0;
	v20 =	vshrl.u32 v17, $0x10;
	v42 =	vshrl.u32 v18, $0x10;
	(xrf1) =	vunique.msk.u32 $0xffff, v13  }
0x3d7: {  	v39 =	vand.u32 $0xFF, v42  }
0x3d8: {  	(xrf1) =	vunique.msk.u32 $0xffff, v39;
	_ =	sdelay $0x2  }
0x3d9: {  	v18 =	vld [tilespmem:s0+$0x10]  }
0x3da: {  	v16 =	vld [tilespmem:s0+$0xFFFFFFD0]  }
0x3db: {  	v17 =	vld [tilespmem:s0+$0xFFFFFFC0]  }
0x3dc: {  	v21 =	vld [tilespmem:s0+$0xFFFFFFF0];
	v19 =	vshrl.u32 v24, $0x10  }
0x3dd: {  	v27 =	vld [tilespmem:s0+$0x30];
	v37 =	vand.u32 $0xFF, v19  }
0x3de: {  	v22 =	vld [tilespmem:s0+$0x0];
	v34 =	vand.u32 $0xFF, v20;
	v19 =	vshrl.u32 v23, $0x10;
	(xrf1) =	vunique.msk.u32 $0xffff, v37  }
0x3df: {  	p5 =	sgt.u32 s29, $0x10;
	v26 =	vand.u32 $0xFF, v19;
	v19 =	vshrl.u32 v16, $0x10;
	(xrf1) =	vunique.msk.u32 $0xffff, v34  }
.Ltmp25:
0x3e0: {  	v20 =	vshrl.u32 v17, $0x10;
	v17 =	vand.u32 $0xFF, v19;
	(xrf1) =	vunique.msk.u32 $0xffff, v26;
	_, v16, vm1 =	vpop (xrf1);
	(pc) =	sbr.rel @!p5 .LBB2_53-.Ltmp25, $4  }
0x3e1: {  	v18 =	vshrl.u32 v18, $0x10;
	v19 =	vand.u32 $0xFF, v20;
	v20 =	vshrl.u32 v21, $0x10;
	(xrf1) =	vunique.msk.u32 $0xffff, v17;
	_, v25, vm2 =	vpop (xrf1)  }
0x3e2: {  	v42 =	vshrl.u32 v27, $0x10;
	v18 =	vand.u32 $0xFF, v18;
	v21 =	vand.u32 $0xFF, v20;
	(xrf1) =	vunique.msk.u32 $0xffff, v19;
	_, v31, vm4 =	vpop (xrf1)  }
0x3e3: {  	v24 =	vld [tilespmem:s0+$0x20];
	v20 =	vshrl.u32 v22, $0x10;
	v23 =	vsel vm1, $0x100, v3;
	(xrf1) =	vunique.msk.u32 $0xffff, v18;
	_, v36, vm5 =	vpop (xrf1);
	v28 =	vsel vm4, $0x100, v3  }
0x3e4: {  	p3 =	por $0x1, $0x1;
	v35 =	vsel vm2, $0x100, v3;
	v30 =	vadd.s32 v16, v23;
	v23 =	vld [tilespmem:s0+$0xFFFFFFE0];
	s0 =	simm.s32 $0x4140;
	(xrf1) =	vunique.msk.u32 $0xffff, v21;
	v38 =	vadd.s32 v31, v28;
	_, v32, vm3 =	vpop (xrf1)  }
0x3e5: {  	_ =	sdelay $0x4  }
0x3e6: {  	[tilespmem:v15+s16+$0x0] =	vst.idx.add.s32.msk vm2, v25  }
0x3e7: {  	v15 =	vld [tilespmem:s0+$0xFFFFFFD0]  }
0x3e8: {  	[tilespmem:v14+s16+$0x0] =	vst.idx.add.s32.msk vm4, v31  }
0x3e9: {  	v22 =	vand.u32 $0xFF, v42;
	v60 =	vld [tilespmem:s0+$0xFFFFFFF0]  }
0x3ea: {  	[tilespmem:v12+s16+$0x0] =	vst.idx.add.s32.msk vm1, v16;
	(xrf1) =	vunique.msk.u32 $0xffff, v22;
	v24 =	vshrl.u32 v24, $0x10  }
0x3eb: {  	[tilespmem:v39+s16+$0x0] =	vst.idx.add.s32.msk vm3, v32;
	v33 =	vand.u32 $0xFF, v24  }
0x3ec: {  	v62 =	vld [tilespmem:s0+$0x30];
	_, v31, vm4 =	vpop (xrf1);
	(xrf1) =	vunique.msk.u32 $0xffff, v33  }
0x3ed: {  	v25 =	vadd.s32 v25, v35;
	[tilespmem:v13+s16+$0x0] =	vst.idx.add.s32.msk vm5, v36  }
0x3ee: {  	v14 =	vsel vm5, $0x100, v3;
	[tilespmem:s30+$0xFFFFFFC0] =	vst v25;
	v24 =	vld [tilespmem:s0+$0xFFFFFFC0]  }
0x3ef: {  	v40 =	vld [tilespmem:s0+$0x10];
	v29 =	vand.u32 $0xFF, v20;
	[tilespmem:s30+$0x10] =	vst v38;
	v61 =	vadd.s32 v36, v14;
	v14 =	vsel vm3, $0x100, v3  }
0x3f0: {  	[tilespmem:s30+$0xFFFFFFD0] =	vst v30;
	v12 =	vadd.s32 v32, v14;
	v23 =	vshrl.u32 v23, $0x10;
	v25 =	vsel vm4, $0x100, v3  }
0x3f1: {  	[tilespmem:s30+$0x30] =	vst v12;
	v41 =	vand.u32 $0xFF, v23;
	v23 =	vshrl.u32 v15, $0x10;
	_, v27, vm6 =	vpop (xrf1);
	(xrf1) =	vunique.msk.u32 $0xffff, v29  }
0x3f2: {  	v30 =	vshrl.u32 v60, $0x10;
	v42 =	vshrl.u32 v62, $0x10;
	v12 =	vand.u32 $0xFF, v23;
	_, v45, vm7 =	vpop (xrf1);
	(xrf1) =	vunique.msk.u32 $0xffff, v41  }
0x3f3: {  	v44 =	vld [tilespmem:s0+$0x0];
	p5 =	sgt.u32 s29, $0x18;
	[tilespmem:s30+$0xFFFFFFF0] =	vst v61;
	v13 =	vand.u32 $0xFF, v30;
	v43 =	vadd.s32 v31, v25;
	v14 =	vshrl.u32 v24, $0x10;
	_, v16, vm1 =	vpop (xrf1)  }
.Ltmp26:
0x3f4: {  	v28 =	vsel vm6, $0x100, v3;
	v24 =	vld [tilespmem:s0+$0x20];
	v15 =	vand.u32 $0xFF, v14;
	v14 =	vshrl.u32 v40, $0x10;
	(xrf1) =	vunique.msk.u32 $0xffff, v12;
	_, v25, vm2 =	vpop (xrf1);
	(pc) =	sbr.rel @!p5 .LBB2_55-.Ltmp26, $4  }
0x3f5: {  	v20 =	vsel vm7, $0x100, v3;
	v14 =	vand.u32 $0xFF, v14;
	(xrf1) =	vunique.msk.u32 $0xffff, v15;
	[tilespmem:v37+s16+$0x0] =	vst.idx.add.s32.msk vm4, v31  }
0x3f6: {  	v23 =	vld [tilespmem:s0+$0xFFFFFFE0];
	v40 =	vadd.s32 v45, v20;
	v20 =	vsel vm1, $0x100, v3;
	_, v31, vm4 =	vpop (xrf1);
	(xrf1) =	vunique.msk.u32 $0xffff, v14;
	[tilespmem:s30+$0x20] =	vst v43  }
0x3f7: {  	s3 =	simm.s32 $0x18;
	s4 =	simm.s32 $0x41C0;
	p4 =	por $0x1, $0x1;
	v30 =	vadd.s32 v16, v20;
	_, v36, vm5 =	vpop (xrf1);
	(xrf1) =	vunique.msk.u32 $0xffff, v13;
	v63 =	vsel vm4, $0x100, v3;
	[tilespmem:v34+s16+$0x0] =	vst.idx.add.s32.msk vm6, v27  }
0x3f8: {  	s1 =	simm.s32 $0x6140;
	s2 =	simm.s32 $0x61C0;
	s0 =	simm.s32 $0x61C0;
	v20 =	vshrl.u32 v44, $0x10;
	v35 =	vsel vm2, $0x100, v3;
	v38 =	vadd.s32 v31, v63;
	_, v32, vm3 =	vpop (xrf1);
	[tilespmem:v26+s16+$0x0] =	vst.idx.add.s32.msk vm7, v45  }
.LBB2_56:
0x3f9: {  	v26 =	vld [tilespmem:s4+$0x10];
	s3 =	sadd.s32 $0x8, s3;
	v34 =	vand.u32 $0xFF, v42;
	v35 =	vadd.s32 v25, v35;
	s0 =	sadd.s32 $0x80, s0;
	[tilespmem:s1+$0xFFFFFFE0] =	vst v40;
	v27 =	vadd.s32 v27, v28;
	v37 =	vmovc v41  }
0x3fa: {  	v24 =	vshrl.u32 v24, $0x10;
	p5 =	slt.u32 s3, s29;
	(xrf1) =	vunique.msk.u32 $0xffff, v34;
	[tilespmem:v19+s16+$0x0] =	vst.idx.add.s32.msk vm2, v25;
	v25 =	vsel vm5, $0x100, v3;
	_, v39, vm6 =	vpop (xrf1)  }
0x3fb: {  	v43 =	vmovc v21;
	v42 =	vand.u32 $0xFF, v24;
	v19 =	vmovc v15;
	v40 =	vld [tilespmem:s4+$0xFFFFFFD0];
	v23 =	vshrl.u32 v23, $0x10;
	[tilespmem:s2+$0xFFFFFFC0] =	vst v35;
	v24 =	vsel vm6, $0x100, v3  }
0x3fc: {  	v44 =	vadd.s32 v36, v25;
	(xrf1) =	vunique.msk.u32 $0xffff, v42;
	[tilespmem:v18+s16+$0x0] =	vst.idx.add.s32.msk vm4, v31;
	v45 =	vadd.s32 v39, v24  }
0x3fd: {  	v21 =	vmov v13;
	v24 =	vsel vm3, $0x100, v3;
	v18 =	vmov v14;
	v15 =	vld [tilespmem:s4+$0xFFFFFFC0];
	[tilespmem:s2+$0x10] =	vst v38  }
0x3fe: {  	v14 =	vadd.s32 v32, v24;
	v13 =	vld [tilespmem:s4+$0xFFFFFFF0];
	[tilespmem:s1+$0x0] =	vst v27;
	s1 =	smov.u32 s2;
	s2 =	smov.u32 s0  }
0x3ff: {  	[tilespmem:v17+s16+$0x0] =	vst.idx.add.s32.msk vm1, v16;
	_, v27, vm8 =	vpop (xrf1);
	v17 =	vmov v12  }
0x400: {  	v20 =	vand.u32 $0xFF, v20;
	v38 =	vld [tilespmem:s4+$0x0];
	[tilespmem:s1+$0xFFFFFFD0] =	vst v30;
	v28 =	vsel vm8, $0x100, v3;
	_, v46, vm7 =	vpop (xrf1)  }
0x401: {  	v41 =	vand.u32 $0xFF, v23;
	(xrf1) =	vunique.msk.u32 $0xffff, v20;
	v23 =	vsel vm7, $0x100, v3;
	[tilespmem:v22+s16+$0x0] =	vst.idx.add.s32.msk vm3, v32;
	v22 =	vmovc v34  }
0x402: {  	v24 =	vshrl.u32 v40, $0x10;
	v12 =	vshrl.u32 v15, $0x10;
	v32 =	vld [tilespmem:s4+$0x30];
	_, v16, vm1 =	vpop (xrf1);
	(xrf1) =	vunique.msk.u32 $0xffff, v41;
	[tilespmem:s1+$0x30] =	vst v14  }
0x403: {  	v14 =	vshrl.u32 v26, $0x10;
	v15 =	vand.u32 $0xFF, v12;
	v12 =	vand.u32 $0xFF, v24;
	_, v25, vm2 =	vpop (xrf1);
	[tilespmem:v33+s16+$0x0] =	vst.idx.add.s32.msk vm6, v39  }
.Ltmp27:
0x404: {  	v14 =	vand.u32 $0xFF, v14;
	v24 =	vld [tilespmem:s4+$0x20];
	(xrf1) =	vunique.msk.u32 $0xffff, v12;
	v35 =	vsel vm2, $0x100, v3;
	_, v31, vm4 =	vpop (xrf1);
	[tilespmem:s1+$0x20] =	vst v45;
	(pc) =	sbr.rel @p5 .LBB2_56-.Ltmp27, $4  }
0x405: {  	v40 =	vadd.s32 v46, v23;
	v13 =	vshrl.u32 v13, $0x10;
	(xrf1) =	vunique.msk.u32 $0xffff, v15;
	[tilespmem:v43+s16+$0x0] =	vst.idx.add.s32.msk vm5, v36;
	_, v36, vm5 =	vpop (xrf1)  }
0x406: {  	v26 =	vsel vm1, $0x100, v3;
	v33 =	vmovc v42;
	v13 =	vand.u32 $0xFF, v13;
	v23 =	vld [tilespmem:s4+$0xFFFFFFE0];
	(xrf1) =	vunique.msk.u32 $0xffff, v14;
	[tilespmem:s1+$0xFFFFFFF0] =	vst v44  }
0x407: {  	v30 =	vadd.s32 v16, v26;
	v26 =	vsel vm4, $0x100, v3;
	(xrf1) =	vunique.msk.u32 $0xffff, v13;
	[tilespmem:v29+s16+$0x0] =	vst.idx.add.s32.msk vm8, v27;
	v29 =	vmovc v20  }
0x408: {  	s4 =	sadd.s32 $0x80, s4;
	v20 =	vshrl.u32 v38, $0x10;
	v42 =	vshrl.u32 v32, $0x10;
	v38 =	vadd.s32 v31, v26;
	_, v32, vm3 =	vpop (xrf1);
	[tilespmem:v37+s16+$0x0] =	vst.idx.add.s32.msk vm7, v46  }
0x409: {  	v26 =	vmov v41;
	v43 =	vmov v19;
	v41 =	vmov v21  }
0x40a: {  	v45 =	vmovc v18;
	v44 =	vmovc v17;
	v39 =	vmov v22;
	v37 =	vmov v33;
	v34 =	vmov v29  }
.LBB2_58:
0x40b: {  	_ =	sdelay $0x3  }
0x40c: {  	[tilespmem:s1+$0xFFFFFFE0] =	vst @p4 v40  }
0x40d: {  	[tilespmem:v43+s16+$0x0] =	vst.idx.add.s32.msk @p3 vm2, v25  }
0x40e: {  	[tilespmem:v45+s16+$0x0] =	vst.idx.add.s32.msk @p3 vm4, v31  }
0x40f: {  	[tilespmem:v44+s16+$0x0] =	vst.idx.add.s32.msk @p3 vm1, v16  }
0x410: {  	v17 =	vadd.s32 @p3 v25, v35;
	[tilespmem:v39+s16+$0x0] =	vst.idx.add.s32.msk @p3 vm3, v32  }
0x411: {  	v43 =	vand.u32 $0xFF, v42;
	_, v21, vm4 =	vpop @p3 (xrf1);
	v16 =	vmov @p3 v41;
	[tilespmem:s2+$0xFFFFFFC0] =	vst @p3 v17  }
0x412: {  	v18 =	vadd.s32 @p4 v27, v28;
	v19 =	vshrl.u32 v24, $0x10;
	(xrf1) =	vunique.msk.u32 $0xffff, v43;
	[tilespmem:s2+$0x10] =	vst @p3 v38  }
0x413: {  	v19 =	vand.u32 $0xFF, v19;
	[tilespmem:s1+$0x0] =	vst @p4 v18;
	s1 =	smov.u32 @p3 s2;
	v18 =	vsel @p3 vm3, $0x100, v3  }
0x414: {  	(xrf1) =	vunique.msk.u32 $0xffff, v19;
	[tilespmem:s1+$0xFFFFFFD0] =	vst @p3 v30;
	v18 =	vadd.s32 @p3 v32, v18;
	_, v24, vm2 =	vpop @p3 (xrf1)  }
0x415: {  	v22 =	vmov @p3 v26;
	v20 =	vand.u32 $0xFF, v20;
	[tilespmem:s1+$0x30] =	vst @p3 v18;
	_, v26, vm3 =	vpop @p3 (xrf1)  }
0x416: {  	v23 =	vshrl.u32 v23, $0x10;
	v25 =	vsel @p3 vm4, $0x100, v3;
	(xrf1) =	vunique.msk.u32 $0xffff, v20;
	[tilespmem:v16+s16+$0x0] =	vst.idx.add.s32.msk @p3 vm5, v36  }
0x417: {  	v23 =	vand.u32 $0xFF, v23;
	v18 =	vadd.s32 @p3 v21, v25;
	[tilespmem:v37+s16+$0x0] =	vst.idx.add.s32.msk @p3 vm4, v21;
	v21 =	vsel @p3 vm5, $0x100, v3;
	_, v44, vm1 =	vpop (xrf1)  }
0x418: {  	(xrf1) =	vunique.msk.u32 $0xffff, v23;
	[tilespmem:s1+$0x20] =	vst @p3 v18;
	v18 =	vadd.s32 @p3 v36, v21;
	_, v45, vm13 =	vpop (xrf1)  }
0x419: {  	v16 =	vsel @p3 vm3, $0x100, v3;
	[tilespmem:s1+$0xFFFFFFF0] =	vst @p3 v18  }
0x41a: {  	v16 =	vadd.s32 @p3 v26, v16;
	[tilespmem:v34+s16+$0x0] =	vst.idx.add.s32.msk @p3 vm2, v24  }
0x41b: {  	v16 =	vpsel p3, v16, v0;
	s1 =	smov.u32 @p3 s1;
	_, v46, vm14 =	vpop (xrf1);
	[tilespmem:v22+s16+$0x0] =	vst.idx.add.s32.msk @p3 vm3, v26  }
0x41c: {  	[tilespmem:s1+$0xFFFFFFE0] =	vst @p3 v16  }
0x41d: {  	s0 =	sadd.s32 @p3 $0x80, s0;
	v52 =	vsel vm1, $0x100, v3;
	[tilespmem:v12+s16+$0x0] =	vst.idx.add.s32.msk vm1, v44  }
0x41e: {  	s30 =	smov.u32 @p3 s0;
	v47 =	vsel vm13, $0x100, v3;
	v53 =	vadd.s32 v44, v52;
	_, v48, vm3 =	vpop (xrf1);
	[tilespmem:v15+s16+$0x0] =	vst.idx.add.s32.msk vm13, v45  }
0x41f: {  	v49 =	vsel vm14, $0x100, v3;
	v18 =	vadd.s32 v45, v47;
	[tilespmem:s30+$0xFFFFFFD0] =	vst v53  }
0x420: {  	v22 =	vadd.s32 v46, v49;
	v15 =	vsel @p3 vm2, $0x100, v3;
	_, v50, vm2 =	vpop (xrf1);
	[tilespmem:s30+$0xFFFFFFC0] =	vst v18  }
0x421: {  	v15 =	vpsel p3, v15, v0;
	v18 =	vpsel p3, v24, v0;
	[tilespmem:v14+s16+$0x0] =	vst.idx.add.s32.msk vm14, v46  }
0x422: {  	v14 =	vadd.s32 @p3 v18, v15;
	_, v51, vm15 =	vpop (xrf1);
	[tilespmem:s30+$0x10] =	vst v22  }
0x423: {  	v59 =	vsel vm3, $0x100, v3;
	[tilespmem:s1+$0x0] =	vst @p3 v14  }
0x424: {  	v60 =	vadd.s32 v48, v59;
	[tilespmem:v13+s16+$0x0] =	vst.idx.add.s32.msk vm3, v48;
	_, v55, vm1 =	vpop (xrf1)  }
0x425: {  	v54 =	vsel vm2, $0x100, v3;
	[tilespmem:s30+$0xFFFFFFF0] =	vst v60  }
0x426: {  	v12 =	vadd.s32 v50, v54;
	[tilespmem:v43+s16+$0x0] =	vst.idx.add.s32.msk vm2, v50;
	_, v57, vm2 =	vpop (xrf1)  }
0x427: {  	v56 =	vsel vm15, $0x100, v3;
	[tilespmem:s30+$0x30] =	vst v12  }
0x428: {  	v58 =	vadd.s32 v51, v56;
	[tilespmem:v19+s16+$0x0] =	vst.idx.add.s32.msk vm15, v51  }
0x429: {  	v62 =	vsel vm1, $0x100, v3;
	[tilespmem:s30+$0x20] =	vst v58  }
0x42a: {  	v63 =	vadd.s32 v55, v62;
	[tilespmem:v20+s16+$0x0] =	vst.idx.add.s32.msk vm1, v55  }
0x42b: {  	v61 =	vsel vm2, $0x100, v3;
	[tilespmem:s30+$0x0] =	vst v63  }
0x42c: {  	v12 =	vadd.s32 v57, v61;
	[tilespmem:v23+s16+$0x0] =	vst.idx.add.s32.msk vm2, v57  }
0x42d: {  	[tilespmem:s30+$0xFFFFFFE0] =	vst v12  }
.LBB2_43:
.Ltmp28:
0x42e: {  	(pc) =	sbr.rel @p1 .LBB2_46-.Ltmp28, $1  }
0x42f: {  	_ =	sdelay $0x3  }
0x430: {  	s0 =	sshll.u32 s28, $0x2  }
0x431: {  	s0 =	sshra.s32 s0, $0x2  }
0x432: {  	s1 =	sand.u32 $0xFFFFFF80, s0  }
0x433: {  	s2 =	smov.u32 s29;
	s0 =	sadd.s32 $0x4000, s1;
	s1 =	sadd.s32 $0x6100, s1  }
.LBB2_45:
0x434: {  	v12 =	vld [tilespmem:s0+$0x0];
	_ =	sdelay $0x4  }
0x435: {  	v12 =	vshrl.u32 v12, $0x10  }
0x436: {  	v12 =	vand.u32 $0xFF, v12  }
0x437: {  	(xrf1) =	vunique.msk.u32 $0xffff, v12;
	_ =	sdelay $0xd  }
0x438: {  	_, v13, vm1 =	vpop (xrf1)  }
0x439: {  	s2 =	sadd.s32 $0x1, s2  }
0x43a: {  	p3 =	slt.u32 s2, s26  }
.Ltmp29:
0x43b: {  	_ = 	snop;
	(pc) =	sbr.rel @p3 .LBB2_45-.Ltmp29, $4  }
0x43c: {  	_ = 	snop  }
0x43d: {  	v14 =	vsel vm1, $0x100, v3  }
0x43e: {  	v63 =	vadd.s32 v13, v14;
	[tilespmem:v12+s16+$0x0] =	vst.idx.add.s32.msk vm1, v13  }
0x43f: {  	s0 =	sadd.s32 $0x10, s0;
	[tilespmem:s1+$0x0] =	vst v63;
	s1 =	sadd.s32 $0x10, s1  }
.LBB2_46:
0x440: {  	v12 =	vld [tilespmem:$0x6000]  }
0x441: {  	v13 =	vld [tilespmem:$0x6010]  }
0x442: {  	v14 =	vld [tilespmem:$0x6020]  }
0x443: {  	v15 =	vld [tilespmem:$0x6030]  }
0x444: {  	v16 =	vld [tilespmem:$0x6040]  }
0x445: {  	v17 =	vld [tilespmem:$0x6050];
	(xrf0) =	vadd.scan.msk.s32 $0xffff, v12  }
0x446: {  	v18 =	vld [tilespmem:$0x6060];
	(xrf0) =	vadd.scan.msk.s32 $0xffff, v13  }
0x447: {  	v19 =	vld [tilespmem:$0x6070];
	(xrf0) =	vadd.scan.msk.s32 $0xffff, v14  }
0x448: {  	v20 =	vld [tilespmem:$0x6080];
	(xrf0) =	vadd.scan.msk.s32 $0xffff, v15  }
0x449: {  	v21 =	vld [tilespmem:$0x6090];
	(xrf0) =	vadd.scan.msk.s32 $0xffff, v16  }
0x44a: {  	v22 =	vld [tilespmem:$0x60A0];
	(xrf0) =	vadd.scan.msk.s32 $0xffff, v17  }
0x44b: {  	v24 =	vld [tilespmem:$0x60B0];
	v23, _, _ =	vpop (xrf0);
	(xrf0) =	vadd.scan.msk.s32 $0xffff, v18  }
0x44c: {  	v26 =	vld [tilespmem:$0x60C0];
	(v2sf) =	vpush v23, $0xF;
	v25, _, _ =	vpop (xrf0);
	(xrf0) =	vadd.scan.msk.s32 $0xffff, v19  }
0x44d: {  	v28 =	vld [tilespmem:$0x60D0];
	(v2sf) =	vpush v25, $0xF;
	v27, _, _ =	vpop (xrf0);
	(xrf0) =	vadd.scan.msk.s32 $0xffff, v20  }
0x44e: {  	v30 =	vld [tilespmem:$0x60E0];
	(v2sf) =	vpush v27, $0xF;
	v29, _, _ =	vpop (xrf0);
	(xrf0) =	vadd.scan.msk.s32 $0xffff, v21  }
0x44f: {  	(v2sf) =	vpush v29, $0xF;
	v31, _, _ =	vpop (xrf0);
	(xrf0) =	vadd.scan.msk.s32 $0xffff, v22  }
0x450: {  	(v2sf) =	vpush v31, $0xF;
	v32, _, _ =	vpop (xrf0);
	(xrf0) =	vadd.scan.msk.s32 $0xffff, v24  }
0x451: {  	(v2sf) =	vpush v32, $0xF;
	v33, _, _ =	vpop (xrf0);
	(xrf0) =	vadd.scan.msk.s32 $0xffff, v26  }
0x452: {  	(v2sf) =	vpush v33, $0xF;
	v34, _, _ =	vpop (xrf0);
	(xrf0) =	vadd.scan.msk.s32 $0xffff, v28  }
0x453: {  	(v2sf) =	vpush v34, $0xF;
	v35, _, _ =	vpop (xrf0);
	(xrf0) =	vadd.scan.msk.s32 $0xffff, v30  }
0x454: {  	v36, _, _ =	vpop (xrf0);
	(v2sf) =	vpush v35, $0xF  }
0x455: {  	v37, _, _ =	vpop (xrf0);
	(v2sf) =	vpush v36, $0xF  }
0x456: {  	v38, _, _ =	vpop (xrf0);
	(v2sf) =	vpush v37, $0xF  }
0x457: {  	v39, _, _ =	vpop (xrf0);
	(v2sf) =	vpush v38, $0xF  }
0x458: {  	v40, _, _ =	vpop (xrf0);
	(v2sf) =	vpush v39, $0xF  }
0x459: {  	(v2sf) =	vpush v40, $0xF;
	v41, _, _ =	vpop (xrf0)  }
0x45a: {  	(v2sf) =	vpush v41, $0xF  }
0x45b: {  	s0 =	spop (v2sf)  }
0x45c: {  	v42 =	vbroadcast v23, $0xF;
	s1 =	spop (v2sf)  }
0x45d: {  	v12 =	vsub.s32 v23, v12;
	v13 =	vsub.s32 v25, v13;
	s2 =	spop (v2sf);
	s0 =	sadd.s32 s0, s1  }
0x45e: {  	[tilespmem:$0x6000] =	vst v12;
	v61 =	vadd.s32 v42, v13;
	v62 =	vsub.s32 v27, v14;
	s4 =	spop (v2sf);
	s2 =	sadd.s32 s2, s0  }
0x45f: {  	[tilespmem:$0x6010] =	vst v61;
	v23 =	vsub.s32 v29, v15;
	v63 =	vadd.s32 s0, v62;
	s3 =	spop (v2sf);
	s1 =	sadd.s32 s4, s2  }
0x460: {  	v29 =	vld [tilespmem:$0x60F0];
	v27 =	vsub.s32 v31, v16;
	[tilespmem:$0x6020] =	vst v63;
	v25 =	vadd.s32 s2, v23;
	s6 =	spop (v2sf);
	s3 =	sadd.s32 s3, s1  }
0x461: {  	v42 =	vsub.s32 v32, v17;
	[tilespmem:$0x6030] =	vst v25;
	v31 =	vadd.s32 s1, v27;
	s7 =	spop (v2sf);
	s0 =	sadd.s32 s6, s3  }
0x462: {  	v44 =	vsub.s32 v33, v18;
	[tilespmem:$0x6040] =	vst v31;
	v43 =	vadd.s32 s3, v42;
	s8 =	spop (v2sf);
	s2 =	sadd.s32 s7, s0  }
0x463: {  	v46 =	vsub.s32 v34, v19;
	[tilespmem:$0x6050] =	vst v43;
	v45 =	vadd.s32 s0, v44;
	s9 =	spop (v2sf);
	s1 =	sadd.s32 s8, s2  }
0x464: {  	v48 =	vsub.s32 v35, v20;
	[tilespmem:$0x6060] =	vst v45;
	v47 =	vadd.s32 s2, v46;
	s10 =	spop (v2sf);
	s3 =	sadd.s32 s9, s1  }
0x465: {  	v50 =	vsub.s32 v36, v21;
	(xrf0) =	vadd.scan.msk.s32 $0xffff, v29;
	[tilespmem:$0x6070] =	vst v47;
	v49 =	vadd.s32 s1, v48;
	s15 =	spop (v2sf);
	s0 =	sadd.s32 s10, s3  }
0x466: {  	v52 =	vsub.s32 v37, v22;
	[tilespmem:$0x6080] =	vst v49;
	v51 =	vadd.s32 s3, v50;
	s19 =	spop (v2sf);
	s2 =	sadd.s32 s15, s0  }
0x467: {  	v54 =	vsub.s32 v38, v24;
	[tilespmem:$0x6090] =	vst v51;
	v53 =	vadd.s32 s0, v52;
	s20 =	spop (v2sf);
	s1 =	sadd.s32 s19, s2  }
0x468: {  	v56 =	vsub.s32 v39, v26;
	[tilespmem:$0x60A0] =	vst v53;
	v55 =	vadd.s32 s2, v54;
	s24 =	spop (v2sf);
	s3 =	sadd.s32 s20, s1  }
.Ltmp30:
0x469: {  	v58 =	vsub.s32 v40, v28;
	[tilespmem:$0x60B0] =	vst v55;
	v57 =	vadd.s32 s1, v56;
	s30 =	spop (v2sf);
	s0 =	sadd.s32 s24, s3;
	(pc) =	sbr.rel @p2 .LBB2_49-.Ltmp30, $4  }
0x46a: {  	v60 =	vsub.s32 v41, v30;
	[tilespmem:$0x60C0] =	vst v57;
	v59 =	vadd.s32 s3, v58;
	s31 =	sadd.s32 s30, s0  }
0x46b: {  	v62, _, _ =	vpop (xrf0);
	[tilespmem:$0x60D0] =	vst v59;
	v61 =	vadd.s32 s0, v60;
	v14 =	vsub.s32 s31, v29  }
0x46c: {  	[tilespmem:$0x60E0] =	vst v61;
	v63 =	vadd.s32 v62, v14  }
0x46d: {  	[tilespmem:$0x60F0] =	vst v63  }
0x46e: {  	s0 =	simm.s32 $0x4000  }
0x46f: {  	s1 =	simm.s32 $0x4800;
	s2 =	simm.s32 $0x6100;
	s3 =	smov.u32 s26  }
.LBB2_48:
0x470: {  	v12 =	vld [tilespmem:s0+$0x0];
	_ =	sdelay $0x4  }
0x471: {  	v13 =	vshrl.u32 v12, $0x10  }
0x472: {  	v13 =	vand.u32 $0xFF, v13;
	_ =	sdelay $0x3  }
0x473: {  	v14 =	vld [tilespmem:s2+$0x0]  }
0x474: {  	v15 =	vld.idx.msk [tilespmem:v13+s16+$0x0], $0xffff;
	_ =	sdelay $0x3  }
0x475: {  	v16 =	vand.u32 $0xFF, v14  }
0x476: {  	v15 =	vadd.s32 v15, v16  }
0x477: {  	v15 =	vadd.s32 $0xFFFFFFFF, v15  }
0x478: {  	v63 =	vld [tilespmem:s1+$0x0];
	vm1 =	vgt.s32 v14, $0xFF  }
0x479: {  	p3 =	sne.s32 s3, $0x1  }
.Ltmp31:
0x47a: {  	_ = 	snop;
	(pc) =	sbr.rel @p3 .LBB2_48-.Ltmp31, $4  }
0x47b: {  	_ = 	snop  }
0x47c: {  	[tilespmem:v15+s17+$0x0] =	vst.idx.msk $0xffff, v12  }
0x47d: {  	s0 =	sadd.s32 $0x10, s0;
	[tilespmem:v15+s18+$0x0] =	vst.idx.msk $0xffff, v63  }
0x47e: {  	s1 =	sadd.s32 $0x10, s1;
	s2 =	sadd.s32 $0x10, s2;
	s3 =	sadd.s32 $0xFFFFFFFF, s3;
	[tilespmem:v13+s16+$0x0] =	vst.idx.add.s32.msk vm1, v16  }
.LBB2_49:
0x47f: {  	[tilespmem:$0x6000] =	vst v3  }
0x480: {  	[tilespmem:$0x6010] =	vst v3  }
0x481: {  	[tilespmem:$0x6020] =	vst v3  }
0x482: {  	[tilespmem:$0x6030] =	vst v3  }
0x483: {  	[tilespmem:$0x6040] =	vst v3  }
0x484: {  	[tilespmem:$0x6050] =	vst v3  }
0x485: {  	[tilespmem:$0x6060] =	vst v3  }
0x486: {  	[tilespmem:$0x6070] =	vst v3  }
0x487: {  	[tilespmem:$0x6080] =	vst v3  }
0x488: {  	[tilespmem:$0x6090] =	vst v3  }
0x489: {  	[tilespmem:$0x60A0] =	vst v3  }
.Ltmp32:
0x48a: {  	[tilespmem:$0x60B0] =	vst v3;
	(pc) =	sbr.rel @p0 .LBB2_59-.Ltmp32, $4  }
0x48b: {  	[tilespmem:$0x60C0] =	vst v3  }
0x48c: {  	[tilespmem:$0x60D0] =	vst v3  }
0x48d: {  	[tilespmem:$0x60E0] =	vst v3  }
0x48e: {  	[tilespmem:$0x60F0] =	vst v3  }
0x48f: {  	s0 =	simm.s32 $0x5040  }
0x490: {  	v12 =	vld [tilespmem:s0+$0xFFFFFFD0]  }
0x491: {  	v13 =	vld [tilespmem:s0+$0xFFFFFFE0]  }
0x492: {  	v15 =	vld [tilespmem:s0+$0x30]  }
0x493: {  	v16 =	vld [tilespmem:s0+$0x10]  }
0x494: {  	v18 =	vld [tilespmem:s0+$0xFFFFFFC0]  }
0x495: {  	p4 =	sgt.u32 s29, $0x8;
	v19 =	vld [tilespmem:s0+$0x0]  }
.Ltmp33:
0x496: {  	v14 =	vshrl.u32 v13, $0x18;
	(pc) =	sbr.rel @!p4 .LBB2_51-.Ltmp33, $4  }
0x497: {  	v13 =	vshrl.u32 v15, $0x18;
	v12 =	vshrl.u32 v12, $0x18;
	(xrf1) =	vunique.msk.u32 $0xffff, v14  }
0x498: {  	v17 =	vshrl.u32 v16, $0x18;
	(xrf1) =	vunique.msk.u32 $0xffff, v13  }
0x499: {  	s30 =	simm.s32 $0x6140;
	v33 =	vld [tilespmem:s0+$0xFFFFFFF0];
	(xrf1) =	vunique.msk.u32 $0xffff, v17  }
0x49a: {  	p0 =	por $0x0, $0x0;
	p3 =	por $0x0, $0x0;
	v25 =	vld [tilespmem:s0+$0x20];
	s0 =	simm.s32 $0x50C0;
	v44 =	vshrl.u32 v18, $0x18;
	v43 =	vshrl.u32 v19, $0x18;
	(xrf1) =	vunique.msk.u32 $0xffff, v12  }
0x49b: {  	_ =	sdelay $0x1  }
0x49c: {  	(xrf1) =	vunique.msk.u32 $0xffff, v43  }
0x49d: {  	(xrf1) =	vunique.msk.u32 $0xffff, v44;
	_ =	sdelay $0x2  }
0x49e: {  	v15 =	vld [tilespmem:s0+$0xFFFFFFD0]  }
0x49f: {  	v18 =	vld [tilespmem:s0+$0x30]  }
0x4a0: {  	v16 =	vld [tilespmem:s0+$0xFFFFFFE0]  }
0x4a1: {  	v19 =	vld [tilespmem:s0+$0x10]  }
0x4a2: {  	v20 =	vld [tilespmem:s0+$0xFFFFFFC0];
	_, v27, vm5 =	vpop (xrf1)  }
0x4a3: {  	v23 =	vld [tilespmem:s0+$0x0];
	v38 =	vshrl.u32 v33, $0x18;
	_, v26, vm4 =	vpop (xrf1)  }
0x4a4: {  	p4 =	sgt.u32 s29, $0x10;
	(xrf1) =	vunique.msk.u32 $0xffff, v38;
	v45 =	vshrl.u32 v25, $0x18;
	v21 =	vshrl.u32 v18, $0x18;
	v18 =	vsel vm4, $0x100, v3  }
.Ltmp34:
0x4a5: {  	(xrf1) =	vunique.msk.u32 $0xffff, v45;
	v30 =	vshrl.u32 v16, $0x18;
	(pc) =	sbr.rel @!p4 .LBB2_71-.Ltmp34, $4  }
0x4a6: {  	(xrf1) =	vunique.msk.u32 $0xffff, v30;
	_, v37, vm1 =	vpop (xrf1)  }
0x4a7: {  	v31 =	vshrl.u32 v15, $0x18;
	v19 =	vshrl.u32 v19, $0x18;
	v36 =	vshrl.u32 v20, $0x18;
	(xrf1) =	vunique.msk.u32 $0xffff, v21;
	_, v22, vm3 =	vpop (xrf1)  }
0x4a8: {  	v33 =	vld [tilespmem:s0+$0xFFFFFFF0];
	v34 =	vshrl.u32 v23, $0x18;
	v16 =	vsel vm5, $0x100, v3;
	(xrf1) =	vunique.msk.u32 $0xffff, v19;
	v32 =	vadd.s32 v26, v18;
	_, v18, vm2 =	vpop (xrf1)  }
0x4a9: {  	p0 =	por $0x1, $0x1;
	v25 =	vld [tilespmem:s0+$0x20];
	s0 =	simm.s32 $0x5140;
	v15 =	vadd.s32 v27, v16;
	(xrf1) =	vunique.msk.u32 $0xffff, v31;
	v39 =	vsel vm3, $0x100, v3;
	v24 =	vsel vm2, $0x100, v3;
	_, v42, vm7 =	vpop (xrf1)  }
0x4aa: {  	_ =	sdelay $0x5  }
0x4ab: {  	(xrf1) =	vunique.msk.u32 $0xffff, v34;
	v16 =	vld [tilespmem:s0+$0xFFFFFFD0]  }
0x4ac: {  	[tilespmem:v14+s16+$0x0] =	vst.idx.add.s32.msk vm5, v27;
	(xrf1) =	vunique.msk.u32 $0xffff, v36;
	v41 =	vshrl.u32 v33, $0x18  }
0x4ad: {  	v14 =	vld [tilespmem:s0+$0xFFFFFFE0];
	_, v46, vm8 =	vpop (xrf1);
	(xrf1) =	vunique.msk.u32 $0xffff, v41  }
0x4ae: {  	v29 =	vld [tilespmem:s0+$0x10]  }
0x4af: {  	[tilespmem:v13+s16+$0x0] =	vst.idx.add.s32.msk vm4, v26;
	v40 =	vshrl.u32 v25, $0x18  }
0x4b0: {  	v27 =	vsel vm7, $0x100, v3;
	[tilespmem:v44+s16+$0x0] =	vst.idx.add.s32.msk vm7, v42;
	vm7 =	vmmov vm1;
	_, v20, vm9 =	vpop (xrf1);
	(xrf1) =	vunique.msk.u32 $0xffff, v40  }
0x4b1: {  	[tilespmem:v43+s16+$0x0] =	vst.idx.add.s32.msk vm2, v18;
	v26 =	vadd.s32 v42, v27;
	v27 =	vsel vm1, $0x100, v3;
	v13 =	vsel vm8, $0x100, v3  }
0x4b2: {  	[tilespmem:s30+$0x30] =	vst v32;
	v28 =	vadd.s32 v46, v13;
	v13 =	vld [tilespmem:s0+$0x30]  }
0x4b3: {  	v62 =	vld [tilespmem:s0+$0xFFFFFFC0];
	v18 =	vadd.s32 v18, v24;
	[tilespmem:s30+$0xFFFFFFE0] =	vst v15  }
0x4b4: {  	v23 =	vadd.s32 v22, v39;
	v63 =	vld [tilespmem:s0+$0x0];
	[tilespmem:s30+$0x0] =	vst v18;
	v14 =	vshrl.u32 v14, $0x18  }
0x4b5: {  	vm6 =	vmmov vm3;
	p4 =	sgt.u32 s29, $0x18;
	[tilespmem:s30+$0xFFFFFFC0] =	vst v26;
	v35 =	vadd.s32 v37, v27;
	v33 =	vld [tilespmem:s0+$0xFFFFFFF0];
	_, v27, vm5 =	vpop (xrf1);
	(xrf1) =	vunique.msk.u32 $0xffff, v14  }
.Ltmp35:
0x4b6: {  	v44 =	vshrl.u32 v16, $0x18;
	v43 =	vshrl.u32 v29, $0x18;
	[tilespmem:v17+s16+$0x0] =	vst.idx.add.s32.msk vm7, v37;
	v25 =	vsel vm9, $0x100, v3;
	_, v26, vm4 =	vpop (xrf1);
	(pc) =	sbr.rel @!p4 .LBB2_73-.Ltmp35, $4  }
0x4b7: {  	v15 =	vsel vm5, $0x100, v3;
	v16 =	vsel vm4, $0x100, v3;
	[tilespmem:v45+s16+$0x0] =	vst.idx.add.s32.msk vm9, v20;
	v13 =	vshrl.u32 v13, $0x18;
	_, v45, vm1 =	vpop (xrf1)  }
0x4b8: {  	v25 =	vadd.s32 v20, v25;
	v15 =	vadd.s32 v27, v15;
	v32 =	vadd.s32 v26, v16;
	(xrf1) =	vunique.msk.u32 $0xffff, v13;
	_, v29, vm3 =	vpop (xrf1)  }
0x4b9: {  	s3 =	simm.s32 $0x18;
	s4 =	simm.s32 $0x51C0;
	p3 =	por $0x1, $0x1;
	v16 =	vshrl.u32 v63, $0x18;
	[tilespmem:v38+s16+$0x0] =	vst.idx.add.s32.msk vm8, v46;
	v20 =	vshrl.u32 v62, $0x18;
	(xrf1) =	vunique.msk.u32 $0xffff, v43;
	_, v18, vm2 =	vpop (xrf1)  }
0x4ba: {  	s1 =	simm.s32 $0x6140;
	s2 =	simm.s32 $0x61C0;
	[tilespmem:s30+$0x20] =	vst v25;
	v25 =	vld [tilespmem:s0+$0x20];
	s0 =	simm.s32 $0x61C0;
	v39 =	vsel vm3, $0x100, v3;
	(xrf1) =	vunique.msk.u32 $0xffff, v44;
	v24 =	vsel vm2, $0x100, v3;
	_, v42, vm7 =	vpop (xrf1)  }
.LBB2_74:
0x4bb: {  	v17 =	vld [tilespmem:s4+$0xFFFFFFD0];
	s3 =	sadd.s32 $0x8, s3;
	(xrf1) =	vunique.msk.u32 $0xffff, v16;
	v37 =	vadd.s32 v29, v39;
	v39 =	vsel vm1, $0x100, v3;
	s0 =	sadd.s32 $0x80, s0;
	_, v46, vm8 =	vpop (xrf1);
	[tilespmem:s1+$0xFFFFFFF0] =	vst v28  }
0x4bc: {  	v47 =	vmovc v41;
	p4 =	slt.u32 s3, s29;
	(xrf1) =	vunique.msk.u32 $0xffff, v20;
	v28 =	vsel vm8, $0x100, v3;
	[tilespmem:v12+s16+$0x0] =	vst.idx.add.s32.msk vm6, v22;
	v41 =	vshrl.u32 v33, $0x18  }
0x4bd: {  	v22 =	vadd.s32 v45, v39;
	(xrf1) =	vunique.msk.u32 $0xffff, v41;
	[tilespmem:v30+s16+$0x0] =	vst.idx.add.s32.msk vm5, v27;
	v28 =	vadd.s32 v46, v28  }
0x4be: {  	v12 =	vmov v31;
	v30 =	vmov v14;
	v33 =	vld [tilespmem:s4+$0xFFFFFFE0];
	_, v38, vm9 =	vpop (xrf1);
	[tilespmem:s1+$0xFFFFFFD0] =	vst v23;
	v23 =	vmov v37  }
0x4bf: {  	v31 =	vmovc v44;
	v25 =	vshrl.u32 v25, $0x18;
	v14 =	vsel vm7, $0x100, v3;
	v37 =	vld [tilespmem:s4+$0x10];
	v27 =	vsel vm9, $0x100, v3;
	[tilespmem:s1+$0x10] =	vst v35;
	v35 =	vmovc v22;
	s1 =	smov.u32 s2;
	s2 =	smov.u32 s0  }
0x4c0: {  	v14 =	vadd.s32 v42, v14;
	(xrf1) =	vunique.msk.u32 $0xffff, v25;
	v39 =	vadd.s32 v38, v27;
	[tilespmem:v21+s16+$0x0] =	vst.idx.add.s32.msk vm4, v26  }
0x4c1: {  	v48 =	vmovc v19;
	v19 =	vmovc v43;
	v22 =	vmov v29;
	v21 =	vmov v13;
	[tilespmem:v36+s16+$0x0] =	vst.idx.add.s32.msk vm7, v42;
	v42 =	vmov v45  }
0x4c2: {  	vm6 =	vmmov vm3;
	v36 =	vmov v20;
	vm7 =	vmmov vm1;
	v13 =	vld [tilespmem:s4+$0x30];
	[tilespmem:s1+$0xFFFFFFC0] =	vst v14  }
0x4c3: {  	v20 =	vld [tilespmem:s4+$0xFFFFFFC0];
	_, v27, vm5 =	vpop (xrf1);
	[tilespmem:s1+$0x30] =	vst v32  }
0x4c4: {  	v14 =	vshrl.u32 v33, $0x18;
	v49 =	vld [tilespmem:s4+$0x0];
	v29 =	vsel vm5, $0x100, v3;
	[tilespmem:s1+$0xFFFFFFE0] =	vst v15  }
0x4c5: {  	v44 =	vshrl.u32 v17, $0x18;
	(xrf1) =	vunique.msk.u32 $0xffff, v14;
	v15 =	vadd.s32 v27, v29;
	[tilespmem:v40+s16+$0x0] =	vst.idx.add.s32.msk vm9, v38;
	v40 =	vmovc v25  }
.Ltmp36:
0x4c6: {  	_, v26, vm4 =	vpop (xrf1);
	[tilespmem:v34+s16+$0x0] =	vst.idx.add.s32.msk vm2, v18;
	v34 =	vmov v16;
	(pc) =	sbr.rel @p4 .LBB2_74-.Ltmp36, $4  }
0x4c7: {  	v17 =	vadd.s32 v18, v24;
	v33 =	vld [tilespmem:s4+$0xFFFFFFF0];
	v13 =	vshrl.u32 v13, $0x18;
	v16 =	vsel vm4, $0x100, v3;
	_, v45, vm1 =	vpop (xrf1);
	[tilespmem:s1+$0x20] =	vst v39  }
0x4c8: {  	v43 =	vshrl.u32 v37, $0x18;
	v25 =	vld [tilespmem:s4+$0x20];
	(xrf1) =	vunique.msk.u32 $0xffff, v13;
	v32 =	vadd.s32 v26, v16;
	_, v29, vm3 =	vpop (xrf1);
	[tilespmem:s1+$0x0] =	vst v17  }
0x4c9: {  	v20 =	vshrl.u32 v20, $0x18;
	(xrf1) =	vunique.msk.u32 $0xffff, v43;
	v39 =	vsel vm3, $0x100, v3;
	_, v18, vm2 =	vpop (xrf1);
	[tilespmem:v48+s16+$0x0] =	vst.idx.add.s32.msk vm7, v42  }
0x4ca: {  	s4 =	sadd.s32 $0x80, s4;
	v16 =	vshrl.u32 v49, $0x18;
	(xrf1) =	vunique.msk.u32 $0xffff, v44;
	v24 =	vsel vm2, $0x100, v3;
	_, v42, vm7 =	vpop (xrf1);
	[tilespmem:v47+s16+$0x0] =	vst.idx.add.s32.msk vm8, v46  }
0x4cb: {  	v47 =	vmov v12;
	v38 =	vmov v41  }
0x4cc: {  	v46 =	vmovc v30;
	v37 =	vmovc v45;
	v41 =	vmov v31;
	v12 =	vmov v44;
	v49 =	vmov v21  }
0x4cd: {  	v44 =	vmovc v36;
	v48 =	vmovc v19;
	v17 =	vmov v43;
	v45 =	vmov v40;
	v43 =	vmov v34  }
.LBB2_76:
0x4ce: {  	_ =	sdelay $0x3  }
0x4cf: {  	[tilespmem:s1+$0xFFFFFFF0] =	vst @p3 v28  }
0x4d0: {  	[tilespmem:v47+s16+$0x0] =	vst.idx.add.s32.msk @p3 vm6, v22  }
0x4d1: {  	[tilespmem:v46+s16+$0x0] =	vst.idx.add.s32.msk @p0 vm5, v27  }
0x4d2: {  	[tilespmem:s1+$0x10] =	vst @p3 v35  }
0x4d3: {  	[tilespmem:v49+s16+$0x0] =	vst.idx.add.s32.msk @p0 vm4, v26  }
0x4d4: {  	_, v19, vm5 =	vpop @p0 (xrf1);
	[tilespmem:v44+s16+$0x0] =	vst.idx.add.s32.msk @p0 vm7, v42  }
0x4d5: {  	v40 =	vshrl.u32 v25, $0x18;
	v25 =	vsel @p0 vm7, $0x100, v3;
	[tilespmem:v43+s16+$0x0] =	vst.idx.add.s32.msk @p0 vm2, v18;
	_, v22, vm6 =	vpop @p0 (xrf1)  }
0x4d6: {  	[tilespmem:s1+$0xFFFFFFD0] =	vst @p3 v23;
	s1 =	smov.u32 @p0 s2;
	v25 =	vadd.s32 @p0 v42, v25  }
0x4d7: {  	(xrf1) =	vunique.msk.u32 $0xffff, v16;
	[tilespmem:s1+$0xFFFFFFE0] =	vst @p0 v15;
	v15 =	vmov @p0 v38  }
0x4d8: {  	vm8 =	vmmov @p0 vm1;
	(xrf1) =	vunique.msk.u32 $0xffff, v20;
	[tilespmem:s1+$0xFFFFFFC0] =	vst @p0 v25  }
0x4d9: {  	v21 =	vshrl.u32 v33, $0x18;
	v18 =	vadd.s32 @p0 v18, v24;
	[tilespmem:s1+$0x30] =	vst @p0 v32;
	v25 =	vmov @p0 v48  }
0x4da: {  	v27 =	vmov @p0 v41;
	(xrf1) =	vunique.msk.u32 $0xffff, v21;
	[tilespmem:s1+$0x0] =	vst @p0 v18;
	_, v46, vm4 =	vpop (xrf1)  }
0x4db: {  	v26 =	vsel @p0 vm6, $0x100, v3;
	(xrf1) =	vunique.msk.u32 $0xffff, v40;
	[tilespmem:v45+s16+$0x0] =	vst.idx.add.s32.msk @p0 vm6, v22  }
0x4dc: {  	vm3 =	vmmov @p0 vm3;
	v24 =	vsel @p0 vm5, $0x100, v3;
	v22 =	vadd.s32 @p0 v22, v26;
	[tilespmem:v15+s16+$0x0] =	vst.idx.add.s32.msk @p0 vm5, v19  }
0x4dd: {  	vm9 =	vmmov @p0 vm3;
	v18 =	vadd.s32 @p0 v19, v24;
	[tilespmem:s1+$0x20] =	vst @p0 v22;
	v22 =	vpsel p0, v27, v0;
	v27 =	vmovc @p0 v37  }
0x4de: {  	v15 =	vpsel p0, v18, v0;
	v19 =	vsel @p0 vm1, $0x100, v3;
	s1 =	smov.u32 @p0 s1;
	[tilespmem:v25+s16+$0x0] =	vst.idx.add.s32.msk @p0 vm8, v27  }
0x4df: {  	_, v47, vm15 =	vpop (xrf1);
	[tilespmem:s1+$0xFFFFFFF0] =	vst @p0 v15;
	v15 =	vadd.s32 @p0 v37, v19  }
0x4e0: {  	s0 =	sadd.s32 @p0 $0x80, s0;
	v55 =	vsel vm4, $0x100, v3;
	[tilespmem:v14+s16+$0x0] =	vst.idx.add.s32.msk vm4, v46;
	v14 =	vpsel p0, v15, v0  }
0x4e1: {  	s30 =	smov.u32 @p0 s0;
	v56 =	vadd.s32 v46, v55;
	_, v30, vm2 =	vpop (xrf1);
	v25 =	vmov @p0 v29;
	[tilespmem:s1+$0x10] =	vst @p0 v14  }
0x4e2: {  	v18 =	vadd.s32 @p0 v29, v39;
	_, v48, vm3 =	vpop (xrf1);
	v25 =	vpsel p0, v25, v0;
	[tilespmem:s30+$0xFFFFFFE0] =	vst v56  }
0x4e3: {  	v18 =	vpsel p0, v18, v0;
	[tilespmem:v22+s16+$0x0] =	vst.idx.add.s32.msk @p0 vm9, v25  }
0x4e4: {  	v54 =	vsel vm15, $0x100, v3;
	[tilespmem:s1+$0xFFFFFFD0] =	vst @p0 v18  }
0x4e5: {  	_, v49, vm12 =	vpop (xrf1);
	[tilespmem:v13+s16+$0x0] =	vst.idx.add.s32.msk vm15, v47;
	v13 =	vadd.s32 v47, v54  }
0x4e6: {  	_, v50, vm1 =	vpop (xrf1);
	[tilespmem:s30+$0x30] =	vst v13  }
0x4e7: {  	v62 =	vsel vm2, $0x100, v3;
	[tilespmem:v17+s16+$0x0] =	vst.idx.add.s32.msk vm2, v30  }
0x4e8: {  	v60 =	vsel vm3, $0x100, v3;
	v63 =	vadd.s32 v30, v62;
	_, v51, vm13 =	vpop (xrf1);
	[tilespmem:v12+s16+$0x0] =	vst.idx.add.s32.msk vm3, v48  }
0x4e9: {  	v61 =	vadd.s32 v48, v60;
	[tilespmem:s30+$0x10] =	vst v63;
	_, v52, vm14 =	vpop (xrf1)  }
0x4ea: {  	[tilespmem:s30+$0xFFFFFFD0] =	vst v61  }
0x4eb: {  	v53 =	vsel vm1, $0x100, v3;
	[tilespmem:v16+s16+$0x0] =	vst.idx.add.s32.msk vm12, v49  }
0x4ec: {  	v14 =	vadd.s32 v50, v53;
	[tilespmem:v20+s16+$0x0] =	vst.idx.add.s32.msk vm1, v50  }
0x4ed: {  	[tilespmem:s30+$0xFFFFFFC0] =	vst v14  }
0x4ee: {  	v58 =	vsel vm12, $0x100, v3;
	[tilespmem:v21+s16+$0x0] =	vst.idx.add.s32.msk vm13, v51  }
0x4ef: {  	v57 =	vsel vm14, $0x100, v3;
	v14 =	vadd.s32 v49, v58;
	[tilespmem:v40+s16+$0x0] =	vst.idx.add.s32.msk vm14, v52  }
0x4f0: {  	v59 =	vsel vm13, $0x100, v3;
	v13 =	vadd.s32 v52, v57;
	[tilespmem:s30+$0x0] =	vst v14  }
0x4f1: {  	[tilespmem:s30+$0x20] =	vst v13;
	v13 =	vadd.s32 v51, v59  }
0x4f2: {  	vm15 =	vmmov vm3;
	vm1 =	vmmov vm2;
	[tilespmem:s30+$0xFFFFFFF0] =	vst v13  }
.LBB2_59:
.Ltmp37:
0x4f3: {  	(pc) =	sbr.rel @p1 .LBB2_62-.Ltmp37, $1  }
0x4f4: {  	_ =	sdelay $0x3  }
0x4f5: {  	s0 =	sshll.u32 s28, $0x2  }
0x4f6: {  	s0 =	sshra.s32 s0, $0x2  }
0x4f7: {  	s1 =	sand.u32 $0xFFFFFF80, s0  }
0x4f8: {  	s0 =	sadd.s32 $0x5000, s1;
	s1 =	sadd.s32 $0x6100, s1  }
.LBB2_61:
0x4f9: {  	v12 =	vld [tilespmem:s0+$0x0];
	_ =	sdelay $0x4  }
0x4fa: {  	v12 =	vshrl.u32 v12, $0x18  }
0x4fb: {  	(xrf1) =	vunique.msk.u32 $0xffff, v12;
	_ =	sdelay $0xd  }
0x4fc: {  	_, v13, vm1 =	vpop (xrf1)  }
0x4fd: {  	s29 =	sadd.s32 $0x1, s29  }
0x4fe: {  	p0 =	slt.u32 s29, s26  }
.Ltmp38:
0x4ff: {  	_ = 	snop;
	(pc) =	sbr.rel @p0 .LBB2_61-.Ltmp38, $4  }
0x500: {  	_ = 	snop  }
0x501: {  	v14 =	vsel vm1, $0x100, v3  }
0x502: {  	v63 =	vadd.s32 v13, v14;
	[tilespmem:v12+s16+$0x0] =	vst.idx.add.s32.msk vm1, v13  }
0x503: {  	s0 =	sadd.s32 $0x10, s0;
	[tilespmem:s1+$0x0] =	vst v63;
	s1 =	sadd.s32 $0x10, s1  }
.LBB2_62:
0x504: {  	v12 =	vld [tilespmem:$0x6000]  }
0x505: {  	v13 =	vld [tilespmem:$0x6010]  }
0x506: {  	v14 =	vld [tilespmem:$0x6020]  }
0x507: {  	v15 =	vld [tilespmem:$0x6030]  }
0x508: {  	v16 =	vld [tilespmem:$0x6040]  }
0x509: {  	v17 =	vld [tilespmem:$0x6050];
	(xrf0) =	vadd.scan.msk.s32 $0xffff, v12  }
0x50a: {  	v18 =	vld [tilespmem:$0x6060];
	(xrf0) =	vadd.scan.msk.s32 $0xffff, v13  }
0x50b: {  	v19 =	vld [tilespmem:$0x6070];
	(xrf0) =	vadd.scan.msk.s32 $0xffff, v14  }
0x50c: {  	v20 =	vld [tilespmem:$0x6080];
	(xrf0) =	vadd.scan.msk.s32 $0xffff, v15  }
0x50d: {  	v21 =	vld [tilespmem:$0x6090];
	(xrf0) =	vadd.scan.msk.s32 $0xffff, v16  }
0x50e: {  	v22 =	vld [tilespmem:$0x60A0];
	(xrf0) =	vadd.scan.msk.s32 $0xffff, v17  }
0x50f: {  	v24 =	vld [tilespmem:$0x60B0];
	v23, _, _ =	vpop (xrf0);
	(xrf0) =	vadd.scan.msk.s32 $0xffff, v18  }
0x510: {  	v26 =	vld [tilespmem:$0x60C0];
	(v2sf) =	vpush v23, $0xF;
	v25, _, _ =	vpop (xrf0);
	(xrf0) =	vadd.scan.msk.s32 $0xffff, v19  }
0x511: {  	v28 =	vld [tilespmem:$0x60D0];
	(v2sf) =	vpush v25, $0xF;
	v27, _, _ =	vpop (xrf0);
	(xrf0) =	vadd.scan.msk.s32 $0xffff, v20  }
0x512: {  	v30 =	vld [tilespmem:$0x60E0];
	(v2sf) =	vpush v27, $0xF;
	v29, _, _ =	vpop (xrf0);
	(xrf0) =	vadd.scan.msk.s32 $0xffff, v21  }
0x513: {  	(v2sf) =	vpush v29, $0xF;
	v31, _, _ =	vpop (xrf0);
	(xrf0) =	vadd.scan.msk.s32 $0xffff, v22  }
0x514: {  	(v2sf) =	vpush v31, $0xF;
	v32, _, _ =	vpop (xrf0);
	(xrf0) =	vadd.scan.msk.s32 $0xffff, v24  }
0x515: {  	(v2sf) =	vpush v32, $0xF;
	v33, _, _ =	vpop (xrf0);
	(xrf0) =	vadd.scan.msk.s32 $0xffff, v26  }
0x516: {  	(v2sf) =	vpush v33, $0xF;
	v34, _, _ =	vpop (xrf0);
	(xrf0) =	vadd.scan.msk.s32 $0xffff, v28  }
0x517: {  	(v2sf) =	vpush v34, $0xF;
	v35, _, _ =	vpop (xrf0);
	(xrf0) =	vadd.scan.msk.s32 $0xffff, v30  }
0x518: {  	v36, _, _ =	vpop (xrf0);
	(v2sf) =	vpush v35, $0xF  }
0x519: {  	v37, _, _ =	vpop (xrf0);
	(v2sf) =	vpush v36, $0xF  }
0x51a: {  	v38, _, _ =	vpop (xrf0);
	(v2sf) =	vpush v37, $0xF  }
0x51b: {  	v39, _, _ =	vpop (xrf0);
	(v2sf) =	vpush v38, $0xF  }
0x51c: {  	v40, _, _ =	vpop (xrf0);
	(v2sf) =	vpush v39, $0xF  }
0x51d: {  	(v2sf) =	vpush v40, $0xF;
	v41, _, _ =	vpop (xrf0)  }
0x51e: {  	(v2sf) =	vpush v41, $0xF  }
0x51f: {  	s0 =	spop (v2sf)  }
0x520: {  	v42 =	vbroadcast v23, $0xF;
	s1 =	spop (v2sf)  }
0x521: {  	v12 =	vsub.s32 v23, v12;
	v13 =	vsub.s32 v25, v13;
	s2 =	spop (v2sf);
	s0 =	sadd.s32 s0, s1  }
0x522: {  	[tilespmem:$0x6000] =	vst v12;
	v61 =	vadd.s32 v42, v13;
	v62 =	vsub.s32 v27, v14;
	s7 =	spop (v2sf);
	s2 =	sadd.s32 s2, s0  }
0x523: {  	[tilespmem:$0x6010] =	vst v61;
	v23 =	vsub.s32 v29, v15;
	v63 =	vadd.s32 s0, v62;
	s3 =	spop (v2sf);
	s1 =	sadd.s32 s7, s2  }
0x524: {  	v29 =	vld [tilespmem:$0x60F0];
	v27 =	vsub.s32 v31, v16;
	[tilespmem:$0x6020] =	vst v63;
	v25 =	vadd.s32 s2, v23;
	s8 =	spop (v2sf);
	s3 =	sadd.s32 s3, s1  }
0x525: {  	v42 =	vsub.s32 v32, v17;
	[tilespmem:$0x6030] =	vst v25;
	v31 =	vadd.s32 s1, v27;
	s9 =	spop (v2sf);
	s0 =	sadd.s32 s8, s3  }
0x526: {  	v44 =	vsub.s32 v33, v18;
	[tilespmem:$0x6040] =	vst v31;
	v43 =	vadd.s32 s3, v42;
	s10 =	spop (v2sf);
	s2 =	sadd.s32 s9, s0  }
0x527: {  	v46 =	vsub.s32 v34, v19;
	[tilespmem:$0x6050] =	vst v43;
	v45 =	vadd.s32 s0, v44;
	s15 =	spop (v2sf);
	s1 =	sadd.s32 s10, s2  }
0x528: {  	v48 =	vsub.s32 v35, v20;
	[tilespmem:$0x6060] =	vst v45;
	v47 =	vadd.s32 s2, v46;
	s19 =	spop (v2sf);
	s3 =	sadd.s32 s15, s1  }
0x529: {  	v50 =	vsub.s32 v36, v21;
	(xrf0) =	vadd.scan.msk.s32 $0xffff, v29;
	[tilespmem:$0x6070] =	vst v47;
	v49 =	vadd.s32 s1, v48;
	s20 =	spop (v2sf);
	s0 =	sadd.s32 s19, s3  }
0x52a: {  	v52 =	vsub.s32 v37, v22;
	[tilespmem:$0x6080] =	vst v49;
	v51 =	vadd.s32 s3, v50;
	s24 =	spop (v2sf);
	s2 =	sadd.s32 s20, s0  }
0x52b: {  	v54 =	vsub.s32 v38, v24;
	[tilespmem:$0x6090] =	vst v51;
	v53 =	vadd.s32 s0, v52;
	s28 =	spop (v2sf);
	s1 =	sadd.s32 s24, s2  }
0x52c: {  	v56 =	vsub.s32 v39, v26;
	[tilespmem:$0x60A0] =	vst v53;
	v55 =	vadd.s32 s2, v54;
	s29 =	spop (v2sf);
	s3 =	sadd.s32 s28, s1  }
.Ltmp39:
0x52d: {  	v58 =	vsub.s32 v40, v28;
	[tilespmem:$0x60B0] =	vst v55;
	v57 =	vadd.s32 s1, v56;
	s30 =	spop (v2sf);
	s0 =	sadd.s32 s29, s3;
	(pc) =	sbr.rel @p2 .LBB2_65-.Ltmp39, $4  }
0x52e: {  	v60 =	vsub.s32 v41, v30;
	[tilespmem:$0x60C0] =	vst v57;
	v59 =	vadd.s32 s3, v58;
	s31 =	sadd.s32 s30, s0  }
0x52f: {  	v62, _, _ =	vpop (xrf0);
	[tilespmem:$0x60D0] =	vst v59;
	v61 =	vadd.s32 s0, v60;
	v14 =	vsub.s32 s31, v29  }
0x530: {  	[tilespmem:$0x60E0] =	vst v61;
	v63 =	vadd.s32 v62, v14  }
0x531: {  	[tilespmem:$0x60F0] =	vst v63  }
0x532: {  	s0 =	simm.s32 $0x5000;
	s1 =	simm.s32 $0x5800;
	s2 =	simm.s32 $0x6100  }
.LBB2_64:
0x533: {  	v12 =	vld [tilespmem:s0+$0x0];
	_ =	sdelay $0x4  }
0x534: {  	v12 =	vshrl.u32 v12, $0x18;
	_ =	sdelay $0x3  }
0x535: {  	v13 =	vld [tilespmem:s2+$0x0]  }
0x536: {  	v14 =	vld.idx.msk [tilespmem:v12+s16+$0x0], $0xffff;
	_ =	sdelay $0x3  }
0x537: {  	v15 =	vand.u32 $0xFF, v13  }
0x538: {  	v14 =	vadd.s32 v14, v15  }
0x539: {  	v63 =	vld [tilespmem:s1+$0x0];
	vm1 =	vgt.s32 v13, $0xFF;
	v14 =	vadd.s32 $0xFFFFFFFF, v14  }
0x53a: {  	p0 =	sne.s32 s26, $0x1  }
.Ltmp40:
0x53b: {  	_ = 	snop;
	(pc) =	sbr.rel @p0 .LBB2_64-.Ltmp40, $3  }
0x53c: {  	_ =	sdelay $0x1  }
0x53d: {  	s0 =	sadd.s32 $0x10, s0;
	[tilespmem:v14+s13+$0x0] =	vst.idx.msk $0xffff, v63  }
0x53e: {  	s1 =	sadd.s32 $0x10, s1;
	s2 =	sadd.s32 $0x10, s2;
	s26 =	sadd.s32 $0xFFFFFFFF, s26;
	[tilespmem:v12+s16+$0x0] =	vst.idx.add.s32.msk vm1, v15  }
.LBB2_65:
0x53f: {  	p0 =	slt.u32 s22, $0x2  }
0x540: {  	s0 =	simm.s32 @!p0 $0x2  }
0x541: {  	s1 =	smul.u32 $0x300, s21;
	_ =	swait.ge @!p0 [sflag:s0], $0x300  }
0x542: {  	[sflag:s0] =	ssyncset.done @!p0 $0x0  }
0x543: {  	v12 =	vmov s1;
	v13 =	vor.u32 s1, v1;
	[sflag:s0] =	ssyncadd.s32 @!p0 $0xFFFFFD00;
	s0 =	simm.s32 $0x0;
	p0 =	por $0x1, $0x1  }
.LBB2_66:
0x544: {  	s1 =	sshll.u32 s0, $0x4  }
0x545: {  	s1 =	sand.u32 $0x3FFFFFF0, s1  }
0x546: {  	v14 =	vld [tilespmem:s1+$0x4800]  }
0x547: {  	v15 =	vld [tilespmem:s1+$0x4810]  }
0x548: {  	v17 =	vld [tilespmem:s1+$0x4820];
	_ =	sdelay $0x2  }
0x549: {  	v14 =	vmul.u32 $0x3, v14  }
0x54a: {  	v15 =	vmul.u32 $0x3, v15  }
0x54b: {  	v20 =	vld [tilespmem:s1+$0x4830];
	v17 =	vmul.u32 $0x3, v17;
	v14 =	vadd.s32 v11, v14  }
0x54c: {  	v25 =	vld [tilespmem:s1+$0x4840];
	v15 =	vadd.s32 v11, v15  }
0x54d: {  	s24 =	smul.u32 $0x30, s0;
	v29 =	vld [tilespmem:s1+$0x4850];
	v17 =	vadd.s32 v11, v17  }
0x54e: {  	v31 =	vld [tilespmem:s1+$0x4860];
	v16 =	vadd.s32 $0x1, v14  }
0x54f: {  	v21 =	vadd.s32 s24, v12;
	v63 =	vld [tilespmem:s1+$0x4870];
	v18 =	vadd.s32 $0x2, v14  }
0x550: {  	v23 =	vadd.s32 v1, v21;
	v19 =	vadd.s32 $0x1, v15;
	v14 =	vld.idx.msk [tilespmem:v14+s5+$0x0], $0xffff  }
0x551: {  	v23 =	vand.u32 $0x780, v23;
	v22 =	vadd.s32 $0x2, v15;
	v24 =	vadd.s32 $0x1, v17;
	v15 =	vld.idx.msk [tilespmem:v15+s5+$0x0], $0xffff  }
0x552: {  	s2 =	sor.u32 $0x30, s24;
	v23 =	vor.u32 v1, v23;
	v27 =	vadd.s32 $0x2, v17;
	v17 =	vld.idx.msk [tilespmem:v17+s5+$0x0], $0xffff  }
0x553: {  	s26 =	sor.u32 $0x60, s24;
	v28 =	vadd.s32 s2, v13;
	v20 =	vmul.u32 $0x3, v20;
	v16 =	vld.idx.msk [tilespmem:v16+s5+$0x0], $0xffff  }
0x554: {  	v55 =	vadd.s32 s26, v13;
	v25 =	vmul.u32 $0x3, v25;
	v18 =	vld.idx.msk [tilespmem:v18+s5+$0x0], $0xffff  }
0x555: {  	v30 =	vadd.s32 $0x1, v28;
	v20 =	vadd.s32 v11, v20;
	v19 =	vld.idx.msk [tilespmem:v19+s5+$0x0], $0xffff  }
0x556: {  	v58 =	vadd.s32 $0x1, v55;
	v25 =	vadd.s32 v11, v25;
	v53 =	vld.idx.msk [tilespmem:v24+s5+$0x0], $0xffff  }
0x557: {  	v26 =	vadd.s32 v4, v21;
	v54 =	vadd.s32 $0x1, v20;
	v22 =	vld.idx.msk [tilespmem:v22+s5+$0x0], $0xffff;
	[tilespmem:v23+s14+$0x0] =	vst.idx.msk $0xffff, v14;
	v14 =	vadd.s32 $0x2, v28  }
0x558: {  	s28 =	sadd.s32 $0x90, s24;
	s29 =	sadd.s32 $0xC0, s24;
	v31 =	vmul.u32 $0x3, v31;
	v59 =	vadd.s32 $0x1, v25;
	v57 =	vld.idx.msk [tilespmem:v27+s5+$0x0], $0xffff;
	[tilespmem:v28+s14+$0x0] =	vst.idx.msk $0xffff, v15;
	v15 =	vadd.s32 $0x2, v55  }
0x559: {  	v61 =	vadd.s32 s28, v13;
	v36 =	vadd.s32 s29, v12;
	v56 =	vadd.s32 $0x2, v20;
	[tilespmem:v55+s14+$0x0] =	vst.idx.msk $0xffff, v17  }
0x55a: {  	v60 =	vmul.u32 $0x3, v29;
	v42 =	vadd.s32 v11, v31;
	v62 =	vadd.s32 $0x2, v25;
	v20 =	vld.idx.msk [tilespmem:v20+s5+$0x0], $0xffff;
	[tilespmem:v30+s14+$0x0] =	vst.idx.msk $0xffff, v19  }
0x55b: {  	v39 =	vadd.s32 v1, v36;
	v44 =	vadd.s32 $0x1, v42;
	v38 =	vld.idx.msk [tilespmem:v25+s5+$0x0], $0xffff;
	[tilespmem:v58+s14+$0x0] =	vst.idx.msk $0xffff, v53  }
0x55c: {  	v33 =	vadd.s32 $0x1, v61;
	v45 =	vmul.u32 $0x3, v63;
	v28 =	vadd.s32 v11, v60;
	[tilespmem:v14+s14+$0x0] =	vst.idx.msk $0xffff, v22;
	v14 =	vld.idx.msk [tilespmem:v54+s5+$0x0], $0xffff  }
0x55d: {  	v41 =	vadd.s32 v4, v36;
	[tilespmem:v15+s14+$0x0] =	vst.idx.msk $0xffff, v57;
	v15 =	vld.idx.msk [tilespmem:v59+s5+$0x0], $0xffff  }
0x55e: {  	v21 =	vadd.s32 v5, v21;
	v50 =	vadd.s32 v11, v45;
	v35 =	vld.idx.msk [tilespmem:v56+s5+$0x0], $0xffff;
	[tilespmem:v26+s14+$0x0] =	vst.idx.msk $0xffff, v16  }
0x55f: {  	v34 =	vadd.s32 $0x2, v61;
	v43 =	vld.idx.msk [tilespmem:v62+s5+$0x0], $0xffff;
	v37 =	vadd.s32 $0x1, v28;
	[tilespmem:v61+s14+$0x0] =	vst.idx.msk $0xffff, v20  }
0x560: {  	s30 =	sadd.s32 $0xF0, s24;
	v56 =	vld.idx.msk [tilespmem:v44+s5+$0x0], $0xffff;
	v17 =	vadd.s32 v5, v36;
	v40 =	vadd.s32 $0x2, v28;
	[tilespmem:v39+s14+$0x0] =	vst.idx.msk $0xffff, v38  }
0x561: {  	s31 =	sadd.s32 $0x120, s24;
	v46 =	vadd.s32 s30, v13;
	v53 =	vadd.s32 $0x1, v50;
	[tilespmem:v33+s14+$0x0] =	vst.idx.msk $0xffff, v14;
	v14 =	vld.idx.msk [tilespmem:v28+s5+$0x0], $0xffff  }
0x562: {  	s0 =	sadd.s32 $0x150, s24;
	v47 =	vadd.s32 $0x2, v42;
	v54 =	vadd.s32 s31, v13;
	[tilespmem:v41+s14+$0x0] =	vst.idx.msk $0xffff, v15;
	v15 =	vld.idx.msk [tilespmem:v42+s5+$0x0], $0xffff  }
0x563: {  	v55 =	vadd.s32 $0x2, v50;
	v60 =	vadd.s32 s0, v13;
	[tilespmem:v21+s14+$0x0] =	vst.idx.msk $0xffff, v18;
	v59 =	vld.idx.msk [tilespmem:v50+s5+$0x0], $0xffff  }
0x564: {  	v49 =	vadd.s32 $0x1, v46;
	v48 =	vld.idx.msk [tilespmem:v37+s5+$0x0], $0xffff;
	[tilespmem:v34+s14+$0x0] =	vst.idx.msk $0xffff, v35  }
0x565: {  	v51 =	vld.idx.msk [tilespmem:v40+s5+$0x0], $0xffff;
	v57 =	vadd.s32 $0x1, v54;
	[tilespmem:v17+s14+$0x0] =	vst.idx.msk $0xffff, v43  }
0x566: {  	v62 =	vadd.s32 $0x1, v60;
	v61 =	vld.idx.msk [tilespmem:v53+s5+$0x0], $0xffff;
	[tilespmem:v46+s14+$0x0] =	vst.idx.msk $0xffff, v14  }
0x567: {  	v52 =	vadd.s32 $0x2, v46;
	v14 =	vld.idx.msk [tilespmem:v47+s5+$0x0], $0xffff;
	[tilespmem:v54+s14+$0x0] =	vst.idx.msk $0xffff, v15  }
0x568: {  	v58 =	vadd.s32 $0x2, v54;
	v15 =	vld.idx.msk [tilespmem:v55+s5+$0x0], $0xffff;
	[tilespmem:v60+s14+$0x0] =	vst.idx.msk $0xffff, v59  }
0x569: {  	p1 =	por p0, p0;
	v63 =	vadd.s32 $0x2, v60;
	[tilespmem:v49+s14+$0x0] =	vst.idx.msk $0xffff, v48  }
.Ltmp41:
0x56a: {  	[tilespmem:v57+s14+$0x0] =	vst.idx.msk $0xffff, v56;
	(pc) =	sbr.rel @p1 .LBB2_66-.Ltmp41, $4  }
0x56b: {  	[tilespmem:v62+s14+$0x0] =	vst.idx.msk $0xffff, v61  }
0x56c: {  	[tilespmem:v52+s14+$0x0] =	vst.idx.msk $0xffff, v51  }
0x56d: {  	[tilespmem:v58+s14+$0x0] =	vst.idx.msk $0xffff, v14  }
0x56e: {  	p0 =	por $0x0, $0x0;
	s0 =	simm.s32 $0x8;
	[tilespmem:v63+s14+$0x0] =	vst.idx.msk $0xffff, v15  }
0x56f: {  	s0 =	smul.u32 $0x1800, s25  }
0x570: {  	s1 =	smul.u32 $0xC00, s21;
	s2 =	rddreg [dreg:$0x7];
	p0 =	sne.s32 s23, $0x80  }
.Ltmp42:
0x571: {  	s30 =	rddreg [dreg:$0x1];
	(pc) =	sbr.rel @p0 .LBB2_4-.Ltmp42, $4  }
.Ltmp43:
0x572: {  	s31 =	simm.s32 $0x80;
	s0 =	sor.u32 s2, s0;
	(pc) =	sbr.rel @!p0 .LBB2_68-.Ltmp43, $4  }
0x573: {  	s3 =	simm.s32 $0x400;
	s1 =	sshrl.u32 s1, $0x2;
	s0 =	sshrl.u32 s0, $0x3  }
0x574: {  	s22 =	smov.u32 s23;
	s1 =	sadd.s32 $0x6900, s1;
	s0 =	sadd.s32 s30, s0  }
0x575: {  	[hbm4b:s0+s31] =	stream.strided.scatter [tilespmem:s1], [sflag:$0x2], $0x300, s3, s31, $0x38;
	[tilespmem:$0x6F00] =	vst v63  }
0x576: {  	_ = 	snop  }
.LBB2_10:
.Ltmp44:
0x577: {  	(pc) =	sbr.rel .LBB2_26-.Ltmp44, $2  }
0x578: {  	_ =	sdelay $0x2  }
0x579: {  	v16 =	vmov v43;
	v20 =	vmov v44;
	s0 =	simm.s32 $0x6140  }
.LBB2_19:
.Ltmp45:
0x57a: {  	(pc) =	sbr.rel .LBB2_42-.Ltmp45, $2  }
0x57b: {  	_ =	sdelay $0x2  }
0x57c: {  	s0 =	simm.s32 $0x6140  }
.LBB2_35:
.Ltmp46:
0x57d: {  	(pc) =	sbr.rel .LBB2_58-.Ltmp46, $2  }
0x57e: {  	_ =	sdelay $0x2  }
0x57f: {  	s0 =	simm.s32 $0x6140  }
.LBB2_51:
.Ltmp47:
0x580: {  	(pc) =	sbr.rel .LBB2_76-.Ltmp47, $2  }
0x581: {  	_ =	sdelay $0x2  }
0x582: {  	v16 =	vmov v43;
	v20 =	vmov v44;
	s0 =	simm.s32 $0x6140  }
.LBB2_21:
.Ltmp48:
0x583: {  	(pc) =	sbr.rel .LBB2_26-.Ltmp48, $4  }
0x584: {  	_ = 	snop  }
0x585: {  	v29 =	vmov v22  }
0x586: {  	v46 =	vmovc v14;
	v41 =	vmovc v12;
	v49 =	vmov v13;
	v48 =	vmov v17;
	v16 =	vmov v34  }
0x587: {  	s0 =	simm.s32 $0x6140;
	v20 =	vmovc v36;
	v14 =	vmovc v30;
	v12 =	vmov v31;
	s2 =	simm.s32 $0x6140;
	v13 =	vmov v21;
	v17 =	vmov v19  }
.LBB2_37:
.Ltmp49:
0x588: {  	(pc) =	sbr.rel .LBB2_42-.Ltmp49, $3  }
0x589: {  	_ =	sdelay $0x1  }
0x58a: {  	v43 =	vmov v15;
	v41 =	vmov v13;
	v45 =	vmov v14  }
0x58b: {  	v44 =	vmovc v12;
	s0 =	simm.s32 $0x6140;
	s2 =	simm.s32 $0x6140;
	v15 =	vmovc v19;
	v14 =	vmov v18;
	v13 =	vmov v21;
	v12 =	vmov v17  }
.LBB2_53:
.Ltmp50:
0x58c: {  	(pc) =	sbr.rel .LBB2_58-.Ltmp50, $3  }
0x58d: {  	_ =	sdelay $0x1  }
0x58e: {  	v43 =	vmov v15;
	v41 =	vmov v13;
	v45 =	vmov v14  }
0x58f: {  	v44 =	vmovc v12;
	s0 =	simm.s32 $0x6140;
	s2 =	simm.s32 $0x6140;
	v15 =	vmovc v19;
	v14 =	vmov v18;
	v13 =	vmov v21;
	v12 =	vmov v17  }
.LBB2_71:
.Ltmp51:
0x590: {  	(pc) =	sbr.rel .LBB2_76-.Ltmp51, $4  }
0x591: {  	_ = 	snop  }
0x592: {  	v29 =	vmov v22  }
0x593: {  	v46 =	vmovc v14;
	v41 =	vmovc v12;
	v49 =	vmov v13;
	v48 =	vmov v17;
	v16 =	vmov v34  }
0x594: {  	s0 =	simm.s32 $0x6140;
	v20 =	vmovc v36;
	v14 =	vmovc v30;
	v12 =	vmov v31;
	s2 =	simm.s32 $0x6140;
	v13 =	vmov v21;
	v17 =	vmov v19  }
.LBB2_23:
.Ltmp52:
0x595: {  	(pc) =	sbr.rel .LBB2_26-.Ltmp52, $4  }
0x596: {  	_ = 	snop  }
0x597: {  	v47 =	vmov v12;
	v38 =	vmov v41  }
0x598: {  	v46 =	vmovc v30;
	v37 =	vmovc v45;
	v41 =	vmov v31;
	v12 =	vmov v44;
	v49 =	vmov v21  }
0x599: {  	s1 =	simm.s32 $0x6140;
	s2 =	simm.s32 $0x61C0;
	v44 =	vmovc v36;
	v48 =	vmovc v19;
	v17 =	vmov v43;
	v45 =	vmov v40;
	v43 =	vmov v34  }
.LBB2_39:
.Ltmp53:
0x59a: {  	(pc) =	sbr.rel .LBB2_42-.Ltmp53, $3  }
0x59b: {  	_ =	sdelay $0x1  }
0x59c: {  	v26 =	vmov v41;
	v43 =	vmov v19;
	v41 =	vmov v21  }
0x59d: {  	s1 =	simm.s32 $0x6140;
	s2 =	simm.s32 $0x61C0;
	v45 =	vmovc v18;
	v44 =	vmovc v17;
	v39 =	vmov v22;
	v37 =	vmov v33;
	v34 =	vmov v29  }
.LBB2_55:
.Ltmp54:
0x59e: {  	(pc) =	sbr.rel .LBB2_58-.Ltmp54, $3  }
0x59f: {  	_ =	sdelay $0x1  }
0x5a0: {  	v26 =	vmov v41;
	v43 =	vmov v19;
	v41 =	vmov v21  }
0x5a1: {  	s1 =	simm.s32 $0x6140;
	s2 =	simm.s32 $0x61C0;
	v45 =	vmovc v18;
	v44 =	vmovc v17;
	v39 =	vmov v22;
	v37 =	vmov v33;
	v34 =	vmov v29  }
.LBB2_73:
.Ltmp55:
0x5a2: {  	(pc) =	sbr.rel .LBB2_76-.Ltmp55, $4  }
0x5a3: {  	_ = 	snop  }
0x5a4: {  	v47 =	vmov v12;
	v38 =	vmov v41  }
0x5a5: {  	v46 =	vmovc v30;
	v37 =	vmovc v45;
	v41 =	vmov v31;
	v12 =	vmov v44;
	v49 =	vmov v21  }
0x5a6: {  	s1 =	simm.s32 $0x6140;
	s2 =	simm.s32 $0x61C0;
	v44 =	vmovc v36;
	v48 =	vmovc v19;
	v17 =	vmov v43;
	v45 =	vmov v40;
	v43 =	vmov v34  }
.LBB2_69:
0x5a7: {  	_ =	sfence.sel $0x180000  }
0x5a8: {  	[bflag:$0x0] =	sbarrier.arrive $0xFFFF  }
0x5a9: {  	_ =	strace $0x90000047  }
0x5aa: {  	s0 =	stileid.u32;
	[bflag:$0x2] =	sbarrier.arrive $0xFFFF  }
0x5ab: {  	p0 =	sne.s32 s0, $0x0;
	s0 =	rddreg [dreg:$0x2]  }
0x5ac: {  	s0 =	sadd.s32 @!p0 $0x100000, s0  }
0x5ad: {  	[sflag:s0] =	ssyncadd.tile.s32 @!p0 $0x1;
	_ =	shalt  }
.Lfunc_end2:
_tile_overlayer_lowered:
.L_overlay_start_2:
0x5ae: {  	(tag) =	ssettag $0x2  }
0x5af: {  	s0 =	rddreg [dreg:$0x0];
	s2 =	stileid.u32  }
0x5b0: {  	s1 =	rddreg [dreg:$0x1];
	p0 =	sne.s32 s2, $0x0  }
0x5b1: {  	s3 =	rddreg [dreg:$0x2];
	[bflag:$0x3] =	sbarrier.arrive $0xFFFF;
	s2 =	simm.s32 @!p0 $0x1C03  }
0x5b2: {  	[timem:s3], [sflag:s2] =	dma.local @!p0 [hbm:s0], s1  }
0x5b3: {  	s0 =	simm.s32 @!p0 $0x3  }
0x5b4: {  	_ =	swait.ge @!p0 [sflag:s0], s1  }
0x5b5: {  	s1 =	ssub.s32 @!p0 $0x0, s1;
	[sflag:s0] =	ssyncset.done @!p0 $0x0  }
0x5b6: {  	[sflag:s0] =	ssyncadd.s32 @!p0 s1  }
0x5b7: {  	[bflag:$0x3] =	sbarrier.arrive $0xFFFF  }
0x5b8: {  	_ =	shalt  }

</sc_bundles>
